<compile_context>
chip_gen: v7x
topology: tpu7x:2x2x1
jax: 0.10.2.dev20260603
libtpu: 0.0.44.dev20260713+nightly
codegen_flags: <defaults>
</compile_context>

<pallas_src>
import functools
import jax
import jax.numpy as jnp
from jax import lax
from jax.experimental import pallas as pl
from jax.experimental.pallas import tpu as pltpu
from jax.experimental.pallas import tpu_sc as plsc

N = 10000
E = 320000
HC = 128
ENF = 16
NG = 16
PD = 16
NC = 2
NS = 16
NW = NC * NS
EPW = E // NW
CHG = 400
NITG = EPW // CHG
CH = 80
RB = 632
RBL = N - (NS - 1) * RB

BN = 2000
BE = 2560

f32 = jnp.float32


def _swish(x):
    return x * jax.nn.sigmoid(x)


def _dot(a, b):
    return jnp.dot(a, b, preferred_element_type=f32)


def _mesh():
    return plsc.VectorSubcoreMesh(core_axis_name="c", subcore_axis_name="s")



def _pre_body(feat_ref, pos_ref, t_ref, w1, b1, w2, b2, ew, e127, eb,
              h_ref, p_ref):
    z = _swish(_dot(feat_ref[...], w1[...]) + b1[...])
    hp = _dot(z, w2[...]) + b2[...]
    h_ref[...] = _dot(hp, ew[...]) + t_ref[0, 0] * e127[...] + eb[...]
    p_ref[...] = pos_ref[...]


def _pre_call(feat, pos_pad, t2, w1, b1, w2p, b2p, ew, e127, eb):
    g = N // BN
    const = lambda shape: pl.BlockSpec(shape, lambda i: (0, 0))
    return pl.pallas_call(
        _pre_body,
        grid=(g,),
        in_specs=[
            pl.BlockSpec((BN, HC), lambda i: (i, 0)),
            pl.BlockSpec((BN, PD), lambda i: (i, 0)),
            pl.BlockSpec(memory_space=pltpu.SMEM),
            const((HC, 256)), const((1, 256)),
            const((256, HC)), const((1, HC)),
            const((HC, HC)), const((1, HC)), const((1, HC)),
        ],
        out_specs=[pl.BlockSpec((BN, HC), lambda i: (i, 0)),
                   pl.BlockSpec((BN, PD), lambda i: (i, 0))],
        out_shape=[jax.ShapeDtypeStruct((N, HC), f32),
                   jax.ShapeDtypeStruct((N, PD), f32)],
    )(feat, pos_pad, t2, w1, b1, w2p, b2p, ew, e127, eb)



@functools.partial(
    pl.kernel,
    out_type=(jax.ShapeDtypeStruct((E, HC), f32),
              jax.ShapeDtypeStruct((E, HC), f32),
              jax.ShapeDtypeStruct((E, HC), f32),
              jax.ShapeDtypeStruct((E, HC), f32)),
    mesh=_mesh(),
    scratch_types=(pltpu.VMEM((EPW,), jnp.int32),
                   pltpu.VMEM((2, CHG, HC), f32),
                   pltpu.VMEM((2, CHG, PD), f32),
                   pltpu.SemaphoreType.DMA((2,)),
                   pltpu.SemaphoreType.DMA((2,))),
    compiler_params=pltpu.CompilerParams(use_tc_tiling_on_sc=False),
)
def _gather_hp(h_ref, p_ref, src_ref, dst_ref,
               ohs_ref, ohd_ref, ops_ref, opd_ref,
               idxb, bufh, bufp, gsem, osem):
    wid = lax.axis_index("s") * NC + lax.axis_index("c")
    base0 = wid * EPW

    def phase(idx_hbm, oh_hbm, op_hbm):
        pltpu.sync_copy(idx_hbm.at[pl.ds(base0, EPW)], idxb)

        def descs(k, p):
            isl = idxb.at[pl.ds(k * CHG, CHG)]
            rsl = pl.ds(base0 + k * CHG, CHG)
            return (
                pltpu.make_async_copy(h_ref.at[isl], bufh.at[p], gsem.at[p]),
                pltpu.make_async_copy(p_ref.at[isl], bufp.at[p], gsem.at[p]),
                pltpu.make_async_copy(bufh.at[p], oh_hbm.at[rsl], osem.at[p]),
                pltpu.make_async_copy(bufp.at[p],
                                      op_hbm.at[rsl, pl.ds(0, PD)],
                                      osem.at[p]),
            )

        def g_start(k, p):
            gh, gp, _, _ = descs(k, p)
            gh.start()
            gp.start()

        def o_wait(k):
            _, _, oh, op = descs(k, k % 2)
            oh.wait()
            op.wait()

        g_start(0, 0)

        def body(k, carry):
            p = k % 2

            @pl.when(k + 1 < NITG)
            def _():
                @pl.when(k >= 1)
                def _():
                    o_wait(k - 1)
                g_start(k + 1, 1 - p)

            gh, gp, oh, op = descs(k, p)
            gh.wait()
            gp.wait()
            oh.start()
            op.start()
            return carry

        lax.fori_loop(0, NITG, body, 0)
        o_wait(NITG - 2)
        o_wait(NITG - 1)

    phase(src_ref, ohs_ref, ops_ref)
    phase(dst_ref, ohd_ref, opd_ref)



def _tile_rows(s):
    base = s * RB
    size = jnp.where(s == NS - 1, RBL, RB)
    return base, size


def _make_scatter(with_w):
    n_in = 2 if with_w else 1
    out_type = [jax.ShapeDtypeStruct((NC * N, HC), f32)]
    scratch = [pltpu.VMEM((2, CH), jnp.int32),
               pltpu.VMEM((2, CH, HC), f32),
               pltpu.SemaphoreType.DMA((2,)),
               pltpu.SemaphoreType.DMA((2,)),
               pltpu.VMEM_SHARED((N, HC), f32)]
    if with_w:
        out_type.append(jax.ShapeDtypeStruct((NC * N, PD), f32))
        scratch += [pltpu.VMEM((2, CH, PD), f32),
                    pltpu.VMEM_SHARED((N, PD), f32)]

    @functools.partial(
        pl.kernel,
        out_type=tuple(out_type),
        mesh=_mesh(),
        scratch_types=tuple(scratch),
        compiler_params=pltpu.CompilerParams(use_tc_tiling_on_sc=False),
    )
    def scatter_k(*refs):
        vals = refs[:n_in]
        dst_ref, z_ref = refs[n_in], refs[n_in + 1]
        outs = refs[n_in + 2:n_in + 2 + n_in]
        ib, rbm, lsem_i, lsem_r, accm = refs[n_in + 2 + n_in:n_in + 7 + n_in]
        if with_w:
            rbw, accw = refs[-2:]
        c = lax.axis_index("c")
        s = lax.axis_index("s")
        wid = s * NC + c
        rbase, rsize = _tile_rows(s)
        pltpu.sync_copy(z_ref.at[pl.ds(0, rsize)],
                        accm.at[pl.ds(rbase, rsize)])
        if with_w:
            pltpu.sync_copy(z_ref.at[pl.ds(0, rsize), pl.ds(0, PD)],
                            accw.at[pl.ds(rbase, rsize)])
        plsc.subcore_barrier()
        base0 = wid * EPW
        nit = EPW // CH

        def descs(k, p):
            b = pl.ds(base0 + k * CH, CH)
            ds = [pltpu.make_async_copy(dst_ref.at[b], ib.at[p], lsem_i.at[p]),
                  pltpu.make_async_copy(vals[0].at[b], rbm.at[p],
                                        lsem_r.at[p])]
            if with_w:
                ds.append(pltpu.make_async_copy(
                    vals[1].at[b, pl.ds(0, PD)], rbw.at[p], lsem_r.at[p]))
            return ds

        def l_start(k, p):
            for d in descs(k, p):
                d.start()

        def l_wait(k, p):
            for d in descs(k, p):
                d.wait()

        l_start(0, 0)

        def body(k, carry):
            p = k % 2

            @pl.when(k + 1 < nit)
            def _():
                l_start(k + 1, 1 - p)

            l_wait(k, p)
            pltpu.sync_copy(rbm.at[p], accm.at[ib.at[p]], add=True)
            if with_w:
                pltpu.sync_copy(rbw.at[p], accw.at[ib.at[p]], add=True)
            return carry

        lax.fori_loop(0, nit, body, 0)
        plsc.subcore_barrier()
        pltpu.sync_copy(accm.at[pl.ds(rbase, rsize)],
                        outs[0].at[pl.ds(c * N + rbase, rsize)])
        if with_w:
            pltpu.sync_copy(accw.at[pl.ds(rbase, rsize)],
                            outs[1].at[pl.ds(c * N + rbase, rsize)])

    return scatter_k


_scatter_mw = _make_scatter(True)
_scatter_m = _make_scatter(False)



def _make_edge_body(with_wr):
    def body(hs_ref, hd_ref, ps_ref, pd_ref, ea_ref, eew1, eeb1, eew2, eeb2,
             w1s, w1d, w1e, w1d2, b1, w2, b2, xw, xb, m_ref, wr_ref=None):
        rel = ps_ref[:, :PD] - pd_ref[:, :PD]
        d2 = jnp.sum(rel * rel, axis=1, keepdims=True)
        e = (_dot(_swish(_dot(ea_ref[...], eew1[...]) + eeb1[...]), eew2[...])
             + eeb2[...])
        pre = (_dot(hs_ref[...], w1s[...]) + _dot(hd_ref[...], w1d[...])
               + _dot(e, w1e[...]) + d2 * w1d2[...] + b1[...])
        m = _swish(_dot(_swish(pre), w2[...]) + b2[...])
        m_ref[...] = m
        if with_wr:
            coef = _dot(m, xw[...]) + xb[...]
            wr_ref[:, :PD] = rel * (coef / (jnp.sqrt(d2) + 1.0))
            wr_ref[:, PD:] = jnp.zeros((wr_ref.shape[0], HC - PD), f32)
    return body


def _edge_call(with_wr, hs, hd, ps, pd, edge_attr, eew1, eeb1, eew2, eeb2,
               w1s, w1d, w1e, w1d2, b1, w2, b2, xw, xb):
    g = E // BE
    const = lambda shape: pl.BlockSpec(shape, lambda i: (0, 0))
    n_out = 2 if with_wr else 1
    return pl.pallas_call(
        _make_edge_body(with_wr),
        grid=(g,),
        in_specs=[
            pl.BlockSpec((BE, HC), lambda i: (i, 0)),
            pl.BlockSpec((BE, HC), lambda i: (i, 0)),
            pl.BlockSpec((BE, HC), lambda i: (i, 0)),
            pl.BlockSpec((BE, HC), lambda i: (i, 0)),
            pl.BlockSpec((BE, ENF), lambda i: (i, 0)),
            const((ENF, 2 * ENF)), const((1, 2 * ENF)),
            const((2 * ENF, ENF)), const((1, ENF)),
            const((HC, HC)), const((HC, HC)), const((ENF, HC)),
            const((1, HC)), const((1, HC)),
            const((HC, HC)), const((1, HC)),
            const((HC, 1)), const((1, 1)),
        ],
        out_specs=[pl.BlockSpec((BE, HC), lambda i: (i, 0))] * n_out,
        out_shape=[jax.ShapeDtypeStruct((E, HC), f32)] * n_out,
    )(hs, hd, ps, pd, edge_attr, eew1, eeb1, eew2, eeb2,
      w1s, w1d, w1e, w1d2, b1, w2, b2, xw, xb)



def _node_body(h_ref, p_ref, agg_ref, pd_ref, w1h, w1a, b1, w2, b2,
               ho_ref, po_ref):
    h = h_ref[...]
    ag = agg_ref[0] + agg_ref[1]
    u = _swish(_dot(h, w1h[...]) + _dot(ag, w1a[...]) + b1[...])
    ho_ref[...] = h + _dot(u, w2[...]) + b2[...]
    po_ref[...] = p_ref[...] + pd_ref[0] + pd_ref[1]


def _node_h_body(h_ref, agg_ref, w1h, w1a, b1, w2, b2, ho_ref):
    h = h_ref[...]
    ag = agg_ref[0] + agg_ref[1]
    u = _swish(_dot(h, w1h[...]) + _dot(ag, w1a[...]) + b1[...])
    ho_ref[...] = h + _dot(u, w2[...]) + b2[...]


def _node_h_call(h32, aggp, w1h, w1a, b1, w2, b2):
    g = N // BN
    const = lambda shape: pl.BlockSpec(shape, lambda i: (0, 0))
    return pl.pallas_call(
        _node_h_body,
        grid=(g,),
        in_specs=[
            pl.BlockSpec((BN, HC), lambda i: (i, 0)),
            pl.BlockSpec((NC, BN, HC), lambda i: (0, i, 0)),
            const((HC, HC)), const((HC, HC)), const((1, HC)),
            const((HC, HC)), const((1, HC)),
        ],
        out_specs=pl.BlockSpec((BN, HC), lambda i: (i, 0)),
        out_shape=jax.ShapeDtypeStruct((N, HC), f32),
    )(h32, aggp, w1h, w1a, b1, w2, b2)


def _node_call(h32, pos_t, aggp, posdp, w1h, w1a, b1, w2, b2):
    g = N // BN
    const = lambda shape: pl.BlockSpec(shape, lambda i: (0, 0))
    return pl.pallas_call(
        _node_body,
        grid=(g,),
        in_specs=[
            pl.BlockSpec((BN, HC), lambda i: (i, 0)),
            pl.BlockSpec((BN, PD), lambda i: (i, 0)),
            pl.BlockSpec((NC, BN, HC), lambda i: (0, i, 0)),
            pl.BlockSpec((NC, BN, PD), lambda i: (0, i, 0)),
            const((HC, HC)), const((HC, HC)), const((1, HC)),
            const((HC, HC)), const((1, HC)),
        ],
        out_specs=[pl.BlockSpec((BN, HC), lambda i: (i, 0)),
                   pl.BlockSpec((BN, PD), lambda i: (i, 0))],
        out_shape=[jax.ShapeDtypeStruct((N, HC), f32),
                   jax.ShapeDtypeStruct((N, PD), f32)],
    )(h32, pos_t, aggp, posdp, w1h, w1a, b1, w2, b2)



def _ro_body(h_ref, mk_ref, w1, b1, w1g, b1g, w2, b2, w2g, b2g, w3, b3,
             conf_ref, s_acc, c_acc):
    i = pl.program_id(0)

    @pl.when(i == 0)
    def _():
        s_acc[...] = jnp.zeros_like(s_acc)
        c_acc[...] = jnp.zeros_like(c_acc)

    h = h_ref[...]
    g1 = jax.nn.sigmoid(_dot(h, w1g[...]) + b1g[...])
    v = _swish((_dot(h, w1[...]) + b1[...]) * g1)
    g2 = jax.nn.sigmoid(_dot(v, w2g[...]) + b2g[...])
    v = _swish((_dot(v, w2[...]) + b2[...]) * g2)
    nout = _dot(v, w3[...]) + b3[...]
    oh = (mk_ref[...] == lax.broadcasted_iota(jnp.int32, (BN, NG), 1)).astype(f32)
    s_acc[...] += jnp.sum(oh * nout, axis=0, keepdims=True)
    c_acc[...] += jnp.sum(oh, axis=0, keepdims=True)
    conf_ref[...] = s_acc[...] / jnp.maximum(c_acc[...], 1.0)


def _ro_call(h32, mask2, w1, b1, w1g, b1g, w2, b2, w2g, b2g, w3, b3):
    g = N // BN
    const = lambda shape: pl.BlockSpec(shape, lambda i: (0, 0))
    return pl.pallas_call(
        _ro_body,
        grid=(g,),
        in_specs=[
            pl.BlockSpec((BN, HC), lambda i: (i, 0)),
            pl.BlockSpec((BN, 1), lambda i: (i, 0)),
            const((HC, HC)), const((1, HC)),
            const((HC, HC)), const((1, HC)),
            const((HC, HC)), const((1, HC)),
            const((HC, HC)), const((1, HC)),
            const((HC, 1)), const((1, 1)),
        ],
        out_specs=pl.BlockSpec((1, NG), lambda i: (0, 0)),
        out_shape=jax.ShapeDtypeStruct((1, NG), f32),
        scratch_shapes=[pltpu.VMEM((1, NG), f32), pltpu.VMEM((1, NG), f32)],
    )(h32, mask2, w1, b1, w1g, b1g, w2, b2, w2g, b2g, w3, b3)



def kernel(xh0, edge_index, t, conditions, n_frag_switch, combined_mask,
           edge_attr, params):
    p = params
    feat = xh0[:, 3:]
    pos_pad = jnp.pad(xh0[:, :3], ((0, 0), (0, PD - 3)))
    t2 = t.reshape(1, 1)
    src = edge_index[0]
    dst = edge_index[1]

    w2p = jnp.pad(p['enc_W2'], ((0, 0), (0, 1)))
    b2p = jnp.pad(p['enc_b2'], (0, 1)).reshape(1, HC)
    e127 = p['emb_W'][HC - 1:HC, :]

    h32, pos_t = _pre_call(feat, pos_pad, t2,
                           p['enc_W1'], p['enc_b1'].reshape(1, 256),
                           w2p, b2p,
                           p['emb_W'], e127, p['emb_b'].reshape(1, HC))

    zrows = jnp.zeros((RB, HC), f32)
    for l in range(2):
        last = l == 1
        ew1 = p['l%d_eW1' % l]
        hs, hd, ps, pd_ = _gather_hp(h32, pos_t, src, dst)
        eouts = _edge_call(not last, hs, hd, ps, pd_, edge_attr,
                           p['ee_W1'], p['ee_b1'].reshape(1, 2 * ENF),
                           p['ee_W2'], p['ee_b2'].reshape(1, ENF),
                           ew1[:HC], ew1[HC:2 * HC], ew1[2 * HC + 1:],
                           ew1[2 * HC:2 * HC + 1],
                           p['l%d_eb1' % l].reshape(1, HC),
                           p['l%d_eW2' % l], p['l%d_eb2' % l].reshape(1, HC),
                           p['l%d_xW' % l], p['l%d_xb' % l].reshape(1, 1))
        hw1 = p['l%d_hW1' % l]
        hb1 = p['l%d_hb1' % l].reshape(1, HC)
        hw2 = p['l%d_hW2' % l]
        hb2 = p['l%d_hb2' % l].reshape(1, HC)
        if last:
            aggf = _scatter_m(eouts[0], dst, zrows)
            if isinstance(aggf, (tuple, list)):
                aggf = aggf[0]
            h32 = _node_h_call(h32, aggf.reshape(NC, N, HC),
                               hw1[:HC], hw1[HC:], hb1, hw2, hb2)
        else:
            m, wr = eouts
            aggf, posdf = _scatter_mw(m, wr, dst, zrows)
            h32, pos_t = _node_call(h32, pos_t,
                                    aggf.reshape(NC, N, HC),
                                    posdf.reshape(NC, N, PD),
                                    hw1[:HC], hw1[HC:], hb1, hw2, hb2)

    conf = _ro_call(h32, combined_mask.reshape(N, 1),
                    p['ro_W1'], p['ro_b1'].reshape(1, HC),
                    p['ro_W1g'], p['ro_b1g'].reshape(1, HC),
                    p['ro_W2'], p['ro_b2'].reshape(1, HC),
                    p['ro_W2g'], p['ro_b2g'].reshape(1, HC),
                    p['ro_W3'], p['ro_b3'].reshape(1, 1))
    return conf.reshape(NG, 1)

# --- scband reference (transcript-rebuilt; emitter-appended) ---
"""Pipeline reference for scband-potential-11828339933353 (READ-ONLY COPY).

The authoritative reference and input builder live on the scoring server;
editing this copy changes nothing except your own understanding.
"""

import jax, jax.numpy as jnp
import numpy as np

N = 10000
E = 320000
HC = 128
ENF = 16
NG = 16
EMBED = 127
NLAYERS = 2

def swish(x):
    return x * jax.nn.sigmoid(x)

def _w(key, shape):
    return jax.random.normal(key, shape, dtype=jnp.float32) * 0.02

def setup_inputs(seed: int = 0):
    key = jax.random.key(seed)
    ks = jax.random.split(key, 64)
    xh0 = jax.random.normal(ks[0], (N, 3 + 128), dtype=jnp.float32)
    edge_index = jax.random.randint(ks[1], (2, E), 0, N, dtype=jnp.int32)
    t = jax.random.uniform(ks[2], (1,), dtype=jnp.float32)
    conditions = jnp.zeros((NG, 1), dtype=jnp.float32)
    n_frag_switch = jnp.zeros((N,), dtype=jnp.int32)
    combined_mask = jnp.sort(jax.random.randint(ks[3], (N,), 0, NG, dtype=jnp.int32))
    edge_attr = jax.random.normal(ks[4], (E, ENF), dtype=jnp.float32)
    p = {}
    p['enc_W1'] = _w(ks[5], (128, 256)); p['enc_b1'] = jnp.zeros((256,), jnp.float32)
    p['enc_W2'] = _w(ks[6], (256, EMBED)); p['enc_b2'] = jnp.zeros((EMBED,), jnp.float32)
    p['ee_W1'] = _w(ks[7], (ENF, 2 * ENF)); p['ee_b1'] = jnp.zeros((2 * ENF,), jnp.float32)
    p['ee_W2'] = _w(ks[8], (2 * ENF, ENF)); p['ee_b2'] = jnp.zeros((ENF,), jnp.float32)
    p['emb_W'] = _w(ks[9], (HC, HC)); p['emb_b'] = jnp.zeros((HC,), jnp.float32)
    kk = 10
    for l in range(NLAYERS):
        p['l%d_eW1' % l] = _w(ks[kk], (2 * HC + 1 + ENF, HC)); kk += 1
        p['l%d_eb1' % l] = jnp.zeros((HC,), jnp.float32)
        p['l%d_eW2' % l] = _w(ks[kk], (HC, HC)); kk += 1
        p['l%d_eb2' % l] = jnp.zeros((HC,), jnp.float32)
        p['l%d_hW1' % l] = _w(ks[kk], (2 * HC, HC)); kk += 1
        p['l%d_hb1' % l] = jnp.zeros((HC,), jnp.float32)
        p['l%d_hW2' % l] = _w(ks[kk], (HC, HC)); kk += 1
        p['l%d_hb2' % l] = jnp.zeros((HC,), jnp.float32)
        p['l%d_xW' % l] = _w(ks[kk], (HC, 1)); kk += 1
        p['l%d_xb' % l] = jnp.zeros((1,), jnp.float32)
    for nm, shp in [('ro_W1', (HC, HC)), ('ro_W1g', (HC, HC)), ('ro_W2', (HC, HC)), ('ro_W2g', (HC, HC)), ('ro_W3', (HC, 1))]:
        p[nm] = _w(ks[kk], shp); kk += 1
    p['ro_b1'] = jnp.zeros((HC,), jnp.float32); p['ro_b1g'] = jnp.zeros((HC,), jnp.float32)
    p['ro_b2'] = jnp.zeros((HC,), jnp.float32); p['ro_b2g'] = jnp.zeros((HC,), jnp.float32)
    p['ro_b3'] = jnp.zeros((1,), jnp.float32)
    return {'xh0': xh0, 'edge_index': edge_index, 't': t, 'conditions': conditions, 'n_frag_switch': n_frag_switch, 'combined_mask': combined_mask, 'edge_attr': edge_attr, 'params': p}

def _potential_forward(xh0, t, edge_attr, params, edge_index, combined_mask):
    p = params
    pos = xh0[:, :3]
    feat = xh0[:, 3:]
    h = swish(feat @ p['enc_W1'] + p['enc_b1']) @ p['enc_W2'] + p['enc_b2']
    h_time = jnp.full((h.shape[0], 1), t[0], dtype=jnp.float32)
    h = jnp.concatenate([h, h_time], axis=1)
    h = h @ p['emb_W'] + p['emb_b']
    e = swish(edge_attr @ p['ee_W1'] + p['ee_b1']) @ p['ee_W2'] + p['ee_b2']
    src = edge_index[0]
    dst = edge_index[1]
    for l in range(NLAYERS):
        rel = pos[src] - pos[dst]
        d2 = jnp.sum(rel * rel, axis=1, keepdims=True)
        m = jnp.concatenate([h[src], h[dst], d2, e], axis=1)
        m = swish(m @ p['l%d_eW1' % l] + p['l%d_eb1' % l])
        m = swish(m @ p['l%d_eW2' % l] + p['l%d_eb2' % l])
        agg = jax.ops.segment_sum(m, dst, num_segments=N)
        u = swish(jnp.concatenate([h, agg], axis=1) @ p['l%d_hW1' % l] + p['l%d_hb1' % l])
        h = h + u @ p['l%d_hW2' % l] + p['l%d_hb2' % l]
        coef = m @ p['l%d_xW' % l] + p['l%d_xb' % l]
        pos = pos + jax.ops.segment_sum(rel / (jnp.sqrt(d2) + 1.0) * coef, dst, num_segments=N)
    g1 = jax.nn.sigmoid(h @ p['ro_W1g'] + p['ro_b1g'])
    v = swish((h @ p['ro_W1'] + p['ro_b1']) * g1)
    g2 = jax.nn.sigmoid(v @ p['ro_W2g'] + p['ro_b2g'])
    v = swish((v @ p['ro_W2'] + p['ro_b2']) * g2)
    node_out = v @ p['ro_W3'] + p['ro_b3']
    cnt = jax.ops.segment_sum(jnp.ones((node_out.shape[0], 1), jnp.float32), combined_mask, num_segments=NG)
    conf = jax.ops.segment_sum(node_out, combined_mask, num_segments=NG) / jnp.maximum(cnt, 1.0)
    return conf

def reference(xh0, edge_index, t, conditions, n_frag_switch, combined_mask, edge_attr, params):
    return _potential_forward(xh0, t, edge_attr, params, edge_index, combined_mask)

if __name__ == "__main__":
    import jax
    _d = setup_inputs()
    print(jax.jit(kernel)(*tuple(_d.values())))

</pallas_src>

<mosaic_0001>
#map = affine_map<(d0, d1) -> (0, 0)>
#map1 = affine_map<(d0, d1) -> (0)>
module attributes {stable_mosaic.version = 14 : i64} {
  func.func @scatter_k(%arg0: i32, %arg1: i32, %arg2: memref<320000x128xf32, #tpu.memory_space<hbm>>, %arg3: memref<320000xi32, #tpu.memory_space<hbm>>, %arg4: memref<632x128xf32, #tpu.memory_space<hbm>>, %arg5: memref<20000x128xf32, #tpu.memory_space<hbm>>, %arg6: memref<2x80xi32, #tpu.memory_space<vmem>>, %arg7: memref<2x80x128xf32, #tpu.memory_space<vmem>>, %arg8: memref<2x!tpu.dma_semaphore, #tpu.memory_space<semaphore_mem>>, %arg9: memref<2x!tpu.dma_semaphore, #tpu.memory_space<semaphore_mem>>, %arg10: memref<10000x128xf32, #tpu.memory_space<vmem_shared>>) attributes {dimension_semantics = [#tpu.dimension_semantics<core_parallel>, #tpu.dimension_semantics<subcore_parallel>], iteration_bounds = array<i64: 2, 16>, scalar_prefetch = 0 : i64, scratch_operands = 5 : i64, tpu.core_type = #tpu.core_type<sc_vector_subcore>, window_params = [{transform_indices = #map}, {transform_indices = #map1}, {transform_indices = #map}, {transform_indices = #map}]} {
    %mul3A = arith.constant 2 : i32
    %mul3A_0 = arith.muli %arg1, %mul3A : i32
    %add3A = arith.addi %mul3A_0, %arg0 : i32
    %mul3A_1 = arith.constant 632 : i32
    %mul3A_2 = arith.muli %arg1, %mul3A_1 : i32
    %eq3A = arith.constant 15 : i32
    %eq3A_3 = arith.cmpi eq, %arg1, %eq3A : i32
    %jit3A = arith.constant 520 : i32
    %jit3A_4 = arith.constant 632 : i32
    %select_n3A = arith.select %eq3A_3, %jit3A, %jit3A_4 : i32
    "tpu.region"() ({
      %run_scoped3A = tpu.sem_alloc : memref<!tpu.dma_semaphore, #tpu.memory_space<semaphore_mem>>
      %dma_start3A_45 = arith.constant 0 : i32
      %dma_start3A_46 = tpu.memref_slice %arg10[%mul3A_2, %dma_start3A_45] <%select_n3A> : memref<10000x128xf32, #tpu.memory_space<vmem_shared>> -> memref<?x128xf32, #tpu.memory_space<vmem_shared>>
      %dma_start3A_47 = arith.constant 0 : i32
      %dma_start3A_48 = arith.constant 0 : i32
      %dma_start3A_49 = tpu.memref_slice %arg4[%dma_start3A_47, %dma_start3A_48] <%select_n3A> : memref<632x128xf32, #tpu.memory_space<hbm>> -> memref<?x128xf32, #tpu.memory_space<hbm>>
      tpu.enqueue_dma source(%dma_start3A_49 : memref<?x128xf32, #tpu.memory_space<hbm>>) target(%dma_start3A_46 : memref<?x128xf32, #tpu.memory_space<vmem_shared>>) target_semaphore(%run_scoped3A : memref<!tpu.dma_semaphore, #tpu.memory_space<semaphore_mem>>)
      %dma_wait3A = arith.constant 0 : i32
      %dma_wait3A_50 = tpu.memref_slice %arg10[%mul3A_2, %dma_wait3A] <%select_n3A> : memref<10000x128xf32, #tpu.memory_space<vmem_shared>> -> memref<?x128xf32, #tpu.memory_space<vmem_shared>>
      %dma_wait3A_51 = arith.constant 0 : i32
      %dma_wait3A_52 = arith.constant 0 : i32
      %dma_wait3A_53 = tpu.memref_slice %arg4[%dma_wait3A_51, %dma_wait3A_52] <%select_n3A> : memref<632x128xf32, #tpu.memory_space<hbm>> -> memref<?x128xf32, #tpu.memory_space<hbm>>
      tpu.wait_dma2 semaphore(%run_scoped3A : memref<!tpu.dma_semaphore, #tpu.memory_space<semaphore_mem>>) src(%dma_wait3A_53 : memref<?x128xf32, #tpu.memory_space<hbm>>) dst(%dma_wait3A_50 : memref<?x128xf32, #tpu.memory_space<vmem_shared>>)
      tpu.yield
    }) : () -> ()
    %barrier3A = arith.constant 0 : index
    tpu.barrier barrier_id(%barrier3A)
    %mul3A_5 = arith.constant 10000 : i32
    %mul3A_6 = arith.muli %add3A, %mul3A_5 : i32
    %add3A_7 = arith.constant 0 : i32
    %add3A_8 = arith.addi %mul3A_6, %add3A_7 : i32
    %dma_start3A = arith.constant 0 : i32
    %dma_start3A_9 = arith.constant 0 : i32
    %dma_start3A_10 = arith.constant 0 : i32
    %dma_start3A_11 = tpu.memref_slice %arg6[%dma_start3A, %dma_start3A_10] : memref<2x80xi32, #tpu.memory_space<vmem>> -> memref<1x80xi32, #tpu.memory_space<vmem>>
    %dma_start3A_12 = tpu.memref_squeeze %dma_start3A_11 : memref<1x80xi32, #tpu.memory_space<vmem>> -> memref<80xi32, #tpu.memory_space<vmem>>
    %dma_start3A_13 = tpu.memref_slice %arg3[%add3A_8] : memref<320000xi32, #tpu.memory_space<hbm>> -> memref<80xi32, #tpu.memory_space<hbm>>
    %dma_start3A_14 = tpu.memref_slice %arg8[%dma_start3A_9] : memref<2x!tpu.dma_semaphore, #tpu.memory_space<semaphore_mem>> -> memref<1x!tpu.dma_semaphore, #tpu.memory_space<semaphore_mem>>
    %dma_start3A_15 = tpu.memref_squeeze %dma_start3A_14 : memref<1x!tpu.dma_semaphore, #tpu.memory_space<semaphore_mem>> -> memref<!tpu.dma_semaphore, #tpu.memory_space<semaphore_mem>>
    %dma_start3A_16 = arith.constant 0 : i32
    %dma_start3A_17 = tpu.memref_slice %arg6[%dma_start3A, %dma_start3A_16] : memref<2x80xi32, #tpu.memory_space<vmem>> -> memref<1x80xi32, #tpu.memory_space<vmem>>
    %dma_start3A_18 = tpu.memref_squeeze %dma_start3A_17 : memref<1x80xi32, #tpu.memory_space<vmem>> -> memref<80xi32, #tpu.memory_space<vmem>>
    %dma_start3A_19 = tpu.memref_slice %arg3[%add3A_8] : memref<320000xi32, #tpu.memory_space<hbm>> -> memref<80xi32, #tpu.memory_space<hbm>>
    tpu.enqueue_dma source(%dma_start3A_19 : memref<80xi32, #tpu.memory_space<hbm>>) target(%dma_start3A_18 : memref<80xi32, #tpu.memory_space<vmem>>) target_semaphore(%dma_start3A_15 : memref<!tpu.dma_semaphore, #tpu.memory_space<semaphore_mem>>)
    %dma_start3A_20 = arith.constant 0 : i32
    %dma_start3A_21 = arith.constant 0 : i32
    %dma_start3A_22 = arith.constant 0 : i32
    %dma_start3A_23 = arith.constant 0 : i32
    %dma_start3A_24 = tpu.memref_slice %arg7[%dma_start3A_20, %dma_start3A_22, %dma_start3A_23] : memref<2x80x128xf32, #tpu.memory_space<vmem>> -> memref<1x80x128xf32, #tpu.memory_space<vmem>>
    %dma_start3A_25 = tpu.memref_squeeze %dma_start3A_24 : memref<1x80x128xf32, #tpu.memory_space<vmem>> -> memref<80x128xf32, #tpu.memory_space<vmem>>
    %dma_start3A_26 = arith.constant 0 : i32
    %dma_start3A_27 = tpu.memref_slice %arg2[%add3A_8, %dma_start3A_26] : memref<320000x128xf32, #tpu.memory_space<hbm>> -> memref<80x128xf32, #tpu.memory_space<hbm>>
    %dma_start3A_28 = tpu.memref_slice %arg9[%dma_start3A_21] : memref<2x!tpu.dma_semaphore, #tpu.memory_space<semaphore_mem>> -> memref<1x!tpu.dma_semaphore, #tpu.memory_space<semaphore_mem>>
    %dma_start3A_29 = tpu.memref_squeeze %dma_start3A_28 : memref<1x!tpu.dma_semaphore, #tpu.memory_space<semaphore_mem>> -> memref<!tpu.dma_semaphore, #tpu.memory_space<semaphore_mem>>
    %dma_start3A_30 = arith.constant 0 : i32
    %dma_start3A_31 = arith.constant 0 : i32
    %dma_start3A_32 = tpu.memref_slice %arg7[%dma_start3A_20, %dma_start3A_30, %dma_start3A_31] : memref<2x80x128xf32, #tpu.memory_space<vmem>> -> memref<1x80x128xf32, #tpu.memory_space<vmem>>
    %dma_start3A_33 = tpu.memref_squeeze %dma_start3A_32 : memref<1x80x128xf32, #tpu.memory_space<vmem>> -> memref<80x128xf32, #tpu.memory_space<vmem>>
    %dma_start3A_34 = arith.constant 0 : i32
    %dma_start3A_35 = tpu.memref_slice %arg2[%add3A_8, %dma_start3A_34] : memref<320000x128xf32, #tpu.memory_space<hbm>> -> memref<80x128xf32, #tpu.memory_space<hbm>>
    tpu.enqueue_dma source(%dma_start3A_35 : memref<80x128xf32, #tpu.memory_space<hbm>>) target(%dma_start3A_33 : memref<80x128xf32, #tpu.memory_space<vmem>>) target_semaphore(%dma_start3A_29 : memref<!tpu.dma_semaphore, #tpu.memory_space<semaphore_mem>>)
    %scan3A = arith.constant 0 : i32
    %scan3A_36 = arith.constant 0 : i32
    %scan3A_37 = arith.constant 125 : i32
    %scan3A_38 = arith.addi %scan3A_36, %scan3A_37 : i32
    %scan3A_39 = arith.constant 1 : i32
    scf.for %scan3A_45 = %scan3A_36 to %scan3A_38 step %scan3A_39  : i32 {
      %jit3A_46 = arith.constant 2 : i32
      %eq3A_47 = arith.constant 0 : i32
      %eq3A_48 = arith.cmpi eq, %jit3A_46, %eq3A_47 : i32
      %jit3A_49 = arith.constant 1 : i32
      %select_n3A_50 = arith.select %eq3A_48, %jit3A_49, %jit3A_46 : i32
      %rem3A = arith.remsi %scan3A_45, %select_n3A_50 : i32
      %ne3A = arith.constant 0 : i32
      %ne3A_51 = arith.cmpi ne, %rem3A, %ne3A : i32
      %lt3A = arith.constant 0 : i32
      %lt3A_52 = arith.cmpi slt, %rem3A, %lt3A : i32
      %lt3A_53 = arith.constant 0 : i32
      %lt3A_54 = arith.cmpi slt, %select_n3A_50, %lt3A_53 : i32
      %ne3A_55 = arith.xori %lt3A_52, %lt3A_54 : i1
      %and3A = arith.andi %ne3A_55, %ne3A_51 : i1
      %add3A_56 = arith.addi %rem3A, %select_n3A_50 : i32
      %select_n3A_57 = arith.select %and3A, %add3A_56, %rem3A : i32
      %add3A_58 = arith.constant 1 : i32
      %add3A_59 = arith.addi %scan3A_45, %add3A_58 : i32
      %lt3A_60 = arith.constant 125 : i32
      %lt3A_61 = arith.cmpi slt, %add3A_59, %lt3A_60 : i32
      %convert_element_type3A = arith.extui %lt3A_61 : i1 to i32
      %cond3A = arith.constant 0 : i32
      %cond3A_62 = arith.cmpi ne, %convert_element_type3A, %cond3A : i32
      scf.if %cond3A_62 {
        %add3A_89 = arith.constant 1 : i32
        %add3A_90 = arith.addi %scan3A_45, %add3A_89 : i32
        %sub3A = arith.constant 1 : i32
        %sub3A_91 = arith.subi %sub3A, %select_n3A_57 : i32
        %mul3A_92 = arith.constant 80 : i32
        %mul3A_93 = arith.muli %add3A_90, %mul3A_92 : i32
        %add3A_94 = arith.addi %mul3A_6, %mul3A_93 : i32
        %dma_start3A_95 = arith.constant 0 : i32
        %dma_start3A_96 = tpu.memref_slice %arg6[%sub3A_91, %dma_start3A_95] : memref<2x80xi32, #tpu.memory_space<vmem>> -> memref<1x80xi32, #tpu.memory_space<vmem>>
        %dma_start3A_97 = tpu.memref_squeeze %dma_start3A_96 : memref<1x80xi32, #tpu.memory_space<vmem>> -> memref<80xi32, #tpu.memory_space<vmem>>
        %dma_start3A_98 = tpu.memref_slice %arg3[%add3A_94] : memref<320000xi32, #tpu.memory_space<hbm>> -> memref<80xi32, #tpu.memory_space<hbm>>
        %dma_start3A_99 = tpu.memref_slice %arg8[%sub3A_91] : memref<2x!tpu.dma_semaphore, #tpu.memory_space<semaphore_mem>> -> memref<1x!tpu.dma_semaphore, #tpu.memory_space<semaphore_mem>>
        %dma_start3A_100 = tpu.memref_squeeze %dma_start3A_99 : memref<1x!tpu.dma_semaphore, #tpu.memory_space<semaphore_mem>> -> memref<!tpu.dma_semaphore, #tpu.memory_space<semaphore_mem>>
        %dma_start3A_101 = arith.constant 0 : i32
        %dma_start3A_102 = tpu.memref_slice %arg6[%sub3A_91, %dma_start3A_101] : memref<2x80xi32, #tpu.memory_space<vmem>> -> memref<1x80xi32, #tpu.memory_space<vmem>>
        %dma_start3A_103 = tpu.memref_squeeze %dma_start3A_102 : memref<1x80xi32, #tpu.memory_space<vmem>> -> memref<80xi32, #tpu.memory_space<vmem>>
        %dma_start3A_104 = tpu.memref_slice %arg3[%add3A_94] : memref<320000xi32, #tpu.memory_space<hbm>> -> memref<80xi32, #tpu.memory_space<hbm>>
        tpu.enqueue_dma source(%dma_start3A_104 : memref<80xi32, #tpu.memory_space<hbm>>) target(%dma_start3A_103 : memref<80xi32, #tpu.memory_space<vmem>>) target_semaphore(%dma_start3A_100 : memref<!tpu.dma_semaphore, #tpu.memory_space<semaphore_mem>>)
        %dma_start3A_105 = arith.constant 0 : i32
        %dma_start3A_106 = arith.constant 0 : i32
        %dma_start3A_107 = tpu.memref_slice %arg7[%sub3A_91, %dma_start3A_105, %dma_start3A_106] : memref<2x80x128xf32, #tpu.memory_space<vmem>> -> memref<1x80x128xf32, #tpu.memory_space<vmem>>
        %dma_start3A_108 = tpu.memref_squeeze %dma_start3A_107 : memref<1x80x128xf32, #tpu.memory_space<vmem>> -> memref<80x128xf32, #tpu.memory_space<vmem>>
        %dma_start3A_109 = arith.constant 0 : i32
        %dma_start3A_110 = tpu.memref_slice %arg2[%add3A_94, %dma_start3A_109] : memref<320000x128xf32, #tpu.memory_space<hbm>> -> memref<80x128xf32, #tpu.memory_space<hbm>>
        %dma_start3A_111 = tpu.memref_slice %arg9[%sub3A_91] : memref<2x!tpu.dma_semaphore, #tpu.memory_space<semaphore_mem>> -> memref<1x!tpu.dma_semaphore, #tpu.memory_space<semaphore_mem>>
        %dma_start3A_112 = tpu.memref_squeeze %dma_start3A_111 : memref<1x!tpu.dma_semaphore, #tpu.memory_space<semaphore_mem>> -> memref<!tpu.dma_semaphore, #tpu.memory_space<semaphore_mem>>
        %dma_start3A_113 = arith.constant 0 : i32
        %dma_start3A_114 = arith.constant 0 : i32
        %dma_start3A_115 = tpu.memref_slice %arg7[%sub3A_91, %dma_start3A_113, %dma_start3A_114] : memref<2x80x128xf32, #tpu.memory_space<vmem>> -> memref<1x80x128xf32, #tpu.memory_space<vmem>>
        %dma_start3A_116 = tpu.memref_squeeze %dma_start3A_115 : memref<1x80x128xf32, #tpu.memory_space<vmem>> -> memref<80x128xf32, #tpu.memory_space<vmem>>
        %dma_start3A_117 = arith.constant 0 : i32
        %dma_start3A_118 = tpu.memref_slice %arg2[%add3A_94, %dma_start3A_117] : memref<320000x128xf32, #tpu.memory_space<hbm>> -> memref<80x128xf32, #tpu.memory_space<hbm>>
        tpu.enqueue_dma source(%dma_start3A_118 : memref<80x128xf32, #tpu.memory_space<hbm>>) target(%dma_start3A_116 : memref<80x128xf32, #tpu.memory_space<vmem>>) target_semaphore(%dma_start3A_112 : memref<!tpu.dma_semaphore, #tpu.memory_space<semaphore_mem>>)
      } else {
      }
      %mul3A_63 = arith.constant 80 : i32
      %mul3A_64 = arith.muli %scan3A_45, %mul3A_63 : i32
      %add3A_65 = arith.addi %mul3A_6, %mul3A_64 : i32
      %dma_wait3A = arith.constant 0 : i32
      %dma_wait3A_66 = tpu.memref_slice %arg6[%select_n3A_57, %dma_wait3A] : memref<2x80xi32, #tpu.memory_space<vmem>> -> memref<1x80xi32, #tpu.memory_space<vmem>>
      %dma_wait3A_67 = tpu.memref_squeeze %dma_wait3A_66 : memref<1x80xi32, #tpu.memory_space<vmem>> -> memref<80xi32, #tpu.memory_space<vmem>>
      %dma_wait3A_68 = tpu.memref_slice %arg3[%add3A_65] : memref<320000xi32, #tpu.memory_space<hbm>> -> memref<80xi32, #tpu.memory_space<hbm>>
      %dma_wait3A_69 = tpu.memref_slice %arg8[%select_n3A_57] : memref<2x!tpu.dma_semaphore, #tpu.memory_space<semaphore_mem>> -> memref<1x!tpu.dma_semaphore, #tpu.memory_space<semaphore_mem>>
      %dma_wait3A_70 = tpu.memref_squeeze %dma_wait3A_69 : memref<1x!tpu.dma_semaphore, #tpu.memory_space<semaphore_mem>> -> memref<!tpu.dma_semaphore, #tpu.memory_space<semaphore_mem>>
      %dma_wait3A_71 = arith.constant 0 : i32
      %dma_wait3A_72 = tpu.memref_slice %arg6[%select_n3A_57, %dma_wait3A_71] : memref<2x80xi32, #tpu.memory_space<vmem>> -> memref<1x80xi32, #tpu.memory_space<vmem>>
      %dma_wait3A_73 = tpu.memref_squeeze %dma_wait3A_72 : memref<1x80xi32, #tpu.memory_space<vmem>> -> memref<80xi32, #tpu.memory_space<vmem>>
      %dma_wait3A_74 = tpu.memref_slice %arg3[%add3A_65] : memref<320000xi32, #tpu.memory_space<hbm>> -> memref<80xi32, #tpu.memory_space<hbm>>
      tpu.wait_dma2 semaphore(%dma_wait3A_70 : memref<!tpu.dma_semaphore, #tpu.memory_space<semaphore_mem>>) src(%dma_wait3A_74 : memref<80xi32, #tpu.memory_space<hbm>>) dst(%dma_wait3A_73 : memref<80xi32, #tpu.memory_space<vmem>>)
      %dma_wait3A_75 = arith.constant 0 : i32
      %dma_wait3A_76 = arith.constant 0 : i32
      %dma_wait3A_77 = tpu.memref_slice %arg7[%select_n3A_57, %dma_wait3A_75, %dma_wait3A_76] : memref<2x80x128xf32, #tpu.memory_space<vmem>> -> memref<1x80x128xf32, #tpu.memory_space<vmem>>
      %dma_wait3A_78 = tpu.memref_squeeze %dma_wait3A_77 : memref<1x80x128xf32, #tpu.memory_space<vmem>> -> memref<80x128xf32, #tpu.memory_space<vmem>>
      %dma_wait3A_79 = arith.constant 0 : i32
      %dma_wait3A_80 = tpu.memref_slice %arg2[%add3A_65, %dma_wait3A_79] : memref<320000x128xf32, #tpu.memory_space<hbm>> -> memref<80x128xf32, #tpu.memory_space<hbm>>
      %dma_wait3A_81 = tpu.memref_slice %arg9[%select_n3A_57] : memref<2x!tpu.dma_semaphore, #tpu.memory_space<semaphore_mem>> -> memref<1x!tpu.dma_semaphore, #tpu.memory_space<semaphore_mem>>
      %dma_wait3A_82 = tpu.memref_squeeze %dma_wait3A_81 : memref<1x!tpu.dma_semaphore, #tpu.memory_space<semaphore_mem>> -> memref<!tpu.dma_semaphore, #tpu.memory_space<semaphore_mem>>
      %dma_wait3A_83 = arith.constant 0 : i32
      %dma_wait3A_84 = arith.constant 0 : i32
      %dma_wait3A_85 = tpu.memref_slice %arg7[%select_n3A_57, %dma_wait3A_83, %dma_wait3A_84] : memref<2x80x128xf32, #tpu.memory_space<vmem>> -> memref<1x80x128xf32, #tpu.memory_space<vmem>>
      %dma_wait3A_86 = tpu.memref_squeeze %dma_wait3A_85 : memref<1x80x128xf32, #tpu.memory_space<vmem>> -> memref<80x128xf32, #tpu.memory_space<vmem>>
      %dma_wait3A_87 = arith.constant 0 : i32
      %dma_wait3A_88 = tpu.memref_slice %arg2[%add3A_65, %dma_wait3A_87] : memref<320000x128xf32, #tpu.memory_space<hbm>> -> memref<80x128xf32, #tpu.memory_space<hbm>>
      tpu.wait_dma2 semaphore(%dma_wait3A_82 : memref<!tpu.dma_semaphore, #tpu.memory_space<semaphore_mem>>) src(%dma_wait3A_88 : memref<80x128xf32, #tpu.memory_space<hbm>>) dst(%dma_wait3A_86 : memref<80x128xf32, #tpu.memory_space<vmem>>)
      "tpu.region"() ({
        %run_scoped3A = tpu.sem_alloc : memref<!tpu.dma_semaphore, #tpu.memory_space<semaphore_mem>>
        %dma_start3A_89 = arith.constant 0 : i32
        %dma_start3A_90 = arith.constant 0 : i32
        %dma_start3A_91 = tpu.memref_slice %arg7[%select_n3A_57, %dma_start3A_89, %dma_start3A_90] : memref<2x80x128xf32, #tpu.memory_space<vmem>> -> memref<1x80x128xf32, #tpu.memory_space<vmem>>
        %dma_start3A_92 = tpu.memref_squeeze %dma_start3A_91 : memref<1x80x128xf32, #tpu.memory_space<vmem>> -> memref<80x128xf32, #tpu.memory_space<vmem>>
        %dma_start3A_93 = arith.constant 0 : i32
        %dma_start3A_94 = tpu.memref_slice %arg6[%select_n3A_57, %dma_start3A_93] : memref<2x80xi32, #tpu.memory_space<vmem>> -> memref<1x80xi32, #tpu.memory_space<vmem>>
        %dma_start3A_95 = tpu.memref_squeeze %dma_start3A_94 : memref<1x80xi32, #tpu.memory_space<vmem>> -> memref<80xi32, #tpu.memory_space<vmem>>
        %dma_start3A_96 = arith.constant 0 : i32
        %dma_start3A_97 = arith.constant 0 : i32
        %dma_start3A_98 = tpu.memref_slice %arg10[%dma_start3A_96, %dma_start3A_97] : memref<10000x128xf32, #tpu.memory_space<vmem_shared>> -> memref<10000x128xf32, #tpu.memory_space<vmem_shared>>
        tpu.enqueue_indirect_dma source(%dma_start3A_92 : memref<80x128xf32, #tpu.memory_space<vmem>>) target(%dma_start3A_98 : memref<10000x128xf32, #tpu.memory_space<vmem_shared>>) offsets(%dma_start3A_95 : memref<80xi32, #tpu.memory_space<vmem>>) semaphore(%run_scoped3A : memref<!tpu.dma_semaphore, #tpu.memory_space<semaphore_mem>>) {add = true}
        %dma_wait3A_99 = arith.constant 0 : i32
        %dma_wait3A_100 = arith.constant 0 : i32
        %dma_wait3A_101 = tpu.memref_slice %arg7[%select_n3A_57, %dma_wait3A_99, %dma_wait3A_100] : memref<2x80x128xf32, #tpu.memory_space<vmem>> -> memref<1x80x128xf32, #tpu.memory_space<vmem>>
        %dma_wait3A_102 = tpu.memref_squeeze %dma_wait3A_101 : memref<1x80x128xf32, #tpu.memory_space<vmem>> -> memref<80x128xf32, #tpu.memory_space<vmem>>
        %dma_wait3A_103 = arith.constant 0 : i32
        %dma_wait3A_104 = tpu.memref_slice %arg6[%select_n3A_57, %dma_wait3A_103] : memref<2x80xi32, #tpu.memory_space<vmem>> -> memref<1x80xi32, #tpu.memory_space<vmem>>
        %dma_wait3A_105 = tpu.memref_squeeze %dma_wait3A_104 : memref<1x80xi32, #tpu.memory_space<vmem>> -> memref<80xi32, #tpu.memory_space<vmem>>
        %dma_wait3A_106 = arith.constant 0 : i32
        %dma_wait3A_107 = arith.constant 0 : i32
        %dma_wait3A_108 = tpu.memref_slice %arg10[%dma_wait3A_106, %dma_wait3A_107] : memref<10000x128xf32, #tpu.memory_space<vmem_shared>> -> memref<10000x128xf32, #tpu.memory_space<vmem_shared>>
        tpu.wait_indirect_dma semaphore(%run_scoped3A : memref<!tpu.dma_semaphore, #tpu.memory_space<semaphore_mem>>) src(%dma_wait3A_102 : memref<80x128xf32, #tpu.memory_space<vmem>>) dst(%dma_wait3A_108 : memref<10000x128xf32, #tpu.memory_space<vmem_shared>>)
        tpu.yield
      }) : () -> ()
    }
    %scan3A_40 = arith.constant 125 : i32
    %barrier3A_41 = arith.constant 0 : index
    tpu.barrier barrier_id(%barrier3A_41)
    %mul3A_42 = arith.constant 10000 : i32
    %mul3A_43 = arith.muli %arg0, %mul3A_42 : i32
    %add3A_44 = arith.addi %mul3A_43, %mul3A_2 : i32
    "tpu.region"() ({
      %run_scoped3A = tpu.sem_alloc : memref<!tpu.dma_semaphore, #tpu.memory_space<semaphore_mem>>
      %dma_start3A_45 = arith.constant 0 : i32
      %dma_start3A_46 = tpu.memref_slice %arg5[%add3A_44, %dma_start3A_45] <%select_n3A> : memref<20000x128xf32, #tpu.memory_space<hbm>> -> memref<?x128xf32, #tpu.memory_space<hbm>>
      %dma_start3A_47 = arith.constant 0 : i32
      %dma_start3A_48 = tpu.memref_slice %arg10[%mul3A_2, %dma_start3A_47] <%select_n3A> : memref<10000x128xf32, #tpu.memory_space<vmem_shared>> -> memref<?x128xf32, #tpu.memory_space<vmem_shared>>
      tpu.enqueue_dma source(%dma_start3A_48 : memref<?x128xf32, #tpu.memory_space<vmem_shared>>) target(%dma_start3A_46 : memref<?x128xf32, #tpu.memory_space<hbm>>) target_semaphore(%run_scoped3A : memref<!tpu.dma_semaphore, #tpu.memory_space<semaphore_mem>>)
      %dma_wait3A = arith.constant 0 : i32
      %dma_wait3A_49 = tpu.memref_slice %arg5[%add3A_44, %dma_wait3A] <%select_n3A> : memref<20000x128xf32, #tpu.memory_space<hbm>> -> memref<?x128xf32, #tpu.memory_space<hbm>>
      %dma_wait3A_50 = arith.constant 0 : i32
      %dma_wait3A_51 = tpu.memref_slice %arg10[%mul3A_2, %dma_wait3A_50] <%select_n3A> : memref<10000x128xf32, #tpu.memory_space<vmem_shared>> -> memref<?x128xf32, #tpu.memory_space<vmem_shared>>
      tpu.wait_dma2 semaphore(%run_scoped3A : memref<!tpu.dma_semaphore, #tpu.memory_space<semaphore_mem>>) src(%dma_wait3A_51 : memref<?x128xf32, #tpu.memory_space<vmem_shared>>) dst(%dma_wait3A_49 : memref<?x128xf32, #tpu.memory_space<hbm>>)
      tpu.yield
    }) : () -> ()
    return
  }
}

#map = affine_map<(d0, d1) -> (0, 0)>
#map1 = affine_map<(d0, d1) -> (0)>
module attributes {stable_mosaic.version = 14 : i64} {
  func.func @_gather_hp(%arg0: i32, %arg1: i32, %arg2: memref<10000x128xf32, #tpu.memory_space<hbm>>, %arg3: memref<10000x16xf32, #tpu.memory_space<hbm>>, %arg4: memref<320000xi32, #tpu.memory_space<hbm>>, %arg5: memref<320000xi32, #tpu.memory_space<hbm>>, %arg6: memref<320000x128xf32, #tpu.memory_space<hbm>>, %arg7: memref<320000x128xf32, #tpu.memory_space<hbm>>, %arg8: memref<320000x128xf32, #tpu.memory_space<hbm>>, %arg9: memref<320000x128xf32, #tpu.memory_space<hbm>>, %arg10: memref<10000xi32, #tpu.memory_space<vmem>>, %arg11: memref<2x400x128xf32, #tpu.memory_space<vmem>>, %arg12: memref<2x400x16xf32, #tpu.memory_space<vmem>>, %arg13: memref<2x!tpu.dma_semaphore, #tpu.memory_space<semaphore_mem>>, %arg14: memref<2x!tpu.dma_semaphore, #tpu.memory_space<semaphore_mem>>) attributes {dimension_semantics = [#tpu.dimension_semantics<core_parallel>, #tpu.dimension_semantics<subcore_parallel>], iteration_bounds = array<i64: 2, 16>, scalar_prefetch = 0 : i64, scratch_operands = 5 : i64, tpu.core_type = #tpu.core_type<sc_vector_subcore>, window_params = [{transform_indices = #map}, {transform_indices = #map}, {transform_indices = #map1}, {transform_indices = #map1}, {transform_indices = #map}, {transform_indices = #map}, {transform_indices = #map}, {transform_indices = #map}]} {
    %mul3A = arith.constant 2 : i32
    %mul3A_0 = arith.muli %arg1, %mul3A : i32
    %add3A = arith.addi %mul3A_0, %arg0 : i32
    %mul3A_1 = arith.constant 10000 : i32
    %mul3A_2 = arith.muli %add3A, %mul3A_1 : i32
    "tpu.region"() ({
      %run_scoped3A = tpu.sem_alloc : memref<!tpu.dma_semaphore, #tpu.memory_space<semaphore_mem>>
      %dma_start3A_204 = tpu.memref_slice %arg4[%mul3A_2] : memref<320000xi32, #tpu.memory_space<hbm>> -> memref<10000xi32, #tpu.memory_space<hbm>>
      %dma_start3A_205 = tpu.memref_slice %arg4[%mul3A_2] : memref<320000xi32, #tpu.memory_space<hbm>> -> memref<10000xi32, #tpu.memory_space<hbm>>
      tpu.enqueue_dma source(%dma_start3A_205 : memref<10000xi32, #tpu.memory_space<hbm>>) target(%arg10 : memref<10000xi32, #tpu.memory_space<vmem>>) target_semaphore(%run_scoped3A : memref<!tpu.dma_semaphore, #tpu.memory_space<semaphore_mem>>)
      %dma_wait3A_206 = tpu.memref_slice %arg4[%mul3A_2] : memref<320000xi32, #tpu.memory_space<hbm>> -> memref<10000xi32, #tpu.memory_space<hbm>>
      %dma_wait3A_207 = tpu.memref_slice %arg4[%mul3A_2] : memref<320000xi32, #tpu.memory_space<hbm>> -> memref<10000xi32, #tpu.memory_space<hbm>>
      tpu.wait_dma2 semaphore(%run_scoped3A : memref<!tpu.dma_semaphore, #tpu.memory_space<semaphore_mem>>) src(%dma_wait3A_207 : memref<10000xi32, #tpu.memory_space<hbm>>) dst(%arg10 : memref<10000xi32, #tpu.memory_space<vmem>>)
      tpu.yield
    }) : () -> ()
    %add3A_3 = arith.constant 0 : i32
    %add3A_4 = arith.addi %mul3A_2, %add3A_3 : i32
    %dma_start3A = arith.constant 0 : i32
    %dma_start3A_5 = arith.constant 0 : i32
    %dma_start3A_6 = arith.constant 0 : i32
    %dma_start3A_7 = arith.constant 0 : i32
    %dma_start3A_8 = tpu.memref_slice %arg11[%dma_start3A, %dma_start3A_6, %dma_start3A_7] : memref<2x400x128xf32, #tpu.memory_space<vmem>> -> memref<1x400x128xf32, #tpu.memory_space<vmem>>
    %dma_start3A_9 = tpu.memref_squeeze %dma_start3A_8 : memref<1x400x128xf32, #tpu.memory_space<vmem>> -> memref<400x128xf32, #tpu.memory_space<vmem>>
    %dma_start3A_10 = arith.constant 0 : i32
    %dma_start3A_11 = tpu.memref_slice %arg10[%dma_start3A_10] : memref<10000xi32, #tpu.memory_space<vmem>> -> memref<400xi32, #tpu.memory_space<vmem>>
    %dma_start3A_12 = arith.constant 0 : i32
    %dma_start3A_13 = arith.constant 0 : i32
    %dma_start3A_14 = tpu.memref_slice %arg2[%dma_start3A_12, %dma_start3A_13] : memref<10000x128xf32, #tpu.memory_space<hbm>> -> memref<10000x128xf32, #tpu.memory_space<hbm>>
    %dma_start3A_15 = tpu.memref_slice %arg13[%dma_start3A_5] : memref<2x!tpu.dma_semaphore, #tpu.memory_space<semaphore_mem>> -> memref<1x!tpu.dma_semaphore, #tpu.memory_space<semaphore_mem>>
    %dma_start3A_16 = tpu.memref_squeeze %dma_start3A_15 : memref<1x!tpu.dma_semaphore, #tpu.memory_space<semaphore_mem>> -> memref<!tpu.dma_semaphore, #tpu.memory_space<semaphore_mem>>
    tpu.enqueue_indirect_dma source(%dma_start3A_14 : memref<10000x128xf32, #tpu.memory_space<hbm>>) target(%dma_start3A_9 : memref<400x128xf32, #tpu.memory_space<vmem>>) offsets(%dma_start3A_11 : memref<400xi32, #tpu.memory_space<vmem>>) semaphore(%dma_start3A_16 : memref<!tpu.dma_semaphore, #tpu.memory_space<semaphore_mem>>)
    %dma_start3A_17 = arith.constant 0 : i32
    %dma_start3A_18 = arith.constant 0 : i32
    %dma_start3A_19 = arith.constant 0 : i32
    %dma_start3A_20 = arith.constant 0 : i32
    %dma_start3A_21 = tpu.memref_slice %arg12[%dma_start3A_17, %dma_start3A_19, %dma_start3A_20] : memref<2x400x16xf32, #tpu.memory_space<vmem>> -> memref<1x400x16xf32, #tpu.memory_space<vmem>>
    %dma_start3A_22 = tpu.memref_squeeze %dma_start3A_21 : memref<1x400x16xf32, #tpu.memory_space<vmem>> -> memref<400x16xf32, #tpu.memory_space<vmem>>
    %dma_start3A_23 = arith.constant 0 : i32
    %dma_start3A_24 = tpu.memref_slice %arg10[%dma_start3A_23] : memref<10000xi32, #tpu.memory_space<vmem>> -> memref<400xi32, #tpu.memory_space<vmem>>
    %dma_start3A_25 = arith.constant 0 : i32
    %dma_start3A_26 = arith.constant 0 : i32
    %dma_start3A_27 = tpu.memref_slice %arg3[%dma_start3A_25, %dma_start3A_26] : memref<10000x16xf32, #tpu.memory_space<hbm>> -> memref<10000x16xf32, #tpu.memory_space<hbm>>
    %dma_start3A_28 = tpu.memref_slice %arg13[%dma_start3A_18] : memref<2x!tpu.dma_semaphore, #tpu.memory_space<semaphore_mem>> -> memref<1x!tpu.dma_semaphore, #tpu.memory_space<semaphore_mem>>
    %dma_start3A_29 = tpu.memref_squeeze %dma_start3A_28 : memref<1x!tpu.dma_semaphore, #tpu.memory_space<semaphore_mem>> -> memref<!tpu.dma_semaphore, #tpu.memory_space<semaphore_mem>>
    tpu.enqueue_indirect_dma source(%dma_start3A_27 : memref<10000x16xf32, #tpu.memory_space<hbm>>) target(%dma_start3A_22 : memref<400x16xf32, #tpu.memory_space<vmem>>) offsets(%dma_start3A_24 : memref<400xi32, #tpu.memory_space<vmem>>) semaphore(%dma_start3A_29 : memref<!tpu.dma_semaphore, #tpu.memory_space<semaphore_mem>>)
    %scan3A = arith.constant 0 : i32
    %scan3A_30 = arith.constant 0 : i32
    %scan3A_31 = arith.constant 25 : i32
    %scan3A_32 = arith.addi %scan3A_30, %scan3A_31 : i32
    %scan3A_33 = arith.constant 1 : i32
    scf.for %scan3A_204 = %scan3A_30 to %scan3A_32 step %scan3A_33  : i32 {
      %jit3A = arith.constant 2 : i32
      %eq3A = arith.constant 0 : i32
      %eq3A_205 = arith.cmpi eq, %jit3A, %eq3A : i32
      %jit3A_206 = arith.constant 1 : i32
      %select_n3A = arith.select %eq3A_205, %jit3A_206, %jit3A : i32
      %rem3A = arith.remsi %scan3A_204, %select_n3A : i32
      %ne3A = arith.constant 0 : i32
      %ne3A_207 = arith.cmpi ne, %rem3A, %ne3A : i32
      %lt3A = arith.constant 0 : i32
      %lt3A_208 = arith.cmpi slt, %rem3A, %lt3A : i32
      %lt3A_209 = arith.constant 0 : i32
      %lt3A_210 = arith.cmpi slt, %select_n3A, %lt3A_209 : i32
      %ne3A_211 = arith.xori %lt3A_208, %lt3A_210 : i1
      %and3A = arith.andi %ne3A_211, %ne3A_207 : i1
      %add3A_212 = arith.addi %rem3A, %select_n3A : i32
      %select_n3A_213 = arith.select %and3A, %add3A_212, %rem3A : i32
      %add3A_214 = arith.constant 1 : i32
      %add3A_215 = arith.addi %scan3A_204, %add3A_214 : i32
      %lt3A_216 = arith.constant 25 : i32
      %lt3A_217 = arith.cmpi slt, %add3A_215, %lt3A_216 : i32
      %convert_element_type3A = arith.extui %lt3A_217 : i1 to i32
      %cond3A = arith.constant 0 : i32
      %cond3A_218 = arith.cmpi ne, %convert_element_type3A, %cond3A : i32
      scf.if %cond3A_218 {
        %ge3A = arith.constant 1 : i32
        %ge3A_272 = arith.cmpi sge, %scan3A_204, %ge3A : i32
        %convert_element_type3A_273 = arith.extui %ge3A_272 : i1 to i32
        %cond3A_274 = arith.constant 0 : i32
        %cond3A_275 = arith.cmpi ne, %convert_element_type3A_273, %cond3A_274 : i32
        scf.if %cond3A_275 {
          %sub3A_304 = arith.constant 1 : i32
          %sub3A_305 = arith.subi %scan3A_204, %sub3A_304 : i32
          %jit3A_306 = arith.constant 2 : i32
          %eq3A_307 = arith.constant 0 : i32
          %eq3A_308 = arith.cmpi eq, %jit3A_306, %eq3A_307 : i32
          %jit3A_309 = arith.constant 1 : i32
          %select_n3A_310 = arith.select %eq3A_308, %jit3A_309, %jit3A_306 : i32
          %rem3A_311 = arith.remsi %sub3A_305, %select_n3A_310 : i32
          %ne3A_312 = arith.constant 0 : i32
          %ne3A_313 = arith.cmpi ne, %rem3A_311, %ne3A_312 : i32
          %lt3A_314 = arith.constant 0 : i32
          %lt3A_315 = arith.cmpi slt, %rem3A_311, %lt3A_314 : i32
          %lt3A_316 = arith.constant 0 : i32
          %lt3A_317 = arith.cmpi slt, %select_n3A_310, %lt3A_316 : i32
          %ne3A_318 = arith.xori %lt3A_315, %lt3A_317 : i1
          %and3A_319 = arith.andi %ne3A_318, %ne3A_313 : i1
          %add3A_320 = arith.addi %rem3A_311, %select_n3A_310 : i32
          %select_n3A_321 = arith.select %and3A_319, %add3A_320, %rem3A_311 : i32
          %mul3A_322 = arith.constant 400 : i32
          %mul3A_323 = arith.muli %sub3A_305, %mul3A_322 : i32
          %mul3A_324 = arith.constant 400 : i32
          %mul3A_325 = arith.muli %sub3A_305, %mul3A_324 : i32
          %add3A_326 = arith.addi %mul3A_2, %mul3A_325 : i32
          %dma_wait3A_327 = arith.constant 0 : i32
          %dma_wait3A_328 = arith.constant 0 : i32
          %dma_wait3A_329 = tpu.memref_slice %arg11[%select_n3A_321, %dma_wait3A_327, %dma_wait3A_328] : memref<2x400x128xf32, #tpu.memory_space<vmem>> -> memref<1x400x128xf32, #tpu.memory_space<vmem>>
          %dma_wait3A_330 = tpu.memref_squeeze %dma_wait3A_329 : memref<1x400x128xf32, #tpu.memory_space<vmem>> -> memref<400x128xf32, #tpu.memory_space<vmem>>
          %dma_wait3A_331 = arith.constant 0 : i32
          %dma_wait3A_332 = tpu.memref_slice %arg6[%add3A_326, %dma_wait3A_331] : memref<320000x128xf32, #tpu.memory_space<hbm>> -> memref<400x128xf32, #tpu.memory_space<hbm>>
          %dma_wait3A_333 = tpu.memref_slice %arg14[%select_n3A_321] : memref<2x!tpu.dma_semaphore, #tpu.memory_space<semaphore_mem>> -> memref<1x!tpu.dma_semaphore, #tpu.memory_space<semaphore_mem>>
          %dma_wait3A_334 = tpu.memref_squeeze %dma_wait3A_333 : memref<1x!tpu.dma_semaphore, #tpu.memory_space<semaphore_mem>> -> memref<!tpu.dma_semaphore, #tpu.memory_space<semaphore_mem>>
          %dma_wait3A_335 = arith.constant 0 : i32
          %dma_wait3A_336 = tpu.memref_slice %arg6[%add3A_326, %dma_wait3A_335] : memref<320000x128xf32, #tpu.memory_space<hbm>> -> memref<400x128xf32, #tpu.memory_space<hbm>>
          %dma_wait3A_337 = arith.constant 0 : i32
          %dma_wait3A_338 = arith.constant 0 : i32
          %dma_wait3A_339 = tpu.memref_slice %arg11[%select_n3A_321, %dma_wait3A_337, %dma_wait3A_338] : memref<2x400x128xf32, #tpu.memory_space<vmem>> -> memref<1x400x128xf32, #tpu.memory_space<vmem>>
          %dma_wait3A_340 = tpu.memref_squeeze %dma_wait3A_339 : memref<1x400x128xf32, #tpu.memory_space<vmem>> -> memref<400x128xf32, #tpu.memory_space<vmem>>
          tpu.wait_dma2 semaphore(%dma_wait3A_334 : memref<!tpu.dma_semaphore, #tpu.memory_space<semaphore_mem>>) src(%dma_wait3A_340 : memref<400x128xf32, #tpu.memory_space<vmem>>) dst(%dma_wait3A_336 : memref<400x128xf32, #tpu.memory_space<hbm>>)
          %dma_wait3A_341 = arith.constant 0 : i32
          %dma_wait3A_342 = arith.constant 0 : i32
          %dma_wait3A_343 = tpu.memref_slice %arg12[%select_n3A_321, %dma_wait3A_341, %dma_wait3A_342] : memref<2x400x16xf32, #tpu.memory_space<vmem>> -> memref<1x400x16xf32, #tpu.memory_space<vmem>>
          %dma_wait3A_344 = tpu.memref_squeeze %dma_wait3A_343 : memref<1x400x16xf32, #tpu.memory_space<vmem>> -> memref<400x16xf32, #tpu.memory_space<vmem>>
          %dma_wait3A_345 = arith.constant 0 : i32
          %dma_wait3A_346 = tpu.memref_slice %arg8[%add3A_326, %dma_wait3A_345] : memref<320000x128xf32, #tpu.memory_space<hbm>> -> memref<400x16xf32, #tpu.memory_space<hbm>>
          %dma_wait3A_347 = tpu.memref_slice %arg14[%select_n3A_321] : memref<2x!tpu.dma_semaphore, #tpu.memory_space<semaphore_mem>> -> memref<1x!tpu.dma_semaphore, #tpu.memory_space<semaphore_mem>>
          %dma_wait3A_348 = tpu.memref_squeeze %dma_wait3A_347 : memref<1x!tpu.dma_semaphore, #tpu.memory_space<semaphore_mem>> -> memref<!tpu.dma_semaphore, #tpu.memory_space<semaphore_mem>>
          %dma_wait3A_349 = arith.constant 0 : i32
          %dma_wait3A_350 = tpu.memref_slice %arg8[%add3A_326, %dma_wait3A_349] : memref<320000x128xf32, #tpu.memory_space<hbm>> -> memref<400x16xf32, #tpu.memory_space<hbm>>
          %dma_wait3A_351 = arith.constant 0 : i32
          %dma_wait3A_352 = arith.constant 0 : i32
          %dma_wait3A_353 = tpu.memref_slice %arg12[%select_n3A_321, %dma_wait3A_351, %dma_wait3A_352] : memref<2x400x16xf32, #tpu.memory_space<vmem>> -> memref<1x400x16xf32, #tpu.memory_space<vmem>>
          %dma_wait3A_354 = tpu.memref_squeeze %dma_wait3A_353 : memref<1x400x16xf32, #tpu.memory_space<vmem>> -> memref<400x16xf32, #tpu.memory_space<vmem>>
          tpu.wait_dma2 semaphore(%dma_wait3A_348 : memref<!tpu.dma_semaphore, #tpu.memory_space<semaphore_mem>>) src(%dma_wait3A_354 : memref<400x16xf32, #tpu.memory_space<vmem>>) dst(%dma_wait3A_350 : memref<400x16xf32, #tpu.memory_space<hbm>>)
        } else {
        }
        %add3A_276 = arith.constant 1 : i32
        %add3A_277 = arith.addi %scan3A_204, %add3A_276 : i32
        %sub3A = arith.constant 1 : i32
        %sub3A_278 = arith.subi %sub3A, %select_n3A_213 : i32
        %mul3A_279 = arith.constant 400 : i32
        %mul3A_280 = arith.muli %add3A_277, %mul3A_279 : i32
        %mul3A_281 = arith.constant 400 : i32
        %mul3A_282 = arith.muli %add3A_277, %mul3A_281 : i32
        %add3A_283 = arith.addi %mul3A_2, %mul3A_282 : i32
        %dma_start3A_284 = arith.constant 0 : i32
        %dma_start3A_285 = arith.constant 0 : i32
        %dma_start3A_286 = tpu.memref_slice %arg11[%sub3A_278, %dma_start3A_284, %dma_start3A_285] : memref<2x400x128xf32, #tpu.memory_space<vmem>> -> memref<1x400x128xf32, #tpu.memory_space<vmem>>
        %dma_start3A_287 = tpu.memref_squeeze %dma_start3A_286 : memref<1x400x128xf32, #tpu.memory_space<vmem>> -> memref<400x128xf32, #tpu.memory_space<vmem>>
        %dma_start3A_288 = tpu.memref_slice %arg10[%mul3A_280] : memref<10000xi32, #tpu.memory_space<vmem>> -> memref<400xi32, #tpu.memory_space<vmem>>
        %dma_start3A_289 = arith.constant 0 : i32
        %dma_start3A_290 = arith.constant 0 : i32
        %dma_start3A_291 = tpu.memref_slice %arg2[%dma_start3A_289, %dma_start3A_290] : memref<10000x128xf32, #tpu.memory_space<hbm>> -> memref<10000x128xf32, #tpu.memory_space<hbm>>
        %dma_start3A_292 = tpu.memref_slice %arg13[%sub3A_278] : memref<2x!tpu.dma_semaphore, #tpu.memory_space<semaphore_mem>> -> memref<1x!tpu.dma_semaphore, #tpu.memory_space<semaphore_mem>>
        %dma_start3A_293 = tpu.memref_squeeze %dma_start3A_292 : memref<1x!tpu.dma_semaphore, #tpu.memory_space<semaphore_mem>> -> memref<!tpu.dma_semaphore, #tpu.memory_space<semaphore_mem>>
        tpu.enqueue_indirect_dma source(%dma_start3A_291 : memref<10000x128xf32, #tpu.memory_space<hbm>>) target(%dma_start3A_287 : memref<400x128xf32, #tpu.memory_space<vmem>>) offsets(%dma_start3A_288 : memref<400xi32, #tpu.memory_space<vmem>>) semaphore(%dma_start3A_293 : memref<!tpu.dma_semaphore, #tpu.memory_space<semaphore_mem>>)
        %dma_start3A_294 = arith.constant 0 : i32
        %dma_start3A_295 = arith.constant 0 : i32
        %dma_start3A_296 = tpu.memref_slice %arg12[%sub3A_278, %dma_start3A_294, %dma_start3A_295] : memref<2x400x16xf32, #tpu.memory_space<vmem>> -> memref<1x400x16xf32, #tpu.memory_space<vmem>>
        %dma_start3A_297 = tpu.memref_squeeze %dma_start3A_296 : memref<1x400x16xf32, #tpu.memory_space<vmem>> -> memref<400x16xf32, #tpu.memory_space<vmem>>
        %dma_start3A_298 = tpu.memref_slice %arg10[%mul3A_280] : memref<10000xi32, #tpu.memory_space<vmem>> -> memref<400xi32, #tpu.memory_space<vmem>>
        %dma_start3A_299 = arith.constant 0 : i32
        %dma_start3A_300 = arith.constant 0 : i32
        %dma_start3A_301 = tpu.memref_slice %arg3[%dma_start3A_299, %dma_start3A_300] : memref<10000x16xf32, #tpu.memory_space<hbm>> -> memref<10000x16xf32, #tpu.memory_space<hbm>>
        %dma_start3A_302 = tpu.memref_slice %arg13[%sub3A_278] : memref<2x!tpu.dma_semaphore, #tpu.memory_space<semaphore_mem>> -> memref<1x!tpu.dma_semaphore, #tpu.memory_space<semaphore_mem>>
        %dma_start3A_303 = tpu.memref_squeeze %dma_start3A_302 : memref<1x!tpu.dma_semaphore, #tpu.memory_space<semaphore_mem>> -> memref<!tpu.dma_semaphore, #tpu.memory_space<semaphore_mem>>
        tpu.enqueue_indirect_dma source(%dma_start3A_301 : memref<10000x16xf32, #tpu.memory_space<hbm>>) target(%dma_start3A_297 : memref<400x16xf32, #tpu.memory_space<vmem>>) offsets(%dma_start3A_298 : memref<400xi32, #tpu.memory_space<vmem>>) semaphore(%dma_start3A_303 : memref<!tpu.dma_semaphore, #tpu.memory_space<semaphore_mem>>)
      } else {
      }
      %mul3A_219 = arith.constant 400 : i32
      %mul3A_220 = arith.muli %scan3A_204, %mul3A_219 : i32
      %mul3A_221 = arith.constant 400 : i32
      %mul3A_222 = arith.muli %scan3A_204, %mul3A_221 : i32
      %add3A_223 = arith.addi %mul3A_2, %mul3A_222 : i32
      %dma_wait3A_224 = arith.constant 0 : i32
      %dma_wait3A_225 = arith.constant 0 : i32
      %dma_wait3A_226 = tpu.memref_slice %arg11[%select_n3A_213, %dma_wait3A_224, %dma_wait3A_225] : memref<2x400x128xf32, #tpu.memory_space<vmem>> -> memref<1x400x128xf32, #tpu.memory_space<vmem>>
      %dma_wait3A_227 = tpu.memref_squeeze %dma_wait3A_226 : memref<1x400x128xf32, #tpu.memory_space<vmem>> -> memref<400x128xf32, #tpu.memory_space<vmem>>
      %dma_wait3A_228 = tpu.memref_slice %arg10[%mul3A_220] : memref<10000xi32, #tpu.memory_space<vmem>> -> memref<400xi32, #tpu.memory_space<vmem>>
      %dma_wait3A_229 = arith.constant 0 : i32
      %dma_wait3A_230 = arith.constant 0 : i32
      %dma_wait3A_231 = tpu.memref_slice %arg2[%dma_wait3A_229, %dma_wait3A_230] : memref<10000x128xf32, #tpu.memory_space<hbm>> -> memref<10000x128xf32, #tpu.memory_space<hbm>>
      %dma_wait3A_232 = tpu.memref_slice %arg13[%select_n3A_213] : memref<2x!tpu.dma_semaphore, #tpu.memory_space<semaphore_mem>> -> memref<1x!tpu.dma_semaphore, #tpu.memory_space<semaphore_mem>>
      %dma_wait3A_233 = tpu.memref_squeeze %dma_wait3A_232 : memref<1x!tpu.dma_semaphore, #tpu.memory_space<semaphore_mem>> -> memref<!tpu.dma_semaphore, #tpu.memory_space<semaphore_mem>>
      tpu.wait_indirect_dma semaphore(%dma_wait3A_233 : memref<!tpu.dma_semaphore, #tpu.memory_space<semaphore_mem>>) src(%dma_wait3A_231 : memref<10000x128xf32, #tpu.memory_space<hbm>>) dst(%dma_wait3A_227 : memref<400x128xf32, #tpu.memory_space<vmem>>)
      %dma_wait3A_234 = arith.constant 0 : i32
      %dma_wait3A_235 = arith.constant 0 : i32
      %dma_wait3A_236 = tpu.memref_slice %arg12[%select_n3A_213, %dma_wait3A_234, %dma_wait3A_235] : memref<2x400x16xf32, #tpu.memory_space<vmem>> -> memref<1x400x16xf32, #tpu.memory_space<vmem>>
      %dma_wait3A_237 = tpu.memref_squeeze %dma_wait3A_236 : memref<1x400x16xf32, #tpu.memory_space<vmem>> -> memref<400x16xf32, #tpu.memory_space<vmem>>
      %dma_wait3A_238 = tpu.memref_slice %arg10[%mul3A_220] : memref<10000xi32, #tpu.memory_space<vmem>> -> memref<400xi32, #tpu.memory_space<vmem>>
      %dma_wait3A_239 = arith.constant 0 : i32
      %dma_wait3A_240 = arith.constant 0 : i32
      %dma_wait3A_241 = tpu.memref_slice %arg3[%dma_wait3A_239, %dma_wait3A_240] : memref<10000x16xf32, #tpu.memory_space<hbm>> -> memref<10000x16xf32, #tpu.memory_space<hbm>>
      %dma_wait3A_242 = tpu.memref_slice %arg13[%select_n3A_213] : memref<2x!tpu.dma_semaphore, #tpu.memory_space<semaphore_mem>> -> memref<1x!tpu.dma_semaphore, #tpu.memory_space<semaphore_mem>>
      %dma_wait3A_243 = tpu.memref_squeeze %dma_wait3A_242 : memref<1x!tpu.dma_semaphore, #tpu.memory_space<semaphore_mem>> -> memref<!tpu.dma_semaphore, #tpu.memory_space<semaphore_mem>>
      tpu.wait_indirect_dma semaphore(%dma_wait3A_243 : memref<!tpu.dma_semaphore, #tpu.memory_space<semaphore_mem>>) src(%dma_wait3A_241 : memref<10000x16xf32, #tpu.memory_space<hbm>>) dst(%dma_wait3A_237 : memref<400x16xf32, #tpu.memory_space<vmem>>)
      %dma_start3A_244 = arith.constant 0 : i32
      %dma_start3A_245 = arith.constant 0 : i32
      %dma_start3A_246 = tpu.memref_slice %arg11[%select_n3A_213, %dma_start3A_244, %dma_start3A_245] : memref<2x400x128xf32, #tpu.memory_space<vmem>> -> memref<1x400x128xf32, #tpu.memory_space<vmem>>
      %dma_start3A_247 = tpu.memref_squeeze %dma_start3A_246 : memref<1x400x128xf32, #tpu.memory_space<vmem>> -> memref<400x128xf32, #tpu.memory_space<vmem>>
      %dma_start3A_248 = arith.constant 0 : i32
      %dma_start3A_249 = tpu.memref_slice %arg6[%add3A_223, %dma_start3A_248] : memref<320000x128xf32, #tpu.memory_space<hbm>> -> memref<400x128xf32, #tpu.memory_space<hbm>>
      %dma_start3A_250 = tpu.memref_slice %arg14[%select_n3A_213] : memref<2x!tpu.dma_semaphore, #tpu.memory_space<semaphore_mem>> -> memref<1x!tpu.dma_semaphore, #tpu.memory_space<semaphore_mem>>
      %dma_start3A_251 = tpu.memref_squeeze %dma_start3A_250 : memref<1x!tpu.dma_semaphore, #tpu.memory_space<semaphore_mem>> -> memref<!tpu.dma_semaphore, #tpu.memory_space<semaphore_mem>>
      %dma_start3A_252 = arith.constant 0 : i32
      %dma_start3A_253 = tpu.memref_slice %arg6[%add3A_223, %dma_start3A_252] : memref<320000x128xf32, #tpu.memory_space<hbm>> -> memref<400x128xf32, #tpu.memory_space<hbm>>
      %dma_start3A_254 = arith.constant 0 : i32
      %dma_start3A_255 = arith.constant 0 : i32
      %dma_start3A_256 = tpu.memref_slice %arg11[%select_n3A_213, %dma_start3A_254, %dma_start3A_255] : memref<2x400x128xf32, #tpu.memory_space<vmem>> -> memref<1x400x128xf32, #tpu.memory_space<vmem>>
      %dma_start3A_257 = tpu.memref_squeeze %dma_start3A_256 : memref<1x400x128xf32, #tpu.memory_space<vmem>> -> memref<400x128xf32, #tpu.memory_space<vmem>>
      tpu.enqueue_dma source(%dma_start3A_257 : memref<400x128xf32, #tpu.memory_space<vmem>>) target(%dma_start3A_253 : memref<400x128xf32, #tpu.memory_space<hbm>>) target_semaphore(%dma_start3A_251 : memref<!tpu.dma_semaphore, #tpu.memory_space<semaphore_mem>>)
      %dma_start3A_258 = arith.constant 0 : i32
      %dma_start3A_259 = arith.constant 0 : i32
      %dma_start3A_260 = tpu.memref_slice %arg12[%select_n3A_213, %dma_start3A_258, %dma_start3A_259] : memref<2x400x16xf32, #tpu.memory_space<vmem>> -> memref<1x400x16xf32, #tpu.memory_space<vmem>>
      %dma_start3A_261 = tpu.memref_squeeze %dma_start3A_260 : memref<1x400x16xf32, #tpu.memory_space<vmem>> -> memref<400x16xf32, #tpu.memory_space<vmem>>
      %dma_start3A_262 = arith.constant 0 : i32
      %dma_start3A_263 = tpu.memref_slice %arg8[%add3A_223, %dma_start3A_262] : memref<320000x128xf32, #tpu.memory_space<hbm>> -> memref<400x16xf32, #tpu.memory_space<hbm>>
      %dma_start3A_264 = tpu.memref_slice %arg14[%select_n3A_213] : memref<2x!tpu.dma_semaphore, #tpu.memory_space<semaphore_mem>> -> memref<1x!tpu.dma_semaphore, #tpu.memory_space<semaphore_mem>>
      %dma_start3A_265 = tpu.memref_squeeze %dma_start3A_264 : memref<1x!tpu.dma_semaphore, #tpu.memory_space<semaphore_mem>> -> memref<!tpu.dma_semaphore, #tpu.memory_space<semaphore_mem>>
      %dma_start3A_266 = arith.constant 0 : i32
      %dma_start3A_267 = tpu.memref_slice %arg8[%add3A_223, %dma_start3A_266] : memref<320000x128xf32, #tpu.memory_space<hbm>> -> memref<400x16xf32, #tpu.memory_space<hbm>>
      %dma_start3A_268 = arith.constant 0 : i32
      %dma_start3A_269 = arith.constant 0 : i32
      %dma_start3A_270 = tpu.memref_slice %arg12[%select_n3A_213, %dma_start3A_268, %dma_start3A_269] : memref<2x400x16xf32, #tpu.memory_space<vmem>> -> memref<1x400x16xf32, #tpu.memory_space<vmem>>
      %dma_start3A_271 = tpu.memref_squeeze %dma_start3A_270 : memref<1x400x16xf32, #tpu.memory_space<vmem>> -> memref<400x16xf32, #tpu.memory_space<vmem>>
      tpu.enqueue_dma source(%dma_start3A_271 : memref<400x16xf32, #tpu.memory_space<vmem>>) target(%dma_start3A_267 : memref<400x16xf32, #tpu.memory_space<hbm>>) target_semaphore(%dma_start3A_265 : memref<!tpu.dma_semaphore, #tpu.memory_space<semaphore_mem>>)
    }
    %scan3A_34 = arith.constant 25 : i32
    %add3A_35 = arith.constant 9200 : i32
    %add3A_36 = arith.addi %mul3A_2, %add3A_35 : i32
    %dma_wait3A = arith.constant 1 : i32
    %dma_wait3A_37 = arith.constant 1 : i32
    %dma_wait3A_38 = arith.constant 0 : i32
    %dma_wait3A_39 = arith.constant 0 : i32
    %dma_wait3A_40 = tpu.memref_slice %arg11[%dma_wait3A, %dma_wait3A_38, %dma_wait3A_39] : memref<2x400x128xf32, #tpu.memory_space<vmem>> -> memref<1x400x128xf32, #tpu.memory_space<vmem>>
    %dma_wait3A_41 = tpu.memref_squeeze %dma_wait3A_40 : memref<1x400x128xf32, #tpu.memory_space<vmem>> -> memref<400x128xf32, #tpu.memory_space<vmem>>
    %dma_wait3A_42 = arith.constant 0 : i32
    %dma_wait3A_43 = tpu.memref_slice %arg6[%add3A_36, %dma_wait3A_42] : memref<320000x128xf32, #tpu.memory_space<hbm>> -> memref<400x128xf32, #tpu.memory_space<hbm>>
    %dma_wait3A_44 = tpu.memref_slice %arg14[%dma_wait3A_37] : memref<2x!tpu.dma_semaphore, #tpu.memory_space<semaphore_mem>> -> memref<1x!tpu.dma_semaphore, #tpu.memory_space<semaphore_mem>>
    %dma_wait3A_45 = tpu.memref_squeeze %dma_wait3A_44 : memref<1x!tpu.dma_semaphore, #tpu.memory_space<semaphore_mem>> -> memref<!tpu.dma_semaphore, #tpu.memory_space<semaphore_mem>>
    %dma_wait3A_46 = arith.constant 0 : i32
    %dma_wait3A_47 = tpu.memref_slice %arg6[%add3A_36, %dma_wait3A_46] : memref<320000x128xf32, #tpu.memory_space<hbm>> -> memref<400x128xf32, #tpu.memory_space<hbm>>
    %dma_wait3A_48 = arith.constant 0 : i32
    %dma_wait3A_49 = arith.constant 0 : i32
    %dma_wait3A_50 = tpu.memref_slice %arg11[%dma_wait3A, %dma_wait3A_48, %dma_wait3A_49] : memref<2x400x128xf32, #tpu.memory_space<vmem>> -> memref<1x400x128xf32, #tpu.memory_space<vmem>>
    %dma_wait3A_51 = tpu.memref_squeeze %dma_wait3A_50 : memref<1x400x128xf32, #tpu.memory_space<vmem>> -> memref<400x128xf32, #tpu.memory_space<vmem>>
    tpu.wait_dma2 semaphore(%dma_wait3A_45 : memref<!tpu.dma_semaphore, #tpu.memory_space<semaphore_mem>>) src(%dma_wait3A_51 : memref<400x128xf32, #tpu.memory_space<vmem>>) dst(%dma_wait3A_47 : memref<400x128xf32, #tpu.memory_space<hbm>>)
    %dma_wait3A_52 = arith.constant 1 : i32
    %dma_wait3A_53 = arith.constant 1 : i32
    %dma_wait3A_54 = arith.constant 0 : i32
    %dma_wait3A_55 = arith.constant 0 : i32
    %dma_wait3A_56 = tpu.memref_slice %arg12[%dma_wait3A_52, %dma_wait3A_54, %dma_wait3A_55] : memref<2x400x16xf32, #tpu.memory_space<vmem>> -> memref<1x400x16xf32, #tpu.memory_space<vmem>>
    %dma_wait3A_57 = tpu.memref_squeeze %dma_wait3A_56 : memref<1x400x16xf32, #tpu.memory_space<vmem>> -> memref<400x16xf32, #tpu.memory_space<vmem>>
    %dma_wait3A_58 = arith.constant 0 : i32
    %dma_wait3A_59 = tpu.memref_slice %arg8[%add3A_36, %dma_wait3A_58] : memref<320000x128xf32, #tpu.memory_space<hbm>> -> memref<400x16xf32, #tpu.memory_space<hbm>>
    %dma_wait3A_60 = tpu.memref_slice %arg14[%dma_wait3A_53] : memref<2x!tpu.dma_semaphore, #tpu.memory_space<semaphore_mem>> -> memref<1x!tpu.dma_semaphore, #tpu.memory_space<semaphore_mem>>
    %dma_wait3A_61 = tpu.memref_squeeze %dma_wait3A_60 : memref<1x!tpu.dma_semaphore, #tpu.memory_space<semaphore_mem>> -> memref<!tpu.dma_semaphore, #tpu.memory_space<semaphore_mem>>
    %dma_wait3A_62 = arith.constant 0 : i32
    %dma_wait3A_63 = tpu.memref_slice %arg8[%add3A_36, %dma_wait3A_62] : memref<320000x128xf32, #tpu.memory_space<hbm>> -> memref<400x16xf32, #tpu.memory_space<hbm>>
    %dma_wait3A_64 = arith.constant 0 : i32
    %dma_wait3A_65 = arith.constant 0 : i32
    %dma_wait3A_66 = tpu.memref_slice %arg12[%dma_wait3A_52, %dma_wait3A_64, %dma_wait3A_65] : memref<2x400x16xf32, #tpu.memory_space<vmem>> -> memref<1x400x16xf32, #tpu.memory_space<vmem>>
    %dma_wait3A_67 = tpu.memref_squeeze %dma_wait3A_66 : memref<1x400x16xf32, #tpu.memory_space<vmem>> -> memref<400x16xf32, #tpu.memory_space<vmem>>
    tpu.wait_dma2 semaphore(%dma_wait3A_61 : memref<!tpu.dma_semaphore, #tpu.memory_space<semaphore_mem>>) src(%dma_wait3A_67 : memref<400x16xf32, #tpu.memory_space<vmem>>) dst(%dma_wait3A_63 : memref<400x16xf32, #tpu.memory_space<hbm>>)
    %add3A_68 = arith.constant 9600 : i32
    %add3A_69 = arith.addi %mul3A_2, %add3A_68 : i32
    %dma_wait3A_70 = arith.constant 0 : i32
    %dma_wait3A_71 = arith.constant 0 : i32
    %dma_wait3A_72 = arith.constant 0 : i32
    %dma_wait3A_73 = arith.constant 0 : i32
    %dma_wait3A_74 = tpu.memref_slice %arg11[%dma_wait3A_70, %dma_wait3A_72, %dma_wait3A_73] : memref<2x400x128xf32, #tpu.memory_space<vmem>> -> memref<1x400x128xf32, #tpu.memory_space<vmem>>
    %dma_wait3A_75 = tpu.memref_squeeze %dma_wait3A_74 : memref<1x400x128xf32, #tpu.memory_space<vmem>> -> memref<400x128xf32, #tpu.memory_space<vmem>>
    %dma_wait3A_76 = arith.constant 0 : i32
    %dma_wait3A_77 = tpu.memref_slice %arg6[%add3A_69, %dma_wait3A_76] : memref<320000x128xf32, #tpu.memory_space<hbm>> -> memref<400x128xf32, #tpu.memory_space<hbm>>
    %dma_wait3A_78 = tpu.memref_slice %arg14[%dma_wait3A_71] : memref<2x!tpu.dma_semaphore, #tpu.memory_space<semaphore_mem>> -> memref<1x!tpu.dma_semaphore, #tpu.memory_space<semaphore_mem>>
    %dma_wait3A_79 = tpu.memref_squeeze %dma_wait3A_78 : memref<1x!tpu.dma_semaphore, #tpu.memory_space<semaphore_mem>> -> memref<!tpu.dma_semaphore, #tpu.memory_space<semaphore_mem>>
    %dma_wait3A_80 = arith.constant 0 : i32
    %dma_wait3A_81 = tpu.memref_slice %arg6[%add3A_69, %dma_wait3A_80] : memref<320000x128xf32, #tpu.memory_space<hbm>> -> memref<400x128xf32, #tpu.memory_space<hbm>>
    %dma_wait3A_82 = arith.constant 0 : i32
    %dma_wait3A_83 = arith.constant 0 : i32
    %dma_wait3A_84 = tpu.memref_slice %arg11[%dma_wait3A_70, %dma_wait3A_82, %dma_wait3A_83] : memref<2x400x128xf32, #tpu.memory_space<vmem>> -> memref<1x400x128xf32, #tpu.memory_space<vmem>>
    %dma_wait3A_85 = tpu.memref_squeeze %dma_wait3A_84 : memref<1x400x128xf32, #tpu.memory_space<vmem>> -> memref<400x128xf32, #tpu.memory_space<vmem>>
    tpu.wait_dma2 semaphore(%dma_wait3A_79 : memref<!tpu.dma_semaphore, #tpu.memory_space<semaphore_mem>>) src(%dma_wait3A_85 : memref<400x128xf32, #tpu.memory_space<vmem>>) dst(%dma_wait3A_81 : memref<400x128xf32, #tpu.memory_space<hbm>>)
    %dma_wait3A_86 = arith.constant 0 : i32
    %dma_wait3A_87 = arith.constant 0 : i32
    %dma_wait3A_88 = arith.constant 0 : i32
    %dma_wait3A_89 = arith.constant 0 : i32
    %dma_wait3A_90 = tpu.memref_slice %arg12[%dma_wait3A_86, %dma_wait3A_88, %dma_wait3A_89] : memref<2x400x16xf32, #tpu.memory_space<vmem>> -> memref<1x400x16xf32, #tpu.memory_space<vmem>>
    %dma_wait3A_91 = tpu.memref_squeeze %dma_wait3A_90 : memref<1x400x16xf32, #tpu.memory_space<vmem>> -> memref<400x16xf32, #tpu.memory_space<vmem>>
    %dma_wait3A_92 = arith.constant 0 : i32
    %dma_wait3A_93 = tpu.memref_slice %arg8[%add3A_69, %dma_wait3A_92] : memref<320000x128xf32, #tpu.memory_space<hbm>> -> memref<400x16xf32, #tpu.memory_space<hbm>>
    %dma_wait3A_94 = tpu.memref_slice %arg14[%dma_wait3A_87] : memref<2x!tpu.dma_semaphore, #tpu.memory_space<semaphore_mem>> -> memref<1x!tpu.dma_semaphore, #tpu.memory_space<semaphore_mem>>
    %dma_wait3A_95 = tpu.memref_squeeze %dma_wait3A_94 : memref<1x!tpu.dma_semaphore, #tpu.memory_space<semaphore_mem>> -> memref<!tpu.dma_semaphore, #tpu.memory_space<semaphore_mem>>
    %dma_wait3A_96 = arith.constant 0 : i32
    %dma_wait3A_97 = tpu.memref_slice %arg8[%add3A_69, %dma_wait3A_96] : memref<320000x128xf32, #tpu.memory_space<hbm>> -> memref<400x16xf32, #tpu.memory_space<hbm>>
    %dma_wait3A_98 = arith.constant 0 : i32
    %dma_wait3A_99 = arith.constant 0 : i32
    %dma_wait3A_100 = tpu.memref_slice %arg12[%dma_wait3A_86, %dma_wait3A_98, %dma_wait3A_99] : memref<2x400x16xf32, #tpu.memory_space<vmem>> -> memref<1x400x16xf32, #tpu.memory_space<vmem>>
    %dma_wait3A_101 = tpu.memref_squeeze %dma_wait3A_100 : memref<1x400x16xf32, #tpu.memory_space<vmem>> -> memref<400x16xf32, #tpu.memory_space<vmem>>
    tpu.wait_dma2 semaphore(%dma_wait3A_95 : memref<!tpu.dma_semaphore, #tpu.memory_space<semaphore_mem>>) src(%dma_wait3A_101 : memref<400x16xf32, #tpu.memory_space<vmem>>) dst(%dma_wait3A_97 : memref<400x16xf32, #tpu.memory_space<hbm>>)
    "tpu.region"() ({
      %run_scoped3A = tpu.sem_alloc : memref<!tpu.dma_semaphore, #tpu.memory_space<semaphore_mem>>
      %dma_start3A_204 = tpu.memref_slice %arg5[%mul3A_2] : memref<320000xi32, #tpu.memory_space<hbm>> -> memref<10000xi32, #tpu.memory_space<hbm>>
      %dma_start3A_205 = tpu.memref_slice %arg5[%mul3A_2] : memref<320000xi32, #tpu.memory_space<hbm>> -> memref<10000xi32, #tpu.memory_space<hbm>>
      tpu.enqueue_dma source(%dma_start3A_205 : memref<10000xi32, #tpu.memory_space<hbm>>) target(%arg10 : memref<10000xi32, #tpu.memory_space<vmem>>) target_semaphore(%run_scoped3A : memref<!tpu.dma_semaphore, #tpu.memory_space<semaphore_mem>>)
      %dma_wait3A_206 = tpu.memref_slice %arg5[%mul3A_2] : memref<320000xi32, #tpu.memory_space<hbm>> -> memref<10000xi32, #tpu.memory_space<hbm>>
      %dma_wait3A_207 = tpu.memref_slice %arg5[%mul3A_2] : memref<320000xi32, #tpu.memory_space<hbm>> -> memref<10000xi32, #tpu.memory_space<hbm>>
      tpu.wait_dma2 semaphore(%run_scoped3A : memref<!tpu.dma_semaphore, #tpu.memory_space<semaphore_mem>>) src(%dma_wait3A_207 : memref<10000xi32, #tpu.memory_space<hbm>>) dst(%arg10 : memref<10000xi32, #tpu.memory_space<vmem>>)
      tpu.yield
    }) : () -> ()
    %add3A_102 = arith.constant 0 : i32
    %add3A_103 = arith.addi %mul3A_2, %add3A_102 : i32
    %dma_start3A_104 = arith.constant 0 : i32
    %dma_start3A_105 = arith.constant 0 : i32
    %dma_start3A_106 = arith.constant 0 : i32
    %dma_start3A_107 = arith.constant 0 : i32
    %dma_start3A_108 = tpu.memref_slice %arg11[%dma_start3A_104, %dma_start3A_106, %dma_start3A_107] : memref<2x400x128xf32, #tpu.memory_space<vmem>> -> memref<1x400x128xf32, #tpu.memory_space<vmem>>
    %dma_start3A_109 = tpu.memref_squeeze %dma_start3A_108 : memref<1x400x128xf32, #tpu.memory_space<vmem>> -> memref<400x128xf32, #tpu.memory_space<vmem>>
    %dma_start3A_110 = arith.constant 0 : i32
    %dma_start3A_111 = tpu.memref_slice %arg10[%dma_start3A_110] : memref<10000xi32, #tpu.memory_space<vmem>> -> memref<400xi32, #tpu.memory_space<vmem>>
    %dma_start3A_112 = arith.constant 0 : i32
    %dma_start3A_113 = arith.constant 0 : i32
    %dma_start3A_114 = tpu.memref_slice %arg2[%dma_start3A_112, %dma_start3A_113] : memref<10000x128xf32, #tpu.memory_space<hbm>> -> memref<10000x128xf32, #tpu.memory_space<hbm>>
    %dma_start3A_115 = tpu.memref_slice %arg13[%dma_start3A_105] : memref<2x!tpu.dma_semaphore, #tpu.memory_space<semaphore_mem>> -> memref<1x!tpu.dma_semaphore, #tpu.memory_space<semaphore_mem>>
    %dma_start3A_116 = tpu.memref_squeeze %dma_start3A_115 : memref<1x!tpu.dma_semaphore, #tpu.memory_space<semaphore_mem>> -> memref<!tpu.dma_semaphore, #tpu.memory_space<semaphore_mem>>
    tpu.enqueue_indirect_dma source(%dma_start3A_114 : memref<10000x128xf32, #tpu.memory_space<hbm>>) target(%dma_start3A_109 : memref<400x128xf32, #tpu.memory_space<vmem>>) offsets(%dma_start3A_111 : memref<400xi32, #tpu.memory_space<vmem>>) semaphore(%dma_start3A_116 : memref<!tpu.dma_semaphore, #tpu.memory_space<semaphore_mem>>)
    %dma_start3A_117 = arith.constant 0 : i32
    %dma_start3A_118 = arith.constant 0 : i32
    %dma_start3A_119 = arith.constant 0 : i32
    %dma_start3A_120 = arith.constant 0 : i32
    %dma_start3A_121 = tpu.memref_slice %arg12[%dma_start3A_117, %dma_start3A_119, %dma_start3A_120] : memref<2x400x16xf32, #tpu.memory_space<vmem>> -> memref<1x400x16xf32, #tpu.memory_space<vmem>>
    %dma_start3A_122 = tpu.memref_squeeze %dma_start3A_121 : memref<1x400x16xf32, #tpu.memory_space<vmem>> -> memref<400x16xf32, #tpu.memory_space<vmem>>
    %dma_start3A_123 = arith.constant 0 : i32
    %dma_start3A_124 = tpu.memref_slice %arg10[%dma_start3A_123] : memref<10000xi32, #tpu.memory_space<vmem>> -> memref<400xi32, #tpu.memory_space<vmem>>
    %dma_start3A_125 = arith.constant 0 : i32
    %dma_start3A_126 = arith.constant 0 : i32
    %dma_start3A_127 = tpu.memref_slice %arg3[%dma_start3A_125, %dma_start3A_126] : memref<10000x16xf32, #tpu.memory_space<hbm>> -> memref<10000x16xf32, #tpu.memory_space<hbm>>
    %dma_start3A_128 = tpu.memref_slice %arg13[%dma_start3A_118] : memref<2x!tpu.dma_semaphore, #tpu.memory_space<semaphore_mem>> -> memref<1x!tpu.dma_semaphore, #tpu.memory_space<semaphore_mem>>
    %dma_start3A_129 = tpu.memref_squeeze %dma_start3A_128 : memref<1x!tpu.dma_semaphore, #tpu.memory_space<semaphore_mem>> -> memref<!tpu.dma_semaphore, #tpu.memory_space<semaphore_mem>>
    tpu.enqueue_indirect_dma source(%dma_start3A_127 : memref<10000x16xf32, #tpu.memory_space<hbm>>) target(%dma_start3A_122 : memref<400x16xf32, #tpu.memory_space<vmem>>) offsets(%dma_start3A_124 : memref<400xi32, #tpu.memory_space<vmem>>) semaphore(%dma_start3A_129 : memref<!tpu.dma_semaphore, #tpu.memory_space<semaphore_mem>>)
    %scan3A_130 = arith.constant 0 : i32
    %scan3A_131 = arith.constant 0 : i32
    %scan3A_132 = arith.constant 25 : i32
    %scan3A_133 = arith.addi %scan3A_131, %scan3A_132 : i32
    %scan3A_134 = arith.constant 1 : i32
    scf.for %scan3A_204 = %scan3A_131 to %scan3A_133 step %scan3A_134  : i32 {
      %jit3A = arith.constant 2 : i32
      %eq3A = arith.constant 0 : i32
      %eq3A_205 = arith.cmpi eq, %jit3A, %eq3A : i32
      %jit3A_206 = arith.constant 1 : i32
      %select_n3A = arith.select %eq3A_205, %jit3A_206, %jit3A : i32
      %rem3A = arith.remsi %scan3A_204, %select_n3A : i32
      %ne3A = arith.constant 0 : i32
      %ne3A_207 = arith.cmpi ne, %rem3A, %ne3A : i32
      %lt3A = arith.constant 0 : i32
      %lt3A_208 = arith.cmpi slt, %rem3A, %lt3A : i32
      %lt3A_209 = arith.constant 0 : i32
      %lt3A_210 = arith.cmpi slt, %select_n3A, %lt3A_209 : i32
      %ne3A_211 = arith.xori %lt3A_208, %lt3A_210 : i1
      %and3A = arith.andi %ne3A_211, %ne3A_207 : i1
      %add3A_212 = arith.addi %rem3A, %select_n3A : i32
      %select_n3A_213 = arith.select %and3A, %add3A_212, %rem3A : i32
      %add3A_214 = arith.constant 1 : i32
      %add3A_215 = arith.addi %scan3A_204, %add3A_214 : i32
      %lt3A_216 = arith.constant 25 : i32
      %lt3A_217 = arith.cmpi slt, %add3A_215, %lt3A_216 : i32
      %convert_element_type3A = arith.extui %lt3A_217 : i1 to i32
      %cond3A = arith.constant 0 : i32
      %cond3A_218 = arith.cmpi ne, %convert_element_type3A, %cond3A : i32
      scf.if %cond3A_218 {
        %ge3A = arith.constant 1 : i32
        %ge3A_272 = arith.cmpi sge, %scan3A_204, %ge3A : i32
        %convert_element_type3A_273 = arith.extui %ge3A_272 : i1 to i32
        %cond3A_274 = arith.constant 0 : i32
        %cond3A_275 = arith.cmpi ne, %convert_element_type3A_273, %cond3A_274 : i32
        scf.if %cond3A_275 {
          %sub3A_304 = arith.constant 1 : i32
          %sub3A_305 = arith.subi %scan3A_204, %sub3A_304 : i32
          %jit3A_306 = arith.constant 2 : i32
          %eq3A_307 = arith.constant 0 : i32
          %eq3A_308 = arith.cmpi eq, %jit3A_306, %eq3A_307 : i32
          %jit3A_309 = arith.constant 1 : i32
          %select_n3A_310 = arith.select %eq3A_308, %jit3A_309, %jit3A_306 : i32
          %rem3A_311 = arith.remsi %sub3A_305, %select_n3A_310 : i32
          %ne3A_312 = arith.constant 0 : i32
          %ne3A_313 = arith.cmpi ne, %rem3A_311, %ne3A_312 : i32
          %lt3A_314 = arith.constant 0 : i32
          %lt3A_315 = arith.cmpi slt, %rem3A_311, %lt3A_314 : i32
          %lt3A_316 = arith.constant 0 : i32
          %lt3A_317 = arith.cmpi slt, %select_n3A_310, %lt3A_316 : i32
          %ne3A_318 = arith.xori %lt3A_315, %lt3A_317 : i1
          %and3A_319 = arith.andi %ne3A_318, %ne3A_313 : i1
          %add3A_320 = arith.addi %rem3A_311, %select_n3A_310 : i32
          %select_n3A_321 = arith.select %and3A_319, %add3A_320, %rem3A_311 : i32
          %mul3A_322 = arith.constant 400 : i32
          %mul3A_323 = arith.muli %sub3A_305, %mul3A_322 : i32
          %mul3A_324 = arith.constant 400 : i32
          %mul3A_325 = arith.muli %sub3A_305, %mul3A_324 : i32
          %add3A_326 = arith.addi %mul3A_2, %mul3A_325 : i32
          %dma_wait3A_327 = arith.constant 0 : i32
          %dma_wait3A_328 = arith.constant 0 : i32
          %dma_wait3A_329 = tpu.memref_slice %arg11[%select_n3A_321, %dma_wait3A_327, %dma_wait3A_328] : memref<2x400x128xf32, #tpu.memory_space<vmem>> -> memref<1x400x128xf32, #tpu.memory_space<vmem>>
          %dma_wait3A_330 = tpu.memref_squeeze %dma_wait3A_329 : memref<1x400x128xf32, #tpu.memory_space<vmem>> -> memref<400x128xf32, #tpu.memory_space<vmem>>
          %dma_wait3A_331 = arith.constant 0 : i32
          %dma_wait3A_332 = tpu.memref_slice %arg7[%add3A_326, %dma_wait3A_331] : memref<320000x128xf32, #tpu.memory_space<hbm>> -> memref<400x128xf32, #tpu.memory_space<hbm>>
          %dma_wait3A_333 = tpu.memref_slice %arg14[%select_n3A_321] : memref<2x!tpu.dma_semaphore, #tpu.memory_space<semaphore_mem>> -> memref<1x!tpu.dma_semaphore, #tpu.memory_space<semaphore_mem>>
          %dma_wait3A_334 = tpu.memref_squeeze %dma_wait3A_333 : memref<1x!tpu.dma_semaphore, #tpu.memory_space<semaphore_mem>> -> memref<!tpu.dma_semaphore, #tpu.memory_space<semaphore_mem>>
          %dma_wait3A_335 = arith.constant 0 : i32
          %dma_wait3A_336 = tpu.memref_slice %arg7[%add3A_326, %dma_wait3A_335] : memref<320000x128xf32, #tpu.memory_space<hbm>> -> memref<400x128xf32, #tpu.memory_space<hbm>>
          %dma_wait3A_337 = arith.constant 0 : i32
          %dma_wait3A_338 = arith.constant 0 : i32
          %dma_wait3A_339 = tpu.memref_slice %arg11[%select_n3A_321, %dma_wait3A_337, %dma_wait3A_338] : memref<2x400x128xf32, #tpu.memory_space<vmem>> -> memref<1x400x128xf32, #tpu.memory_space<vmem>>
          %dma_wait3A_340 = tpu.memref_squeeze %dma_wait3A_339 : memref<1x400x128xf32, #tpu.memory_space<vmem>> -> memref<400x128xf32, #tpu.memory_space<vmem>>
          tpu.wait_dma2 semaphore(%dma_wait3A_334 : memref<!tpu.dma_semaphore, #tpu.memory_space<semaphore_mem>>) src(%dma_wait3A_340 : memref<400x128xf32, #tpu.memory_space<vmem>>) dst(%dma_wait3A_336 : memref<400x128xf32, #tpu.memory_space<hbm>>)
          %dma_wait3A_341 = arith.constant 0 : i32
          %dma_wait3A_342 = arith.constant 0 : i32
          %dma_wait3A_343 = tpu.memref_slice %arg12[%select_n3A_321, %dma_wait3A_341, %dma_wait3A_342] : memref<2x400x16xf32, #tpu.memory_space<vmem>> -> memref<1x400x16xf32, #tpu.memory_space<vmem>>
          %dma_wait3A_344 = tpu.memref_squeeze %dma_wait3A_343 : memref<1x400x16xf32, #tpu.memory_space<vmem>> -> memref<400x16xf32, #tpu.memory_space<vmem>>
          %dma_wait3A_345 = arith.constant 0 : i32
          %dma_wait3A_346 = tpu.memref_slice %arg9[%add3A_326, %dma_wait3A_345] : memref<320000x128xf32, #tpu.memory_space<hbm>> -> memref<400x16xf32, #tpu.memory_space<hbm>>
          %dma_wait3A_347 = tpu.memref_slice %arg14[%select_n3A_321] : memref<2x!tpu.dma_semaphore, #tpu.memory_space<semaphore_mem>> -> memref<1x!tpu.dma_semaphore, #tpu.memory_space<semaphore_mem>>
          %dma_wait3A_348 = tpu.memref_squeeze %dma_wait3A_347 : memref<1x!tpu.dma_semaphore, #tpu.memory_space<semaphore_mem>> -> memref<!tpu.dma_semaphore, #tpu.memory_space<semaphore_mem>>
          %dma_wait3A_349 = arith.constant 0 : i32
          %dma_wait3A_350 = tpu.memref_slice %arg9[%add3A_326, %dma_wait3A_349] : memref<320000x128xf32, #tpu.memory_space<hbm>> -> memref<400x16xf32, #tpu.memory_space<hbm>>
          %dma_wait3A_351 = arith.constant 0 : i32
          %dma_wait3A_352 = arith.constant 0 : i32
          %dma_wait3A_353 = tpu.memref_slice %arg12[%select_n3A_321, %dma_wait3A_351, %dma_wait3A_352] : memref<2x400x16xf32, #tpu.memory_space<vmem>> -> memref<1x400x16xf32, #tpu.memory_space<vmem>>
          %dma_wait3A_354 = tpu.memref_squeeze %dma_wait3A_353 : memref<1x400x16xf32, #tpu.memory_space<vmem>> -> memref<400x16xf32, #tpu.memory_space<vmem>>
          tpu.wait_dma2 semaphore(%dma_wait3A_348 : memref<!tpu.dma_semaphore, #tpu.memory_space<semaphore_mem>>) src(%dma_wait3A_354 : memref<400x16xf32, #tpu.memory_space<vmem>>) dst(%dma_wait3A_350 : memref<400x16xf32, #tpu.memory_space<hbm>>)
        } else {
        }
        %add3A_276 = arith.constant 1 : i32
        %add3A_277 = arith.addi %scan3A_204, %add3A_276 : i32
        %sub3A = arith.constant 1 : i32
        %sub3A_278 = arith.subi %sub3A, %select_n3A_213 : i32
        %mul3A_279 = arith.constant 400 : i32
        %mul3A_280 = arith.muli %add3A_277, %mul3A_279 : i32
        %mul3A_281 = arith.constant 400 : i32
        %mul3A_282 = arith.muli %add3A_277, %mul3A_281 : i32
        %add3A_283 = arith.addi %mul3A_2, %mul3A_282 : i32
        %dma_start3A_284 = arith.constant 0 : i32
        %dma_start3A_285 = arith.constant 0 : i32
        %dma_start3A_286 = tpu.memref_slice %arg11[%sub3A_278, %dma_start3A_284, %dma_start3A_285] : memref<2x400x128xf32, #tpu.memory_space<vmem>> -> memref<1x400x128xf32, #tpu.memory_space<vmem>>
        %dma_start3A_287 = tpu.memref_squeeze %dma_start3A_286 : memref<1x400x128xf32, #tpu.memory_space<vmem>> -> memref<400x128xf32, #tpu.memory_space<vmem>>
        %dma_start3A_288 = tpu.memref_slice %arg10[%mul3A_280] : memref<10000xi32, #tpu.memory_space<vmem>> -> memref<400xi32, #tpu.memory_space<vmem>>
        %dma_start3A_289 = arith.constant 0 : i32
        %dma_start3A_290 = arith.constant 0 : i32
        %dma_start3A_291 = tpu.memref_slice %arg2[%dma_start3A_289, %dma_start3A_290] : memref<10000x128xf32, #tpu.memory_space<hbm>> -> memref<10000x128xf32, #tpu.memory_space<hbm>>
        %dma_start3A_292 = tpu.memref_slice %arg13[%sub3A_278] : memref<2x!tpu.dma_semaphore, #tpu.memory_space<semaphore_mem>> -> memref<1x!tpu.dma_semaphore, #tpu.memory_space<semaphore_mem>>
        %dma_start3A_293 = tpu.memref_squeeze %dma_start3A_292 : memref<1x!tpu.dma_semaphore, #tpu.memory_space<semaphore_mem>> -> memref<!tpu.dma_semaphore, #tpu.memory_space<semaphore_mem>>
        tpu.enqueue_indirect_dma source(%dma_start3A_291 : memref<10000x128xf32, #tpu.memory_space<hbm>>) target(%dma_start3A_287 : memref<400x128xf32, #tpu.memory_space<vmem>>) offsets(%dma_start3A_288 : memref<400xi32, #tpu.memory_space<vmem>>) semaphore(%dma_start3A_293 : memref<!tpu.dma_semaphore, #tpu.memory_space<semaphore_mem>>)
        %dma_start3A_294 = arith.constant 0 : i32
        %dma_start3A_295 = arith.constant 0 : i32
        %dma_start3A_296 = tpu.memref_slice %arg12[%sub3A_278, %dma_start3A_294, %dma_start3A_295] : memref<2x400x16xf32, #tpu.memory_space<vmem>> -> memref<1x400x16xf32, #tpu.memory_space<vmem>>
        %dma_start3A_297 = tpu.memref_squeeze %dma_start3A_296 : memref<1x400x16xf32, #tpu.memory_space<vmem>> -> memref<400x16xf32, #tpu.memory_space<vmem>>
        %dma_start3A_298 = tpu.memref_slice %arg10[%mul3A_280] : memref<10000xi32, #tpu.memory_space<vmem>> -> memref<400xi32, #tpu.memory_space<vmem>>
        %dma_start3A_299 = arith.constant 0 : i32
        %dma_start3A_300 = arith.constant 0 : i32
        %dma_start3A_301 = tpu.memref_slice %arg3[%dma_start3A_299, %dma_start3A_300] : memref<10000x16xf32, #tpu.memory_space<hbm>> -> memref<10000x16xf32, #tpu.memory_space<hbm>>
        %dma_start3A_302 = tpu.memref_slice %arg13[%sub3A_278] : memref<2x!tpu.dma_semaphore, #tpu.memory_space<semaphore_mem>> -> memref<1x!tpu.dma_semaphore, #tpu.memory_space<semaphore_mem>>
        %dma_start3A_303 = tpu.memref_squeeze %dma_start3A_302 : memref<1x!tpu.dma_semaphore, #tpu.memory_space<semaphore_mem>> -> memref<!tpu.dma_semaphore, #tpu.memory_space<semaphore_mem>>
        tpu.enqueue_indirect_dma source(%dma_start3A_301 : memref<10000x16xf32, #tpu.memory_space<hbm>>) target(%dma_start3A_297 : memref<400x16xf32, #tpu.memory_space<vmem>>) offsets(%dma_start3A_298 : memref<400xi32, #tpu.memory_space<vmem>>) semaphore(%dma_start3A_303 : memref<!tpu.dma_semaphore, #tpu.memory_space<semaphore_mem>>)
      } else {
      }
      %mul3A_219 = arith.constant 400 : i32
      %mul3A_220 = arith.muli %scan3A_204, %mul3A_219 : i32
      %mul3A_221 = arith.constant 400 : i32
      %mul3A_222 = arith.muli %scan3A_204, %mul3A_221 : i32
      %add3A_223 = arith.addi %mul3A_2, %mul3A_222 : i32
      %dma_wait3A_224 = arith.constant 0 : i32
      %dma_wait3A_225 = arith.constant 0 : i32
      %dma_wait3A_226 = tpu.memref_slice %arg11[%select_n3A_213, %dma_wait3A_224, %dma_wait3A_225] : memref<2x400x128xf32, #tpu.memory_space<vmem>> -> memref<1x400x128xf32, #tpu.memory_space<vmem>>
      %dma_wait3A_227 = tpu.memref_squeeze %dma_wait3A_226 : memref<1x400x128xf32, #tpu.memory_space<vmem>> -> memref<400x128xf32, #tpu.memory_space<vmem>>
      %dma_wait3A_228 = tpu.memref_slice %arg10[%mul3A_220] : memref<10000xi32, #tpu.memory_space<vmem>> -> memref<400xi32, #tpu.memory_space<vmem>>
      %dma_wait3A_229 = arith.constant 0 : i32
      %dma_wait3A_230 = arith.constant 0 : i32
      %dma_wait3A_231 = tpu.memref_slice %arg2[%dma_wait3A_229, %dma_wait3A_230] : memref<10000x128xf32, #tpu.memory_space<hbm>> -> memref<10000x128xf32, #tpu.memory_space<hbm>>
      %dma_wait3A_232 = tpu.memref_slice %arg13[%select_n3A_213] : memref<2x!tpu.dma_semaphore, #tpu.memory_space<semaphore_mem>> -> memref<1x!tpu.dma_semaphore, #tpu.memory_space<semaphore_mem>>
      %dma_wait3A_233 = tpu.memref_squeeze %dma_wait3A_232 : memref<1x!tpu.dma_semaphore, #tpu.memory_space<semaphore_mem>> -> memref<!tpu.dma_semaphore, #tpu.memory_space<semaphore_mem>>
      tpu.wait_indirect_dma semaphore(%dma_wait3A_233 : memref<!tpu.dma_semaphore, #tpu.memory_space<semaphore_mem>>) src(%dma_wait3A_231 : memref<10000x128xf32, #tpu.memory_space<hbm>>) dst(%dma_wait3A_227 : memref<400x128xf32, #tpu.memory_space<vmem>>)
      %dma_wait3A_234 = arith.constant 0 : i32
      %dma_wait3A_235 = arith.constant 0 : i32
      %dma_wait3A_236 = tpu.memref_slice %arg12[%select_n3A_213, %dma_wait3A_234, %dma_wait3A_235] : memref<2x400x16xf32, #tpu.memory_space<vmem>> -> memref<1x400x16xf32, #tpu.memory_space<vmem>>
      %dma_wait3A_237 = tpu.memref_squeeze %dma_wait3A_236 : memref<1x400x16xf32, #tpu.memory_space<vmem>> -> memref<400x16xf32, #tpu.memory_space<vmem>>
      %dma_wait3A_238 = tpu.memref_slice %arg10[%mul3A_220] : memref<10000xi32, #tpu.memory_space<vmem>> -> memref<400xi32, #tpu.memory_space<vmem>>
      %dma_wait3A_239 = arith.constant 0 : i32
      %dma_wait3A_240 = arith.constant 0 : i32
      %dma_wait3A_241 = tpu.memref_slice %arg3[%dma_wait3A_239, %dma_wait3A_240] : memref<10000x16xf32, #tpu.memory_space<hbm>> -> memref<10000x16xf32, #tpu.memory_space<hbm>>
      %dma_wait3A_242 = tpu.memref_slice %arg13[%select_n3A_213] : memref<2x!tpu.dma_semaphore, #tpu.memory_space<semaphore_mem>> -> memref<1x!tpu.dma_semaphore, #tpu.memory_space<semaphore_mem>>
      %dma_wait3A_243 = tpu.memref_squeeze %dma_wait3A_242 : memref<1x!tpu.dma_semaphore, #tpu.memory_space<semaphore_mem>> -> memref<!tpu.dma_semaphore, #tpu.memory_space<semaphore_mem>>
      tpu.wait_indirect_dma semaphore(%dma_wait3A_243 : memref<!tpu.dma_semaphore, #tpu.memory_space<semaphore_mem>>) src(%dma_wait3A_241 : memref<10000x16xf32, #tpu.memory_space<hbm>>) dst(%dma_wait3A_237 : memref<400x16xf32, #tpu.memory_space<vmem>>)
      %dma_start3A_244 = arith.constant 0 : i32
      %dma_start3A_245 = arith.constant 0 : i32
      %dma_start3A_246 = tpu.memref_slice %arg11[%select_n3A_213, %dma_start3A_244, %dma_start3A_245] : memref<2x400x128xf32, #tpu.memory_space<vmem>> -> memref<1x400x128xf32, #tpu.memory_space<vmem>>
      %dma_start3A_247 = tpu.memref_squeeze %dma_start3A_246 : memref<1x400x128xf32, #tpu.memory_space<vmem>> -> memref<400x128xf32, #tpu.memory_space<vmem>>
      %dma_start3A_248 = arith.constant 0 : i32
      %dma_start3A_249 = tpu.memref_slice %arg7[%add3A_223, %dma_start3A_248] : memref<320000x128xf32, #tpu.memory_space<hbm>> -> memref<400x128xf32, #tpu.memory_space<hbm>>
      %dma_start3A_250 = tpu.memref_slice %arg14[%select_n3A_213] : memref<2x!tpu.dma_semaphore, #tpu.memory_space<semaphore_mem>> -> memref<1x!tpu.dma_semaphore, #tpu.memory_space<semaphore_mem>>
      %dma_start3A_251 = tpu.memref_squeeze %dma_start3A_250 : memref<1x!tpu.dma_semaphore, #tpu.memory_space<semaphore_mem>> -> memref<!tpu.dma_semaphore, #tpu.memory_space<semaphore_mem>>
      %dma_start3A_252 = arith.constant 0 : i32
      %dma_start3A_253 = tpu.memref_slice %arg7[%add3A_223, %dma_start3A_252] : memref<320000x128xf32, #tpu.memory_space<hbm>> -> memref<400x128xf32, #tpu.memory_space<hbm>>
      %dma_start3A_254 = arith.constant 0 : i32
      %dma_start3A_255 = arith.constant 0 : i32
      %dma_start3A_256 = tpu.memref_slice %arg11[%select_n3A_213, %dma_start3A_254, %dma_start3A_255] : memref<2x400x128xf32, #tpu.memory_space<vmem>> -> memref<1x400x128xf32, #tpu.memory_space<vmem>>
      %dma_start3A_257 = tpu.memref_squeeze %dma_start3A_256 : memref<1x400x128xf32, #tpu.memory_space<vmem>> -> memref<400x128xf32, #tpu.memory_space<vmem>>
      tpu.enqueue_dma source(%dma_start3A_257 : memref<400x128xf32, #tpu.memory_space<vmem>>) target(%dma_start3A_253 : memref<400x128xf32, #tpu.memory_space<hbm>>) target_semaphore(%dma_start3A_251 : memref<!tpu.dma_semaphore, #tpu.memory_space<semaphore_mem>>)
      %dma_start3A_258 = arith.constant 0 : i32
      %dma_start3A_259 = arith.constant 0 : i32
      %dma_start3A_260 = tpu.memref_slice %arg12[%select_n3A_213, %dma_start3A_258, %dma_start3A_259] : memref<2x400x16xf32, #tpu.memory_space<vmem>> -> memref<1x400x16xf32, #tpu.memory_space<vmem>>
      %dma_start3A_261 = tpu.memref_squeeze %dma_start3A_260 : memref<1x400x16xf32, #tpu.memory_space<vmem>> -> memref<400x16xf32, #tpu.memory_space<vmem>>
      %dma_start3A_262 = arith.constant 0 : i32
      %dma_start3A_263 = tpu.memref_slice %arg9[%add3A_223, %dma_start3A_262] : memref<320000x128xf32, #tpu.memory_space<hbm>> -> memref<400x16xf32, #tpu.memory_space<hbm>>
      %dma_start3A_264 = tpu.memref_slice %arg14[%select_n3A_213] : memref<2x!tpu.dma_semaphore, #tpu.memory_space<semaphore_mem>> -> memref<1x!tpu.dma_semaphore, #tpu.memory_space<semaphore_mem>>
      %dma_start3A_265 = tpu.memref_squeeze %dma_start3A_264 : memref<1x!tpu.dma_semaphore, #tpu.memory_space<semaphore_mem>> -> memref<!tpu.dma_semaphore, #tpu.memory_space<semaphore_mem>>
      %dma_start3A_266 = arith.constant 0 : i32
      %dma_start3A_267 = tpu.memref_slice %arg9[%add3A_223, %dma_start3A_266] : memref<320000x128xf32, #tpu.memory_space<hbm>> -> memref<400x16xf32, #tpu.memory_space<hbm>>
      %dma_start3A_268 = arith.constant 0 : i32
      %dma_start3A_269 = arith.constant 0 : i32
      %dma_start3A_270 = tpu.memref_slice %arg12[%select_n3A_213, %dma_start3A_268, %dma_start3A_269] : memref<2x400x16xf32, #tpu.memory_space<vmem>> -> memref<1x400x16xf32, #tpu.memory_space<vmem>>
      %dma_start3A_271 = tpu.memref_squeeze %dma_start3A_270 : memref<1x400x16xf32, #tpu.memory_space<vmem>> -> memref<400x16xf32, #tpu.memory_space<vmem>>
      tpu.enqueue_dma source(%dma_start3A_271 : memref<400x16xf32, #tpu.memory_space<vmem>>) target(%dma_start3A_267 : memref<400x16xf32, #tpu.memory_space<hbm>>) target_semaphore(%dma_start3A_265 : memref<!tpu.dma_semaphore, #tpu.memory_space<semaphore_mem>>)
    }
    %scan3A_135 = arith.constant 25 : i32
    %add3A_136 = arith.constant 9200 : i32
    %add3A_137 = arith.addi %mul3A_2, %add3A_136 : i32
    %dma_wait3A_138 = arith.constant 1 : i32
    %dma_wait3A_139 = arith.constant 1 : i32
    %dma_wait3A_140 = arith.constant 0 : i32
    %dma_wait3A_141 = arith.constant 0 : i32
    %dma_wait3A_142 = tpu.memref_slice %arg11[%dma_wait3A_138, %dma_wait3A_140, %dma_wait3A_141] : memref<2x400x128xf32, #tpu.memory_space<vmem>> -> memref<1x400x128xf32, #tpu.memory_space<vmem>>
    %dma_wait3A_143 = tpu.memref_squeeze %dma_wait3A_142 : memref<1x400x128xf32, #tpu.memory_space<vmem>> -> memref<400x128xf32, #tpu.memory_space<vmem>>
    %dma_wait3A_144 = arith.constant 0 : i32
    %dma_wait3A_145 = tpu.memref_slice %arg7[%add3A_137, %dma_wait3A_144] : memref<320000x128xf32, #tpu.memory_space<hbm>> -> memref<400x128xf32, #tpu.memory_space<hbm>>
    %dma_wait3A_146 = tpu.memref_slice %arg14[%dma_wait3A_139] : memref<2x!tpu.dma_semaphore, #tpu.memory_space<semaphore_mem>> -> memref<1x!tpu.dma_semaphore, #tpu.memory_space<semaphore_mem>>
    %dma_wait3A_147 = tpu.memref_squeeze %dma_wait3A_146 : memref<1x!tpu.dma_semaphore, #tpu.memory_space<semaphore_mem>> -> memref<!tpu.dma_semaphore, #tpu.memory_space<semaphore_mem>>
    %dma_wait3A_148 = arith.constant 0 : i32
    %dma_wait3A_149 = tpu.memref_slice %arg7[%add3A_137, %dma_wait3A_148] : memref<320000x128xf32, #tpu.memory_space<hbm>> -> memref<400x128xf32, #tpu.memory_space<hbm>>
    %dma_wait3A_150 = arith.constant 0 : i32
    %dma_wait3A_151 = arith.constant 0 : i32
    %dma_wait3A_152 = tpu.memref_slice %arg11[%dma_wait3A_138, %dma_wait3A_150, %dma_wait3A_151] : memref<2x400x128xf32, #tpu.memory_space<vmem>> -> memref<1x400x128xf32, #tpu.memory_space<vmem>>
    %dma_wait3A_153 = tpu.memref_squeeze %dma_wait3A_152 : memref<1x400x128xf32, #tpu.memory_space<vmem>> -> memref<400x128xf32, #tpu.memory_space<vmem>>
    tpu.wait_dma2 semaphore(%dma_wait3A_147 : memref<!tpu.dma_semaphore, #tpu.memory_space<semaphore_mem>>) src(%dma_wait3A_153 : memref<400x128xf32, #tpu.memory_space<vmem>>) dst(%dma_wait3A_149 : memref<400x128xf32, #tpu.memory_space<hbm>>)
    %dma_wait3A_154 = arith.constant 1 : i32
    %dma_wait3A_155 = arith.constant 1 : i32
    %dma_wait3A_156 = arith.constant 0 : i32
    %dma_wait3A_157 = arith.constant 0 : i32
    %dma_wait3A_158 = tpu.memref_slice %arg12[%dma_wait3A_154, %dma_wait3A_156, %dma_wait3A_157] : memref<2x400x16xf32, #tpu.memory_space<vmem>> -> memref<1x400x16xf32, #tpu.memory_space<vmem>>
    %dma_wait3A_159 = tpu.memref_squeeze %dma_wait3A_158 : memref<1x400x16xf32, #tpu.memory_space<vmem>> -> memref<400x16xf32, #tpu.memory_space<vmem>>
    %dma_wait3A_160 = arith.constant 0 : i32
    %dma_wait3A_161 = tpu.memref_slice %arg9[%add3A_137, %dma_wait3A_160] : memref<320000x128xf32, #tpu.memory_space<hbm>> -> memref<400x16xf32, #tpu.memory_space<hbm>>
    %dma_wait3A_162 = tpu.memref_slice %arg14[%dma_wait3A_155] : memref<2x!tpu.dma_semaphore, #tpu.memory_space<semaphore_mem>> -> memref<1x!tpu.dma_semaphore, #tpu.memory_space<semaphore_mem>>
    %dma_wait3A_163 = tpu.memref_squeeze %dma_wait3A_162 : memref<1x!tpu.dma_semaphore, #tpu.memory_space<semaphore_mem>> -> memref<!tpu.dma_semaphore, #tpu.memory_space<semaphore_mem>>
    %dma_wait3A_164 = arith.constant 0 : i32
    %dma_wait3A_165 = tpu.memref_slice %arg9[%add3A_137, %dma_wait3A_164] : memref<320000x128xf32, #tpu.memory_space<hbm>> -> memref<400x16xf32, #tpu.memory_space<hbm>>
    %dma_wait3A_166 = arith.constant 0 : i32
    %dma_wait3A_167 = arith.constant 0 : i32
    %dma_wait3A_168 = tpu.memref_slice %arg12[%dma_wait3A_154, %dma_wait3A_166, %dma_wait3A_167] : memref<2x400x16xf32, #tpu.memory_space<vmem>> -> memref<1x400x16xf32, #tpu.memory_space<vmem>>
    %dma_wait3A_169 = tpu.memref_squeeze %dma_wait3A_168 : memref<1x400x16xf32, #tpu.memory_space<vmem>> -> memref<400x16xf32, #tpu.memory_space<vmem>>
    tpu.wait_dma2 semaphore(%dma_wait3A_163 : memref<!tpu.dma_semaphore, #tpu.memory_space<semaphore_mem>>) src(%dma_wait3A_169 : memref<400x16xf32, #tpu.memory_space<vmem>>) dst(%dma_wait3A_165 : memref<400x16xf32, #tpu.memory_space<hbm>>)
    %add3A_170 = arith.constant 9600 : i32
    %add3A_171 = arith.addi %mul3A_2, %add3A_170 : i32
    %dma_wait3A_172 = arith.constant 0 : i32
    %dma_wait3A_173 = arith.constant 0 : i32
    %dma_wait3A_174 = arith.constant 0 : i32
    %dma_wait3A_175 = arith.constant 0 : i32
    %dma_wait3A_176 = tpu.memref_slice %arg11[%dma_wait3A_172, %dma_wait3A_174, %dma_wait3A_175] : memref<2x400x128xf32, #tpu.memory_space<vmem>> -> memref<1x400x128xf32, #tpu.memory_space<vmem>>
    %dma_wait3A_177 = tpu.memref_squeeze %dma_wait3A_176 : memref<1x400x128xf32, #tpu.memory_space<vmem>> -> memref<400x128xf32, #tpu.memory_space<vmem>>
    %dma_wait3A_178 = arith.constant 0 : i32
    %dma_wait3A_179 = tpu.memref_slice %arg7[%add3A_171, %dma_wait3A_178] : memref<320000x128xf32, #tpu.memory_space<hbm>> -> memref<400x128xf32, #tpu.memory_space<hbm>>
    %dma_wait3A_180 = tpu.memref_slice %arg14[%dma_wait3A_173] : memref<2x!tpu.dma_semaphore, #tpu.memory_space<semaphore_mem>> -> memref<1x!tpu.dma_semaphore, #tpu.memory_space<semaphore_mem>>
    %dma_wait3A_181 = tpu.memref_squeeze %dma_wait3A_180 : memref<1x!tpu.dma_semaphore, #tpu.memory_space<semaphore_mem>> -> memref<!tpu.dma_semaphore, #tpu.memory_space<semaphore_mem>>
    %dma_wait3A_182 = arith.constant 0 : i32
    %dma_wait3A_183 = tpu.memref_slice %arg7[%add3A_171, %dma_wait3A_182] : memref<320000x128xf32, #tpu.memory_space<hbm>> -> memref<400x128xf32, #tpu.memory_space<hbm>>
    %dma_wait3A_184 = arith.constant 0 : i32
    %dma_wait3A_185 = arith.constant 0 : i32
    %dma_wait3A_186 = tpu.memref_slice %arg11[%dma_wait3A_172, %dma_wait3A_184, %dma_wait3A_185] : memref<2x400x128xf32, #tpu.memory_space<vmem>> -> memref<1x400x128xf32, #tpu.memory_space<vmem>>
    %dma_wait3A_187 = tpu.memref_squeeze %dma_wait3A_186 : memref<1x400x128xf32, #tpu.memory_space<vmem>> -> memref<400x128xf32, #tpu.memory_space<vmem>>
    tpu.wait_dma2 semaphore(%dma_wait3A_181 : memref<!tpu.dma_semaphore, #tpu.memory_space<semaphore_mem>>) src(%dma_wait3A_187 : memref<400x128xf32, #tpu.memory_space<vmem>>) dst(%dma_wait3A_183 : memref<400x128xf32, #tpu.memory_space<hbm>>)
    %dma_wait3A_188 = arith.constant 0 : i32
    %dma_wait3A_189 = arith.constant 0 : i32
    %dma_wait3A_190 = arith.constant 0 : i32
    %dma_wait3A_191 = arith.constant 0 : i32
    %dma_wait3A_192 = tpu.memref_slice %arg12[%dma_wait3A_188, %dma_wait3A_190, %dma_wait3A_191] : memref<2x400x16xf32, #tpu.memory_space<vmem>> -> memref<1x400x16xf32, #tpu.memory_space<vmem>>
    %dma_wait3A_193 = tpu.memref_squeeze %dma_wait3A_192 : memref<1x400x16xf32, #tpu.memory_space<vmem>> -> memref<400x16xf32, #tpu.memory_space<vmem>>
    %dma_wait3A_194 = arith.constant 0 : i32
    %dma_wait3A_195 = tpu.memref_slice %arg9[%add3A_171, %dma_wait3A_194] : memref<320000x128xf32, #tpu.memory_space<hbm>> -> memref<400x16xf32, #tpu.memory_space<hbm>>
    %dma_wait3A_196 = tpu.memref_slice %arg14[%dma_wait3A_189] : memref<2x!tpu.dma_semaphore, #tpu.memory_space<semaphore_mem>> -> memref<1x!tpu.dma_semaphore, #tpu.memory_space<semaphore_mem>>
    %dma_wait3A_197 = tpu.memref_squeeze %dma_wait3A_196 : memref<1x!tpu.dma_semaphore, #tpu.memory_space<semaphore_mem>> -> memref<!tpu.dma_semaphore, #tpu.memory_space<semaphore_mem>>
    %dma_wait3A_198 = arith.constant 0 : i32
    %dma_wait3A_199 = tpu.memref_slice %arg9[%add3A_171, %dma_wait3A_198] : memref<320000x128xf32, #tpu.memory_space<hbm>> -> memref<400x16xf32, #tpu.memory_space<hbm>>
    %dma_wait3A_200 = arith.constant 0 : i32
    %dma_wait3A_201 = arith.constant 0 : i32
    %dma_wait3A_202 = tpu.memref_slice %arg12[%dma_wait3A_188, %dma_wait3A_200, %dma_wait3A_201] : memref<2x400x16xf32, #tpu.memory_space<vmem>> -> memref<1x400x16xf32, #tpu.memory_space<vmem>>
    %dma_wait3A_203 = tpu.memref_squeeze %dma_wait3A_202 : memref<1x400x16xf32, #tpu.memory_space<vmem>> -> memref<400x16xf32, #tpu.memory_space<vmem>>
    tpu.wait_dma2 semaphore(%dma_wait3A_197 : memref<!tpu.dma_semaphore, #tpu.memory_space<semaphore_mem>>) src(%dma_wait3A_203 : memref<400x16xf32, #tpu.memory_space<vmem>>) dst(%dma_wait3A_199 : memref<400x16xf32, #tpu.memory_space<hbm>>)
    return
  }
}

#map = affine_map<(d0, d1) -> (0, 0)>
#map1 = affine_map<(d0, d1) -> (0)>
module attributes {stable_mosaic.version = 14 : i64} {
  func.func @_gather_hp(%arg0: i32, %arg1: i32, %arg2: memref<10000x128xf32, #tpu.memory_space<hbm>>, %arg3: memref<10000x16xf32, #tpu.memory_space<hbm>>, %arg4: memref<320000xi32, #tpu.memory_space<hbm>>, %arg5: memref<320000xi32, #tpu.memory_space<hbm>>, %arg6: memref<320000x128xf32, #tpu.memory_space<hbm>>, %arg7: memref<320000x128xf32, #tpu.memory_space<hbm>>, %arg8: memref<320000x128xf32, #tpu.memory_space<hbm>>, %arg9: memref<320000x128xf32, #tpu.memory_space<hbm>>, %arg10: memref<10000xi32, #tpu.memory_space<vmem>>, %arg11: memref<2x400x128xf32, #tpu.memory_space<vmem>>, %arg12: memref<2x400x16xf32, #tpu.memory_space<vmem>>, %arg13: memref<2x!tpu.dma_semaphore, #tpu.memory_space<semaphore_mem>>, %arg14: memref<2x!tpu.dma_semaphore, #tpu.memory_space<semaphore_mem>>) attributes {dimension_semantics = [#tpu.dimension_semantics<core_parallel>, #tpu.dimension_semantics<subcore_parallel>], iteration_bounds = array<i64: 2, 16>, scalar_prefetch = 0 : i64, scratch_operands = 5 : i64, tpu.core_type = #tpu.core_type<sc_vector_subcore>, window_params = [{transform_indices = #map}, {transform_indices = #map}, {transform_indices = #map1}, {transform_indices = #map1}, {transform_indices = #map}, {transform_indices = #map}, {transform_indices = #map}, {transform_indices = #map}]} {
    %mul3A = arith.constant 2 : i32
    %mul3A_0 = arith.muli %arg1, %mul3A : i32
    %add3A = arith.addi %mul3A_0, %arg0 : i32
    %mul3A_1 = arith.constant 10000 : i32
    %mul3A_2 = arith.muli %add3A, %mul3A_1 : i32
    "tpu.region"() ({
      %run_scoped3A = tpu.sem_alloc : memref<!tpu.dma_semaphore, #tpu.memory_space<semaphore_mem>>
      %dma_start3A_204 = tpu.memref_slice %arg4[%mul3A_2] : memref<320000xi32, #tpu.memory_space<hbm>> -> memref<10000xi32, #tpu.memory_space<hbm>>
      %dma_start3A_205 = tpu.memref_slice %arg4[%mul3A_2] : memref<320000xi32, #tpu.memory_space<hbm>> -> memref<10000xi32, #tpu.memory_space<hbm>>
      tpu.enqueue_dma source(%dma_start3A_205 : memref<10000xi32, #tpu.memory_space<hbm>>) target(%arg10 : memref<10000xi32, #tpu.memory_space<vmem>>) target_semaphore(%run_scoped3A : memref<!tpu.dma_semaphore, #tpu.memory_space<semaphore_mem>>)
      %dma_wait3A_206 = tpu.memref_slice %arg4[%mul3A_2] : memref<320000xi32, #tpu.memory_space<hbm>> -> memref<10000xi32, #tpu.memory_space<hbm>>
      %dma_wait3A_207 = tpu.memref_slice %arg4[%mul3A_2] : memref<320000xi32, #tpu.memory_space<hbm>> -> memref<10000xi32, #tpu.memory_space<hbm>>
      tpu.wait_dma2 semaphore(%run_scoped3A : memref<!tpu.dma_semaphore, #tpu.memory_space<semaphore_mem>>) src(%dma_wait3A_207 : memref<10000xi32, #tpu.memory_space<hbm>>) dst(%arg10 : memref<10000xi32, #tpu.memory_space<vmem>>)
      tpu.yield
    }) : () -> ()
    %add3A_3 = arith.constant 0 : i32
    %add3A_4 = arith.addi %mul3A_2, %add3A_3 : i32
    %dma_start3A = arith.constant 0 : i32
    %dma_start3A_5 = arith.constant 0 : i32
    %dma_start3A_6 = arith.constant 0 : i32
    %dma_start3A_7 = arith.constant 0 : i32
    %dma_start3A_8 = tpu.memref_slice %arg11[%dma_start3A, %dma_start3A_6, %dma_start3A_7] : memref<2x400x128xf32, #tpu.memory_space<vmem>> -> memref<1x400x128xf32, #tpu.memory_space<vmem>>
    %dma_start3A_9 = tpu.memref_squeeze %dma_start3A_8 : memref<1x400x128xf32, #tpu.memory_space<vmem>> -> memref<400x128xf32, #tpu.memory_space<vmem>>
    %dma_start3A_10 = arith.constant 0 : i32
    %dma_start3A_11 = tpu.memref_slice %arg10[%dma_start3A_10] : memref<10000xi32, #tpu.memory_space<vmem>> -> memref<400xi32, #tpu.memory_space<vmem>>
    %dma_start3A_12 = arith.constant 0 : i32
    %dma_start3A_13 = arith.constant 0 : i32
    %dma_start3A_14 = tpu.memref_slice %arg2[%dma_start3A_12, %dma_start3A_13] : memref<10000x128xf32, #tpu.memory_space<hbm>> -> memref<10000x128xf32, #tpu.memory_space<hbm>>
    %dma_start3A_15 = tpu.memref_slice %arg13[%dma_start3A_5] : memref<2x!tpu.dma_semaphore, #tpu.memory_space<semaphore_mem>> -> memref<1x!tpu.dma_semaphore, #tpu.memory_space<semaphore_mem>>
    %dma_start3A_16 = tpu.memref_squeeze %dma_start3A_15 : memref<1x!tpu.dma_semaphore, #tpu.memory_space<semaphore_mem>> -> memref<!tpu.dma_semaphore, #tpu.memory_space<semaphore_mem>>
    tpu.enqueue_indirect_dma source(%dma_start3A_14 : memref<10000x128xf32, #tpu.memory_space<hbm>>) target(%dma_start3A_9 : memref<400x128xf32, #tpu.memory_space<vmem>>) offsets(%dma_start3A_11 : memref<400xi32, #tpu.memory_space<vmem>>) semaphore(%dma_start3A_16 : memref<!tpu.dma_semaphore, #tpu.memory_space<semaphore_mem>>)
    %dma_start3A_17 = arith.constant 0 : i32
    %dma_start3A_18 = arith.constant 0 : i32
    %dma_start3A_19 = arith.constant 0 : i32
    %dma_start3A_20 = arith.constant 0 : i32
    %dma_start3A_21 = tpu.memref_slice %arg12[%dma_start3A_17, %dma_start3A_19, %dma_start3A_20] : memref<2x400x16xf32, #tpu.memory_space<vmem>> -> memref<1x400x16xf32, #tpu.memory_space<vmem>>
    %dma_start3A_22 = tpu.memref_squeeze %dma_start3A_21 : memref<1x400x16xf32, #tpu.memory_space<vmem>> -> memref<400x16xf32, #tpu.memory_space<vmem>>
    %dma_start3A_23 = arith.constant 0 : i32
    %dma_start3A_24 = tpu.memref_slice %arg10[%dma_start3A_23] : memref<10000xi32, #tpu.memory_space<vmem>> -> memref<400xi32, #tpu.memory_space<vmem>>
    %dma_start3A_25 = arith.constant 0 : i32
    %dma_start3A_26 = arith.constant 0 : i32
    %dma_start3A_27 = tpu.memref_slice %arg3[%dma_start3A_25, %dma_start3A_26] : memref<10000x16xf32, #tpu.memory_space<hbm>> -> memref<10000x16xf32, #tpu.memory_space<hbm>>
    %dma_start3A_28 = tpu.memref_slice %arg13[%dma_start3A_18] : memref<2x!tpu.dma_semaphore, #tpu.memory_space<semaphore_mem>> -> memref<1x!tpu.dma_semaphore, #tpu.memory_space<semaphore_mem>>
    %dma_start3A_29 = tpu.memref_squeeze %dma_start3A_28 : memref<1x!tpu.dma_semaphore, #tpu.memory_space<semaphore_mem>> -> memref<!tpu.dma_semaphore, #tpu.memory_space<semaphore_mem>>
    tpu.enqueue_indirect_dma source(%dma_start3A_27 : memref<10000x16xf32, #tpu.memory_space<hbm>>) target(%dma_start3A_22 : memref<400x16xf32, #tpu.memory_space<vmem>>) offsets(%dma_start3A_24 : memref<400xi32, #tpu.memory_space<vmem>>) semaphore(%dma_start3A_29 : memref<!tpu.dma_semaphore, #tpu.memory_space<semaphore_mem>>)
    %scan3A = arith.constant 0 : i32
    %scan3A_30 = arith.constant 0 : i32
    %scan3A_31 = arith.constant 25 : i32
    %scan3A_32 = arith.addi %scan3A_30, %scan3A_31 : i32
    %scan3A_33 = arith.constant 1 : i32
    scf.for %scan3A_204 = %scan3A_30 to %scan3A_32 step %scan3A_33  : i32 {
      %jit3A = arith.constant 2 : i32
      %eq3A = arith.constant 0 : i32
      %eq3A_205 = arith.cmpi eq, %jit3A, %eq3A : i32
      %jit3A_206 = arith.constant 1 : i32
      %select_n3A = arith.select %eq3A_205, %jit3A_206, %jit3A : i32
      %rem3A = arith.remsi %scan3A_204, %select_n3A : i32
      %ne3A = arith.constant 0 : i32
      %ne3A_207 = arith.cmpi ne, %rem3A, %ne3A : i32
      %lt3A = arith.constant 0 : i32
      %lt3A_208 = arith.cmpi slt, %rem3A, %lt3A : i32
      %lt3A_209 = arith.constant 0 : i32
      %lt3A_210 = arith.cmpi slt, %select_n3A, %lt3A_209 : i32
      %ne3A_211 = arith.xori %lt3A_208, %lt3A_210 : i1
      %and3A = arith.andi %ne3A_211, %ne3A_207 : i1
      %add3A_212 = arith.addi %rem3A, %select_n3A : i32
      %select_n3A_213 = arith.select %and3A, %add3A_212, %rem3A : i32
      %add3A_214 = arith.constant 1 : i32
      %add3A_215 = arith.addi %scan3A_204, %add3A_214 : i32
      %lt3A_216 = arith.constant 25 : i32
      %lt3A_217 = arith.cmpi slt, %add3A_215, %lt3A_216 : i32
      %convert_element_type3A = arith.extui %lt3A_217 : i1 to i32
      %cond3A = arith.constant 0 : i32
      %cond3A_218 = arith.cmpi ne, %convert_element_type3A, %cond3A : i32
      scf.if %cond3A_218 {
        %ge3A = arith.constant 1 : i32
        %ge3A_272 = arith.cmpi sge, %scan3A_204, %ge3A : i32
        %convert_element_type3A_273 = arith.extui %ge3A_272 : i1 to i32
        %cond3A_274 = arith.constant 0 : i32
        %cond3A_275 = arith.cmpi ne, %convert_element_type3A_273, %cond3A_274 : i32
        scf.if %cond3A_275 {
          %sub3A_304 = arith.constant 1 : i32
          %sub3A_305 = arith.subi %scan3A_204, %sub3A_304 : i32
          %jit3A_306 = arith.constant 2 : i32
          %eq3A_307 = arith.constant 0 : i32
          %eq3A_308 = arith.cmpi eq, %jit3A_306, %eq3A_307 : i32
          %jit3A_309 = arith.constant 1 : i32
          %select_n3A_310 = arith.select %eq3A_308, %jit3A_309, %jit3A_306 : i32
          %rem3A_311 = arith.remsi %sub3A_305, %select_n3A_310 : i32
          %ne3A_312 = arith.constant 0 : i32
          %ne3A_313 = arith.cmpi ne, %rem3A_311, %ne3A_312 : i32
          %lt3A_314 = arith.constant 0 : i32
          %lt3A_315 = arith.cmpi slt, %rem3A_311, %lt3A_314 : i32
          %lt3A_316 = arith.constant 0 : i32
          %lt3A_317 = arith.cmpi slt, %select_n3A_310, %lt3A_316 : i32
          %ne3A_318 = arith.xori %lt3A_315, %lt3A_317 : i1
          %and3A_319 = arith.andi %ne3A_318, %ne3A_313 : i1
          %add3A_320 = arith.addi %rem3A_311, %select_n3A_310 : i32
          %select_n3A_321 = arith.select %and3A_319, %add3A_320, %rem3A_311 : i32
          %mul3A_322 = arith.constant 400 : i32
          %mul3A_323 = arith.muli %sub3A_305, %mul3A_322 : i32
          %mul3A_324 = arith.constant 400 : i32
          %mul3A_325 = arith.muli %sub3A_305, %mul3A_324 : i32
          %add3A_326 = arith.addi %mul3A_2, %mul3A_325 : i32
          %dma_wait3A_327 = arith.constant 0 : i32
          %dma_wait3A_328 = arith.constant 0 : i32
          %dma_wait3A_329 = tpu.memref_slice %arg11[%select_n3A_321, %dma_wait3A_327, %dma_wait3A_328] : memref<2x400x128xf32, #tpu.memory_space<vmem>> -> memref<1x400x128xf32, #tpu.memory_space<vmem>>
          %dma_wait3A_330 = tpu.memref_squeeze %dma_wait3A_329 : memref<1x400x128xf32, #tpu.memory_space<vmem>> -> memref<400x128xf32, #tpu.memory_space<vmem>>
          %dma_wait3A_331 = arith.constant 0 : i32
          %dma_wait3A_332 = tpu.memref_slice %arg6[%add3A_326, %dma_wait3A_331] : memref<320000x128xf32, #tpu.memory_space<hbm>> -> memref<400x128xf32, #tpu.memory_space<hbm>>
          %dma_wait3A_333 = tpu.memref_slice %arg14[%select_n3A_321] : memref<2x!tpu.dma_semaphore, #tpu.memory_space<semaphore_mem>> -> memref<1x!tpu.dma_semaphore, #tpu.memory_space<semaphore_mem>>
          %dma_wait3A_334 = tpu.memref_squeeze %dma_wait3A_333 : memref<1x!tpu.dma_semaphore, #tpu.memory_space<semaphore_mem>> -> memref<!tpu.dma_semaphore, #tpu.memory_space<semaphore_mem>>
          %dma_wait3A_335 = arith.constant 0 : i32
          %dma_wait3A_336 = tpu.memref_slice %arg6[%add3A_326, %dma_wait3A_335] : memref<320000x128xf32, #tpu.memory_space<hbm>> -> memref<400x128xf32, #tpu.memory_space<hbm>>
          %dma_wait3A_337 = arith.constant 0 : i32
          %dma_wait3A_338 = arith.constant 0 : i32
          %dma_wait3A_339 = tpu.memref_slice %arg11[%select_n3A_321, %dma_wait3A_337, %dma_wait3A_338] : memref<2x400x128xf32, #tpu.memory_space<vmem>> -> memref<1x400x128xf32, #tpu.memory_space<vmem>>
          %dma_wait3A_340 = tpu.memref_squeeze %dma_wait3A_339 : memref<1x400x128xf32, #tpu.memory_space<vmem>> -> memref<400x128xf32, #tpu.memory_space<vmem>>
          tpu.wait_dma2 semaphore(%dma_wait3A_334 : memref<!tpu.dma_semaphore, #tpu.memory_space<semaphore_mem>>) src(%dma_wait3A_340 : memref<400x128xf32, #tpu.memory_space<vmem>>) dst(%dma_wait3A_336 : memref<400x128xf32, #tpu.memory_space<hbm>>)
          %dma_wait3A_341 = arith.constant 0 : i32
          %dma_wait3A_342 = arith.constant 0 : i32
          %dma_wait3A_343 = tpu.memref_slice %arg12[%select_n3A_321, %dma_wait3A_341, %dma_wait3A_342] : memref<2x400x16xf32, #tpu.memory_space<vmem>> -> memref<1x400x16xf32, #tpu.memory_space<vmem>>
          %dma_wait3A_344 = tpu.memref_squeeze %dma_wait3A_343 : memref<1x400x16xf32, #tpu.memory_space<vmem>> -> memref<400x16xf32, #tpu.memory_space<vmem>>
          %dma_wait3A_345 = arith.constant 0 : i32
          %dma_wait3A_346 = tpu.memref_slice %arg8[%add3A_326, %dma_wait3A_345] : memref<320000x128xf32, #tpu.memory_space<hbm>> -> memref<400x16xf32, #tpu.memory_space<hbm>>
          %dma_wait3A_347 = tpu.memref_slice %arg14[%select_n3A_321] : memref<2x!tpu.dma_semaphore, #tpu.memory_space<semaphore_mem>> -> memref<1x!tpu.dma_semaphore, #tpu.memory_space<semaphore_mem>>
          %dma_wait3A_348 = tpu.memref_squeeze %dma_wait3A_347 : memref<1x!tpu.dma_semaphore, #tpu.memory_space<semaphore_mem>> -> memref<!tpu.dma_semaphore, #tpu.memory_space<semaphore_mem>>
          %dma_wait3A_349 = arith.constant 0 : i32
          %dma_wait3A_350 = tpu.memref_slice %arg8[%add3A_326, %dma_wait3A_349] : memref<320000x128xf32, #tpu.memory_space<hbm>> -> memref<400x16xf32, #tpu.memory_space<hbm>>
          %dma_wait3A_351 = arith.constant 0 : i32
          %dma_wait3A_352 = arith.constant 0 : i32
          %dma_wait3A_353 = tpu.memref_slice %arg12[%select_n3A_321, %dma_wait3A_351, %dma_wait3A_352] : memref<2x400x16xf32, #tpu.memory_space<vmem>> -> memref<1x400x16xf32, #tpu.memory_space<vmem>>
          %dma_wait3A_354 = tpu.memref_squeeze %dma_wait3A_353 : memref<1x400x16xf32, #tpu.memory_space<vmem>> -> memref<400x16xf32, #tpu.memory_space<vmem>>
          tpu.wait_dma2 semaphore(%dma_wait3A_348 : memref<!tpu.dma_semaphore, #tpu.memory_space<semaphore_mem>>) src(%dma_wait3A_354 : memref<400x16xf32, #tpu.memory_space<vmem>>) dst(%dma_wait3A_350 : memref<400x16xf32, #tpu.memory_space<hbm>>)
        } else {
        }
        %add3A_276 = arith.constant 1 : i32
        %add3A_277 = arith.addi %scan3A_204, %add3A_276 : i32
        %sub3A = arith.constant 1 : i32
        %sub3A_278 = arith.subi %sub3A, %select_n3A_213 : i32
        %mul3A_279 = arith.constant 400 : i32
        %mul3A_280 = arith.muli %add3A_277, %mul3A_279 : i32
        %mul3A_281 = arith.constant 400 : i32
        %mul3A_282 = arith.muli %add3A_277, %mul3A_281 : i32
        %add3A_283 = arith.addi %mul3A_2, %mul3A_282 : i32
        %dma_start3A_284 = arith.constant 0 : i32
        %dma_start3A_285 = arith.constant 0 : i32
        %dma_start3A_286 = tpu.memref_slice %arg11[%sub3A_278, %dma_start3A_284, %dma_start3A_285] : memref<2x400x128xf32, #tpu.memory_space<vmem>> -> memref<1x400x128xf32, #tpu.memory_space<vmem>>
        %dma_start3A_287 = tpu.memref_squeeze %dma_start3A_286 : memref<1x400x128xf32, #tpu.memory_space<vmem>> -> memref<400x128xf32, #tpu.memory_space<vmem>>
        %dma_start3A_288 = tpu.memref_slice %arg10[%mul3A_280] : memref<10000xi32, #tpu.memory_space<vmem>> -> memref<400xi32, #tpu.memory_space<vmem>>
        %dma_start3A_289 = arith.constant 0 : i32
        %dma_start3A_290 = arith.constant 0 : i32
        %dma_start3A_291 = tpu.memref_slice %arg2[%dma_start3A_289, %dma_start3A_290] : memref<10000x128xf32, #tpu.memory_space<hbm>> -> memref<10000x128xf32, #tpu.memory_space<hbm>>
        %dma_start3A_292 = tpu.memref_slice %arg13[%sub3A_278] : memref<2x!tpu.dma_semaphore, #tpu.memory_space<semaphore_mem>> -> memref<1x!tpu.dma_semaphore, #tpu.memory_space<semaphore_mem>>
        %dma_start3A_293 = tpu.memref_squeeze %dma_start3A_292 : memref<1x!tpu.dma_semaphore, #tpu.memory_space<semaphore_mem>> -> memref<!tpu.dma_semaphore, #tpu.memory_space<semaphore_mem>>
        tpu.enqueue_indirect_dma source(%dma_start3A_291 : memref<10000x128xf32, #tpu.memory_space<hbm>>) target(%dma_start3A_287 : memref<400x128xf32, #tpu.memory_space<vmem>>) offsets(%dma_start3A_288 : memref<400xi32, #tpu.memory_space<vmem>>) semaphore(%dma_start3A_293 : memref<!tpu.dma_semaphore, #tpu.memory_space<semaphore_mem>>)
        %dma_start3A_294 = arith.constant 0 : i32
        %dma_start3A_295 = arith.constant 0 : i32
        %dma_start3A_296 = tpu.memref_slice %arg12[%sub3A_278, %dma_start3A_294, %dma_start3A_295] : memref<2x400x16xf32, #tpu.memory_space<vmem>> -> memref<1x400x16xf32, #tpu.memory_space<vmem>>
        %dma_start3A_297 = tpu.memref_squeeze %dma_start3A_296 : memref<1x400x16xf32, #tpu.memory_space<vmem>> -> memref<400x16xf32, #tpu.memory_space<vmem>>
        %dma_start3A_298 = tpu.memref_slice %arg10[%mul3A_280] : memref<10000xi32, #tpu.memory_space<vmem>> -> memref<400xi32, #tpu.memory_space<vmem>>
        %dma_start3A_299 = arith.constant 0 : i32
        %dma_start3A_300 = arith.constant 0 : i32
        %dma_start3A_301 = tpu.memref_slice %arg3[%dma_start3A_299, %dma_start3A_300] : memref<10000x16xf32, #tpu.memory_space<hbm>> -> memref<10000x16xf32, #tpu.memory_space<hbm>>
        %dma_start3A_302 = tpu.memref_slice %arg13[%sub3A_278] : memref<2x!tpu.dma_semaphore, #tpu.memory_space<semaphore_mem>> -> memref<1x!tpu.dma_semaphore, #tpu.memory_space<semaphore_mem>>
        %dma_start3A_303 = tpu.memref_squeeze %dma_start3A_302 : memref<1x!tpu.dma_semaphore, #tpu.memory_space<semaphore_mem>> -> memref<!tpu.dma_semaphore, #tpu.memory_space<semaphore_mem>>
        tpu.enqueue_indirect_dma source(%dma_start3A_301 : memref<10000x16xf32, #tpu.memory_space<hbm>>) target(%dma_start3A_297 : memref<400x16xf32, #tpu.memory_space<vmem>>) offsets(%dma_start3A_298 : memref<400xi32, #tpu.memory_space<vmem>>) semaphore(%dma_start3A_303 : memref<!tpu.dma_semaphore, #tpu.memory_space<semaphore_mem>>)
      } else {
      }
      %mul3A_219 = arith.constant 400 : i32
      %mul3A_220 = arith.muli %scan3A_204, %mul3A_219 : i32
      %mul3A_221 = arith.constant 400 : i32
      %mul3A_222 = arith.muli %scan3A_204, %mul3A_221 : i32
      %add3A_223 = arith.addi %mul3A_2, %mul3A_222 : i32
      %dma_wait3A_224 = arith.constant 0 : i32
      %dma_wait3A_225 = arith.constant 0 : i32
      %dma_wait3A_226 = tpu.memref_slice %arg11[%select_n3A_213, %dma_wait3A_224, %dma_wait3A_225] : memref<2x400x128xf32, #tpu.memory_space<vmem>> -> memref<1x400x128xf32, #tpu.memory_space<vmem>>
      %dma_wait3A_227 = tpu.memref_squeeze %dma_wait3A_226 : memref<1x400x128xf32, #tpu.memory_space<vmem>> -> memref<400x128xf32, #tpu.memory_space<vmem>>
      %dma_wait3A_228 = tpu.memref_slice %arg10[%mul3A_220] : memref<10000xi32, #tpu.memory_space<vmem>> -> memref<400xi32, #tpu.memory_space<vmem>>
      %dma_wait3A_229 = arith.constant 0 : i32
      %dma_wait3A_230 = arith.constant 0 : i32
      %dma_wait3A_231 = tpu.memref_slice %arg2[%dma_wait3A_229, %dma_wait3A_230] : memref<10000x128xf32, #tpu.memory_space<hbm>> -> memref<10000x128xf32, #tpu.memory_space<hbm>>
      %dma_wait3A_232 = tpu.memref_slice %arg13[%select_n3A_213] : memref<2x!tpu.dma_semaphore, #tpu.memory_space<semaphore_mem>> -> memref<1x!tpu.dma_semaphore, #tpu.memory_space<semaphore_mem>>
      %dma_wait3A_233 = tpu.memref_squeeze %dma_wait3A_232 : memref<1x!tpu.dma_semaphore, #tpu.memory_space<semaphore_mem>> -> memref<!tpu.dma_semaphore, #tpu.memory_space<semaphore_mem>>
      tpu.wait_indirect_dma semaphore(%dma_wait3A_233 : memref<!tpu.dma_semaphore, #tpu.memory_space<semaphore_mem>>) src(%dma_wait3A_231 : memref<10000x128xf32, #tpu.memory_space<hbm>>) dst(%dma_wait3A_227 : memref<400x128xf32, #tpu.memory_space<vmem>>)
      %dma_wait3A_234 = arith.constant 0 : i32
      %dma_wait3A_235 = arith.constant 0 : i32
      %dma_wait3A_236 = tpu.memref_slice %arg12[%select_n3A_213, %dma_wait3A_234, %dma_wait3A_235] : memref<2x400x16xf32, #tpu.memory_space<vmem>> -> memref<1x400x16xf32, #tpu.memory_space<vmem>>
      %dma_wait3A_237 = tpu.memref_squeeze %dma_wait3A_236 : memref<1x400x16xf32, #tpu.memory_space<vmem>> -> memref<400x16xf32, #tpu.memory_space<vmem>>
      %dma_wait3A_238 = tpu.memref_slice %arg10[%mul3A_220] : memref<10000xi32, #tpu.memory_space<vmem>> -> memref<400xi32, #tpu.memory_space<vmem>>
      %dma_wait3A_239 = arith.constant 0 : i32
      %dma_wait3A_240 = arith.constant 0 : i32
      %dma_wait3A_241 = tpu.memref_slice %arg3[%dma_wait3A_239, %dma_wait3A_240] : memref<10000x16xf32, #tpu.memory_space<hbm>> -> memref<10000x16xf32, #tpu.memory_space<hbm>>
      %dma_wait3A_242 = tpu.memref_slice %arg13[%select_n3A_213] : memref<2x!tpu.dma_semaphore, #tpu.memory_space<semaphore_mem>> -> memref<1x!tpu.dma_semaphore, #tpu.memory_space<semaphore_mem>>
      %dma_wait3A_243 = tpu.memref_squeeze %dma_wait3A_242 : memref<1x!tpu.dma_semaphore, #tpu.memory_space<semaphore_mem>> -> memref<!tpu.dma_semaphore, #tpu.memory_space<semaphore_mem>>
      tpu.wait_indirect_dma semaphore(%dma_wait3A_243 : memref<!tpu.dma_semaphore, #tpu.memory_space<semaphore_mem>>) src(%dma_wait3A_241 : memref<10000x16xf32, #tpu.memory_space<hbm>>) dst(%dma_wait3A_237 : memref<400x16xf32, #tpu.memory_space<vmem>>)
      %dma_start3A_244 = arith.constant 0 : i32
      %dma_start3A_245 = arith.constant 0 : i32
      %dma_start3A_246 = tpu.memref_slice %arg11[%select_n3A_213, %dma_start3A_244, %dma_start3A_245] : memref<2x400x128xf32, #tpu.memory_space<vmem>> -> memref<1x400x128xf32, #tpu.memory_space<vmem>>
      %dma_start3A_247 = tpu.memref_squeeze %dma_start3A_246 : memref<1x400x128xf32, #tpu.memory_space<vmem>> -> memref<400x128xf32, #tpu.memory_space<vmem>>
      %dma_start3A_248 = arith.constant 0 : i32
      %dma_start3A_249 = tpu.memref_slice %arg6[%add3A_223, %dma_start3A_248] : memref<320000x128xf32, #tpu.memory_space<hbm>> -> memref<400x128xf32, #tpu.memory_space<hbm>>
      %dma_start3A_250 = tpu.memref_slice %arg14[%select_n3A_213] : memref<2x!tpu.dma_semaphore, #tpu.memory_space<semaphore_mem>> -> memref<1x!tpu.dma_semaphore, #tpu.memory_space<semaphore_mem>>
      %dma_start3A_251 = tpu.memref_squeeze %dma_start3A_250 : memref<1x!tpu.dma_semaphore, #tpu.memory_space<semaphore_mem>> -> memref<!tpu.dma_semaphore, #tpu.memory_space<semaphore_mem>>
      %dma_start3A_252 = arith.constant 0 : i32
      %dma_start3A_253 = tpu.memref_slice %arg6[%add3A_223, %dma_start3A_252] : memref<320000x128xf32, #tpu.memory_space<hbm>> -> memref<400x128xf32, #tpu.memory_space<hbm>>
      %dma_start3A_254 = arith.constant 0 : i32
      %dma_start3A_255 = arith.constant 0 : i32
      %dma_start3A_256 = tpu.memref_slice %arg11[%select_n3A_213, %dma_start3A_254, %dma_start3A_255] : memref<2x400x128xf32, #tpu.memory_space<vmem>> -> memref<1x400x128xf32, #tpu.memory_space<vmem>>
      %dma_start3A_257 = tpu.memref_squeeze %dma_start3A_256 : memref<1x400x128xf32, #tpu.memory_space<vmem>> -> memref<400x128xf32, #tpu.memory_space<vmem>>
      tpu.enqueue_dma source(%dma_start3A_257 : memref<400x128xf32, #tpu.memory_space<vmem>>) target(%dma_start3A_253 : memref<400x128xf32, #tpu.memory_space<hbm>>) target_semaphore(%dma_start3A_251 : memref<!tpu.dma_semaphore, #tpu.memory_space<semaphore_mem>>)
      %dma_start3A_258 = arith.constant 0 : i32
      %dma_start3A_259 = arith.constant 0 : i32
      %dma_start3A_260 = tpu.memref_slice %arg12[%select_n3A_213, %dma_start3A_258, %dma_start3A_259] : memref<2x400x16xf32, #tpu.memory_space<vmem>> -> memref<1x400x16xf32, #tpu.memory_space<vmem>>
      %dma_start3A_261 = tpu.memref_squeeze %dma_start3A_260 : memref<1x400x16xf32, #tpu.memory_space<vmem>> -> memref<400x16xf32, #tpu.memory_space<vmem>>
      %dma_start3A_262 = arith.constant 0 : i32
      %dma_start3A_263 = tpu.memref_slice %arg8[%add3A_223, %dma_start3A_262] : memref<320000x128xf32, #tpu.memory_space<hbm>> -> memref<400x16xf32, #tpu.memory_space<hbm>>
      %dma_start3A_264 = tpu.memref_slice %arg14[%select_n3A_213] : memref<2x!tpu.dma_semaphore, #tpu.memory_space<semaphore_mem>> -> memref<1x!tpu.dma_semaphore, #tpu.memory_space<semaphore_mem>>
      %dma_start3A_265 = tpu.memref_squeeze %dma_start3A_264 : memref<1x!tpu.dma_semaphore, #tpu.memory_space<semaphore_mem>> -> memref<!tpu.dma_semaphore, #tpu.memory_space<semaphore_mem>>
      %dma_start3A_266 = arith.constant 0 : i32
      %dma_start3A_267 = tpu.memref_slice %arg8[%add3A_223, %dma_start3A_266] : memref<320000x128xf32, #tpu.memory_space<hbm>> -> memref<400x16xf32, #tpu.memory_space<hbm>>
      %dma_start3A_268 = arith.constant 0 : i32
      %dma_start3A_269 = arith.constant 0 : i32
      %dma_start3A_270 = tpu.memref_slice %arg12[%select_n3A_213, %dma_start3A_268, %dma_start3A_269] : memref<2x400x16xf32, #tpu.memory_space<vmem>> -> memref<1x400x16xf32, #tpu.memory_space<vmem>>
      %dma_start3A_271 = tpu.memref_squeeze %dma_start3A_270 : memref<1x400x16xf32, #tpu.memory_space<vmem>> -> memref<400x16xf32, #tpu.memory_space<vmem>>
      tpu.enqueue_dma source(%dma_start3A_271 : memref<400x16xf32, #tpu.memory_space<vmem>>) target(%dma_start3A_267 : memref<400x16xf32, #tpu.memory_space<hbm>>) target_semaphore(%dma_start3A_265 : memref<!tpu.dma_semaphore, #tpu.memory_space<semaphore_mem>>)
    }
    %scan3A_34 = arith.constant 25 : i32
    %add3A_35 = arith.constant 9200 : i32
    %add3A_36 = arith.addi %mul3A_2, %add3A_35 : i32
    %dma_wait3A = arith.constant 1 : i32
    %dma_wait3A_37 = arith.constant 1 : i32
    %dma_wait3A_38 = arith.constant 0 : i32
    %dma_wait3A_39 = arith.constant 0 : i32
    %dma_wait3A_40 = tpu.memref_slice %arg11[%dma_wait3A, %dma_wait3A_38, %dma_wait3A_39] : memref<2x400x128xf32, #tpu.memory_space<vmem>> -> memref<1x400x128xf32, #tpu.memory_space<vmem>>
    %dma_wait3A_41 = tpu.memref_squeeze %dma_wait3A_40 : memref<1x400x128xf32, #tpu.memory_space<vmem>> -> memref<400x128xf32, #tpu.memory_space<vmem>>
    %dma_wait3A_42 = arith.constant 0 : i32
    %dma_wait3A_43 = tpu.memref_slice %arg6[%add3A_36, %dma_wait3A_42] : memref<320000x128xf32, #tpu.memory_space<hbm>> -> memref<400x128xf32, #tpu.memory_space<hbm>>
    %dma_wait3A_44 = tpu.memref_slice %arg14[%dma_wait3A_37] : memref<2x!tpu.dma_semaphore, #tpu.memory_space<semaphore_mem>> -> memref<1x!tpu.dma_semaphore, #tpu.memory_space<semaphore_mem>>
    %dma_wait3A_45 = tpu.memref_squeeze %dma_wait3A_44 : memref<1x!tpu.dma_semaphore, #tpu.memory_space<semaphore_mem>> -> memref<!tpu.dma_semaphore, #tpu.memory_space<semaphore_mem>>
    %dma_wait3A_46 = arith.constant 0 : i32
    %dma_wait3A_47 = tpu.memref_slice %arg6[%add3A_36, %dma_wait3A_46] : memref<320000x128xf32, #tpu.memory_space<hbm>> -> memref<400x128xf32, #tpu.memory_space<hbm>>
    %dma_wait3A_48 = arith.constant 0 : i32
    %dma_wait3A_49 = arith.constant 0 : i32
    %dma_wait3A_50 = tpu.memref_slice %arg11[%dma_wait3A, %dma_wait3A_48, %dma_wait3A_49] : memref<2x400x128xf32, #tpu.memory_space<vmem>> -> memref<1x400x128xf32, #tpu.memory_space<vmem>>
    %dma_wait3A_51 = tpu.memref_squeeze %dma_wait3A_50 : memref<1x400x128xf32, #tpu.memory_space<vmem>> -> memref<400x128xf32, #tpu.memory_space<vmem>>
    tpu.wait_dma2 semaphore(%dma_wait3A_45 : memref<!tpu.dma_semaphore, #tpu.memory_space<semaphore_mem>>) src(%dma_wait3A_51 : memref<400x128xf32, #tpu.memory_space<vmem>>) dst(%dma_wait3A_47 : memref<400x128xf32, #tpu.memory_space<hbm>>)
    %dma_wait3A_52 = arith.constant 1 : i32
    %dma_wait3A_53 = arith.constant 1 : i32
    %dma_wait3A_54 = arith.constant 0 : i32
    %dma_wait3A_55 = arith.constant 0 : i32
    %dma_wait3A_56 = tpu.memref_slice %arg12[%dma_wait3A_52, %dma_wait3A_54, %dma_wait3A_55] : memref<2x400x16xf32, #tpu.memory_space<vmem>> -> memref<1x400x16xf32, #tpu.memory_space<vmem>>
    %dma_wait3A_57 = tpu.memref_squeeze %dma_wait3A_56 : memref<1x400x16xf32, #tpu.memory_space<vmem>> -> memref<400x16xf32, #tpu.memory_space<vmem>>
    %dma_wait3A_58 = arith.constant 0 : i32
    %dma_wait3A_59 = tpu.memref_slice %arg8[%add3A_36, %dma_wait3A_58] : memref<320000x128xf32, #tpu.memory_space<hbm>> -> memref<400x16xf32, #tpu.memory_space<hbm>>
    %dma_wait3A_60 = tpu.memref_slice %arg14[%dma_wait3A_53] : memref<2x!tpu.dma_semaphore, #tpu.memory_space<semaphore_mem>> -> memref<1x!tpu.dma_semaphore, #tpu.memory_space<semaphore_mem>>
    %dma_wait3A_61 = tpu.memref_squeeze %dma_wait3A_60 : memref<1x!tpu.dma_semaphore, #tpu.memory_space<semaphore_mem>> -> memref<!tpu.dma_semaphore, #tpu.memory_space<semaphore_mem>>
    %dma_wait3A_62 = arith.constant 0 : i32
    %dma_wait3A_63 = tpu.memref_slice %arg8[%add3A_36, %dma_wait3A_62] : memref<320000x128xf32, #tpu.memory_space<hbm>> -> memref<400x16xf32, #tpu.memory_space<hbm>>
    %dma_wait3A_64 = arith.constant 0 : i32
    %dma_wait3A_65 = arith.constant 0 : i32
    %dma_wait3A_66 = tpu.memref_slice %arg12[%dma_wait3A_52, %dma_wait3A_64, %dma_wait3A_65] : memref<2x400x16xf32, #tpu.memory_space<vmem>> -> memref<1x400x16xf32, #tpu.memory_space<vmem>>
    %dma_wait3A_67 = tpu.memref_squeeze %dma_wait3A_66 : memref<1x400x16xf32, #tpu.memory_space<vmem>> -> memref<400x16xf32, #tpu.memory_space<vmem>>
    tpu.wait_dma2 semaphore(%dma_wait3A_61 : memref<!tpu.dma_semaphore, #tpu.memory_space<semaphore_mem>>) src(%dma_wait3A_67 : memref<400x16xf32, #tpu.memory_space<vmem>>) dst(%dma_wait3A_63 : memref<400x16xf32, #tpu.memory_space<hbm>>)
    %add3A_68 = arith.constant 9600 : i32
    %add3A_69 = arith.addi %mul3A_2, %add3A_68 : i32
    %dma_wait3A_70 = arith.constant 0 : i32
    %dma_wait3A_71 = arith.constant 0 : i32
    %dma_wait3A_72 = arith.constant 0 : i32
    %dma_wait3A_73 = arith.constant 0 : i32
    %dma_wait3A_74 = tpu.memref_slice %arg11[%dma_wait3A_70, %dma_wait3A_72, %dma_wait3A_73] : memref<2x400x128xf32, #tpu.memory_space<vmem>> -> memref<1x400x128xf32, #tpu.memory_space<vmem>>
    %dma_wait3A_75 = tpu.memref_squeeze %dma_wait3A_74 : memref<1x400x128xf32, #tpu.memory_space<vmem>> -> memref<400x128xf32, #tpu.memory_space<vmem>>
    %dma_wait3A_76 = arith.constant 0 : i32
    %dma_wait3A_77 = tpu.memref_slice %arg6[%add3A_69, %dma_wait3A_76] : memref<320000x128xf32, #tpu.memory_space<hbm>> -> memref<400x128xf32, #tpu.memory_space<hbm>>
    %dma_wait3A_78 = tpu.memref_slice %arg14[%dma_wait3A_71] : memref<2x!tpu.dma_semaphore, #tpu.memory_space<semaphore_mem>> -> memref<1x!tpu.dma_semaphore, #tpu.memory_space<semaphore_mem>>
    %dma_wait3A_79 = tpu.memref_squeeze %dma_wait3A_78 : memref<1x!tpu.dma_semaphore, #tpu.memory_space<semaphore_mem>> -> memref<!tpu.dma_semaphore, #tpu.memory_space<semaphore_mem>>
    %dma_wait3A_80 = arith.constant 0 : i32
    %dma_wait3A_81 = tpu.memref_slice %arg6[%add3A_69, %dma_wait3A_80] : memref<320000x128xf32, #tpu.memory_space<hbm>> -> memref<400x128xf32, #tpu.memory_space<hbm>>
    %dma_wait3A_82 = arith.constant 0 : i32
    %dma_wait3A_83 = arith.constant 0 : i32
    %dma_wait3A_84 = tpu.memref_slice %arg11[%dma_wait3A_70, %dma_wait3A_82, %dma_wait3A_83] : memref<2x400x128xf32, #tpu.memory_space<vmem>> -> memref<1x400x128xf32, #tpu.memory_space<vmem>>
    %dma_wait3A_85 = tpu.memref_squeeze %dma_wait3A_84 : memref<1x400x128xf32, #tpu.memory_space<vmem>> -> memref<400x128xf32, #tpu.memory_space<vmem>>
    tpu.wait_dma2 semaphore(%dma_wait3A_79 : memref<!tpu.dma_semaphore, #tpu.memory_space<semaphore_mem>>) src(%dma_wait3A_85 : memref<400x128xf32, #tpu.memory_space<vmem>>) dst(%dma_wait3A_81 : memref<400x128xf32, #tpu.memory_space<hbm>>)
    %dma_wait3A_86 = arith.constant 0 : i32
    %dma_wait3A_87 = arith.constant 0 : i32
    %dma_wait3A_88 = arith.constant 0 : i32
    %dma_wait3A_89 = arith.constant 0 : i32
    %dma_wait3A_90 = tpu.memref_slice %arg12[%dma_wait3A_86, %dma_wait3A_88, %dma_wait3A_89] : memref<2x400x16xf32, #tpu.memory_space<vmem>> -> memref<1x400x16xf32, #tpu.memory_space<vmem>>
    %dma_wait3A_91 = tpu.memref_squeeze %dma_wait3A_90 : memref<1x400x16xf32, #tpu.memory_space<vmem>> -> memref<400x16xf32, #tpu.memory_space<vmem>>
    %dma_wait3A_92 = arith.constant 0 : i32
    %dma_wait3A_93 = tpu.memref_slice %arg8[%add3A_69, %dma_wait3A_92] : memref<320000x128xf32, #tpu.memory_space<hbm>> -> memref<400x16xf32, #tpu.memory_space<hbm>>
    %dma_wait3A_94 = tpu.memref_slice %arg14[%dma_wait3A_87] : memref<2x!tpu.dma_semaphore, #tpu.memory_space<semaphore_mem>> -> memref<1x!tpu.dma_semaphore, #tpu.memory_space<semaphore_mem>>
    %dma_wait3A_95 = tpu.memref_squeeze %dma_wait3A_94 : memref<1x!tpu.dma_semaphore, #tpu.memory_space<semaphore_mem>> -> memref<!tpu.dma_semaphore, #tpu.memory_space<semaphore_mem>>
    %dma_wait3A_96 = arith.constant 0 : i32
    %dma_wait3A_97 = tpu.memref_slice %arg8[%add3A_69, %dma_wait3A_96] : memref<320000x128xf32, #tpu.memory_space<hbm>> -> memref<400x16xf32, #tpu.memory_space<hbm>>
    %dma_wait3A_98 = arith.constant 0 : i32
    %dma_wait3A_99 = arith.constant 0 : i32
    %dma_wait3A_100 = tpu.memref_slice %arg12[%dma_wait3A_86, %dma_wait3A_98, %dma_wait3A_99] : memref<2x400x16xf32, #tpu.memory_space<vmem>> -> memref<1x400x16xf32, #tpu.memory_space<vmem>>
    %dma_wait3A_101 = tpu.memref_squeeze %dma_wait3A_100 : memref<1x400x16xf32, #tpu.memory_space<vmem>> -> memref<400x16xf32, #tpu.memory_space<vmem>>
    tpu.wait_dma2 semaphore(%dma_wait3A_95 : memref<!tpu.dma_semaphore, #tpu.memory_space<semaphore_mem>>) src(%dma_wait3A_101 : memref<400x16xf32, #tpu.memory_space<vmem>>) dst(%dma_wait3A_97 : memref<400x16xf32, #tpu.memory_space<hbm>>)
    "tpu.region"() ({
      %run_scoped3A = tpu.sem_alloc : memref<!tpu.dma_semaphore, #tpu.memory_space<semaphore_mem>>
      %dma_start3A_204 = tpu.memref_slice %arg5[%mul3A_2] : memref<320000xi32, #tpu.memory_space<hbm>> -> memref<10000xi32, #tpu.memory_space<hbm>>
      %dma_start3A_205 = tpu.memref_slice %arg5[%mul3A_2] : memref<320000xi32, #tpu.memory_space<hbm>> -> memref<10000xi32, #tpu.memory_space<hbm>>
      tpu.enqueue_dma source(%dma_start3A_205 : memref<10000xi32, #tpu.memory_space<hbm>>) target(%arg10 : memref<10000xi32, #tpu.memory_space<vmem>>) target_semaphore(%run_scoped3A : memref<!tpu.dma_semaphore, #tpu.memory_space<semaphore_mem>>)
      %dma_wait3A_206 = tpu.memref_slice %arg5[%mul3A_2] : memref<320000xi32, #tpu.memory_space<hbm>> -> memref<10000xi32, #tpu.memory_space<hbm>>
      %dma_wait3A_207 = tpu.memref_slice %arg5[%mul3A_2] : memref<320000xi32, #tpu.memory_space<hbm>> -> memref<10000xi32, #tpu.memory_space<hbm>>
      tpu.wait_dma2 semaphore(%run_scoped3A : memref<!tpu.dma_semaphore, #tpu.memory_space<semaphore_mem>>) src(%dma_wait3A_207 : memref<10000xi32, #tpu.memory_space<hbm>>) dst(%arg10 : memref<10000xi32, #tpu.memory_space<vmem>>)
      tpu.yield
    }) : () -> ()
    %add3A_102 = arith.constant 0 : i32
    %add3A_103 = arith.addi %mul3A_2, %add3A_102 : i32
    %dma_start3A_104 = arith.constant 0 : i32
    %dma_start3A_105 = arith.constant 0 : i32
    %dma_start3A_106 = arith.constant 0 : i32
    %dma_start3A_107 = arith.constant 0 : i32
    %dma_start3A_108 = tpu.memref_slice %arg11[%dma_start3A_104, %dma_start3A_106, %dma_start3A_107] : memref<2x400x128xf32, #tpu.memory_space<vmem>> -> memref<1x400x128xf32, #tpu.memory_space<vmem>>
    %dma_start3A_109 = tpu.memref_squeeze %dma_start3A_108 : memref<1x400x128xf32, #tpu.memory_space<vmem>> -> memref<400x128xf32, #tpu.memory_space<vmem>>
    %dma_start3A_110 = arith.constant 0 : i32
    %dma_start3A_111 = tpu.memref_slice %arg10[%dma_start3A_110] : memref<10000xi32, #tpu.memory_space<vmem>> -> memref<400xi32, #tpu.memory_space<vmem>>
    %dma_start3A_112 = arith.constant 0 : i32
    %dma_start3A_113 = arith.constant 0 : i32
    %dma_start3A_114 = tpu.memref_slice %arg2[%dma_start3A_112, %dma_start3A_113] : memref<10000x128xf32, #tpu.memory_space<hbm>> -> memref<10000x128xf32, #tpu.memory_space<hbm>>
    %dma_start3A_115 = tpu.memref_slice %arg13[%dma_start3A_105] : memref<2x!tpu.dma_semaphore, #tpu.memory_space<semaphore_mem>> -> memref<1x!tpu.dma_semaphore, #tpu.memory_space<semaphore_mem>>
    %dma_start3A_116 = tpu.memref_squeeze %dma_start3A_115 : memref<1x!tpu.dma_semaphore, #tpu.memory_space<semaphore_mem>> -> memref<!tpu.dma_semaphore, #tpu.memory_space<semaphore_mem>>
    tpu.enqueue_indirect_dma source(%dma_start3A_114 : memref<10000x128xf32, #tpu.memory_space<hbm>>) target(%dma_start3A_109 : memref<400x128xf32, #tpu.memory_space<vmem>>) offsets(%dma_start3A_111 : memref<400xi32, #tpu.memory_space<vmem>>) semaphore(%dma_start3A_116 : memref<!tpu.dma_semaphore, #tpu.memory_space<semaphore_mem>>)
    %dma_start3A_117 = arith.constant 0 : i32
    %dma_start3A_118 = arith.constant 0 : i32
    %dma_start3A_119 = arith.constant 0 : i32
    %dma_start3A_120 = arith.constant 0 : i32
    %dma_start3A_121 = tpu.memref_slice %arg12[%dma_start3A_117, %dma_start3A_119, %dma_start3A_120] : memref<2x400x16xf32, #tpu.memory_space<vmem>> -> memref<1x400x16xf32, #tpu.memory_space<vmem>>
    %dma_start3A_122 = tpu.memref_squeeze %dma_start3A_121 : memref<1x400x16xf32, #tpu.memory_space<vmem>> -> memref<400x16xf32, #tpu.memory_space<vmem>>
    %dma_start3A_123 = arith.constant 0 : i32
    %dma_start3A_124 = tpu.memref_slice %arg10[%dma_start3A_123] : memref<10000xi32, #tpu.memory_space<vmem>> -> memref<400xi32, #tpu.memory_space<vmem>>
    %dma_start3A_125 = arith.constant 0 : i32
    %dma_start3A_126 = arith.constant 0 : i32
    %dma_start3A_127 = tpu.memref_slice %arg3[%dma_start3A_125, %dma_start3A_126] : memref<10000x16xf32, #tpu.memory_space<hbm>> -> memref<10000x16xf32, #tpu.memory_space<hbm>>
    %dma_start3A_128 = tpu.memref_slice %arg13[%dma_start3A_118] : memref<2x!tpu.dma_semaphore, #tpu.memory_space<semaphore_mem>> -> memref<1x!tpu.dma_semaphore, #tpu.memory_space<semaphore_mem>>
    %dma_start3A_129 = tpu.memref_squeeze %dma_start3A_128 : memref<1x!tpu.dma_semaphore, #tpu.memory_space<semaphore_mem>> -> memref<!tpu.dma_semaphore, #tpu.memory_space<semaphore_mem>>
    tpu.enqueue_indirect_dma source(%dma_start3A_127 : memref<10000x16xf32, #tpu.memory_space<hbm>>) target(%dma_start3A_122 : memref<400x16xf32, #tpu.memory_space<vmem>>) offsets(%dma_start3A_124 : memref<400xi32, #tpu.memory_space<vmem>>) semaphore(%dma_start3A_129 : memref<!tpu.dma_semaphore, #tpu.memory_space<semaphore_mem>>)
    %scan3A_130 = arith.constant 0 : i32
    %scan3A_131 = arith.constant 0 : i32
    %scan3A_132 = arith.constant 25 : i32
    %scan3A_133 = arith.addi %scan3A_131, %scan3A_132 : i32
    %scan3A_134 = arith.constant 1 : i32
    scf.for %scan3A_204 = %scan3A_131 to %scan3A_133 step %scan3A_134  : i32 {
      %jit3A = arith.constant 2 : i32
      %eq3A = arith.constant 0 : i32
      %eq3A_205 = arith.cmpi eq, %jit3A, %eq3A : i32
      %jit3A_206 = arith.constant 1 : i32
      %select_n3A = arith.select %eq3A_205, %jit3A_206, %jit3A : i32
      %rem3A = arith.remsi %scan3A_204, %select_n3A : i32
      %ne3A = arith.constant 0 : i32
      %ne3A_207 = arith.cmpi ne, %rem3A, %ne3A : i32
      %lt3A = arith.constant 0 : i32
      %lt3A_208 = arith.cmpi slt, %rem3A, %lt3A : i32
      %lt3A_209 = arith.constant 0 : i32
      %lt3A_210 = arith.cmpi slt, %select_n3A, %lt3A_209 : i32
      %ne3A_211 = arith.xori %lt3A_208, %lt3A_210 : i1
      %and3A = arith.andi %ne3A_211, %ne3A_207 : i1
      %add3A_212 = arith.addi %rem3A, %select_n3A : i32
      %select_n3A_213 = arith.select %and3A, %add3A_212, %rem3A : i32
      %add3A_214 = arith.constant 1 : i32
      %add3A_215 = arith.addi %scan3A_204, %add3A_214 : i32
      %lt3A_216 = arith.constant 25 : i32
      %lt3A_217 = arith.cmpi slt, %add3A_215, %lt3A_216 : i32
      %convert_element_type3A = arith.extui %lt3A_217 : i1 to i32
      %cond3A = arith.constant 0 : i32
      %cond3A_218 = arith.cmpi ne, %convert_element_type3A, %cond3A : i32
      scf.if %cond3A_218 {
        %ge3A = arith.constant 1 : i32
        %ge3A_272 = arith.cmpi sge, %scan3A_204, %ge3A : i32
        %convert_element_type3A_273 = arith.extui %ge3A_272 : i1 to i32
        %cond3A_274 = arith.constant 0 : i32
        %cond3A_275 = arith.cmpi ne, %convert_element_type3A_273, %cond3A_274 : i32
        scf.if %cond3A_275 {
          %sub3A_304 = arith.constant 1 : i32
          %sub3A_305 = arith.subi %scan3A_204, %sub3A_304 : i32
          %jit3A_306 = arith.constant 2 : i32
          %eq3A_307 = arith.constant 0 : i32
          %eq3A_308 = arith.cmpi eq, %jit3A_306, %eq3A_307 : i32
          %jit3A_309 = arith.constant 1 : i32
          %select_n3A_310 = arith.select %eq3A_308, %jit3A_309, %jit3A_306 : i32
          %rem3A_311 = arith.remsi %sub3A_305, %select_n3A_310 : i32
          %ne3A_312 = arith.constant 0 : i32
          %ne3A_313 = arith.cmpi ne, %rem3A_311, %ne3A_312 : i32
          %lt3A_314 = arith.constant 0 : i32
          %lt3A_315 = arith.cmpi slt, %rem3A_311, %lt3A_314 : i32
          %lt3A_316 = arith.constant 0 : i32
          %lt3A_317 = arith.cmpi slt, %select_n3A_310, %lt3A_316 : i32
          %ne3A_318 = arith.xori %lt3A_315, %lt3A_317 : i1
          %and3A_319 = arith.andi %ne3A_318, %ne3A_313 : i1
          %add3A_320 = arith.addi %rem3A_311, %select_n3A_310 : i32
          %select_n3A_321 = arith.select %and3A_319, %add3A_320, %rem3A_311 : i32
          %mul3A_322 = arith.constant 400 : i32
          %mul3A_323 = arith.muli %sub3A_305, %mul3A_322 : i32
          %mul3A_324 = arith.constant 400 : i32
          %mul3A_325 = arith.muli %sub3A_305, %mul3A_324 : i32
          %add3A_326 = arith.addi %mul3A_2, %mul3A_325 : i32
          %dma_wait3A_327 = arith.constant 0 : i32
          %dma_wait3A_328 = arith.constant 0 : i32
          %dma_wait3A_329 = tpu.memref_slice %arg11[%select_n3A_321, %dma_wait3A_327, %dma_wait3A_328] : memref<2x400x128xf32, #tpu.memory_space<vmem>> -> memref<1x400x128xf32, #tpu.memory_space<vmem>>
          %dma_wait3A_330 = tpu.memref_squeeze %dma_wait3A_329 : memref<1x400x128xf32, #tpu.memory_space<vmem>> -> memref<400x128xf32, #tpu.memory_space<vmem>>
          %dma_wait3A_331 = arith.constant 0 : i32
          %dma_wait3A_332 = tpu.memref_slice %arg7[%add3A_326, %dma_wait3A_331] : memref<320000x128xf32, #tpu.memory_space<hbm>> -> memref<400x128xf32, #tpu.memory_space<hbm>>
          %dma_wait3A_333 = tpu.memref_slice %arg14[%select_n3A_321] : memref<2x!tpu.dma_semaphore, #tpu.memory_space<semaphore_mem>> -> memref<1x!tpu.dma_semaphore, #tpu.memory_space<semaphore_mem>>
          %dma_wait3A_334 = tpu.memref_squeeze %dma_wait3A_333 : memref<1x!tpu.dma_semaphore, #tpu.memory_space<semaphore_mem>> -> memref<!tpu.dma_semaphore, #tpu.memory_space<semaphore_mem>>
          %dma_wait3A_335 = arith.constant 0 : i32
          %dma_wait3A_336 = tpu.memref_slice %arg7[%add3A_326, %dma_wait3A_335] : memref<320000x128xf32, #tpu.memory_space<hbm>> -> memref<400x128xf32, #tpu.memory_space<hbm>>
          %dma_wait3A_337 = arith.constant 0 : i32
          %dma_wait3A_338 = arith.constant 0 : i32
          %dma_wait3A_339 = tpu.memref_slice %arg11[%select_n3A_321, %dma_wait3A_337, %dma_wait3A_338] : memref<2x400x128xf32, #tpu.memory_space<vmem>> -> memref<1x400x128xf32, #tpu.memory_space<vmem>>
          %dma_wait3A_340 = tpu.memref_squeeze %dma_wait3A_339 : memref<1x400x128xf32, #tpu.memory_space<vmem>> -> memref<400x128xf32, #tpu.memory_space<vmem>>
          tpu.wait_dma2 semaphore(%dma_wait3A_334 : memref<!tpu.dma_semaphore, #tpu.memory_space<semaphore_mem>>) src(%dma_wait3A_340 : memref<400x128xf32, #tpu.memory_space<vmem>>) dst(%dma_wait3A_336 : memref<400x128xf32, #tpu.memory_space<hbm>>)
          %dma_wait3A_341 = arith.constant 0 : i32
          %dma_wait3A_342 = arith.constant 0 : i32
          %dma_wait3A_343 = tpu.memref_slice %arg12[%select_n3A_321, %dma_wait3A_341, %dma_wait3A_342] : memref<2x400x16xf32, #tpu.memory_space<vmem>> -> memref<1x400x16xf32, #tpu.memory_space<vmem>>
          %dma_wait3A_344 = tpu.memref_squeeze %dma_wait3A_343 : memref<1x400x16xf32, #tpu.memory_space<vmem>> -> memref<400x16xf32, #tpu.memory_space<vmem>>
          %dma_wait3A_345 = arith.constant 0 : i32
          %dma_wait3A_346 = tpu.memref_slice %arg9[%add3A_326, %dma_wait3A_345] : memref<320000x128xf32, #tpu.memory_space<hbm>> -> memref<400x16xf32, #tpu.memory_space<hbm>>
          %dma_wait3A_347 = tpu.memref_slice %arg14[%select_n3A_321] : memref<2x!tpu.dma_semaphore, #tpu.memory_space<semaphore_mem>> -> memref<1x!tpu.dma_semaphore, #tpu.memory_space<semaphore_mem>>
          %dma_wait3A_348 = tpu.memref_squeeze %dma_wait3A_347 : memref<1x!tpu.dma_semaphore, #tpu.memory_space<semaphore_mem>> -> memref<!tpu.dma_semaphore, #tpu.memory_space<semaphore_mem>>
          %dma_wait3A_349 = arith.constant 0 : i32
          %dma_wait3A_350 = tpu.memref_slice %arg9[%add3A_326, %dma_wait3A_349] : memref<320000x128xf32, #tpu.memory_space<hbm>> -> memref<400x16xf32, #tpu.memory_space<hbm>>
          %dma_wait3A_351 = arith.constant 0 : i32
          %dma_wait3A_352 = arith.constant 0 : i32
          %dma_wait3A_353 = tpu.memref_slice %arg12[%select_n3A_321, %dma_wait3A_351, %dma_wait3A_352] : memref<2x400x16xf32, #tpu.memory_space<vmem>> -> memref<1x400x16xf32, #tpu.memory_space<vmem>>
          %dma_wait3A_354 = tpu.memref_squeeze %dma_wait3A_353 : memref<1x400x16xf32, #tpu.memory_space<vmem>> -> memref<400x16xf32, #tpu.memory_space<vmem>>
          tpu.wait_dma2 semaphore(%dma_wait3A_348 : memref<!tpu.dma_semaphore, #tpu.memory_space<semaphore_mem>>) src(%dma_wait3A_354 : memref<400x16xf32, #tpu.memory_space<vmem>>) dst(%dma_wait3A_350 : memref<400x16xf32, #tpu.memory_space<hbm>>)
        } else {
        }
        %add3A_276 = arith.constant 1 : i32
        %add3A_277 = arith.addi %scan3A_204, %add3A_276 : i32
        %sub3A = arith.constant 1 : i32
        %sub3A_278 = arith.subi %sub3A, %select_n3A_213 : i32
        %mul3A_279 = arith.constant 400 : i32
        %mul3A_280 = arith.muli %add3A_277, %mul3A_279 : i32
        %mul3A_281 = arith.constant 400 : i32
        %mul3A_282 = arith.muli %add3A_277, %mul3A_281 : i32
        %add3A_283 = arith.addi %mul3A_2, %mul3A_282 : i32
        %dma_start3A_284 = arith.constant 0 : i32
        %dma_start3A_285 = arith.constant 0 : i32
        %dma_start3A_286 = tpu.memref_slice %arg11[%sub3A_278, %dma_start3A_284, %dma_start3A_285] : memref<2x400x128xf32, #tpu.memory_space<vmem>> -> memref<1x400x128xf32, #tpu.memory_space<vmem>>
        %dma_start3A_287 = tpu.memref_squeeze %dma_start3A_286 : memref<1x400x128xf32, #tpu.memory_space<vmem>> -> memref<400x128xf32, #tpu.memory_space<vmem>>
        %dma_start3A_288 = tpu.memref_slice %arg10[%mul3A_280] : memref<10000xi32, #tpu.memory_space<vmem>> -> memref<400xi32, #tpu.memory_space<vmem>>
        %dma_start3A_289 = arith.constant 0 : i32
        %dma_start3A_290 = arith.constant 0 : i32
        %dma_start3A_291 = tpu.memref_slice %arg2[%dma_start3A_289, %dma_start3A_290] : memref<10000x128xf32, #tpu.memory_space<hbm>> -> memref<10000x128xf32, #tpu.memory_space<hbm>>
        %dma_start3A_292 = tpu.memref_slice %arg13[%sub3A_278] : memref<2x!tpu.dma_semaphore, #tpu.memory_space<semaphore_mem>> -> memref<1x!tpu.dma_semaphore, #tpu.memory_space<semaphore_mem>>
        %dma_start3A_293 = tpu.memref_squeeze %dma_start3A_292 : memref<1x!tpu.dma_semaphore, #tpu.memory_space<semaphore_mem>> -> memref<!tpu.dma_semaphore, #tpu.memory_space<semaphore_mem>>
        tpu.enqueue_indirect_dma source(%dma_start3A_291 : memref<10000x128xf32, #tpu.memory_space<hbm>>) target(%dma_start3A_287 : memref<400x128xf32, #tpu.memory_space<vmem>>) offsets(%dma_start3A_288 : memref<400xi32, #tpu.memory_space<vmem>>) semaphore(%dma_start3A_293 : memref<!tpu.dma_semaphore, #tpu.memory_space<semaphore_mem>>)
        %dma_start3A_294 = arith.constant 0 : i32
        %dma_start3A_295 = arith.constant 0 : i32
        %dma_start3A_296 = tpu.memref_slice %arg12[%sub3A_278, %dma_start3A_294, %dma_start3A_295] : memref<2x400x16xf32, #tpu.memory_space<vmem>> -> memref<1x400x16xf32, #tpu.memory_space<vmem>>
        %dma_start3A_297 = tpu.memref_squeeze %dma_start3A_296 : memref<1x400x16xf32, #tpu.memory_space<vmem>> -> memref<400x16xf32, #tpu.memory_space<vmem>>
        %dma_start3A_298 = tpu.memref_slice %arg10[%mul3A_280] : memref<10000xi32, #tpu.memory_space<vmem>> -> memref<400xi32, #tpu.memory_space<vmem>>
        %dma_start3A_299 = arith.constant 0 : i32
        %dma_start3A_300 = arith.constant 0 : i32
        %dma_start3A_301 = tpu.memref_slice %arg3[%dma_start3A_299, %dma_start3A_300] : memref<10000x16xf32, #tpu.memory_space<hbm>> -> memref<10000x16xf32, #tpu.memory_space<hbm>>
        %dma_start3A_302 = tpu.memref_slice %arg13[%sub3A_278] : memref<2x!tpu.dma_semaphore, #tpu.memory_space<semaphore_mem>> -> memref<1x!tpu.dma_semaphore, #tpu.memory_space<semaphore_mem>>
        %dma_start3A_303 = tpu.memref_squeeze %dma_start3A_302 : memref<1x!tpu.dma_semaphore, #tpu.memory_space<semaphore_mem>> -> memref<!tpu.dma_semaphore, #tpu.memory_space<semaphore_mem>>
        tpu.enqueue_indirect_dma source(%dma_start3A_301 : memref<10000x16xf32, #tpu.memory_space<hbm>>) target(%dma_start3A_297 : memref<400x16xf32, #tpu.memory_space<vmem>>) offsets(%dma_start3A_298 : memref<400xi32, #tpu.memory_space<vmem>>) semaphore(%dma_start3A_303 : memref<!tpu.dma_semaphore, #tpu.memory_space<semaphore_mem>>)
      } else {
      }
      %mul3A_219 = arith.constant 400 : i32
      %mul3A_220 = arith.muli %scan3A_204, %mul3A_219 : i32
      %mul3A_221 = arith.constant 400 : i32
      %mul3A_222 = arith.muli %scan3A_204, %mul3A_221 : i32
      %add3A_223 = arith.addi %mul3A_2, %mul3A_222 : i32
      %dma_wait3A_224 = arith.constant 0 : i32
      %dma_wait3A_225 = arith.constant 0 : i32
      %dma_wait3A_226 = tpu.memref_slice %arg11[%select_n3A_213, %dma_wait3A_224, %dma_wait3A_225] : memref<2x400x128xf32, #tpu.memory_space<vmem>> -> memref<1x400x128xf32, #tpu.memory_space<vmem>>
      %dma_wait3A_227 = tpu.memref_squeeze %dma_wait3A_226 : memref<1x400x128xf32, #tpu.memory_space<vmem>> -> memref<400x128xf32, #tpu.memory_space<vmem>>
      %dma_wait3A_228 = tpu.memref_slice %arg10[%mul3A_220] : memref<10000xi32, #tpu.memory_space<vmem>> -> memref<400xi32, #tpu.memory_space<vmem>>
      %dma_wait3A_229 = arith.constant 0 : i32
      %dma_wait3A_230 = arith.constant 0 : i32
      %dma_wait3A_231 = tpu.memref_slice %arg2[%dma_wait3A_229, %dma_wait3A_230] : memref<10000x128xf32, #tpu.memory_space<hbm>> -> memref<10000x128xf32, #tpu.memory_space<hbm>>
      %dma_wait3A_232 = tpu.memref_slice %arg13[%select_n3A_213] : memref<2x!tpu.dma_semaphore, #tpu.memory_space<semaphore_mem>> -> memref<1x!tpu.dma_semaphore, #tpu.memory_space<semaphore_mem>>
      %dma_wait3A_233 = tpu.memref_squeeze %dma_wait3A_232 : memref<1x!tpu.dma_semaphore, #tpu.memory_space<semaphore_mem>> -> memref<!tpu.dma_semaphore, #tpu.memory_space<semaphore_mem>>
      tpu.wait_indirect_dma semaphore(%dma_wait3A_233 : memref<!tpu.dma_semaphore, #tpu.memory_space<semaphore_mem>>) src(%dma_wait3A_231 : memref<10000x128xf32, #tpu.memory_space<hbm>>) dst(%dma_wait3A_227 : memref<400x128xf32, #tpu.memory_space<vmem>>)
      %dma_wait3A_234 = arith.constant 0 : i32
      %dma_wait3A_235 = arith.constant 0 : i32
      %dma_wait3A_236 = tpu.memref_slice %arg12[%select_n3A_213, %dma_wait3A_234, %dma_wait3A_235] : memref<2x400x16xf32, #tpu.memory_space<vmem>> -> memref<1x400x16xf32, #tpu.memory_space<vmem>>
      %dma_wait3A_237 = tpu.memref_squeeze %dma_wait3A_236 : memref<1x400x16xf32, #tpu.memory_space<vmem>> -> memref<400x16xf32, #tpu.memory_space<vmem>>
      %dma_wait3A_238 = tpu.memref_slice %arg10[%mul3A_220] : memref<10000xi32, #tpu.memory_space<vmem>> -> memref<400xi32, #tpu.memory_space<vmem>>
      %dma_wait3A_239 = arith.constant 0 : i32
      %dma_wait3A_240 = arith.constant 0 : i32
      %dma_wait3A_241 = tpu.memref_slice %arg3[%dma_wait3A_239, %dma_wait3A_240] : memref<10000x16xf32, #tpu.memory_space<hbm>> -> memref<10000x16xf32, #tpu.memory_space<hbm>>
      %dma_wait3A_242 = tpu.memref_slice %arg13[%select_n3A_213] : memref<2x!tpu.dma_semaphore, #tpu.memory_space<semaphore_mem>> -> memref<1x!tpu.dma_semaphore, #tpu.memory_space<semaphore_mem>>
      %dma_wait3A_243 = tpu.memref_squeeze %dma_wait3A_242 : memref<1x!tpu.dma_semaphore, #tpu.memory_space<semaphore_mem>> -> memref<!tpu.dma_semaphore, #tpu.memory_space<semaphore_mem>>
      tpu.wait_indirect_dma semaphore(%dma_wait3A_243 : memref<!tpu.dma_semaphore, #tpu.memory_space<semaphore_mem>>) src(%dma_wait3A_241 : memref<10000x16xf32, #tpu.memory_space<hbm>>) dst(%dma_wait3A_237 : memref<400x16xf32, #tpu.memory_space<vmem>>)
      %dma_start3A_244 = arith.constant 0 : i32
      %dma_start3A_245 = arith.constant 0 : i32
      %dma_start3A_246 = tpu.memref_slice %arg11[%select_n3A_213, %dma_start3A_244, %dma_start3A_245] : memref<2x400x128xf32, #tpu.memory_space<vmem>> -> memref<1x400x128xf32, #tpu.memory_space<vmem>>
      %dma_start3A_247 = tpu.memref_squeeze %dma_start3A_246 : memref<1x400x128xf32, #tpu.memory_space<vmem>> -> memref<400x128xf32, #tpu.memory_space<vmem>>
      %dma_start3A_248 = arith.constant 0 : i32
      %dma_start3A_249 = tpu.memref_slice %arg7[%add3A_223, %dma_start3A_248] : memref<320000x128xf32, #tpu.memory_space<hbm>> -> memref<400x128xf32, #tpu.memory_space<hbm>>
      %dma_start3A_250 = tpu.memref_slice %arg14[%select_n3A_213] : memref<2x!tpu.dma_semaphore, #tpu.memory_space<semaphore_mem>> -> memref<1x!tpu.dma_semaphore, #tpu.memory_space<semaphore_mem>>
      %dma_start3A_251 = tpu.memref_squeeze %dma_start3A_250 : memref<1x!tpu.dma_semaphore, #tpu.memory_space<semaphore_mem>> -> memref<!tpu.dma_semaphore, #tpu.memory_space<semaphore_mem>>
      %dma_start3A_252 = arith.constant 0 : i32
      %dma_start3A_253 = tpu.memref_slice %arg7[%add3A_223, %dma_start3A_252] : memref<320000x128xf32, #tpu.memory_space<hbm>> -> memref<400x128xf32, #tpu.memory_space<hbm>>
      %dma_start3A_254 = arith.constant 0 : i32
      %dma_start3A_255 = arith.constant 0 : i32
      %dma_start3A_256 = tpu.memref_slice %arg11[%select_n3A_213, %dma_start3A_254, %dma_start3A_255] : memref<2x400x128xf32, #tpu.memory_space<vmem>> -> memref<1x400x128xf32, #tpu.memory_space<vmem>>
      %dma_start3A_257 = tpu.memref_squeeze %dma_start3A_256 : memref<1x400x128xf32, #tpu.memory_space<vmem>> -> memref<400x128xf32, #tpu.memory_space<vmem>>
      tpu.enqueue_dma source(%dma_start3A_257 : memref<400x128xf32, #tpu.memory_space<vmem>>) target(%dma_start3A_253 : memref<400x128xf32, #tpu.memory_space<hbm>>) target_semaphore(%dma_start3A_251 : memref<!tpu.dma_semaphore, #tpu.memory_space<semaphore_mem>>)
      %dma_start3A_258 = arith.constant 0 : i32
      %dma_start3A_259 = arith.constant 0 : i32
      %dma_start3A_260 = tpu.memref_slice %arg12[%select_n3A_213, %dma_start3A_258, %dma_start3A_259] : memref<2x400x16xf32, #tpu.memory_space<vmem>> -> memref<1x400x16xf32, #tpu.memory_space<vmem>>
      %dma_start3A_261 = tpu.memref_squeeze %dma_start3A_260 : memref<1x400x16xf32, #tpu.memory_space<vmem>> -> memref<400x16xf32, #tpu.memory_space<vmem>>
      %dma_start3A_262 = arith.constant 0 : i32
      %dma_start3A_263 = tpu.memref_slice %arg9[%add3A_223, %dma_start3A_262] : memref<320000x128xf32, #tpu.memory_space<hbm>> -> memref<400x16xf32, #tpu.memory_space<hbm>>
      %dma_start3A_264 = tpu.memref_slice %arg14[%select_n3A_213] : memref<2x!tpu.dma_semaphore, #tpu.memory_space<semaphore_mem>> -> memref<1x!tpu.dma_semaphore, #tpu.memory_space<semaphore_mem>>
      %dma_start3A_265 = tpu.memref_squeeze %dma_start3A_264 : memref<1x!tpu.dma_semaphore, #tpu.memory_space<semaphore_mem>> -> memref<!tpu.dma_semaphore, #tpu.memory_space<semaphore_mem>>
      %dma_start3A_266 = arith.constant 0 : i32
      %dma_start3A_267 = tpu.memref_slice %arg9[%add3A_223, %dma_start3A_266] : memref<320000x128xf32, #tpu.memory_space<hbm>> -> memref<400x16xf32, #tpu.memory_space<hbm>>
      %dma_start3A_268 = arith.constant 0 : i32
      %dma_start3A_269 = arith.constant 0 : i32
      %dma_start3A_270 = tpu.memref_slice %arg12[%select_n3A_213, %dma_start3A_268, %dma_start3A_269] : memref<2x400x16xf32, #tpu.memory_space<vmem>> -> memref<1x400x16xf32, #tpu.memory_space<vmem>>
      %dma_start3A_271 = tpu.memref_squeeze %dma_start3A_270 : memref<1x400x16xf32, #tpu.memory_space<vmem>> -> memref<400x16xf32, #tpu.memory_space<vmem>>
      tpu.enqueue_dma source(%dma_start3A_271 : memref<400x16xf32, #tpu.memory_space<vmem>>) target(%dma_start3A_267 : memref<400x16xf32, #tpu.memory_space<hbm>>) target_semaphore(%dma_start3A_265 : memref<!tpu.dma_semaphore, #tpu.memory_space<semaphore_mem>>)
    }
    %scan3A_135 = arith.constant 25 : i32
    %add3A_136 = arith.constant 9200 : i32
    %add3A_137 = arith.addi %mul3A_2, %add3A_136 : i32
    %dma_wait3A_138 = arith.constant 1 : i32
    %dma_wait3A_139 = arith.constant 1 : i32
    %dma_wait3A_140 = arith.constant 0 : i32
    %dma_wait3A_141 = arith.constant 0 : i32
    %dma_wait3A_142 = tpu.memref_slice %arg11[%dma_wait3A_138, %dma_wait3A_140, %dma_wait3A_141] : memref<2x400x128xf32, #tpu.memory_space<vmem>> -> memref<1x400x128xf32, #tpu.memory_space<vmem>>
    %dma_wait3A_143 = tpu.memref_squeeze %dma_wait3A_142 : memref<1x400x128xf32, #tpu.memory_space<vmem>> -> memref<400x128xf32, #tpu.memory_space<vmem>>
    %dma_wait3A_144 = arith.constant 0 : i32
    %dma_wait3A_145 = tpu.memref_slice %arg7[%add3A_137, %dma_wait3A_144] : memref<320000x128xf32, #tpu.memory_space<hbm>> -> memref<400x128xf32, #tpu.memory_space<hbm>>
    %dma_wait3A_146 = tpu.memref_slice %arg14[%dma_wait3A_139] : memref<2x!tpu.dma_semaphore, #tpu.memory_space<semaphore_mem>> -> memref<1x!tpu.dma_semaphore, #tpu.memory_space<semaphore_mem>>
    %dma_wait3A_147 = tpu.memref_squeeze %dma_wait3A_146 : memref<1x!tpu.dma_semaphore, #tpu.memory_space<semaphore_mem>> -> memref<!tpu.dma_semaphore, #tpu.memory_space<semaphore_mem>>
    %dma_wait3A_148 = arith.constant 0 : i32
    %dma_wait3A_149 = tpu.memref_slice %arg7[%add3A_137, %dma_wait3A_148] : memref<320000x128xf32, #tpu.memory_space<hbm>> -> memref<400x128xf32, #tpu.memory_space<hbm>>
    %dma_wait3A_150 = arith.constant 0 : i32
    %dma_wait3A_151 = arith.constant 0 : i32
    %dma_wait3A_152 = tpu.memref_slice %arg11[%dma_wait3A_138, %dma_wait3A_150, %dma_wait3A_151] : memref<2x400x128xf32, #tpu.memory_space<vmem>> -> memref<1x400x128xf32, #tpu.memory_space<vmem>>
    %dma_wait3A_153 = tpu.memref_squeeze %dma_wait3A_152 : memref<1x400x128xf32, #tpu.memory_space<vmem>> -> memref<400x128xf32, #tpu.memory_space<vmem>>
    tpu.wait_dma2 semaphore(%dma_wait3A_147 : memref<!tpu.dma_semaphore, #tpu.memory_space<semaphore_mem>>) src(%dma_wait3A_153 : memref<400x128xf32, #tpu.memory_space<vmem>>) dst(%dma_wait3A_149 : memref<400x128xf32, #tpu.memory_space<hbm>>)
    %dma_wait3A_154 = arith.constant 1 : i32
    %dma_wait3A_155 = arith.constant 1 : i32
    %dma_wait3A_156 = arith.constant 0 : i32
    %dma_wait3A_157 = arith.constant 0 : i32
    %dma_wait3A_158 = tpu.memref_slice %arg12[%dma_wait3A_154, %dma_wait3A_156, %dma_wait3A_157] : memref<2x400x16xf32, #tpu.memory_space<vmem>> -> memref<1x400x16xf32, #tpu.memory_space<vmem>>
    %dma_wait3A_159 = tpu.memref_squeeze %dma_wait3A_158 : memref<1x400x16xf32, #tpu.memory_space<vmem>> -> memref<400x16xf32, #tpu.memory_space<vmem>>
    %dma_wait3A_160 = arith.constant 0 : i32
    %dma_wait3A_161 = tpu.memref_slice %arg9[%add3A_137, %dma_wait3A_160] : memref<320000x128xf32, #tpu.memory_space<hbm>> -> memref<400x16xf32, #tpu.memory_space<hbm>>
    %dma_wait3A_162 = tpu.memref_slice %arg14[%dma_wait3A_155] : memref<2x!tpu.dma_semaphore, #tpu.memory_space<semaphore_mem>> -> memref<1x!tpu.dma_semaphore, #tpu.memory_space<semaphore_mem>>
    %dma_wait3A_163 = tpu.memref_squeeze %dma_wait3A_162 : memref<1x!tpu.dma_semaphore, #tpu.memory_space<semaphore_mem>> -> memref<!tpu.dma_semaphore, #tpu.memory_space<semaphore_mem>>
    %dma_wait3A_164 = arith.constant 0 : i32
    %dma_wait3A_165 = tpu.memref_slice %arg9[%add3A_137, %dma_wait3A_164] : memref<320000x128xf32, #tpu.memory_space<hbm>> -> memref<400x16xf32, #tpu.memory_space<hbm>>
    %dma_wait3A_166 = arith.constant 0 : i32
    %dma_wait3A_167 = arith.constant 0 : i32
    %dma_wait3A_168 = tpu.memref_slice %arg12[%dma_wait3A_154, %dma_wait3A_166, %dma_wait3A_167] : memref<2x400x16xf32, #tpu.memory_space<vmem>> -> memref<1x400x16xf32, #tpu.memory_space<vmem>>
    %dma_wait3A_169 = tpu.memref_squeeze %dma_wait3A_168 : memref<1x400x16xf32, #tpu.memory_space<vmem>> -> memref<400x16xf32, #tpu.memory_space<vmem>>
    tpu.wait_dma2 semaphore(%dma_wait3A_163 : memref<!tpu.dma_semaphore, #tpu.memory_space<semaphore_mem>>) src(%dma_wait3A_169 : memref<400x16xf32, #tpu.memory_space<vmem>>) dst(%dma_wait3A_165 : memref<400x16xf32, #tpu.memory_space<hbm>>)
    %add3A_170 = arith.constant 9600 : i32
    %add3A_171 = arith.addi %mul3A_2, %add3A_170 : i32
    %dma_wait3A_172 = arith.constant 0 : i32
    %dma_wait3A_173 = arith.constant 0 : i32
    %dma_wait3A_174 = arith.constant 0 : i32
    %dma_wait3A_175 = arith.constant 0 : i32
    %dma_wait3A_176 = tpu.memref_slice %arg11[%dma_wait3A_172, %dma_wait3A_174, %dma_wait3A_175] : memref<2x400x128xf32, #tpu.memory_space<vmem>> -> memref<1x400x128xf32, #tpu.memory_space<vmem>>
    %dma_wait3A_177 = tpu.memref_squeeze %dma_wait3A_176 : memref<1x400x128xf32, #tpu.memory_space<vmem>> -> memref<400x128xf32, #tpu.memory_space<vmem>>
    %dma_wait3A_178 = arith.constant 0 : i32
    %dma_wait3A_179 = tpu.memref_slice %arg7[%add3A_171, %dma_wait3A_178] : memref<320000x128xf32, #tpu.memory_space<hbm>> -> memref<400x128xf32, #tpu.memory_space<hbm>>
    %dma_wait3A_180 = tpu.memref_slice %arg14[%dma_wait3A_173] : memref<2x!tpu.dma_semaphore, #tpu.memory_space<semaphore_mem>> -> memref<1x!tpu.dma_semaphore, #tpu.memory_space<semaphore_mem>>
    %dma_wait3A_181 = tpu.memref_squeeze %dma_wait3A_180 : memref<1x!tpu.dma_semaphore, #tpu.memory_space<semaphore_mem>> -> memref<!tpu.dma_semaphore, #tpu.memory_space<semaphore_mem>>
    %dma_wait3A_182 = arith.constant 0 : i32
    %dma_wait3A_183 = tpu.memref_slice %arg7[%add3A_171, %dma_wait3A_182] : memref<320000x128xf32, #tpu.memory_space<hbm>> -> memref<400x128xf32, #tpu.memory_space<hbm>>
    %dma_wait3A_184 = arith.constant 0 : i32
    %dma_wait3A_185 = arith.constant 0 : i32
    %dma_wait3A_186 = tpu.memref_slice %arg11[%dma_wait3A_172, %dma_wait3A_184, %dma_wait3A_185] : memref<2x400x128xf32, #tpu.memory_space<vmem>> -> memref<1x400x128xf32, #tpu.memory_space<vmem>>
    %dma_wait3A_187 = tpu.memref_squeeze %dma_wait3A_186 : memref<1x400x128xf32, #tpu.memory_space<vmem>> -> memref<400x128xf32, #tpu.memory_space<vmem>>
    tpu.wait_dma2 semaphore(%dma_wait3A_181 : memref<!tpu.dma_semaphore, #tpu.memory_space<semaphore_mem>>) src(%dma_wait3A_187 : memref<400x128xf32, #tpu.memory_space<vmem>>) dst(%dma_wait3A_183 : memref<400x128xf32, #tpu.memory_space<hbm>>)
    %dma_wait3A_188 = arith.constant 0 : i32
    %dma_wait3A_189 = arith.constant 0 : i32
    %dma_wait3A_190 = arith.constant 0 : i32
    %dma_wait3A_191 = arith.constant 0 : i32
    %dma_wait3A_192 = tpu.memref_slice %arg12[%dma_wait3A_188, %dma_wait3A_190, %dma_wait3A_191] : memref<2x400x16xf32, #tpu.memory_space<vmem>> -> memref<1x400x16xf32, #tpu.memory_space<vmem>>
    %dma_wait3A_193 = tpu.memref_squeeze %dma_wait3A_192 : memref<1x400x16xf32, #tpu.memory_space<vmem>> -> memref<400x16xf32, #tpu.memory_space<vmem>>
    %dma_wait3A_194 = arith.constant 0 : i32
    %dma_wait3A_195 = tpu.memref_slice %arg9[%add3A_171, %dma_wait3A_194] : memref<320000x128xf32, #tpu.memory_space<hbm>> -> memref<400x16xf32, #tpu.memory_space<hbm>>
    %dma_wait3A_196 = tpu.memref_slice %arg14[%dma_wait3A_189] : memref<2x!tpu.dma_semaphore, #tpu.memory_space<semaphore_mem>> -> memref<1x!tpu.dma_semaphore, #tpu.memory_space<semaphore_mem>>
    %dma_wait3A_197 = tpu.memref_squeeze %dma_wait3A_196 : memref<1x!tpu.dma_semaphore, #tpu.memory_space<semaphore_mem>> -> memref<!tpu.dma_semaphore, #tpu.memory_space<semaphore_mem>>
    %dma_wait3A_198 = arith.constant 0 : i32
    %dma_wait3A_199 = tpu.memref_slice %arg9[%add3A_171, %dma_wait3A_198] : memref<320000x128xf32, #tpu.memory_space<hbm>> -> memref<400x16xf32, #tpu.memory_space<hbm>>
    %dma_wait3A_200 = arith.constant 0 : i32
    %dma_wait3A_201 = arith.constant 0 : i32
    %dma_wait3A_202 = tpu.memref_slice %arg12[%dma_wait3A_188, %dma_wait3A_200, %dma_wait3A_201] : memref<2x400x16xf32, #tpu.memory_space<vmem>> -> memref<1x400x16xf32, #tpu.memory_space<vmem>>
    %dma_wait3A_203 = tpu.memref_squeeze %dma_wait3A_202 : memref<1x400x16xf32, #tpu.memory_space<vmem>> -> memref<400x16xf32, #tpu.memory_space<vmem>>
    tpu.wait_dma2 semaphore(%dma_wait3A_197 : memref<!tpu.dma_semaphore, #tpu.memory_space<semaphore_mem>>) src(%dma_wait3A_203 : memref<400x16xf32, #tpu.memory_space<vmem>>) dst(%dma_wait3A_199 : memref<400x16xf32, #tpu.memory_space<hbm>>)
    return
  }
}

#map = affine_map<(d0, d1) -> (0, 0)>
#map1 = affine_map<(d0, d1) -> (0)>
module attributes {stable_mosaic.version = 14 : i64} {
  func.func @scatter_k(%arg0: i32, %arg1: i32, %arg2: memref<320000x128xf32, #tpu.memory_space<hbm>>, %arg3: memref<320000x128xf32, #tpu.memory_space<hbm>>, %arg4: memref<320000xi32, #tpu.memory_space<hbm>>, %arg5: memref<632x128xf32, #tpu.memory_space<hbm>>, %arg6: memref<20000x128xf32, #tpu.memory_space<hbm>>, %arg7: memref<20000x16xf32, #tpu.memory_space<hbm>>, %arg8: memref<2x80xi32, #tpu.memory_space<vmem>>, %arg9: memref<2x80x128xf32, #tpu.memory_space<vmem>>, %arg10: memref<2x!tpu.dma_semaphore, #tpu.memory_space<semaphore_mem>>, %arg11: memref<2x!tpu.dma_semaphore, #tpu.memory_space<semaphore_mem>>, %arg12: memref<10000x128xf32, #tpu.memory_space<vmem_shared>>, %arg13: memref<2x80x16xf32, #tpu.memory_space<vmem>>, %arg14: memref<10000x16xf32, #tpu.memory_space<vmem_shared>>) attributes {dimension_semantics = [#tpu.dimension_semantics<core_parallel>, #tpu.dimension_semantics<subcore_parallel>], iteration_bounds = array<i64: 2, 16>, scalar_prefetch = 0 : i64, scratch_operands = 7 : i64, tpu.core_type = #tpu.core_type<sc_vector_subcore>, window_params = [{transform_indices = #map}, {transform_indices = #map}, {transform_indices = #map1}, {transform_indices = #map}, {transform_indices = #map}, {transform_indices = #map}]} {
    %mul3A = arith.constant 2 : i32
    %mul3A_0 = arith.muli %arg1, %mul3A : i32
    %add3A = arith.addi %mul3A_0, %arg0 : i32
    %mul3A_1 = arith.constant 632 : i32
    %mul3A_2 = arith.muli %arg1, %mul3A_1 : i32
    %eq3A = arith.constant 15 : i32
    %eq3A_3 = arith.cmpi eq, %arg1, %eq3A : i32
    %jit3A = arith.constant 520 : i32
    %jit3A_4 = arith.constant 632 : i32
    %select_n3A = arith.select %eq3A_3, %jit3A, %jit3A_4 : i32
    "tpu.region"() ({
      %run_scoped3A = tpu.sem_alloc : memref<!tpu.dma_semaphore, #tpu.memory_space<semaphore_mem>>
      %dma_start3A_64 = arith.constant 0 : i32
      %dma_start3A_65 = tpu.memref_slice %arg12[%mul3A_2, %dma_start3A_64] <%select_n3A> : memref<10000x128xf32, #tpu.memory_space<vmem_shared>> -> memref<?x128xf32, #tpu.memory_space<vmem_shared>>
      %dma_start3A_66 = arith.constant 0 : i32
      %dma_start3A_67 = arith.constant 0 : i32
      %dma_start3A_68 = tpu.memref_slice %arg5[%dma_start3A_66, %dma_start3A_67] <%select_n3A> : memref<632x128xf32, #tpu.memory_space<hbm>> -> memref<?x128xf32, #tpu.memory_space<hbm>>
      tpu.enqueue_dma source(%dma_start3A_68 : memref<?x128xf32, #tpu.memory_space<hbm>>) target(%dma_start3A_65 : memref<?x128xf32, #tpu.memory_space<vmem_shared>>) target_semaphore(%run_scoped3A : memref<!tpu.dma_semaphore, #tpu.memory_space<semaphore_mem>>)
      %dma_wait3A = arith.constant 0 : i32
      %dma_wait3A_69 = tpu.memref_slice %arg12[%mul3A_2, %dma_wait3A] <%select_n3A> : memref<10000x128xf32, #tpu.memory_space<vmem_shared>> -> memref<?x128xf32, #tpu.memory_space<vmem_shared>>
      %dma_wait3A_70 = arith.constant 0 : i32
      %dma_wait3A_71 = arith.constant 0 : i32
      %dma_wait3A_72 = tpu.memref_slice %arg5[%dma_wait3A_70, %dma_wait3A_71] <%select_n3A> : memref<632x128xf32, #tpu.memory_space<hbm>> -> memref<?x128xf32, #tpu.memory_space<hbm>>
      tpu.wait_dma2 semaphore(%run_scoped3A : memref<!tpu.dma_semaphore, #tpu.memory_space<semaphore_mem>>) src(%dma_wait3A_72 : memref<?x128xf32, #tpu.memory_space<hbm>>) dst(%dma_wait3A_69 : memref<?x128xf32, #tpu.memory_space<vmem_shared>>)
      tpu.yield
    }) : () -> ()
    "tpu.region"() ({
      %run_scoped3A = tpu.sem_alloc : memref<!tpu.dma_semaphore, #tpu.memory_space<semaphore_mem>>
      %dma_start3A_64 = arith.constant 0 : i32
      %dma_start3A_65 = tpu.memref_slice %arg14[%mul3A_2, %dma_start3A_64] <%select_n3A> : memref<10000x16xf32, #tpu.memory_space<vmem_shared>> -> memref<?x16xf32, #tpu.memory_space<vmem_shared>>
      %dma_start3A_66 = arith.constant 0 : i32
      %dma_start3A_67 = arith.constant 0 : i32
      %dma_start3A_68 = tpu.memref_slice %arg5[%dma_start3A_66, %dma_start3A_67] <%select_n3A> : memref<632x128xf32, #tpu.memory_space<hbm>> -> memref<?x16xf32, #tpu.memory_space<hbm>>
      tpu.enqueue_dma source(%dma_start3A_68 : memref<?x16xf32, #tpu.memory_space<hbm>>) target(%dma_start3A_65 : memref<?x16xf32, #tpu.memory_space<vmem_shared>>) target_semaphore(%run_scoped3A : memref<!tpu.dma_semaphore, #tpu.memory_space<semaphore_mem>>)
      %dma_wait3A = arith.constant 0 : i32
      %dma_wait3A_69 = tpu.memref_slice %arg14[%mul3A_2, %dma_wait3A] <%select_n3A> : memref<10000x16xf32, #tpu.memory_space<vmem_shared>> -> memref<?x16xf32, #tpu.memory_space<vmem_shared>>
      %dma_wait3A_70 = arith.constant 0 : i32
      %dma_wait3A_71 = arith.constant 0 : i32
      %dma_wait3A_72 = tpu.memref_slice %arg5[%dma_wait3A_70, %dma_wait3A_71] <%select_n3A> : memref<632x128xf32, #tpu.memory_space<hbm>> -> memref<?x16xf32, #tpu.memory_space<hbm>>
      tpu.wait_dma2 semaphore(%run_scoped3A : memref<!tpu.dma_semaphore, #tpu.memory_space<semaphore_mem>>) src(%dma_wait3A_72 : memref<?x16xf32, #tpu.memory_space<hbm>>) dst(%dma_wait3A_69 : memref<?x16xf32, #tpu.memory_space<vmem_shared>>)
      tpu.yield
    }) : () -> ()
    %barrier3A = arith.constant 0 : index
    tpu.barrier barrier_id(%barrier3A)
    %mul3A_5 = arith.constant 10000 : i32
    %mul3A_6 = arith.muli %add3A, %mul3A_5 : i32
    %add3A_7 = arith.constant 0 : i32
    %add3A_8 = arith.addi %mul3A_6, %add3A_7 : i32
    %dma_start3A = arith.constant 0 : i32
    %dma_start3A_9 = arith.constant 0 : i32
    %dma_start3A_10 = arith.constant 0 : i32
    %dma_start3A_11 = tpu.memref_slice %arg8[%dma_start3A, %dma_start3A_10] : memref<2x80xi32, #tpu.memory_space<vmem>> -> memref<1x80xi32, #tpu.memory_space<vmem>>
    %dma_start3A_12 = tpu.memref_squeeze %dma_start3A_11 : memref<1x80xi32, #tpu.memory_space<vmem>> -> memref<80xi32, #tpu.memory_space<vmem>>
    %dma_start3A_13 = tpu.memref_slice %arg4[%add3A_8] : memref<320000xi32, #tpu.memory_space<hbm>> -> memref<80xi32, #tpu.memory_space<hbm>>
    %dma_start3A_14 = tpu.memref_slice %arg10[%dma_start3A_9] : memref<2x!tpu.dma_semaphore, #tpu.memory_space<semaphore_mem>> -> memref<1x!tpu.dma_semaphore, #tpu.memory_space<semaphore_mem>>
    %dma_start3A_15 = tpu.memref_squeeze %dma_start3A_14 : memref<1x!tpu.dma_semaphore, #tpu.memory_space<semaphore_mem>> -> memref<!tpu.dma_semaphore, #tpu.memory_space<semaphore_mem>>
    %dma_start3A_16 = arith.constant 0 : i32
    %dma_start3A_17 = tpu.memref_slice %arg8[%dma_start3A, %dma_start3A_16] : memref<2x80xi32, #tpu.memory_space<vmem>> -> memref<1x80xi32, #tpu.memory_space<vmem>>
    %dma_start3A_18 = tpu.memref_squeeze %dma_start3A_17 : memref<1x80xi32, #tpu.memory_space<vmem>> -> memref<80xi32, #tpu.memory_space<vmem>>
    %dma_start3A_19 = tpu.memref_slice %arg4[%add3A_8] : memref<320000xi32, #tpu.memory_space<hbm>> -> memref<80xi32, #tpu.memory_space<hbm>>
    tpu.enqueue_dma source(%dma_start3A_19 : memref<80xi32, #tpu.memory_space<hbm>>) target(%dma_start3A_18 : memref<80xi32, #tpu.memory_space<vmem>>) target_semaphore(%dma_start3A_15 : memref<!tpu.dma_semaphore, #tpu.memory_space<semaphore_mem>>)
    %dma_start3A_20 = arith.constant 0 : i32
    %dma_start3A_21 = arith.constant 0 : i32
    %dma_start3A_22 = arith.constant 0 : i32
    %dma_start3A_23 = arith.constant 0 : i32
    %dma_start3A_24 = tpu.memref_slice %arg9[%dma_start3A_20, %dma_start3A_22, %dma_start3A_23] : memref<2x80x128xf32, #tpu.memory_space<vmem>> -> memref<1x80x128xf32, #tpu.memory_space<vmem>>
    %dma_start3A_25 = tpu.memref_squeeze %dma_start3A_24 : memref<1x80x128xf32, #tpu.memory_space<vmem>> -> memref<80x128xf32, #tpu.memory_space<vmem>>
    %dma_start3A_26 = arith.constant 0 : i32
    %dma_start3A_27 = tpu.memref_slice %arg2[%add3A_8, %dma_start3A_26] : memref<320000x128xf32, #tpu.memory_space<hbm>> -> memref<80x128xf32, #tpu.memory_space<hbm>>
    %dma_start3A_28 = tpu.memref_slice %arg11[%dma_start3A_21] : memref<2x!tpu.dma_semaphore, #tpu.memory_space<semaphore_mem>> -> memref<1x!tpu.dma_semaphore, #tpu.memory_space<semaphore_mem>>
    %dma_start3A_29 = tpu.memref_squeeze %dma_start3A_28 : memref<1x!tpu.dma_semaphore, #tpu.memory_space<semaphore_mem>> -> memref<!tpu.dma_semaphore, #tpu.memory_space<semaphore_mem>>
    %dma_start3A_30 = arith.constant 0 : i32
    %dma_start3A_31 = arith.constant 0 : i32
    %dma_start3A_32 = tpu.memref_slice %arg9[%dma_start3A_20, %dma_start3A_30, %dma_start3A_31] : memref<2x80x128xf32, #tpu.memory_space<vmem>> -> memref<1x80x128xf32, #tpu.memory_space<vmem>>
    %dma_start3A_33 = tpu.memref_squeeze %dma_start3A_32 : memref<1x80x128xf32, #tpu.memory_space<vmem>> -> memref<80x128xf32, #tpu.memory_space<vmem>>
    %dma_start3A_34 = arith.constant 0 : i32
    %dma_start3A_35 = tpu.memref_slice %arg2[%add3A_8, %dma_start3A_34] : memref<320000x128xf32, #tpu.memory_space<hbm>> -> memref<80x128xf32, #tpu.memory_space<hbm>>
    tpu.enqueue_dma source(%dma_start3A_35 : memref<80x128xf32, #tpu.memory_space<hbm>>) target(%dma_start3A_33 : memref<80x128xf32, #tpu.memory_space<vmem>>) target_semaphore(%dma_start3A_29 : memref<!tpu.dma_semaphore, #tpu.memory_space<semaphore_mem>>)
    %dma_start3A_36 = arith.constant 0 : i32
    %dma_start3A_37 = arith.constant 0 : i32
    %dma_start3A_38 = arith.constant 0 : i32
    %dma_start3A_39 = arith.constant 0 : i32
    %dma_start3A_40 = tpu.memref_slice %arg13[%dma_start3A_36, %dma_start3A_38, %dma_start3A_39] : memref<2x80x16xf32, #tpu.memory_space<vmem>> -> memref<1x80x16xf32, #tpu.memory_space<vmem>>
    %dma_start3A_41 = tpu.memref_squeeze %dma_start3A_40 : memref<1x80x16xf32, #tpu.memory_space<vmem>> -> memref<80x16xf32, #tpu.memory_space<vmem>>
    %dma_start3A_42 = arith.constant 0 : i32
    %dma_start3A_43 = tpu.memref_slice %arg3[%add3A_8, %dma_start3A_42] : memref<320000x128xf32, #tpu.memory_space<hbm>> -> memref<80x16xf32, #tpu.memory_space<hbm>>
    %dma_start3A_44 = tpu.memref_slice %arg11[%dma_start3A_37] : memref<2x!tpu.dma_semaphore, #tpu.memory_space<semaphore_mem>> -> memref<1x!tpu.dma_semaphore, #tpu.memory_space<semaphore_mem>>
    %dma_start3A_45 = tpu.memref_squeeze %dma_start3A_44 : memref<1x!tpu.dma_semaphore, #tpu.memory_space<semaphore_mem>> -> memref<!tpu.dma_semaphore, #tpu.memory_space<semaphore_mem>>
    %dma_start3A_46 = arith.constant 0 : i32
    %dma_start3A_47 = arith.constant 0 : i32
    %dma_start3A_48 = tpu.memref_slice %arg13[%dma_start3A_36, %dma_start3A_46, %dma_start3A_47] : memref<2x80x16xf32, #tpu.memory_space<vmem>> -> memref<1x80x16xf32, #tpu.memory_space<vmem>>
    %dma_start3A_49 = tpu.memref_squeeze %dma_start3A_48 : memref<1x80x16xf32, #tpu.memory_space<vmem>> -> memref<80x16xf32, #tpu.memory_space<vmem>>
    %dma_start3A_50 = arith.constant 0 : i32
    %dma_start3A_51 = tpu.memref_slice %arg3[%add3A_8, %dma_start3A_50] : memref<320000x128xf32, #tpu.memory_space<hbm>> -> memref<80x16xf32, #tpu.memory_space<hbm>>
    tpu.enqueue_dma source(%dma_start3A_51 : memref<80x16xf32, #tpu.memory_space<hbm>>) target(%dma_start3A_49 : memref<80x16xf32, #tpu.memory_space<vmem>>) target_semaphore(%dma_start3A_45 : memref<!tpu.dma_semaphore, #tpu.memory_space<semaphore_mem>>)
    %scan3A = arith.constant 0 : i32
    %scan3A_52 = arith.constant 0 : i32
    %scan3A_53 = arith.constant 125 : i32
    %scan3A_54 = arith.addi %scan3A_52, %scan3A_53 : i32
    %scan3A_55 = arith.constant 1 : i32
    scf.for %scan3A_64 = %scan3A_52 to %scan3A_54 step %scan3A_55  : i32 {
      %jit3A_65 = arith.constant 2 : i32
      %eq3A_66 = arith.constant 0 : i32
      %eq3A_67 = arith.cmpi eq, %jit3A_65, %eq3A_66 : i32
      %jit3A_68 = arith.constant 1 : i32
      %select_n3A_69 = arith.select %eq3A_67, %jit3A_68, %jit3A_65 : i32
      %rem3A = arith.remsi %scan3A_64, %select_n3A_69 : i32
      %ne3A = arith.constant 0 : i32
      %ne3A_70 = arith.cmpi ne, %rem3A, %ne3A : i32
      %lt3A = arith.constant 0 : i32
      %lt3A_71 = arith.cmpi slt, %rem3A, %lt3A : i32
      %lt3A_72 = arith.constant 0 : i32
      %lt3A_73 = arith.cmpi slt, %select_n3A_69, %lt3A_72 : i32
      %ne3A_74 = arith.xori %lt3A_71, %lt3A_73 : i1
      %and3A = arith.andi %ne3A_74, %ne3A_70 : i1
      %add3A_75 = arith.addi %rem3A, %select_n3A_69 : i32
      %select_n3A_76 = arith.select %and3A, %add3A_75, %rem3A : i32
      %add3A_77 = arith.constant 1 : i32
      %add3A_78 = arith.addi %scan3A_64, %add3A_77 : i32
      %lt3A_79 = arith.constant 125 : i32
      %lt3A_80 = arith.cmpi slt, %add3A_78, %lt3A_79 : i32
      %convert_element_type3A = arith.extui %lt3A_80 : i1 to i32
      %cond3A = arith.constant 0 : i32
      %cond3A_81 = arith.cmpi ne, %convert_element_type3A, %cond3A : i32
      scf.if %cond3A_81 {
        %add3A_122 = arith.constant 1 : i32
        %add3A_123 = arith.addi %scan3A_64, %add3A_122 : i32
        %sub3A = arith.constant 1 : i32
        %sub3A_124 = arith.subi %sub3A, %select_n3A_76 : i32
        %mul3A_125 = arith.constant 80 : i32
        %mul3A_126 = arith.muli %add3A_123, %mul3A_125 : i32
        %add3A_127 = arith.addi %mul3A_6, %mul3A_126 : i32
        %dma_start3A_128 = arith.constant 0 : i32
        %dma_start3A_129 = tpu.memref_slice %arg8[%sub3A_124, %dma_start3A_128] : memref<2x80xi32, #tpu.memory_space<vmem>> -> memref<1x80xi32, #tpu.memory_space<vmem>>
        %dma_start3A_130 = tpu.memref_squeeze %dma_start3A_129 : memref<1x80xi32, #tpu.memory_space<vmem>> -> memref<80xi32, #tpu.memory_space<vmem>>
        %dma_start3A_131 = tpu.memref_slice %arg4[%add3A_127] : memref<320000xi32, #tpu.memory_space<hbm>> -> memref<80xi32, #tpu.memory_space<hbm>>
        %dma_start3A_132 = tpu.memref_slice %arg10[%sub3A_124] : memref<2x!tpu.dma_semaphore, #tpu.memory_space<semaphore_mem>> -> memref<1x!tpu.dma_semaphore, #tpu.memory_space<semaphore_mem>>
        %dma_start3A_133 = tpu.memref_squeeze %dma_start3A_132 : memref<1x!tpu.dma_semaphore, #tpu.memory_space<semaphore_mem>> -> memref<!tpu.dma_semaphore, #tpu.memory_space<semaphore_mem>>
        %dma_start3A_134 = arith.constant 0 : i32
        %dma_start3A_135 = tpu.memref_slice %arg8[%sub3A_124, %dma_start3A_134] : memref<2x80xi32, #tpu.memory_space<vmem>> -> memref<1x80xi32, #tpu.memory_space<vmem>>
        %dma_start3A_136 = tpu.memref_squeeze %dma_start3A_135 : memref<1x80xi32, #tpu.memory_space<vmem>> -> memref<80xi32, #tpu.memory_space<vmem>>
        %dma_start3A_137 = tpu.memref_slice %arg4[%add3A_127] : memref<320000xi32, #tpu.memory_space<hbm>> -> memref<80xi32, #tpu.memory_space<hbm>>
        tpu.enqueue_dma source(%dma_start3A_137 : memref<80xi32, #tpu.memory_space<hbm>>) target(%dma_start3A_136 : memref<80xi32, #tpu.memory_space<vmem>>) target_semaphore(%dma_start3A_133 : memref<!tpu.dma_semaphore, #tpu.memory_space<semaphore_mem>>)
        %dma_start3A_138 = arith.constant 0 : i32
        %dma_start3A_139 = arith.constant 0 : i32
        %dma_start3A_140 = tpu.memref_slice %arg9[%sub3A_124, %dma_start3A_138, %dma_start3A_139] : memref<2x80x128xf32, #tpu.memory_space<vmem>> -> memref<1x80x128xf32, #tpu.memory_space<vmem>>
        %dma_start3A_141 = tpu.memref_squeeze %dma_start3A_140 : memref<1x80x128xf32, #tpu.memory_space<vmem>> -> memref<80x128xf32, #tpu.memory_space<vmem>>
        %dma_start3A_142 = arith.constant 0 : i32
        %dma_start3A_143 = tpu.memref_slice %arg2[%add3A_127, %dma_start3A_142] : memref<320000x128xf32, #tpu.memory_space<hbm>> -> memref<80x128xf32, #tpu.memory_space<hbm>>
        %dma_start3A_144 = tpu.memref_slice %arg11[%sub3A_124] : memref<2x!tpu.dma_semaphore, #tpu.memory_space<semaphore_mem>> -> memref<1x!tpu.dma_semaphore, #tpu.memory_space<semaphore_mem>>
        %dma_start3A_145 = tpu.memref_squeeze %dma_start3A_144 : memref<1x!tpu.dma_semaphore, #tpu.memory_space<semaphore_mem>> -> memref<!tpu.dma_semaphore, #tpu.memory_space<semaphore_mem>>
        %dma_start3A_146 = arith.constant 0 : i32
        %dma_start3A_147 = arith.constant 0 : i32
        %dma_start3A_148 = tpu.memref_slice %arg9[%sub3A_124, %dma_start3A_146, %dma_start3A_147] : memref<2x80x128xf32, #tpu.memory_space<vmem>> -> memref<1x80x128xf32, #tpu.memory_space<vmem>>
        %dma_start3A_149 = tpu.memref_squeeze %dma_start3A_148 : memref<1x80x128xf32, #tpu.memory_space<vmem>> -> memref<80x128xf32, #tpu.memory_space<vmem>>
        %dma_start3A_150 = arith.constant 0 : i32
        %dma_start3A_151 = tpu.memref_slice %arg2[%add3A_127, %dma_start3A_150] : memref<320000x128xf32, #tpu.memory_space<hbm>> -> memref<80x128xf32, #tpu.memory_space<hbm>>
        tpu.enqueue_dma source(%dma_start3A_151 : memref<80x128xf32, #tpu.memory_space<hbm>>) target(%dma_start3A_149 : memref<80x128xf32, #tpu.memory_space<vmem>>) target_semaphore(%dma_start3A_145 : memref<!tpu.dma_semaphore, #tpu.memory_space<semaphore_mem>>)
        %dma_start3A_152 = arith.constant 0 : i32
        %dma_start3A_153 = arith.constant 0 : i32
        %dma_start3A_154 = tpu.memref_slice %arg13[%sub3A_124, %dma_start3A_152, %dma_start3A_153] : memref<2x80x16xf32, #tpu.memory_space<vmem>> -> memref<1x80x16xf32, #tpu.memory_space<vmem>>
        %dma_start3A_155 = tpu.memref_squeeze %dma_start3A_154 : memref<1x80x16xf32, #tpu.memory_space<vmem>> -> memref<80x16xf32, #tpu.memory_space<vmem>>
        %dma_start3A_156 = arith.constant 0 : i32
        %dma_start3A_157 = tpu.memref_slice %arg3[%add3A_127, %dma_start3A_156] : memref<320000x128xf32, #tpu.memory_space<hbm>> -> memref<80x16xf32, #tpu.memory_space<hbm>>
        %dma_start3A_158 = tpu.memref_slice %arg11[%sub3A_124] : memref<2x!tpu.dma_semaphore, #tpu.memory_space<semaphore_mem>> -> memref<1x!tpu.dma_semaphore, #tpu.memory_space<semaphore_mem>>
        %dma_start3A_159 = tpu.memref_squeeze %dma_start3A_158 : memref<1x!tpu.dma_semaphore, #tpu.memory_space<semaphore_mem>> -> memref<!tpu.dma_semaphore, #tpu.memory_space<semaphore_mem>>
        %dma_start3A_160 = arith.constant 0 : i32
        %dma_start3A_161 = arith.constant 0 : i32
        %dma_start3A_162 = tpu.memref_slice %arg13[%sub3A_124, %dma_start3A_160, %dma_start3A_161] : memref<2x80x16xf32, #tpu.memory_space<vmem>> -> memref<1x80x16xf32, #tpu.memory_space<vmem>>
        %dma_start3A_163 = tpu.memref_squeeze %dma_start3A_162 : memref<1x80x16xf32, #tpu.memory_space<vmem>> -> memref<80x16xf32, #tpu.memory_space<vmem>>
        %dma_start3A_164 = arith.constant 0 : i32
        %dma_start3A_165 = tpu.memref_slice %arg3[%add3A_127, %dma_start3A_164] : memref<320000x128xf32, #tpu.memory_space<hbm>> -> memref<80x16xf32, #tpu.memory_space<hbm>>
        tpu.enqueue_dma source(%dma_start3A_165 : memref<80x16xf32, #tpu.memory_space<hbm>>) target(%dma_start3A_163 : memref<80x16xf32, #tpu.memory_space<vmem>>) target_semaphore(%dma_start3A_159 : memref<!tpu.dma_semaphore, #tpu.memory_space<semaphore_mem>>)
      } else {
      }
      %mul3A_82 = arith.constant 80 : i32
      %mul3A_83 = arith.muli %scan3A_64, %mul3A_82 : i32
      %add3A_84 = arith.addi %mul3A_6, %mul3A_83 : i32
      %dma_wait3A = arith.constant 0 : i32
      %dma_wait3A_85 = tpu.memref_slice %arg8[%select_n3A_76, %dma_wait3A] : memref<2x80xi32, #tpu.memory_space<vmem>> -> memref<1x80xi32, #tpu.memory_space<vmem>>
      %dma_wait3A_86 = tpu.memref_squeeze %dma_wait3A_85 : memref<1x80xi32, #tpu.memory_space<vmem>> -> memref<80xi32, #tpu.memory_space<vmem>>
      %dma_wait3A_87 = tpu.memref_slice %arg4[%add3A_84] : memref<320000xi32, #tpu.memory_space<hbm>> -> memref<80xi32, #tpu.memory_space<hbm>>
      %dma_wait3A_88 = tpu.memref_slice %arg10[%select_n3A_76] : memref<2x!tpu.dma_semaphore, #tpu.memory_space<semaphore_mem>> -> memref<1x!tpu.dma_semaphore, #tpu.memory_space<semaphore_mem>>
      %dma_wait3A_89 = tpu.memref_squeeze %dma_wait3A_88 : memref<1x!tpu.dma_semaphore, #tpu.memory_space<semaphore_mem>> -> memref<!tpu.dma_semaphore, #tpu.memory_space<semaphore_mem>>
      %dma_wait3A_90 = arith.constant 0 : i32
      %dma_wait3A_91 = tpu.memref_slice %arg8[%select_n3A_76, %dma_wait3A_90] : memref<2x80xi32, #tpu.memory_space<vmem>> -> memref<1x80xi32, #tpu.memory_space<vmem>>
      %dma_wait3A_92 = tpu.memref_squeeze %dma_wait3A_91 : memref<1x80xi32, #tpu.memory_space<vmem>> -> memref<80xi32, #tpu.memory_space<vmem>>
      %dma_wait3A_93 = tpu.memref_slice %arg4[%add3A_84] : memref<320000xi32, #tpu.memory_space<hbm>> -> memref<80xi32, #tpu.memory_space<hbm>>
      tpu.wait_dma2 semaphore(%dma_wait3A_89 : memref<!tpu.dma_semaphore, #tpu.memory_space<semaphore_mem>>) src(%dma_wait3A_93 : memref<80xi32, #tpu.memory_space<hbm>>) dst(%dma_wait3A_92 : memref<80xi32, #tpu.memory_space<vmem>>)
      %dma_wait3A_94 = arith.constant 0 : i32
      %dma_wait3A_95 = arith.constant 0 : i32
      %dma_wait3A_96 = tpu.memref_slice %arg9[%select_n3A_76, %dma_wait3A_94, %dma_wait3A_95] : memref<2x80x128xf32, #tpu.memory_space<vmem>> -> memref<1x80x128xf32, #tpu.memory_space<vmem>>
      %dma_wait3A_97 = tpu.memref_squeeze %dma_wait3A_96 : memref<1x80x128xf32, #tpu.memory_space<vmem>> -> memref<80x128xf32, #tpu.memory_space<vmem>>
      %dma_wait3A_98 = arith.constant 0 : i32
      %dma_wait3A_99 = tpu.memref_slice %arg2[%add3A_84, %dma_wait3A_98] : memref<320000x128xf32, #tpu.memory_space<hbm>> -> memref<80x128xf32, #tpu.memory_space<hbm>>
      %dma_wait3A_100 = tpu.memref_slice %arg11[%select_n3A_76] : memref<2x!tpu.dma_semaphore, #tpu.memory_space<semaphore_mem>> -> memref<1x!tpu.dma_semaphore, #tpu.memory_space<semaphore_mem>>
      %dma_wait3A_101 = tpu.memref_squeeze %dma_wait3A_100 : memref<1x!tpu.dma_semaphore, #tpu.memory_space<semaphore_mem>> -> memref<!tpu.dma_semaphore, #tpu.memory_space<semaphore_mem>>
      %dma_wait3A_102 = arith.constant 0 : i32
      %dma_wait3A_103 = arith.constant 0 : i32
      %dma_wait3A_104 = tpu.memref_slice %arg9[%select_n3A_76, %dma_wait3A_102, %dma_wait3A_103] : memref<2x80x128xf32, #tpu.memory_space<vmem>> -> memref<1x80x128xf32, #tpu.memory_space<vmem>>
      %dma_wait3A_105 = tpu.memref_squeeze %dma_wait3A_104 : memref<1x80x128xf32, #tpu.memory_space<vmem>> -> memref<80x128xf32, #tpu.memory_space<vmem>>
      %dma_wait3A_106 = arith.constant 0 : i32
      %dma_wait3A_107 = tpu.memref_slice %arg2[%add3A_84, %dma_wait3A_106] : memref<320000x128xf32, #tpu.memory_space<hbm>> -> memref<80x128xf32, #tpu.memory_space<hbm>>
      tpu.wait_dma2 semaphore(%dma_wait3A_101 : memref<!tpu.dma_semaphore, #tpu.memory_space<semaphore_mem>>) src(%dma_wait3A_107 : memref<80x128xf32, #tpu.memory_space<hbm>>) dst(%dma_wait3A_105 : memref<80x128xf32, #tpu.memory_space<vmem>>)
      %dma_wait3A_108 = arith.constant 0 : i32
      %dma_wait3A_109 = arith.constant 0 : i32
      %dma_wait3A_110 = tpu.memref_slice %arg13[%select_n3A_76, %dma_wait3A_108, %dma_wait3A_109] : memref<2x80x16xf32, #tpu.memory_space<vmem>> -> memref<1x80x16xf32, #tpu.memory_space<vmem>>
      %dma_wait3A_111 = tpu.memref_squeeze %dma_wait3A_110 : memref<1x80x16xf32, #tpu.memory_space<vmem>> -> memref<80x16xf32, #tpu.memory_space<vmem>>
      %dma_wait3A_112 = arith.constant 0 : i32
      %dma_wait3A_113 = tpu.memref_slice %arg3[%add3A_84, %dma_wait3A_112] : memref<320000x128xf32, #tpu.memory_space<hbm>> -> memref<80x16xf32, #tpu.memory_space<hbm>>
      %dma_wait3A_114 = tpu.memref_slice %arg11[%select_n3A_76] : memref<2x!tpu.dma_semaphore, #tpu.memory_space<semaphore_mem>> -> memref<1x!tpu.dma_semaphore, #tpu.memory_space<semaphore_mem>>
      %dma_wait3A_115 = tpu.memref_squeeze %dma_wait3A_114 : memref<1x!tpu.dma_semaphore, #tpu.memory_space<semaphore_mem>> -> memref<!tpu.dma_semaphore, #tpu.memory_space<semaphore_mem>>
      %dma_wait3A_116 = arith.constant 0 : i32
      %dma_wait3A_117 = arith.constant 0 : i32
      %dma_wait3A_118 = tpu.memref_slice %arg13[%select_n3A_76, %dma_wait3A_116, %dma_wait3A_117] : memref<2x80x16xf32, #tpu.memory_space<vmem>> -> memref<1x80x16xf32, #tpu.memory_space<vmem>>
      %dma_wait3A_119 = tpu.memref_squeeze %dma_wait3A_118 : memref<1x80x16xf32, #tpu.memory_space<vmem>> -> memref<80x16xf32, #tpu.memory_space<vmem>>
      %dma_wait3A_120 = arith.constant 0 : i32
      %dma_wait3A_121 = tpu.memref_slice %arg3[%add3A_84, %dma_wait3A_120] : memref<320000x128xf32, #tpu.memory_space<hbm>> -> memref<80x16xf32, #tpu.memory_space<hbm>>
      tpu.wait_dma2 semaphore(%dma_wait3A_115 : memref<!tpu.dma_semaphore, #tpu.memory_space<semaphore_mem>>) src(%dma_wait3A_121 : memref<80x16xf32, #tpu.memory_space<hbm>>) dst(%dma_wait3A_119 : memref<80x16xf32, #tpu.memory_space<vmem>>)
      "tpu.region"() ({
        %run_scoped3A = tpu.sem_alloc : memref<!tpu.dma_semaphore, #tpu.memory_space<semaphore_mem>>
        %dma_start3A_122 = arith.constant 0 : i32
        %dma_start3A_123 = arith.constant 0 : i32
        %dma_start3A_124 = tpu.memref_slice %arg9[%select_n3A_76, %dma_start3A_122, %dma_start3A_123] : memref<2x80x128xf32, #tpu.memory_space<vmem>> -> memref<1x80x128xf32, #tpu.memory_space<vmem>>
        %dma_start3A_125 = tpu.memref_squeeze %dma_start3A_124 : memref<1x80x128xf32, #tpu.memory_space<vmem>> -> memref<80x128xf32, #tpu.memory_space<vmem>>
        %dma_start3A_126 = arith.constant 0 : i32
        %dma_start3A_127 = tpu.memref_slice %arg8[%select_n3A_76, %dma_start3A_126] : memref<2x80xi32, #tpu.memory_space<vmem>> -> memref<1x80xi32, #tpu.memory_space<vmem>>
        %dma_start3A_128 = tpu.memref_squeeze %dma_start3A_127 : memref<1x80xi32, #tpu.memory_space<vmem>> -> memref<80xi32, #tpu.memory_space<vmem>>
        %dma_start3A_129 = arith.constant 0 : i32
        %dma_start3A_130 = arith.constant 0 : i32
        %dma_start3A_131 = tpu.memref_slice %arg12[%dma_start3A_129, %dma_start3A_130] : memref<10000x128xf32, #tpu.memory_space<vmem_shared>> -> memref<10000x128xf32, #tpu.memory_space<vmem_shared>>
        tpu.enqueue_indirect_dma source(%dma_start3A_125 : memref<80x128xf32, #tpu.memory_space<vmem>>) target(%dma_start3A_131 : memref<10000x128xf32, #tpu.memory_space<vmem_shared>>) offsets(%dma_start3A_128 : memref<80xi32, #tpu.memory_space<vmem>>) semaphore(%run_scoped3A : memref<!tpu.dma_semaphore, #tpu.memory_space<semaphore_mem>>) {add = true}
        %dma_wait3A_132 = arith.constant 0 : i32
        %dma_wait3A_133 = arith.constant 0 : i32
        %dma_wait3A_134 = tpu.memref_slice %arg9[%select_n3A_76, %dma_wait3A_132, %dma_wait3A_133] : memref<2x80x128xf32, #tpu.memory_space<vmem>> -> memref<1x80x128xf32, #tpu.memory_space<vmem>>
        %dma_wait3A_135 = tpu.memref_squeeze %dma_wait3A_134 : memref<1x80x128xf32, #tpu.memory_space<vmem>> -> memref<80x128xf32, #tpu.memory_space<vmem>>
        %dma_wait3A_136 = arith.constant 0 : i32
        %dma_wait3A_137 = tpu.memref_slice %arg8[%select_n3A_76, %dma_wait3A_136] : memref<2x80xi32, #tpu.memory_space<vmem>> -> memref<1x80xi32, #tpu.memory_space<vmem>>
        %dma_wait3A_138 = tpu.memref_squeeze %dma_wait3A_137 : memref<1x80xi32, #tpu.memory_space<vmem>> -> memref<80xi32, #tpu.memory_space<vmem>>
        %dma_wait3A_139 = arith.constant 0 : i32
        %dma_wait3A_140 = arith.constant 0 : i32
        %dma_wait3A_141 = tpu.memref_slice %arg12[%dma_wait3A_139, %dma_wait3A_140] : memref<10000x128xf32, #tpu.memory_space<vmem_shared>> -> memref<10000x128xf32, #tpu.memory_space<vmem_shared>>
        tpu.wait_indirect_dma semaphore(%run_scoped3A : memref<!tpu.dma_semaphore, #tpu.memory_space<semaphore_mem>>) src(%dma_wait3A_135 : memref<80x128xf32, #tpu.memory_space<vmem>>) dst(%dma_wait3A_141 : memref<10000x128xf32, #tpu.memory_space<vmem_shared>>)
        tpu.yield
      }) : () -> ()
      "tpu.region"() ({
        %run_scoped3A = tpu.sem_alloc : memref<!tpu.dma_semaphore, #tpu.memory_space<semaphore_mem>>
        %dma_start3A_122 = arith.constant 0 : i32
        %dma_start3A_123 = arith.constant 0 : i32
        %dma_start3A_124 = tpu.memref_slice %arg13[%select_n3A_76, %dma_start3A_122, %dma_start3A_123] : memref<2x80x16xf32, #tpu.memory_space<vmem>> -> memref<1x80x16xf32, #tpu.memory_space<vmem>>
        %dma_start3A_125 = tpu.memref_squeeze %dma_start3A_124 : memref<1x80x16xf32, #tpu.memory_space<vmem>> -> memref<80x16xf32, #tpu.memory_space<vmem>>
        %dma_start3A_126 = arith.constant 0 : i32
        %dma_start3A_127 = tpu.memref_slice %arg8[%select_n3A_76, %dma_start3A_126] : memref<2x80xi32, #tpu.memory_space<vmem>> -> memref<1x80xi32, #tpu.memory_space<vmem>>
        %dma_start3A_128 = tpu.memref_squeeze %dma_start3A_127 : memref<1x80xi32, #tpu.memory_space<vmem>> -> memref<80xi32, #tpu.memory_space<vmem>>
        %dma_start3A_129 = arith.constant 0 : i32
        %dma_start3A_130 = arith.constant 0 : i32
        %dma_start3A_131 = tpu.memref_slice %arg14[%dma_start3A_129, %dma_start3A_130] : memref<10000x16xf32, #tpu.memory_space<vmem_shared>> -> memref<10000x16xf32, #tpu.memory_space<vmem_shared>>
        tpu.enqueue_indirect_dma source(%dma_start3A_125 : memref<80x16xf32, #tpu.memory_space<vmem>>) target(%dma_start3A_131 : memref<10000x16xf32, #tpu.memory_space<vmem_shared>>) offsets(%dma_start3A_128 : memref<80xi32, #tpu.memory_space<vmem>>) semaphore(%run_scoped3A : memref<!tpu.dma_semaphore, #tpu.memory_space<semaphore_mem>>) {add = true}
        %dma_wait3A_132 = arith.constant 0 : i32
        %dma_wait3A_133 = arith.constant 0 : i32
        %dma_wait3A_134 = tpu.memref_slice %arg13[%select_n3A_76, %dma_wait3A_132, %dma_wait3A_133] : memref<2x80x16xf32, #tpu.memory_space<vmem>> -> memref<1x80x16xf32, #tpu.memory_space<vmem>>
        %dma_wait3A_135 = tpu.memref_squeeze %dma_wait3A_134 : memref<1x80x16xf32, #tpu.memory_space<vmem>> -> memref<80x16xf32, #tpu.memory_space<vmem>>
        %dma_wait3A_136 = arith.constant 0 : i32
        %dma_wait3A_137 = tpu.memref_slice %arg8[%select_n3A_76, %dma_wait3A_136] : memref<2x80xi32, #tpu.memory_space<vmem>> -> memref<1x80xi32, #tpu.memory_space<vmem>>
        %dma_wait3A_138 = tpu.memref_squeeze %dma_wait3A_137 : memref<1x80xi32, #tpu.memory_space<vmem>> -> memref<80xi32, #tpu.memory_space<vmem>>
        %dma_wait3A_139 = arith.constant 0 : i32
        %dma_wait3A_140 = arith.constant 0 : i32
        %dma_wait3A_141 = tpu.memref_slice %arg14[%dma_wait3A_139, %dma_wait3A_140] : memref<10000x16xf32, #tpu.memory_space<vmem_shared>> -> memref<10000x16xf32, #tpu.memory_space<vmem_shared>>
        tpu.wait_indirect_dma semaphore(%run_scoped3A : memref<!tpu.dma_semaphore, #tpu.memory_space<semaphore_mem>>) src(%dma_wait3A_135 : memref<80x16xf32, #tpu.memory_space<vmem>>) dst(%dma_wait3A_141 : memref<10000x16xf32, #tpu.memory_space<vmem_shared>>)
        tpu.yield
      }) : () -> ()
    }
    %scan3A_56 = arith.constant 125 : i32
    %barrier3A_57 = arith.constant 0 : index
    tpu.barrier barrier_id(%barrier3A_57)
    %mul3A_58 = arith.constant 10000 : i32
    %mul3A_59 = arith.muli %arg0, %mul3A_58 : i32
    %add3A_60 = arith.addi %mul3A_59, %mul3A_2 : i32
    "tpu.region"() ({
      %run_scoped3A = tpu.sem_alloc : memref<!tpu.dma_semaphore, #tpu.memory_space<semaphore_mem>>
      %dma_start3A_64 = arith.constant 0 : i32
      %dma_start3A_65 = tpu.memref_slice %arg6[%add3A_60, %dma_start3A_64] <%select_n3A> : memref<20000x128xf32, #tpu.memory_space<hbm>> -> memref<?x128xf32, #tpu.memory_space<hbm>>
      %dma_start3A_66 = arith.constant 0 : i32
      %dma_start3A_67 = tpu.memref_slice %arg12[%mul3A_2, %dma_start3A_66] <%select_n3A> : memref<10000x128xf32, #tpu.memory_space<vmem_shared>> -> memref<?x128xf32, #tpu.memory_space<vmem_shared>>
      tpu.enqueue_dma source(%dma_start3A_67 : memref<?x128xf32, #tpu.memory_space<vmem_shared>>) target(%dma_start3A_65 : memref<?x128xf32, #tpu.memory_space<hbm>>) target_semaphore(%run_scoped3A : memref<!tpu.dma_semaphore, #tpu.memory_space<semaphore_mem>>)
      %dma_wait3A = arith.constant 0 : i32
      %dma_wait3A_68 = tpu.memref_slice %arg6[%add3A_60, %dma_wait3A] <%select_n3A> : memref<20000x128xf32, #tpu.memory_space<hbm>> -> memref<?x128xf32, #tpu.memory_space<hbm>>
      %dma_wait3A_69 = arith.constant 0 : i32
      %dma_wait3A_70 = tpu.memref_slice %arg12[%mul3A_2, %dma_wait3A_69] <%select_n3A> : memref<10000x128xf32, #tpu.memory_space<vmem_shared>> -> memref<?x128xf32, #tpu.memory_space<vmem_shared>>
      tpu.wait_dma2 semaphore(%run_scoped3A : memref<!tpu.dma_semaphore, #tpu.memory_space<semaphore_mem>>) src(%dma_wait3A_70 : memref<?x128xf32, #tpu.memory_space<vmem_shared>>) dst(%dma_wait3A_68 : memref<?x128xf32, #tpu.memory_space<hbm>>)
      tpu.yield
    }) : () -> ()
    %mul3A_61 = arith.constant 10000 : i32
    %mul3A_62 = arith.muli %arg0, %mul3A_61 : i32
    %add3A_63 = arith.addi %mul3A_62, %mul3A_2 : i32
    "tpu.region"() ({
      %run_scoped3A = tpu.sem_alloc : memref<!tpu.dma_semaphore, #tpu.memory_space<semaphore_mem>>
      %dma_start3A_64 = arith.constant 0 : i32
      %dma_start3A_65 = tpu.memref_slice %arg7[%add3A_63, %dma_start3A_64] <%select_n3A> : memref<20000x16xf32, #tpu.memory_space<hbm>> -> memref<?x16xf32, #tpu.memory_space<hbm>>
      %dma_start3A_66 = arith.constant 0 : i32
      %dma_start3A_67 = tpu.memref_slice %arg14[%mul3A_2, %dma_start3A_66] <%select_n3A> : memref<10000x16xf32, #tpu.memory_space<vmem_shared>> -> memref<?x16xf32, #tpu.memory_space<vmem_shared>>
      tpu.enqueue_dma source(%dma_start3A_67 : memref<?x16xf32, #tpu.memory_space<vmem_shared>>) target(%dma_start3A_65 : memref<?x16xf32, #tpu.memory_space<hbm>>) target_semaphore(%run_scoped3A : memref<!tpu.dma_semaphore, #tpu.memory_space<semaphore_mem>>)
      %dma_wait3A = arith.constant 0 : i32
      %dma_wait3A_68 = tpu.memref_slice %arg7[%add3A_63, %dma_wait3A] <%select_n3A> : memref<20000x16xf32, #tpu.memory_space<hbm>> -> memref<?x16xf32, #tpu.memory_space<hbm>>
      %dma_wait3A_69 = arith.constant 0 : i32
      %dma_wait3A_70 = tpu.memref_slice %arg14[%mul3A_2, %dma_wait3A_69] <%select_n3A> : memref<10000x16xf32, #tpu.memory_space<vmem_shared>> -> memref<?x16xf32, #tpu.memory_space<vmem_shared>>
      tpu.wait_dma2 semaphore(%run_scoped3A : memref<!tpu.dma_semaphore, #tpu.memory_space<semaphore_mem>>) src(%dma_wait3A_70 : memref<?x16xf32, #tpu.memory_space<vmem_shared>>) dst(%dma_wait3A_68 : memref<?x16xf32, #tpu.memory_space<hbm>>)
      tpu.yield
    }) : () -> ()
    return
  }
}

module attributes {stable_mosaic.version = 14 : i64} {
  func.func @_pre_body(%arg0: i32, %arg1: memref<2000x128xf32, #tpu.memory_space<vmem>>, %arg2: memref<2000x16xf32, #tpu.memory_space<vmem>>, %arg3: memref<1x1xf32, #tpu.memory_space<smem>>, %arg4: memref<128x256xf32, #tpu.memory_space<vmem>>, %arg5: memref<1x256xf32, #tpu.memory_space<vmem>>, %arg6: memref<256x128xf32, #tpu.memory_space<vmem>>, %arg7: memref<1x128xf32, #tpu.memory_space<vmem>>, %arg8: memref<128x128xf32, #tpu.memory_space<vmem>>, %arg9: memref<1x128xf32, #tpu.memory_space<vmem>>, %arg10: memref<1x128xf32, #tpu.memory_space<vmem>>, %arg11: memref<2000x128xf32, #tpu.memory_space<vmem>>, %arg12: memref<2000x16xf32, #tpu.memory_space<vmem>>) attributes {dimension_semantics = [#tpu.dimension_semantics<arbitrary>], iteration_bounds = array<i64: 5>, scalar_prefetch = 0 : i64, scratch_operands = 0 : i64, tpu.core_type = #tpu.core_type<tc>, window_params = [{transform_indices = @transform_0, window_bounds = array<i64: 2000, 128>}, {transform_indices = @transform_1, window_bounds = array<i64: 2000, 16>}, {transform_indices = @transform_2, window_bounds = array<i64: 1, 1>}, {pipeline_mode = #tpu.pipeline_mode<synchronous>, transform_indices = @transform_3, window_bounds = array<i64: 128, 256>}, {pipeline_mode = #tpu.pipeline_mode<synchronous>, transform_indices = @transform_4, window_bounds = array<i64: 1, 256>}, {pipeline_mode = #tpu.pipeline_mode<synchronous>, transform_indices = @transform_5, window_bounds = array<i64: 256, 128>}, {pipeline_mode = #tpu.pipeline_mode<synchronous>, transform_indices = @transform_6, window_bounds = array<i64: 1, 128>}, {pipeline_mode = #tpu.pipeline_mode<synchronous>, transform_indices = @transform_7, window_bounds = array<i64: 128, 128>}, {pipeline_mode = #tpu.pipeline_mode<synchronous>, transform_indices = @transform_8, window_bounds = array<i64: 1, 128>}, {pipeline_mode = #tpu.pipeline_mode<synchronous>, transform_indices = @transform_9, window_bounds = array<i64: 1, 128>}, {transform_indices = @transform_10, window_bounds = array<i64: 2000, 128>}, {transform_indices = @transform_11, window_bounds = array<i64: 2000, 16>}]} {
    %get3A = arith.constant 0 : index
    %get3A_0 = arith.constant 0 : index
    %get3A_1 = vector.load %arg1[%get3A, %get3A_0] : memref<2000x128xf32, #tpu.memory_space<vmem>>, vector<2000x128xf32>
    %get3A_2 = arith.constant 0 : index
    %get3A_3 = arith.constant 0 : index
    %get3A_4 = vector.load %arg4[%get3A_2, %get3A_3] : memref<128x256xf32, #tpu.memory_space<vmem>>, vector<128x256xf32>
    %dot_general3A = arith.constant dense<0.000000e+00> : vector<2000x256xf32>
    %dot_general3A_5 = tpu.matmul %get3A_1, %get3A_4, %dot_general3A {dimension_numbers = #tpu.dot_dimension_numbers<[1], [0], [0], [1], [0, 0, 1, 1], [], []>, transpose_lhs_hint = false} : vector<2000x128xf32>, vector<128x256xf32>, vector<2000x256xf32> -> vector<2000x256xf32>
    %get3A_6 = arith.constant 0 : index
    %get3A_7 = arith.constant 0 : index
    %get3A_8 = vector.load %arg5[%get3A_6, %get3A_7] : memref<1x256xf32, #tpu.memory_space<vmem>>, vector<1x256xf32>
    %add3A = vector.broadcast %get3A_8 : vector<1x256xf32> to vector<2000x256xf32>
    %add3A_9 = arith.addf %dot_general3A_5, %add3A : vector<2000x256xf32>
    %logistic3A = arith.negf %add3A_9 : vector<2000x256xf32>
    %logistic3A_10 = math.exp %logistic3A : vector<2000x256xf32>
    %logistic3A_11 = arith.constant 1.000000e+00 : f32
    %logistic3A_12 = vector.broadcast %logistic3A_11 : f32 to vector<2000x256xf32>
    %logistic3A_13 = arith.addf %logistic3A_12, %logistic3A_10 : vector<2000x256xf32>
    %logistic3A_14 = arith.divf %logistic3A_12, %logistic3A_13 : vector<2000x256xf32>
    %mul3A = arith.mulf %add3A_9, %logistic3A_14 : vector<2000x256xf32>
    %get3A_15 = arith.constant 0 : index
    %get3A_16 = arith.constant 0 : index
    %get3A_17 = vector.load %arg6[%get3A_15, %get3A_16] : memref<256x128xf32, #tpu.memory_space<vmem>>, vector<256x128xf32>
    %dot_general3A_18 = arith.constant dense<0.000000e+00> : vector<2000x128xf32>
    %dot_general3A_19 = tpu.matmul %mul3A, %get3A_17, %dot_general3A_18 {dimension_numbers = #tpu.dot_dimension_numbers<[1], [0], [0], [1], [0, 0, 1, 1], [], []>, transpose_lhs_hint = false} : vector<2000x256xf32>, vector<256x128xf32>, vector<2000x128xf32> -> vector<2000x128xf32>
    %get3A_20 = arith.constant 0 : index
    %get3A_21 = arith.constant 0 : index
    %get3A_22 = vector.load %arg7[%get3A_20, %get3A_21] : memref<1x128xf32, #tpu.memory_space<vmem>>, vector<1x128xf32>
    %add3A_23 = vector.broadcast %get3A_22 : vector<1x128xf32> to vector<2000x128xf32>
    %add3A_24 = arith.addf %dot_general3A_19, %add3A_23 : vector<2000x128xf32>
    %get3A_25 = arith.constant 0 : index
    %get3A_26 = arith.constant 0 : index
    %get3A_27 = vector.load %arg8[%get3A_25, %get3A_26] : memref<128x128xf32, #tpu.memory_space<vmem>>, vector<128x128xf32>
    %dot_general3A_28 = arith.constant dense<0.000000e+00> : vector<2000x128xf32>
    %dot_general3A_29 = tpu.matmul %add3A_24, %get3A_27, %dot_general3A_28 {dimension_numbers = #tpu.dot_dimension_numbers<[1], [0], [0], [1], [0, 0, 1, 1], [], []>, transpose_lhs_hint = false} : vector<2000x128xf32>, vector<128x128xf32>, vector<2000x128xf32> -> vector<2000x128xf32>
    %get3A_30 = arith.constant 0 : index
    %get3A_31 = arith.constant 0 : index
    %get3A_32 = memref.load %arg3[%get3A_30, %get3A_31] : memref<1x1xf32, #tpu.memory_space<smem>>
    %get3A_33 = arith.constant 0 : index
    %get3A_34 = arith.constant 0 : index
    %get3A_35 = vector.load %arg9[%get3A_33, %get3A_34] : memref<1x128xf32, #tpu.memory_space<vmem>>, vector<1x128xf32>
    %mul3A_36 = vector.broadcast %get3A_32 : f32 to vector<1x128xf32>
    %mul3A_37 = arith.mulf %mul3A_36, %get3A_35 : vector<1x128xf32>
    %add3A_38 = vector.broadcast %mul3A_37 : vector<1x128xf32> to vector<2000x128xf32>
    %add3A_39 = arith.addf %dot_general3A_29, %add3A_38 : vector<2000x128xf32>
    %get3A_40 = arith.constant 0 : index
    %get3A_41 = arith.constant 0 : index
    %get3A_42 = vector.load %arg10[%get3A_40, %get3A_41] : memref<1x128xf32, #tpu.memory_space<vmem>>, vector<1x128xf32>
    %add3A_43 = vector.broadcast %get3A_42 : vector<1x128xf32> to vector<2000x128xf32>
    %add3A_44 = arith.addf %add3A_39, %add3A_43 : vector<2000x128xf32>
    %swap3A = arith.constant 0 : index
    %swap3A_45 = arith.constant 0 : index
    %swap3A_46 = vector.load %arg11[%swap3A, %swap3A_45] : memref<2000x128xf32, #tpu.memory_space<vmem>>, vector<2000x128xf32>
    tpu.vector_store %arg11[%swap3A, %swap3A_45], %add3A_44 {strides = array<i32>} : memref<2000x128xf32, #tpu.memory_space<vmem>>, vector<2000x128xf32>,
    %get3A_47 = arith.constant 0 : index
    %get3A_48 = arith.constant 0 : index
    %get3A_49 = vector.load %arg2[%get3A_47, %get3A_48] : memref<2000x16xf32, #tpu.memory_space<vmem>>, vector<2000x16xf32>
    %swap3A_50 = arith.constant 0 : index
    %swap3A_51 = arith.constant 0 : index
    %swap3A_52 = vector.load %arg12[%swap3A_50, %swap3A_51] : memref<2000x16xf32, #tpu.memory_space<vmem>>, vector<2000x16xf32>
    tpu.vector_store %arg12[%swap3A_50, %swap3A_51], %get3A_49 {strides = array<i32>} : memref<2000x16xf32, #tpu.memory_space<vmem>>, vector<2000x16xf32>,
    return
  }
  func.func @transform_0(%arg0: i32) -> (i32, i32) {
    %c0_i32 = arith.constant 0 : i32
    %c0_i32_0 = arith.constant 0 : i32
    return %arg0, %c0_i32 : i32, i32
  }
  func.func @transform_1(%arg0: i32) -> (i32, i32) {
    %c0_i32 = arith.constant 0 : i32
    %c0_i32_0 = arith.constant 0 : i32
    return %arg0, %c0_i32 : i32, i32
  }
  func.func @transform_2(%arg0: i32) -> (i32, i32) {
    %c0_i32 = arith.constant 0 : i32
    %c0_i32_0 = arith.constant 0 : i32
    %c0_i32_1 = arith.constant 0 : i32
    return %c0_i32, %c0_i32_0 : i32, i32
  }
  func.func @transform_3(%arg0: i32) -> (i32, i32) {
    %c0_i32 = arith.constant 0 : i32
    %c0_i32_0 = arith.constant 0 : i32
    %c0_i32_1 = arith.constant 0 : i32
    return %c0_i32, %c0_i32_0 : i32, i32
  }
  func.func @transform_4(%arg0: i32) -> (i32, i32) {
    %c0_i32 = arith.constant 0 : i32
    %c0_i32_0 = arith.constant 0 : i32
    %c0_i32_1 = arith.constant 0 : i32
    return %c0_i32, %c0_i32_0 : i32, i32
  }
  func.func @transform_5(%arg0: i32) -> (i32, i32) {
    %c0_i32 = arith.constant 0 : i32
    %c0_i32_0 = arith.constant 0 : i32
    %c0_i32_1 = arith.constant 0 : i32
    return %c0_i32, %c0_i32_0 : i32, i32
  }
  func.func @transform_6(%arg0: i32) -> (i32, i32) {
    %c0_i32 = arith.constant 0 : i32
    %c0_i32_0 = arith.constant 0 : i32
    %c0_i32_1 = arith.constant 0 : i32
    return %c0_i32, %c0_i32_0 : i32, i32
  }
  func.func @transform_7(%arg0: i32) -> (i32, i32) {
    %c0_i32 = arith.constant 0 : i32
    %c0_i32_0 = arith.constant 0 : i32
    %c0_i32_1 = arith.constant 0 : i32
    return %c0_i32, %c0_i32_0 : i32, i32
  }
  func.func @transform_8(%arg0: i32) -> (i32, i32) {
    %c0_i32 = arith.constant 0 : i32
    %c0_i32_0 = arith.constant 0 : i32
    %c0_i32_1 = arith.constant 0 : i32
    return %c0_i32, %c0_i32_0 : i32, i32
  }
  func.func @transform_9(%arg0: i32) -> (i32, i32) {
    %c0_i32 = arith.constant 0 : i32
    %c0_i32_0 = arith.constant 0 : i32
    %c0_i32_1 = arith.constant 0 : i32
    return %c0_i32, %c0_i32_0 : i32, i32
  }
  func.func @transform_10(%arg0: i32) -> (i32, i32) {
    %c0_i32 = arith.constant 0 : i32
    %c0_i32_0 = arith.constant 0 : i32
    return %arg0, %c0_i32 : i32, i32
  }
  func.func @transform_11(%arg0: i32) -> (i32, i32) {
    %c0_i32 = arith.constant 0 : i32
    %c0_i32_0 = arith.constant 0 : i32
    return %arg0, %c0_i32 : i32, i32
  }
}

module attributes {stable_mosaic.version = 14 : i64} {
  func.func @body(%arg0: i32, %arg1: memref<2560x128xf32, #tpu.memory_space<vmem>>, %arg2: memref<2560x128xf32, #tpu.memory_space<vmem>>, %arg3: memref<2560x128xf32, #tpu.memory_space<vmem>>, %arg4: memref<2560x128xf32, #tpu.memory_space<vmem>>, %arg5: memref<2560x16xf32, #tpu.memory_space<vmem>>, %arg6: memref<16x32xf32, #tpu.memory_space<vmem>>, %arg7: memref<1x32xf32, #tpu.memory_space<vmem>>, %arg8: memref<32x16xf32, #tpu.memory_space<vmem>>, %arg9: memref<1x16xf32, #tpu.memory_space<vmem>>, %arg10: memref<128x128xf32, #tpu.memory_space<vmem>>, %arg11: memref<128x128xf32, #tpu.memory_space<vmem>>, %arg12: memref<16x128xf32, #tpu.memory_space<vmem>>, %arg13: memref<1x128xf32, #tpu.memory_space<vmem>>, %arg14: memref<1x128xf32, #tpu.memory_space<vmem>>, %arg15: memref<128x128xf32, #tpu.memory_space<vmem>>, %arg16: memref<1x128xf32, #tpu.memory_space<vmem>>, %arg17: memref<128x1xf32, #tpu.memory_space<vmem>>, %arg18: memref<1x1xf32, #tpu.memory_space<vmem>>, %arg19: memref<2560x128xf32, #tpu.memory_space<vmem>>, %arg20: memref<2560x128xf32, #tpu.memory_space<vmem>>) attributes {dimension_semantics = [#tpu.dimension_semantics<arbitrary>], iteration_bounds = array<i64: 125>, scalar_prefetch = 0 : i64, scratch_operands = 0 : i64, tpu.core_type = #tpu.core_type<tc>, window_params = [{transform_indices = @transform_0, window_bounds = array<i64: 2560, 128>}, {transform_indices = @transform_1, window_bounds = array<i64: 2560, 128>}, {transform_indices = @transform_2, window_bounds = array<i64: 2560, 128>}, {transform_indices = @transform_3, window_bounds = array<i64: 2560, 128>}, {transform_indices = @transform_4, window_bounds = array<i64: 2560, 16>}, {pipeline_mode = #tpu.pipeline_mode<synchronous>, transform_indices = @transform_5, window_bounds = array<i64: 16, 32>}, {pipeline_mode = #tpu.pipeline_mode<synchronous>, transform_indices = @transform_6, window_bounds = array<i64: 1, 32>}, {pipeline_mode = #tpu.pipeline_mode<synchronous>, transform_indices = @transform_7, window_bounds = array<i64: 32, 16>}, {pipeline_mode = #tpu.pipeline_mode<synchronous>, transform_indices = @transform_8, window_bounds = array<i64: 1, 16>}, {pipeline_mode = #tpu.pipeline_mode<synchronous>, transform_indices = @transform_9, window_bounds = array<i64: 128, 128>}, {pipeline_mode = #tpu.pipeline_mode<synchronous>, transform_indices = @transform_10, window_bounds = array<i64: 128, 128>}, {pipeline_mode = #tpu.pipeline_mode<synchronous>, transform_indices = @transform_11, window_bounds = array<i64: 16, 128>}, {pipeline_mode = #tpu.pipeline_mode<synchronous>, transform_indices = @transform_12, window_bounds = array<i64: 1, 128>}, {pipeline_mode = #tpu.pipeline_mode<synchronous>, transform_indices = @transform_13, window_bounds = array<i64: 1, 128>}, {pipeline_mode = #tpu.pipeline_mode<synchronous>, transform_indices = @transform_14, window_bounds = array<i64: 128, 128>}, {pipeline_mode = #tpu.pipeline_mode<synchronous>, transform_indices = @transform_15, window_bounds = array<i64: 1, 128>}, {pipeline_mode = #tpu.pipeline_mode<synchronous>, transform_indices = @transform_16, window_bounds = array<i64: 128, 1>}, {pipeline_mode = #tpu.pipeline_mode<synchronous>, transform_indices = @transform_17, window_bounds = array<i64: 1, 1>}, {transform_indices = @transform_18, window_bounds = array<i64: 2560, 128>}, {transform_indices = @transform_19, window_bounds = array<i64: 2560, 128>}]} {
    %get3A = arith.constant 0 : index
    %get3A_0 = arith.constant 0 : index
    %get3A_1 = vector.load %arg3[%get3A, %get3A_0] : memref<2560x128xf32, #tpu.memory_space<vmem>>, vector<2560x16xf32>
    %get3A_2 = arith.constant 0 : index
    %get3A_3 = arith.constant 0 : index
    %get3A_4 = vector.load %arg4[%get3A_2, %get3A_3] : memref<2560x128xf32, #tpu.memory_space<vmem>>, vector<2560x16xf32>
    %sub3A = arith.subf %get3A_1, %get3A_4 : vector<2560x16xf32>
    %mul3A = arith.mulf %sub3A, %sub3A : vector<2560x16xf32>
    %reduce_sum3A = arith.constant dense<0.000000e+00> : vector<2560xf32>
    %reduce_sum3A_5 = vector.multi_reduction <add>, %mul3A, %reduce_sum3A [1] : vector<2560x16xf32> to vector<2560xf32>
    %broadcast_in_dim3A = vector.shape_cast %reduce_sum3A_5 : vector<2560xf32> to vector<2560x1xf32>
    %get3A_6 = arith.constant 0 : index
    %get3A_7 = arith.constant 0 : index
    %get3A_8 = vector.load %arg5[%get3A_6, %get3A_7] : memref<2560x16xf32, #tpu.memory_space<vmem>>, vector<2560x16xf32>
    %get3A_9 = arith.constant 0 : index
    %get3A_10 = arith.constant 0 : index
    %get3A_11 = vector.load %arg6[%get3A_9, %get3A_10] : memref<16x32xf32, #tpu.memory_space<vmem>>, vector<16x32xf32>
    %dot_general3A = arith.constant dense<0.000000e+00> : vector<2560x32xf32>
    %dot_general3A_12 = tpu.matmul %get3A_8, %get3A_11, %dot_general3A {dimension_numbers = #tpu.dot_dimension_numbers<[1], [0], [0], [1], [0, 0, 1, 1], [], []>, transpose_lhs_hint = false} : vector<2560x16xf32>, vector<16x32xf32>, vector<2560x32xf32> -> vector<2560x32xf32>
    %get3A_13 = arith.constant 0 : index
    %get3A_14 = arith.constant 0 : index
    %get3A_15 = vector.load %arg7[%get3A_13, %get3A_14] : memref<1x32xf32, #tpu.memory_space<vmem>>, vector<1x32xf32>
    %add3A = vector.broadcast %get3A_15 : vector<1x32xf32> to vector<2560x32xf32>
    %add3A_16 = arith.addf %dot_general3A_12, %add3A : vector<2560x32xf32>
    %logistic3A = arith.negf %add3A_16 : vector<2560x32xf32>
    %logistic3A_17 = math.exp %logistic3A : vector<2560x32xf32>
    %logistic3A_18 = arith.constant 1.000000e+00 : f32
    %logistic3A_19 = vector.broadcast %logistic3A_18 : f32 to vector<2560x32xf32>
    %logistic3A_20 = arith.addf %logistic3A_19, %logistic3A_17 : vector<2560x32xf32>
    %logistic3A_21 = arith.divf %logistic3A_19, %logistic3A_20 : vector<2560x32xf32>
    %mul3A_22 = arith.mulf %add3A_16, %logistic3A_21 : vector<2560x32xf32>
    %get3A_23 = arith.constant 0 : index
    %get3A_24 = arith.constant 0 : index
    %get3A_25 = vector.load %arg8[%get3A_23, %get3A_24] : memref<32x16xf32, #tpu.memory_space<vmem>>, vector<32x16xf32>
    %dot_general3A_26 = arith.constant dense<0.000000e+00> : vector<2560x16xf32>
    %dot_general3A_27 = tpu.matmul %mul3A_22, %get3A_25, %dot_general3A_26 {dimension_numbers = #tpu.dot_dimension_numbers<[1], [0], [0], [1], [0, 0, 1, 1], [], []>, transpose_lhs_hint = false} : vector<2560x32xf32>, vector<32x16xf32>, vector<2560x16xf32> -> vector<2560x16xf32>
    %get3A_28 = arith.constant 0 : index
    %get3A_29 = arith.constant 0 : index
    %get3A_30 = vector.load %arg9[%get3A_28, %get3A_29] : memref<1x16xf32, #tpu.memory_space<vmem>>, vector<1x16xf32>
    %add3A_31 = vector.broadcast %get3A_30 : vector<1x16xf32> to vector<2560x16xf32>
    %add3A_32 = arith.addf %dot_general3A_27, %add3A_31 : vector<2560x16xf32>
    %get3A_33 = arith.constant 0 : index
    %get3A_34 = arith.constant 0 : index
    %get3A_35 = vector.load %arg1[%get3A_33, %get3A_34] : memref<2560x128xf32, #tpu.memory_space<vmem>>, vector<2560x128xf32>
    %get3A_36 = arith.constant 0 : index
    %get3A_37 = arith.constant 0 : index
    %get3A_38 = vector.load %arg10[%get3A_36, %get3A_37] : memref<128x128xf32, #tpu.memory_space<vmem>>, vector<128x128xf32>
    %dot_general3A_39 = arith.constant dense<0.000000e+00> : vector<2560x128xf32>
    %dot_general3A_40 = tpu.matmul %get3A_35, %get3A_38, %dot_general3A_39 {dimension_numbers = #tpu.dot_dimension_numbers<[1], [0], [0], [1], [0, 0, 1, 1], [], []>, transpose_lhs_hint = false} : vector<2560x128xf32>, vector<128x128xf32>, vector<2560x128xf32> -> vector<2560x128xf32>
    %get3A_41 = arith.constant 0 : index
    %get3A_42 = arith.constant 0 : index
    %get3A_43 = vector.load %arg2[%get3A_41, %get3A_42] : memref<2560x128xf32, #tpu.memory_space<vmem>>, vector<2560x128xf32>
    %get3A_44 = arith.constant 0 : index
    %get3A_45 = arith.constant 0 : index
    %get3A_46 = vector.load %arg11[%get3A_44, %get3A_45] : memref<128x128xf32, #tpu.memory_space<vmem>>, vector<128x128xf32>
    %dot_general3A_47 = arith.constant dense<0.000000e+00> : vector<2560x128xf32>
    %dot_general3A_48 = tpu.matmul %get3A_43, %get3A_46, %dot_general3A_47 {dimension_numbers = #tpu.dot_dimension_numbers<[1], [0], [0], [1], [0, 0, 1, 1], [], []>, transpose_lhs_hint = false} : vector<2560x128xf32>, vector<128x128xf32>, vector<2560x128xf32> -> vector<2560x128xf32>
    %add3A_49 = arith.addf %dot_general3A_40, %dot_general3A_48 : vector<2560x128xf32>
    %get3A_50 = arith.constant 0 : index
    %get3A_51 = arith.constant 0 : index
    %get3A_52 = vector.load %arg12[%get3A_50, %get3A_51] : memref<16x128xf32, #tpu.memory_space<vmem>>, vector<16x128xf32>
    %dot_general3A_53 = arith.constant dense<0.000000e+00> : vector<2560x128xf32>
    %dot_general3A_54 = tpu.matmul %add3A_32, %get3A_52, %dot_general3A_53 {dimension_numbers = #tpu.dot_dimension_numbers<[1], [0], [0], [1], [0, 0, 1, 1], [], []>, transpose_lhs_hint = false} : vector<2560x16xf32>, vector<16x128xf32>, vector<2560x128xf32> -> vector<2560x128xf32>
    %add3A_55 = arith.addf %add3A_49, %dot_general3A_54 : vector<2560x128xf32>
    %get3A_56 = arith.constant 0 : index
    %get3A_57 = arith.constant 0 : index
    %get3A_58 = vector.load %arg13[%get3A_56, %get3A_57] : memref<1x128xf32, #tpu.memory_space<vmem>>, vector<1x128xf32>
    %mul3A_59 = vector.broadcast %broadcast_in_dim3A : vector<2560x1xf32> to vector<2560x128xf32>
    %mul3A_60 = vector.broadcast %get3A_58 : vector<1x128xf32> to vector<2560x128xf32>
    %mul3A_61 = arith.mulf %mul3A_59, %mul3A_60 : vector<2560x128xf32>
    %add3A_62 = arith.addf %add3A_55, %mul3A_61 : vector<2560x128xf32>
    %get3A_63 = arith.constant 0 : index
    %get3A_64 = arith.constant 0 : index
    %get3A_65 = vector.load %arg14[%get3A_63, %get3A_64] : memref<1x128xf32, #tpu.memory_space<vmem>>, vector<1x128xf32>
    %add3A_66 = vector.broadcast %get3A_65 : vector<1x128xf32> to vector<2560x128xf32>
    %add3A_67 = arith.addf %add3A_62, %add3A_66 : vector<2560x128xf32>
    %logistic3A_68 = arith.negf %add3A_67 : vector<2560x128xf32>
    %logistic3A_69 = math.exp %logistic3A_68 : vector<2560x128xf32>
    %logistic3A_70 = arith.constant 1.000000e+00 : f32
    %logistic3A_71 = vector.broadcast %logistic3A_70 : f32 to vector<2560x128xf32>
    %logistic3A_72 = arith.addf %logistic3A_71, %logistic3A_69 : vector<2560x128xf32>
    %logistic3A_73 = arith.divf %logistic3A_71, %logistic3A_72 : vector<2560x128xf32>
    %mul3A_74 = arith.mulf %add3A_67, %logistic3A_73 : vector<2560x128xf32>
    %get3A_75 = arith.constant 0 : index
    %get3A_76 = arith.constant 0 : index
    %get3A_77 = vector.load %arg15[%get3A_75, %get3A_76] : memref<128x128xf32, #tpu.memory_space<vmem>>, vector<128x128xf32>
    %dot_general3A_78 = arith.constant dense<0.000000e+00> : vector<2560x128xf32>
    %dot_general3A_79 = tpu.matmul %mul3A_74, %get3A_77, %dot_general3A_78 {dimension_numbers = #tpu.dot_dimension_numbers<[1], [0], [0], [1], [0, 0, 1, 1], [], []>, transpose_lhs_hint = false} : vector<2560x128xf32>, vector<128x128xf32>, vector<2560x128xf32> -> vector<2560x128xf32>
    %get3A_80 = arith.constant 0 : index
    %get3A_81 = arith.constant 0 : index
    %get3A_82 = vector.load %arg16[%get3A_80, %get3A_81] : memref<1x128xf32, #tpu.memory_space<vmem>>, vector<1x128xf32>
    %add3A_83 = vector.broadcast %get3A_82 : vector<1x128xf32> to vector<2560x128xf32>
    %add3A_84 = arith.addf %dot_general3A_79, %add3A_83 : vector<2560x128xf32>
    %logistic3A_85 = arith.negf %add3A_84 : vector<2560x128xf32>
    %logistic3A_86 = math.exp %logistic3A_85 : vector<2560x128xf32>
    %logistic3A_87 = arith.constant 1.000000e+00 : f32
    %logistic3A_88 = vector.broadcast %logistic3A_87 : f32 to vector<2560x128xf32>
    %logistic3A_89 = arith.addf %logistic3A_88, %logistic3A_86 : vector<2560x128xf32>
    %logistic3A_90 = arith.divf %logistic3A_88, %logistic3A_89 : vector<2560x128xf32>
    %mul3A_91 = arith.mulf %add3A_84, %logistic3A_90 : vector<2560x128xf32>
    %swap3A = arith.constant 0 : index
    %swap3A_92 = arith.constant 0 : index
    %swap3A_93 = vector.load %arg19[%swap3A, %swap3A_92] : memref<2560x128xf32, #tpu.memory_space<vmem>>, vector<2560x128xf32>
    tpu.vector_store %arg19[%swap3A, %swap3A_92], %mul3A_91 {strides = array<i32>} : memref<2560x128xf32, #tpu.memory_space<vmem>>, vector<2560x128xf32>,
    %get3A_94 = arith.constant 0 : index
    %get3A_95 = arith.constant 0 : index
    %get3A_96 = vector.load %arg17[%get3A_94, %get3A_95] : memref<128x1xf32, #tpu.memory_space<vmem>>, vector<128x1xf32>
    %dot_general3A_97 = arith.constant dense<0.000000e+00> : vector<2560x1xf32>
    %dot_general3A_98 = tpu.matmul %mul3A_91, %get3A_96, %dot_general3A_97 {dimension_numbers = #tpu.dot_dimension_numbers<[1], [0], [0], [1], [0, 0, 1, 1], [], []>, transpose_lhs_hint = false} : vector<2560x128xf32>, vector<128x1xf32>, vector<2560x1xf32> -> vector<2560x1xf32>
    %get3A_99 = arith.constant 0 : index
    %get3A_100 = arith.constant 0 : index
    %get3A_101 = vector.load %arg18[%get3A_99, %get3A_100] : memref<1x1xf32, #tpu.memory_space<vmem>>, vector<1x1xf32>
    %add3A_102 = vector.broadcast %get3A_101 : vector<1x1xf32> to vector<2560x1xf32>
    %add3A_103 = arith.addf %dot_general3A_98, %add3A_102 : vector<2560x1xf32>
    %sqrt3A = math.sqrt %broadcast_in_dim3A : vector<2560x1xf32>
    %add3A_104 = arith.constant 1.000000e+00 : f32
    %add3A_105 = vector.broadcast %add3A_104 : f32 to vector<2560x1xf32>
    %add3A_106 = arith.addf %sqrt3A, %add3A_105 : vector<2560x1xf32>
    %div3A = arith.divf %add3A_103, %add3A_106 : vector<2560x1xf32>
    %mul3A_107 = vector.broadcast %div3A : vector<2560x1xf32> to vector<2560x16xf32>
    %mul3A_108 = arith.mulf %sub3A, %mul3A_107 : vector<2560x16xf32>
    %swap3A_109 = arith.constant 0 : index
    %swap3A_110 = arith.constant 0 : index
    %swap3A_111 = vector.load %arg20[%swap3A_109, %swap3A_110] : memref<2560x128xf32, #tpu.memory_space<vmem>>, vector<2560x16xf32>
    tpu.vector_store %arg20[%swap3A_109, %swap3A_110], %mul3A_108 {strides = array<i32>} : memref<2560x128xf32, #tpu.memory_space<vmem>>, vector<2560x16xf32>,
    %broadcast_in_dim3A_112 = arith.constant 0.000000e+00 : f32
    %broadcast_in_dim3A_113 = vector.broadcast %broadcast_in_dim3A_112 : f32 to vector<2560x112xf32>
    %swap3A_114 = arith.constant 0 : index
    %swap3A_115 = arith.constant 16 : index
    %swap3A_116 = vector.load %arg20[%swap3A_114, %swap3A_115] : memref<2560x128xf32, #tpu.memory_space<vmem>>, vector<2560x112xf32>
    tpu.vector_store %arg20[%swap3A_114, %swap3A_115], %broadcast_in_dim3A_113 {strides = array<i32>} : memref<2560x128xf32, #tpu.memory_space<vmem>>, vector<2560x112xf32>,
    return
  }
  func.func @transform_0(%arg0: i32) -> (i32, i32) {
    %c0_i32 = arith.constant 0 : i32
    %c0_i32_0 = arith.constant 0 : i32
    return %arg0, %c0_i32 : i32, i32
  }
  func.func @transform_1(%arg0: i32) -> (i32, i32) {
    %c0_i32 = arith.constant 0 : i32
    %c0_i32_0 = arith.constant 0 : i32
    return %arg0, %c0_i32 : i32, i32
  }
  func.func @transform_2(%arg0: i32) -> (i32, i32) {
    %c0_i32 = arith.constant 0 : i32
    %c0_i32_0 = arith.constant 0 : i32
    return %arg0, %c0_i32 : i32, i32
  }
  func.func @transform_3(%arg0: i32) -> (i32, i32) {
    %c0_i32 = arith.constant 0 : i32
    %c0_i32_0 = arith.constant 0 : i32
    return %arg0, %c0_i32 : i32, i32
  }
  func.func @transform_4(%arg0: i32) -> (i32, i32) {
    %c0_i32 = arith.constant 0 : i32
    %c0_i32_0 = arith.constant 0 : i32
    return %arg0, %c0_i32 : i32, i32
  }
  func.func @transform_5(%arg0: i32) -> (i32, i32) {
    %c0_i32 = arith.constant 0 : i32
    %c0_i32_0 = arith.constant 0 : i32
    %c0_i32_1 = arith.constant 0 : i32
    return %c0_i32, %c0_i32_0 : i32, i32
  }
  func.func @transform_6(%arg0: i32) -> (i32, i32) {
    %c0_i32 = arith.constant 0 : i32
    %c0_i32_0 = arith.constant 0 : i32
    %c0_i32_1 = arith.constant 0 : i32
    return %c0_i32, %c0_i32_0 : i32, i32
  }
  func.func @transform_7(%arg0: i32) -> (i32, i32) {
    %c0_i32 = arith.constant 0 : i32
    %c0_i32_0 = arith.constant 0 : i32
    %c0_i32_1 = arith.constant 0 : i32
    return %c0_i32, %c0_i32_0 : i32, i32
  }
  func.func @transform_8(%arg0: i32) -> (i32, i32) {
    %c0_i32 = arith.constant 0 : i32
    %c0_i32_0 = arith.constant 0 : i32
    %c0_i32_1 = arith.constant 0 : i32
    return %c0_i32, %c0_i32_0 : i32, i32
  }
  func.func @transform_9(%arg0: i32) -> (i32, i32) {
    %c0_i32 = arith.constant 0 : i32
    %c0_i32_0 = arith.constant 0 : i32
    %c0_i32_1 = arith.constant 0 : i32
    return %c0_i32, %c0_i32_0 : i32, i32
  }
  func.func @transform_10(%arg0: i32) -> (i32, i32) {
    %c0_i32 = arith.constant 0 : i32
    %c0_i32_0 = arith.constant 0 : i32
    %c0_i32_1 = arith.constant 0 : i32
    return %c0_i32, %c0_i32_0 : i32, i32
  }
  func.func @transform_11(%arg0: i32) -> (i32, i32) {
    %c0_i32 = arith.constant 0 : i32
    %c0_i32_0 = arith.constant 0 : i32
    %c0_i32_1 = arith.constant 0 : i32
    return %c0_i32, %c0_i32_0 : i32, i32
  }
  func.func @transform_12(%arg0: i32) -> (i32, i32) {
    %c0_i32 = arith.constant 0 : i32
    %c0_i32_0 = arith.constant 0 : i32
    %c0_i32_1 = arith.constant 0 : i32
    return %c0_i32, %c0_i32_0 : i32, i32
  }
  func.func @transform_13(%arg0: i32) -> (i32, i32) {
    %c0_i32 = arith.constant 0 : i32
    %c0_i32_0 = arith.constant 0 : i32
    %c0_i32_1 = arith.constant 0 : i32
    return %c0_i32, %c0_i32_0 : i32, i32
  }
  func.func @transform_14(%arg0: i32) -> (i32, i32) {
    %c0_i32 = arith.constant 0 : i32
    %c0_i32_0 = arith.constant 0 : i32
    %c0_i32_1 = arith.constant 0 : i32
    return %c0_i32, %c0_i32_0 : i32, i32
  }
  func.func @transform_15(%arg0: i32) -> (i32, i32) {
    %c0_i32 = arith.constant 0 : i32
    %c0_i32_0 = arith.constant 0 : i32
    %c0_i32_1 = arith.constant 0 : i32
    return %c0_i32, %c0_i32_0 : i32, i32
  }
  func.func @transform_16(%arg0: i32) -> (i32, i32) {
    %c0_i32 = arith.constant 0 : i32
    %c0_i32_0 = arith.constant 0 : i32
    %c0_i32_1 = arith.constant 0 : i32
    return %c0_i32, %c0_i32_0 : i32, i32
  }
  func.func @transform_17(%arg0: i32) -> (i32, i32) {
    %c0_i32 = arith.constant 0 : i32
    %c0_i32_0 = arith.constant 0 : i32
    %c0_i32_1 = arith.constant 0 : i32
    return %c0_i32, %c0_i32_0 : i32, i32
  }
  func.func @transform_18(%arg0: i32) -> (i32, i32) {
    %c0_i32 = arith.constant 0 : i32
    %c0_i32_0 = arith.constant 0 : i32
    return %arg0, %c0_i32 : i32, i32
  }
  func.func @transform_19(%arg0: i32) -> (i32, i32) {
    %c0_i32 = arith.constant 0 : i32
    %c0_i32_0 = arith.constant 0 : i32
    return %arg0, %c0_i32 : i32, i32
  }
}

module attributes {stable_mosaic.version = 14 : i64} {
  func.func @_node_body(%arg0: i32, %arg1: memref<2000x128xf32, #tpu.memory_space<vmem>>, %arg2: memref<2000x16xf32, #tpu.memory_space<vmem>>, %arg3: memref<2x2000x128xf32, #tpu.memory_space<vmem>>, %arg4: memref<2x2000x16xf32, #tpu.memory_space<vmem>>, %arg5: memref<128x128xf32, #tpu.memory_space<vmem>>, %arg6: memref<128x128xf32, #tpu.memory_space<vmem>>, %arg7: memref<1x128xf32, #tpu.memory_space<vmem>>, %arg8: memref<128x128xf32, #tpu.memory_space<vmem>>, %arg9: memref<1x128xf32, #tpu.memory_space<vmem>>, %arg10: memref<2000x128xf32, #tpu.memory_space<vmem>>, %arg11: memref<2000x16xf32, #tpu.memory_space<vmem>>) attributes {dimension_semantics = [#tpu.dimension_semantics<arbitrary>], iteration_bounds = array<i64: 5>, scalar_prefetch = 0 : i64, scratch_operands = 0 : i64, tpu.core_type = #tpu.core_type<tc>, window_params = [{transform_indices = @transform_0, window_bounds = array<i64: 2000, 128>}, {transform_indices = @transform_1, window_bounds = array<i64: 2000, 16>}, {transform_indices = @transform_2, window_bounds = array<i64: 2, 2000, 128>}, {transform_indices = @transform_3, window_bounds = array<i64: 2, 2000, 16>}, {pipeline_mode = #tpu.pipeline_mode<synchronous>, transform_indices = @transform_4, window_bounds = array<i64: 128, 128>}, {pipeline_mode = #tpu.pipeline_mode<synchronous>, transform_indices = @transform_5, window_bounds = array<i64: 128, 128>}, {pipeline_mode = #tpu.pipeline_mode<synchronous>, transform_indices = @transform_6, window_bounds = array<i64: 1, 128>}, {pipeline_mode = #tpu.pipeline_mode<synchronous>, transform_indices = @transform_7, window_bounds = array<i64: 128, 128>}, {pipeline_mode = #tpu.pipeline_mode<synchronous>, transform_indices = @transform_8, window_bounds = array<i64: 1, 128>}, {transform_indices = @transform_9, window_bounds = array<i64: 2000, 128>}, {transform_indices = @transform_10, window_bounds = array<i64: 2000, 16>}]} {
    %get3A = arith.constant 0 : index
    %get3A_0 = arith.constant 0 : index
    %get3A_1 = vector.load %arg1[%get3A, %get3A_0] : memref<2000x128xf32, #tpu.memory_space<vmem>>, vector<2000x128xf32>
    %get3A_2 = arith.constant 0 : index
    %get3A_3 = arith.constant 0 : index
    %get3A_4 = arith.constant 0 : index
    %get3A_5 = vector.load %arg3[%get3A_2, %get3A_3, %get3A_4] : memref<2x2000x128xf32, #tpu.memory_space<vmem>>, vector<1x2000x128xf32>
    %get3A_6 = vector.shape_cast %get3A_5 : vector<1x2000x128xf32> to vector<2000x128xf32>
    %get3A_7 = arith.constant 1 : index
    %get3A_8 = arith.constant 0 : index
    %get3A_9 = arith.constant 0 : index
    %get3A_10 = vector.load %arg3[%get3A_7, %get3A_8, %get3A_9] : memref<2x2000x128xf32, #tpu.memory_space<vmem>>, vector<1x2000x128xf32>
    %get3A_11 = vector.shape_cast %get3A_10 : vector<1x2000x128xf32> to vector<2000x128xf32>
    %add3A = arith.addf %get3A_6, %get3A_11 : vector<2000x128xf32>
    %get3A_12 = arith.constant 0 : index
    %get3A_13 = arith.constant 0 : index
    %get3A_14 = vector.load %arg5[%get3A_12, %get3A_13] : memref<128x128xf32, #tpu.memory_space<vmem>>, vector<128x128xf32>
    %dot_general3A = arith.constant dense<0.000000e+00> : vector<2000x128xf32>
    %dot_general3A_15 = tpu.matmul %get3A_1, %get3A_14, %dot_general3A {dimension_numbers = #tpu.dot_dimension_numbers<[1], [0], [0], [1], [0, 0, 1, 1], [], []>, transpose_lhs_hint = false} : vector<2000x128xf32>, vector<128x128xf32>, vector<2000x128xf32> -> vector<2000x128xf32>
    %get3A_16 = arith.constant 0 : index
    %get3A_17 = arith.constant 0 : index
    %get3A_18 = vector.load %arg6[%get3A_16, %get3A_17] : memref<128x128xf32, #tpu.memory_space<vmem>>, vector<128x128xf32>
    %dot_general3A_19 = arith.constant dense<0.000000e+00> : vector<2000x128xf32>
    %dot_general3A_20 = tpu.matmul %add3A, %get3A_18, %dot_general3A_19 {dimension_numbers = #tpu.dot_dimension_numbers<[1], [0], [0], [1], [0, 0, 1, 1], [], []>, transpose_lhs_hint = false} : vector<2000x128xf32>, vector<128x128xf32>, vector<2000x128xf32> -> vector<2000x128xf32>
    %add3A_21 = arith.addf %dot_general3A_15, %dot_general3A_20 : vector<2000x128xf32>
    %get3A_22 = arith.constant 0 : index
    %get3A_23 = arith.constant 0 : index
    %get3A_24 = vector.load %arg7[%get3A_22, %get3A_23] : memref<1x128xf32, #tpu.memory_space<vmem>>, vector<1x128xf32>
    %add3A_25 = vector.broadcast %get3A_24 : vector<1x128xf32> to vector<2000x128xf32>
    %add3A_26 = arith.addf %add3A_21, %add3A_25 : vector<2000x128xf32>
    %logistic3A = arith.negf %add3A_26 : vector<2000x128xf32>
    %logistic3A_27 = math.exp %logistic3A : vector<2000x128xf32>
    %logistic3A_28 = arith.constant 1.000000e+00 : f32
    %logistic3A_29 = vector.broadcast %logistic3A_28 : f32 to vector<2000x128xf32>
    %logistic3A_30 = arith.addf %logistic3A_29, %logistic3A_27 : vector<2000x128xf32>
    %logistic3A_31 = arith.divf %logistic3A_29, %logistic3A_30 : vector<2000x128xf32>
    %mul3A = arith.mulf %add3A_26, %logistic3A_31 : vector<2000x128xf32>
    %get3A_32 = arith.constant 0 : index
    %get3A_33 = arith.constant 0 : index
    %get3A_34 = vector.load %arg8[%get3A_32, %get3A_33] : memref<128x128xf32, #tpu.memory_space<vmem>>, vector<128x128xf32>
    %dot_general3A_35 = arith.constant dense<0.000000e+00> : vector<2000x128xf32>
    %dot_general3A_36 = tpu.matmul %mul3A, %get3A_34, %dot_general3A_35 {dimension_numbers = #tpu.dot_dimension_numbers<[1], [0], [0], [1], [0, 0, 1, 1], [], []>, transpose_lhs_hint = false} : vector<2000x128xf32>, vector<128x128xf32>, vector<2000x128xf32> -> vector<2000x128xf32>
    %add3A_37 = arith.addf %get3A_1, %dot_general3A_36 : vector<2000x128xf32>
    %get3A_38 = arith.constant 0 : index
    %get3A_39 = arith.constant 0 : index
    %get3A_40 = vector.load %arg9[%get3A_38, %get3A_39] : memref<1x128xf32, #tpu.memory_space<vmem>>, vector<1x128xf32>
    %add3A_41 = vector.broadcast %get3A_40 : vector<1x128xf32> to vector<2000x128xf32>
    %add3A_42 = arith.addf %add3A_37, %add3A_41 : vector<2000x128xf32>
    %swap3A = arith.constant 0 : index
    %swap3A_43 = arith.constant 0 : index
    %swap3A_44 = vector.load %arg10[%swap3A, %swap3A_43] : memref<2000x128xf32, #tpu.memory_space<vmem>>, vector<2000x128xf32>
    tpu.vector_store %arg10[%swap3A, %swap3A_43], %add3A_42 {strides = array<i32>} : memref<2000x128xf32, #tpu.memory_space<vmem>>, vector<2000x128xf32>,
    %get3A_45 = arith.constant 0 : index
    %get3A_46 = arith.constant 0 : index
    %get3A_47 = vector.load %arg2[%get3A_45, %get3A_46] : memref<2000x16xf32, #tpu.memory_space<vmem>>, vector<2000x16xf32>
    %get3A_48 = arith.constant 0 : index
    %get3A_49 = arith.constant 0 : index
    %get3A_50 = arith.constant 0 : index
    %get3A_51 = vector.load %arg4[%get3A_48, %get3A_49, %get3A_50] : memref<2x2000x16xf32, #tpu.memory_space<vmem>>, vector<1x2000x16xf32>
    %get3A_52 = vector.shape_cast %get3A_51 : vector<1x2000x16xf32> to vector<2000x16xf32>
    %add3A_53 = arith.addf %get3A_47, %get3A_52 : vector<2000x16xf32>
    %get3A_54 = arith.constant 1 : index
    %get3A_55 = arith.constant 0 : index
    %get3A_56 = arith.constant 0 : index
    %get3A_57 = vector.load %arg4[%get3A_54, %get3A_55, %get3A_56] : memref<2x2000x16xf32, #tpu.memory_space<vmem>>, vector<1x2000x16xf32>
    %get3A_58 = vector.shape_cast %get3A_57 : vector<1x2000x16xf32> to vector<2000x16xf32>
    %add3A_59 = arith.addf %add3A_53, %get3A_58 : vector<2000x16xf32>
    %swap3A_60 = arith.constant 0 : index
    %swap3A_61 = arith.constant 0 : index
    %swap3A_62 = vector.load %arg11[%swap3A_60, %swap3A_61] : memref<2000x16xf32, #tpu.memory_space<vmem>>, vector<2000x16xf32>
    tpu.vector_store %arg11[%swap3A_60, %swap3A_61], %add3A_59 {strides = array<i32>} : memref<2000x16xf32, #tpu.memory_space<vmem>>, vector<2000x16xf32>,
    return
  }
  func.func @transform_0(%arg0: i32) -> (i32, i32) {
    %c0_i32 = arith.constant 0 : i32
    %c0_i32_0 = arith.constant 0 : i32
    return %arg0, %c0_i32 : i32, i32
  }
  func.func @transform_1(%arg0: i32) -> (i32, i32) {
    %c0_i32 = arith.constant 0 : i32
    %c0_i32_0 = arith.constant 0 : i32
    return %arg0, %c0_i32 : i32, i32
  }
  func.func @transform_2(%arg0: i32) -> (i32, i32, i32) {
    %c0_i32 = arith.constant 0 : i32
    %c0_i32_0 = arith.constant 0 : i32
    %c0_i32_1 = arith.constant 0 : i32
    return %c0_i32, %arg0, %c0_i32_0 : i32, i32, i32
  }
  func.func @transform_3(%arg0: i32) -> (i32, i32, i32) {
    %c0_i32 = arith.constant 0 : i32
    %c0_i32_0 = arith.constant 0 : i32
    %c0_i32_1 = arith.constant 0 : i32
    return %c0_i32, %arg0, %c0_i32_0 : i32, i32, i32
  }
  func.func @transform_4(%arg0: i32) -> (i32, i32) {
    %c0_i32 = arith.constant 0 : i32
    %c0_i32_0 = arith.constant 0 : i32
    %c0_i32_1 = arith.constant 0 : i32
    return %c0_i32, %c0_i32_0 : i32, i32
  }
  func.func @transform_5(%arg0: i32) -> (i32, i32) {
    %c0_i32 = arith.constant 0 : i32
    %c0_i32_0 = arith.constant 0 : i32
    %c0_i32_1 = arith.constant 0 : i32
    return %c0_i32, %c0_i32_0 : i32, i32
  }
  func.func @transform_6(%arg0: i32) -> (i32, i32) {
    %c0_i32 = arith.constant 0 : i32
    %c0_i32_0 = arith.constant 0 : i32
    %c0_i32_1 = arith.constant 0 : i32
    return %c0_i32, %c0_i32_0 : i32, i32
  }
  func.func @transform_7(%arg0: i32) -> (i32, i32) {
    %c0_i32 = arith.constant 0 : i32
    %c0_i32_0 = arith.constant 0 : i32
    %c0_i32_1 = arith.constant 0 : i32
    return %c0_i32, %c0_i32_0 : i32, i32
  }
  func.func @transform_8(%arg0: i32) -> (i32, i32) {
    %c0_i32 = arith.constant 0 : i32
    %c0_i32_0 = arith.constant 0 : i32
    %c0_i32_1 = arith.constant 0 : i32
    return %c0_i32, %c0_i32_0 : i32, i32
  }
  func.func @transform_9(%arg0: i32) -> (i32, i32) {
    %c0_i32 = arith.constant 0 : i32
    %c0_i32_0 = arith.constant 0 : i32
    return %arg0, %c0_i32 : i32, i32
  }
  func.func @transform_10(%arg0: i32) -> (i32, i32) {
    %c0_i32 = arith.constant 0 : i32
    %c0_i32_0 = arith.constant 0 : i32
    return %arg0, %c0_i32 : i32, i32
  }
}

module attributes {stable_mosaic.version = 14 : i64} {
  func.func @body(%arg0: i32, %arg1: memref<2560x128xf32, #tpu.memory_space<vmem>>, %arg2: memref<2560x128xf32, #tpu.memory_space<vmem>>, %arg3: memref<2560x128xf32, #tpu.memory_space<vmem>>, %arg4: memref<2560x128xf32, #tpu.memory_space<vmem>>, %arg5: memref<2560x16xf32, #tpu.memory_space<vmem>>, %arg6: memref<16x32xf32, #tpu.memory_space<vmem>>, %arg7: memref<1x32xf32, #tpu.memory_space<vmem>>, %arg8: memref<32x16xf32, #tpu.memory_space<vmem>>, %arg9: memref<1x16xf32, #tpu.memory_space<vmem>>, %arg10: memref<128x128xf32, #tpu.memory_space<vmem>>, %arg11: memref<128x128xf32, #tpu.memory_space<vmem>>, %arg12: memref<16x128xf32, #tpu.memory_space<vmem>>, %arg13: memref<1x128xf32, #tpu.memory_space<vmem>>, %arg14: memref<1x128xf32, #tpu.memory_space<vmem>>, %arg15: memref<128x128xf32, #tpu.memory_space<vmem>>, %arg16: memref<1x128xf32, #tpu.memory_space<vmem>>, %arg17: memref<128x1xf32, #tpu.memory_space<vmem>>, %arg18: memref<1x1xf32, #tpu.memory_space<vmem>>, %arg19: memref<2560x128xf32, #tpu.memory_space<vmem>>) attributes {dimension_semantics = [#tpu.dimension_semantics<arbitrary>], iteration_bounds = array<i64: 125>, scalar_prefetch = 0 : i64, scratch_operands = 0 : i64, tpu.core_type = #tpu.core_type<tc>, window_params = [{transform_indices = @transform_0, window_bounds = array<i64: 2560, 128>}, {transform_indices = @transform_1, window_bounds = array<i64: 2560, 128>}, {transform_indices = @transform_2, window_bounds = array<i64: 2560, 128>}, {transform_indices = @transform_3, window_bounds = array<i64: 2560, 128>}, {transform_indices = @transform_4, window_bounds = array<i64: 2560, 16>}, {pipeline_mode = #tpu.pipeline_mode<synchronous>, transform_indices = @transform_5, window_bounds = array<i64: 16, 32>}, {pipeline_mode = #tpu.pipeline_mode<synchronous>, transform_indices = @transform_6, window_bounds = array<i64: 1, 32>}, {pipeline_mode = #tpu.pipeline_mode<synchronous>, transform_indices = @transform_7, window_bounds = array<i64: 32, 16>}, {pipeline_mode = #tpu.pipeline_mode<synchronous>, transform_indices = @transform_8, window_bounds = array<i64: 1, 16>}, {pipeline_mode = #tpu.pipeline_mode<synchronous>, transform_indices = @transform_9, window_bounds = array<i64: 128, 128>}, {pipeline_mode = #tpu.pipeline_mode<synchronous>, transform_indices = @transform_10, window_bounds = array<i64: 128, 128>}, {pipeline_mode = #tpu.pipeline_mode<synchronous>, transform_indices = @transform_11, window_bounds = array<i64: 16, 128>}, {pipeline_mode = #tpu.pipeline_mode<synchronous>, transform_indices = @transform_12, window_bounds = array<i64: 1, 128>}, {pipeline_mode = #tpu.pipeline_mode<synchronous>, transform_indices = @transform_13, window_bounds = array<i64: 1, 128>}, {pipeline_mode = #tpu.pipeline_mode<synchronous>, transform_indices = @transform_14, window_bounds = array<i64: 128, 128>}, {pipeline_mode = #tpu.pipeline_mode<synchronous>, transform_indices = @transform_15, window_bounds = array<i64: 1, 128>}, {pipeline_mode = #tpu.pipeline_mode<synchronous>, transform_indices = @transform_16, window_bounds = array<i64: 128, 1>}, {pipeline_mode = #tpu.pipeline_mode<synchronous>, transform_indices = @transform_17, window_bounds = array<i64: 1, 1>}, {transform_indices = @transform_18, window_bounds = array<i64: 2560, 128>}]} {
    %get3A = arith.constant 0 : index
    %get3A_0 = arith.constant 0 : index
    %get3A_1 = vector.load %arg3[%get3A, %get3A_0] : memref<2560x128xf32, #tpu.memory_space<vmem>>, vector<2560x16xf32>
    %get3A_2 = arith.constant 0 : index
    %get3A_3 = arith.constant 0 : index
    %get3A_4 = vector.load %arg4[%get3A_2, %get3A_3] : memref<2560x128xf32, #tpu.memory_space<vmem>>, vector<2560x16xf32>
    %sub3A = arith.subf %get3A_1, %get3A_4 : vector<2560x16xf32>
    %mul3A = arith.mulf %sub3A, %sub3A : vector<2560x16xf32>
    %reduce_sum3A = arith.constant dense<0.000000e+00> : vector<2560xf32>
    %reduce_sum3A_5 = vector.multi_reduction <add>, %mul3A, %reduce_sum3A [1] : vector<2560x16xf32> to vector<2560xf32>
    %broadcast_in_dim3A = vector.shape_cast %reduce_sum3A_5 : vector<2560xf32> to vector<2560x1xf32>
    %get3A_6 = arith.constant 0 : index
    %get3A_7 = arith.constant 0 : index
    %get3A_8 = vector.load %arg5[%get3A_6, %get3A_7] : memref<2560x16xf32, #tpu.memory_space<vmem>>, vector<2560x16xf32>
    %get3A_9 = arith.constant 0 : index
    %get3A_10 = arith.constant 0 : index
    %get3A_11 = vector.load %arg6[%get3A_9, %get3A_10] : memref<16x32xf32, #tpu.memory_space<vmem>>, vector<16x32xf32>
    %dot_general3A = arith.constant dense<0.000000e+00> : vector<2560x32xf32>
    %dot_general3A_12 = tpu.matmul %get3A_8, %get3A_11, %dot_general3A {dimension_numbers = #tpu.dot_dimension_numbers<[1], [0], [0], [1], [0, 0, 1, 1], [], []>, transpose_lhs_hint = false} : vector<2560x16xf32>, vector<16x32xf32>, vector<2560x32xf32> -> vector<2560x32xf32>
    %get3A_13 = arith.constant 0 : index
    %get3A_14 = arith.constant 0 : index
    %get3A_15 = vector.load %arg7[%get3A_13, %get3A_14] : memref<1x32xf32, #tpu.memory_space<vmem>>, vector<1x32xf32>
    %add3A = vector.broadcast %get3A_15 : vector<1x32xf32> to vector<2560x32xf32>
    %add3A_16 = arith.addf %dot_general3A_12, %add3A : vector<2560x32xf32>
    %logistic3A = arith.negf %add3A_16 : vector<2560x32xf32>
    %logistic3A_17 = math.exp %logistic3A : vector<2560x32xf32>
    %logistic3A_18 = arith.constant 1.000000e+00 : f32
    %logistic3A_19 = vector.broadcast %logistic3A_18 : f32 to vector<2560x32xf32>
    %logistic3A_20 = arith.addf %logistic3A_19, %logistic3A_17 : vector<2560x32xf32>
    %logistic3A_21 = arith.divf %logistic3A_19, %logistic3A_20 : vector<2560x32xf32>
    %mul3A_22 = arith.mulf %add3A_16, %logistic3A_21 : vector<2560x32xf32>
    %get3A_23 = arith.constant 0 : index
    %get3A_24 = arith.constant 0 : index
    %get3A_25 = vector.load %arg8[%get3A_23, %get3A_24] : memref<32x16xf32, #tpu.memory_space<vmem>>, vector<32x16xf32>
    %dot_general3A_26 = arith.constant dense<0.000000e+00> : vector<2560x16xf32>
    %dot_general3A_27 = tpu.matmul %mul3A_22, %get3A_25, %dot_general3A_26 {dimension_numbers = #tpu.dot_dimension_numbers<[1], [0], [0], [1], [0, 0, 1, 1], [], []>, transpose_lhs_hint = false} : vector<2560x32xf32>, vector<32x16xf32>, vector<2560x16xf32> -> vector<2560x16xf32>
    %get3A_28 = arith.constant 0 : index
    %get3A_29 = arith.constant 0 : index
    %get3A_30 = vector.load %arg9[%get3A_28, %get3A_29] : memref<1x16xf32, #tpu.memory_space<vmem>>, vector<1x16xf32>
    %add3A_31 = vector.broadcast %get3A_30 : vector<1x16xf32> to vector<2560x16xf32>
    %add3A_32 = arith.addf %dot_general3A_27, %add3A_31 : vector<2560x16xf32>
    %get3A_33 = arith.constant 0 : index
    %get3A_34 = arith.constant 0 : index
    %get3A_35 = vector.load %arg1[%get3A_33, %get3A_34] : memref<2560x128xf32, #tpu.memory_space<vmem>>, vector<2560x128xf32>
    %get3A_36 = arith.constant 0 : index
    %get3A_37 = arith.constant 0 : index
    %get3A_38 = vector.load %arg10[%get3A_36, %get3A_37] : memref<128x128xf32, #tpu.memory_space<vmem>>, vector<128x128xf32>
    %dot_general3A_39 = arith.constant dense<0.000000e+00> : vector<2560x128xf32>
    %dot_general3A_40 = tpu.matmul %get3A_35, %get3A_38, %dot_general3A_39 {dimension_numbers = #tpu.dot_dimension_numbers<[1], [0], [0], [1], [0, 0, 1, 1], [], []>, transpose_lhs_hint = false} : vector<2560x128xf32>, vector<128x128xf32>, vector<2560x128xf32> -> vector<2560x128xf32>
    %get3A_41 = arith.constant 0 : index
    %get3A_42 = arith.constant 0 : index
    %get3A_43 = vector.load %arg2[%get3A_41, %get3A_42] : memref<2560x128xf32, #tpu.memory_space<vmem>>, vector<2560x128xf32>
    %get3A_44 = arith.constant 0 : index
    %get3A_45 = arith.constant 0 : index
    %get3A_46 = vector.load %arg11[%get3A_44, %get3A_45] : memref<128x128xf32, #tpu.memory_space<vmem>>, vector<128x128xf32>
    %dot_general3A_47 = arith.constant dense<0.000000e+00> : vector<2560x128xf32>
    %dot_general3A_48 = tpu.matmul %get3A_43, %get3A_46, %dot_general3A_47 {dimension_numbers = #tpu.dot_dimension_numbers<[1], [0], [0], [1], [0, 0, 1, 1], [], []>, transpose_lhs_hint = false} : vector<2560x128xf32>, vector<128x128xf32>, vector<2560x128xf32> -> vector<2560x128xf32>
    %add3A_49 = arith.addf %dot_general3A_40, %dot_general3A_48 : vector<2560x128xf32>
    %get3A_50 = arith.constant 0 : index
    %get3A_51 = arith.constant 0 : index
    %get3A_52 = vector.load %arg12[%get3A_50, %get3A_51] : memref<16x128xf32, #tpu.memory_space<vmem>>, vector<16x128xf32>
    %dot_general3A_53 = arith.constant dense<0.000000e+00> : vector<2560x128xf32>
    %dot_general3A_54 = tpu.matmul %add3A_32, %get3A_52, %dot_general3A_53 {dimension_numbers = #tpu.dot_dimension_numbers<[1], [0], [0], [1], [0, 0, 1, 1], [], []>, transpose_lhs_hint = false} : vector<2560x16xf32>, vector<16x128xf32>, vector<2560x128xf32> -> vector<2560x128xf32>
    %add3A_55 = arith.addf %add3A_49, %dot_general3A_54 : vector<2560x128xf32>
    %get3A_56 = arith.constant 0 : index
    %get3A_57 = arith.constant 0 : index
    %get3A_58 = vector.load %arg13[%get3A_56, %get3A_57] : memref<1x128xf32, #tpu.memory_space<vmem>>, vector<1x128xf32>
    %mul3A_59 = vector.broadcast %broadcast_in_dim3A : vector<2560x1xf32> to vector<2560x128xf32>
    %mul3A_60 = vector.broadcast %get3A_58 : vector<1x128xf32> to vector<2560x128xf32>
    %mul3A_61 = arith.mulf %mul3A_59, %mul3A_60 : vector<2560x128xf32>
    %add3A_62 = arith.addf %add3A_55, %mul3A_61 : vector<2560x128xf32>
    %get3A_63 = arith.constant 0 : index
    %get3A_64 = arith.constant 0 : index
    %get3A_65 = vector.load %arg14[%get3A_63, %get3A_64] : memref<1x128xf32, #tpu.memory_space<vmem>>, vector<1x128xf32>
    %add3A_66 = vector.broadcast %get3A_65 : vector<1x128xf32> to vector<2560x128xf32>
    %add3A_67 = arith.addf %add3A_62, %add3A_66 : vector<2560x128xf32>
    %logistic3A_68 = arith.negf %add3A_67 : vector<2560x128xf32>
    %logistic3A_69 = math.exp %logistic3A_68 : vector<2560x128xf32>
    %logistic3A_70 = arith.constant 1.000000e+00 : f32
    %logistic3A_71 = vector.broadcast %logistic3A_70 : f32 to vector<2560x128xf32>
    %logistic3A_72 = arith.addf %logistic3A_71, %logistic3A_69 : vector<2560x128xf32>
    %logistic3A_73 = arith.divf %logistic3A_71, %logistic3A_72 : vector<2560x128xf32>
    %mul3A_74 = arith.mulf %add3A_67, %logistic3A_73 : vector<2560x128xf32>
    %get3A_75 = arith.constant 0 : index
    %get3A_76 = arith.constant 0 : index
    %get3A_77 = vector.load %arg15[%get3A_75, %get3A_76] : memref<128x128xf32, #tpu.memory_space<vmem>>, vector<128x128xf32>
    %dot_general3A_78 = arith.constant dense<0.000000e+00> : vector<2560x128xf32>
    %dot_general3A_79 = tpu.matmul %mul3A_74, %get3A_77, %dot_general3A_78 {dimension_numbers = #tpu.dot_dimension_numbers<[1], [0], [0], [1], [0, 0, 1, 1], [], []>, transpose_lhs_hint = false} : vector<2560x128xf32>, vector<128x128xf32>, vector<2560x128xf32> -> vector<2560x128xf32>
    %get3A_80 = arith.constant 0 : index
    %get3A_81 = arith.constant 0 : index
    %get3A_82 = vector.load %arg16[%get3A_80, %get3A_81] : memref<1x128xf32, #tpu.memory_space<vmem>>, vector<1x128xf32>
    %add3A_83 = vector.broadcast %get3A_82 : vector<1x128xf32> to vector<2560x128xf32>
    %add3A_84 = arith.addf %dot_general3A_79, %add3A_83 : vector<2560x128xf32>
    %logistic3A_85 = arith.negf %add3A_84 : vector<2560x128xf32>
    %logistic3A_86 = math.exp %logistic3A_85 : vector<2560x128xf32>
    %logistic3A_87 = arith.constant 1.000000e+00 : f32
    %logistic3A_88 = vector.broadcast %logistic3A_87 : f32 to vector<2560x128xf32>
    %logistic3A_89 = arith.addf %logistic3A_88, %logistic3A_86 : vector<2560x128xf32>
    %logistic3A_90 = arith.divf %logistic3A_88, %logistic3A_89 : vector<2560x128xf32>
    %mul3A_91 = arith.mulf %add3A_84, %logistic3A_90 : vector<2560x128xf32>
    %swap3A = arith.constant 0 : index
    %swap3A_92 = arith.constant 0 : index
    %swap3A_93 = vector.load %arg19[%swap3A, %swap3A_92] : memref<2560x128xf32, #tpu.memory_space<vmem>>, vector<2560x128xf32>
    tpu.vector_store %arg19[%swap3A, %swap3A_92], %mul3A_91 {strides = array<i32>} : memref<2560x128xf32, #tpu.memory_space<vmem>>, vector<2560x128xf32>,
    return
  }
  func.func @transform_0(%arg0: i32) -> (i32, i32) {
    %c0_i32 = arith.constant 0 : i32
    %c0_i32_0 = arith.constant 0 : i32
    return %arg0, %c0_i32 : i32, i32
  }
  func.func @transform_1(%arg0: i32) -> (i32, i32) {
    %c0_i32 = arith.constant 0 : i32
    %c0_i32_0 = arith.constant 0 : i32
    return %arg0, %c0_i32 : i32, i32
  }
  func.func @transform_2(%arg0: i32) -> (i32, i32) {
    %c0_i32 = arith.constant 0 : i32
    %c0_i32_0 = arith.constant 0 : i32
    return %arg0, %c0_i32 : i32, i32
  }
  func.func @transform_3(%arg0: i32) -> (i32, i32) {
    %c0_i32 = arith.constant 0 : i32
    %c0_i32_0 = arith.constant 0 : i32
    return %arg0, %c0_i32 : i32, i32
  }
  func.func @transform_4(%arg0: i32) -> (i32, i32) {
    %c0_i32 = arith.constant 0 : i32
    %c0_i32_0 = arith.constant 0 : i32
    return %arg0, %c0_i32 : i32, i32
  }
  func.func @transform_5(%arg0: i32) -> (i32, i32) {
    %c0_i32 = arith.constant 0 : i32
    %c0_i32_0 = arith.constant 0 : i32
    %c0_i32_1 = arith.constant 0 : i32
    return %c0_i32, %c0_i32_0 : i32, i32
  }
  func.func @transform_6(%arg0: i32) -> (i32, i32) {
    %c0_i32 = arith.constant 0 : i32
    %c0_i32_0 = arith.constant 0 : i32
    %c0_i32_1 = arith.constant 0 : i32
    return %c0_i32, %c0_i32_0 : i32, i32
  }
  func.func @transform_7(%arg0: i32) -> (i32, i32) {
    %c0_i32 = arith.constant 0 : i32
    %c0_i32_0 = arith.constant 0 : i32
    %c0_i32_1 = arith.constant 0 : i32
    return %c0_i32, %c0_i32_0 : i32, i32
  }
  func.func @transform_8(%arg0: i32) -> (i32, i32) {
    %c0_i32 = arith.constant 0 : i32
    %c0_i32_0 = arith.constant 0 : i32
    %c0_i32_1 = arith.constant 0 : i32
    return %c0_i32, %c0_i32_0 : i32, i32
  }
  func.func @transform_9(%arg0: i32) -> (i32, i32) {
    %c0_i32 = arith.constant 0 : i32
    %c0_i32_0 = arith.constant 0 : i32
    %c0_i32_1 = arith.constant 0 : i32
    return %c0_i32, %c0_i32_0 : i32, i32
  }
  func.func @transform_10(%arg0: i32) -> (i32, i32) {
    %c0_i32 = arith.constant 0 : i32
    %c0_i32_0 = arith.constant 0 : i32
    %c0_i32_1 = arith.constant 0 : i32
    return %c0_i32, %c0_i32_0 : i32, i32
  }
  func.func @transform_11(%arg0: i32) -> (i32, i32) {
    %c0_i32 = arith.constant 0 : i32
    %c0_i32_0 = arith.constant 0 : i32
    %c0_i32_1 = arith.constant 0 : i32
    return %c0_i32, %c0_i32_0 : i32, i32
  }
  func.func @transform_12(%arg0: i32) -> (i32, i32) {
    %c0_i32 = arith.constant 0 : i32
    %c0_i32_0 = arith.constant 0 : i32
    %c0_i32_1 = arith.constant 0 : i32
    return %c0_i32, %c0_i32_0 : i32, i32
  }
  func.func @transform_13(%arg0: i32) -> (i32, i32) {
    %c0_i32 = arith.constant 0 : i32
    %c0_i32_0 = arith.constant 0 : i32
    %c0_i32_1 = arith.constant 0 : i32
    return %c0_i32, %c0_i32_0 : i32, i32
  }
  func.func @transform_14(%arg0: i32) -> (i32, i32) {
    %c0_i32 = arith.constant 0 : i32
    %c0_i32_0 = arith.constant 0 : i32
    %c0_i32_1 = arith.constant 0 : i32
    return %c0_i32, %c0_i32_0 : i32, i32
  }
  func.func @transform_15(%arg0: i32) -> (i32, i32) {
    %c0_i32 = arith.constant 0 : i32
    %c0_i32_0 = arith.constant 0 : i32
    %c0_i32_1 = arith.constant 0 : i32
    return %c0_i32, %c0_i32_0 : i32, i32
  }
  func.func @transform_16(%arg0: i32) -> (i32, i32) {
    %c0_i32 = arith.constant 0 : i32
    %c0_i32_0 = arith.constant 0 : i32
    %c0_i32_1 = arith.constant 0 : i32
    return %c0_i32, %c0_i32_0 : i32, i32
  }
  func.func @transform_17(%arg0: i32) -> (i32, i32) {
    %c0_i32 = arith.constant 0 : i32
    %c0_i32_0 = arith.constant 0 : i32
    %c0_i32_1 = arith.constant 0 : i32
    return %c0_i32, %c0_i32_0 : i32, i32
  }
  func.func @transform_18(%arg0: i32) -> (i32, i32) {
    %c0_i32 = arith.constant 0 : i32
    %c0_i32_0 = arith.constant 0 : i32
    return %arg0, %c0_i32 : i32, i32
  }
}

module attributes {stable_mosaic.version = 14 : i64} {
  func.func @_node_h_body(%arg0: i32, %arg1: memref<2000x128xf32, #tpu.memory_space<vmem>>, %arg2: memref<2x2000x128xf32, #tpu.memory_space<vmem>>, %arg3: memref<128x128xf32, #tpu.memory_space<vmem>>, %arg4: memref<128x128xf32, #tpu.memory_space<vmem>>, %arg5: memref<1x128xf32, #tpu.memory_space<vmem>>, %arg6: memref<128x128xf32, #tpu.memory_space<vmem>>, %arg7: memref<1x128xf32, #tpu.memory_space<vmem>>, %arg8: memref<2000x128xf32, #tpu.memory_space<vmem>>) attributes {dimension_semantics = [#tpu.dimension_semantics<arbitrary>], iteration_bounds = array<i64: 5>, scalar_prefetch = 0 : i64, scratch_operands = 0 : i64, tpu.core_type = #tpu.core_type<tc>, window_params = [{transform_indices = @transform_0, window_bounds = array<i64: 2000, 128>}, {transform_indices = @transform_1, window_bounds = array<i64: 2, 2000, 128>}, {pipeline_mode = #tpu.pipeline_mode<synchronous>, transform_indices = @transform_2, window_bounds = array<i64: 128, 128>}, {pipeline_mode = #tpu.pipeline_mode<synchronous>, transform_indices = @transform_3, window_bounds = array<i64: 128, 128>}, {pipeline_mode = #tpu.pipeline_mode<synchronous>, transform_indices = @transform_4, window_bounds = array<i64: 1, 128>}, {pipeline_mode = #tpu.pipeline_mode<synchronous>, transform_indices = @transform_5, window_bounds = array<i64: 128, 128>}, {pipeline_mode = #tpu.pipeline_mode<synchronous>, transform_indices = @transform_6, window_bounds = array<i64: 1, 128>}, {transform_indices = @transform_7, window_bounds = array<i64: 2000, 128>}]} {
    %get3A = arith.constant 0 : index
    %get3A_0 = arith.constant 0 : index
    %get3A_1 = vector.load %arg1[%get3A, %get3A_0] : memref<2000x128xf32, #tpu.memory_space<vmem>>, vector<2000x128xf32>
    %get3A_2 = arith.constant 0 : index
    %get3A_3 = arith.constant 0 : index
    %get3A_4 = arith.constant 0 : index
    %get3A_5 = vector.load %arg2[%get3A_2, %get3A_3, %get3A_4] : memref<2x2000x128xf32, #tpu.memory_space<vmem>>, vector<1x2000x128xf32>
    %get3A_6 = vector.shape_cast %get3A_5 : vector<1x2000x128xf32> to vector<2000x128xf32>
    %get3A_7 = arith.constant 1 : index
    %get3A_8 = arith.constant 0 : index
    %get3A_9 = arith.constant 0 : index
    %get3A_10 = vector.load %arg2[%get3A_7, %get3A_8, %get3A_9] : memref<2x2000x128xf32, #tpu.memory_space<vmem>>, vector<1x2000x128xf32>
    %get3A_11 = vector.shape_cast %get3A_10 : vector<1x2000x128xf32> to vector<2000x128xf32>
    %add3A = arith.addf %get3A_6, %get3A_11 : vector<2000x128xf32>
    %get3A_12 = arith.constant 0 : index
    %get3A_13 = arith.constant 0 : index
    %get3A_14 = vector.load %arg3[%get3A_12, %get3A_13] : memref<128x128xf32, #tpu.memory_space<vmem>>, vector<128x128xf32>
    %dot_general3A = arith.constant dense<0.000000e+00> : vector<2000x128xf32>
    %dot_general3A_15 = tpu.matmul %get3A_1, %get3A_14, %dot_general3A {dimension_numbers = #tpu.dot_dimension_numbers<[1], [0], [0], [1], [0, 0, 1, 1], [], []>, transpose_lhs_hint = false} : vector<2000x128xf32>, vector<128x128xf32>, vector<2000x128xf32> -> vector<2000x128xf32>
    %get3A_16 = arith.constant 0 : index
    %get3A_17 = arith.constant 0 : index
    %get3A_18 = vector.load %arg4[%get3A_16, %get3A_17] : memref<128x128xf32, #tpu.memory_space<vmem>>, vector<128x128xf32>
    %dot_general3A_19 = arith.constant dense<0.000000e+00> : vector<2000x128xf32>
    %dot_general3A_20 = tpu.matmul %add3A, %get3A_18, %dot_general3A_19 {dimension_numbers = #tpu.dot_dimension_numbers<[1], [0], [0], [1], [0, 0, 1, 1], [], []>, transpose_lhs_hint = false} : vector<2000x128xf32>, vector<128x128xf32>, vector<2000x128xf32> -> vector<2000x128xf32>
    %add3A_21 = arith.addf %dot_general3A_15, %dot_general3A_20 : vector<2000x128xf32>
    %get3A_22 = arith.constant 0 : index
    %get3A_23 = arith.constant 0 : index
    %get3A_24 = vector.load %arg5[%get3A_22, %get3A_23] : memref<1x128xf32, #tpu.memory_space<vmem>>, vector<1x128xf32>
    %add3A_25 = vector.broadcast %get3A_24 : vector<1x128xf32> to vector<2000x128xf32>
    %add3A_26 = arith.addf %add3A_21, %add3A_25 : vector<2000x128xf32>
    %logistic3A = arith.negf %add3A_26 : vector<2000x128xf32>
    %logistic3A_27 = math.exp %logistic3A : vector<2000x128xf32>
    %logistic3A_28 = arith.constant 1.000000e+00 : f32
    %logistic3A_29 = vector.broadcast %logistic3A_28 : f32 to vector<2000x128xf32>
    %logistic3A_30 = arith.addf %logistic3A_29, %logistic3A_27 : vector<2000x128xf32>
    %logistic3A_31 = arith.divf %logistic3A_29, %logistic3A_30 : vector<2000x128xf32>
    %mul3A = arith.mulf %add3A_26, %logistic3A_31 : vector<2000x128xf32>
    %get3A_32 = arith.constant 0 : index
    %get3A_33 = arith.constant 0 : index
    %get3A_34 = vector.load %arg6[%get3A_32, %get3A_33] : memref<128x128xf32, #tpu.memory_space<vmem>>, vector<128x128xf32>
    %dot_general3A_35 = arith.constant dense<0.000000e+00> : vector<2000x128xf32>
    %dot_general3A_36 = tpu.matmul %mul3A, %get3A_34, %dot_general3A_35 {dimension_numbers = #tpu.dot_dimension_numbers<[1], [0], [0], [1], [0, 0, 1, 1], [], []>, transpose_lhs_hint = false} : vector<2000x128xf32>, vector<128x128xf32>, vector<2000x128xf32> -> vector<2000x128xf32>
    %add3A_37 = arith.addf %get3A_1, %dot_general3A_36 : vector<2000x128xf32>
    %get3A_38 = arith.constant 0 : index
    %get3A_39 = arith.constant 0 : index
    %get3A_40 = vector.load %arg7[%get3A_38, %get3A_39] : memref<1x128xf32, #tpu.memory_space<vmem>>, vector<1x128xf32>
    %add3A_41 = vector.broadcast %get3A_40 : vector<1x128xf32> to vector<2000x128xf32>
    %add3A_42 = arith.addf %add3A_37, %add3A_41 : vector<2000x128xf32>
    %swap3A = arith.constant 0 : index
    %swap3A_43 = arith.constant 0 : index
    %swap3A_44 = vector.load %arg8[%swap3A, %swap3A_43] : memref<2000x128xf32, #tpu.memory_space<vmem>>, vector<2000x128xf32>
    tpu.vector_store %arg8[%swap3A, %swap3A_43], %add3A_42 {strides = array<i32>} : memref<2000x128xf32, #tpu.memory_space<vmem>>, vector<2000x128xf32>,
    return
  }
  func.func @transform_0(%arg0: i32) -> (i32, i32) {
    %c0_i32 = arith.constant 0 : i32
    %c0_i32_0 = arith.constant 0 : i32
    return %arg0, %c0_i32 : i32, i32
  }
  func.func @transform_1(%arg0: i32) -> (i32, i32, i32) {
    %c0_i32 = arith.constant 0 : i32
    %c0_i32_0 = arith.constant 0 : i32
    %c0_i32_1 = arith.constant 0 : i32
    return %c0_i32, %arg0, %c0_i32_0 : i32, i32, i32
  }
  func.func @transform_2(%arg0: i32) -> (i32, i32) {
    %c0_i32 = arith.constant 0 : i32
    %c0_i32_0 = arith.constant 0 : i32
    %c0_i32_1 = arith.constant 0 : i32
    return %c0_i32, %c0_i32_0 : i32, i32
  }
  func.func @transform_3(%arg0: i32) -> (i32, i32) {
    %c0_i32 = arith.constant 0 : i32
    %c0_i32_0 = arith.constant 0 : i32
    %c0_i32_1 = arith.constant 0 : i32
    return %c0_i32, %c0_i32_0 : i32, i32
  }
  func.func @transform_4(%arg0: i32) -> (i32, i32) {
    %c0_i32 = arith.constant 0 : i32
    %c0_i32_0 = arith.constant 0 : i32
    %c0_i32_1 = arith.constant 0 : i32
    return %c0_i32, %c0_i32_0 : i32, i32
  }
  func.func @transform_5(%arg0: i32) -> (i32, i32) {
    %c0_i32 = arith.constant 0 : i32
    %c0_i32_0 = arith.constant 0 : i32
    %c0_i32_1 = arith.constant 0 : i32
    return %c0_i32, %c0_i32_0 : i32, i32
  }
  func.func @transform_6(%arg0: i32) -> (i32, i32) {
    %c0_i32 = arith.constant 0 : i32
    %c0_i32_0 = arith.constant 0 : i32
    %c0_i32_1 = arith.constant 0 : i32
    return %c0_i32, %c0_i32_0 : i32, i32
  }
  func.func @transform_7(%arg0: i32) -> (i32, i32) {
    %c0_i32 = arith.constant 0 : i32
    %c0_i32_0 = arith.constant 0 : i32
    return %arg0, %c0_i32 : i32, i32
  }
}

module attributes {stable_mosaic.version = 14 : i64} {
  func.func @_ro_body(%arg0: i32, %arg1: memref<2000x128xf32, #tpu.memory_space<vmem>>, %arg2: memref<2000x1xi32, #tpu.memory_space<vmem>>, %arg3: memref<128x128xf32, #tpu.memory_space<vmem>>, %arg4: memref<1x128xf32, #tpu.memory_space<vmem>>, %arg5: memref<128x128xf32, #tpu.memory_space<vmem>>, %arg6: memref<1x128xf32, #tpu.memory_space<vmem>>, %arg7: memref<128x128xf32, #tpu.memory_space<vmem>>, %arg8: memref<1x128xf32, #tpu.memory_space<vmem>>, %arg9: memref<128x128xf32, #tpu.memory_space<vmem>>, %arg10: memref<1x128xf32, #tpu.memory_space<vmem>>, %arg11: memref<128x1xf32, #tpu.memory_space<vmem>>, %arg12: memref<1x1xf32, #tpu.memory_space<vmem>>, %arg13: memref<1x16xf32, #tpu.memory_space<vmem>>, %arg14: memref<1x16xf32, #tpu.memory_space<vmem>>, %arg15: memref<1x16xf32, #tpu.memory_space<vmem>>) attributes {dimension_semantics = [#tpu.dimension_semantics<arbitrary>], iteration_bounds = array<i64: 5>, scalar_prefetch = 0 : i64, scratch_operands = 2 : i64, tpu.core_type = #tpu.core_type<tc>, window_params = [{transform_indices = @transform_0, window_bounds = array<i64: 2000, 128>}, {transform_indices = @transform_1, window_bounds = array<i64: 2000, 1>}, {pipeline_mode = #tpu.pipeline_mode<synchronous>, transform_indices = @transform_2, window_bounds = array<i64: 128, 128>}, {pipeline_mode = #tpu.pipeline_mode<synchronous>, transform_indices = @transform_3, window_bounds = array<i64: 1, 128>}, {pipeline_mode = #tpu.pipeline_mode<synchronous>, transform_indices = @transform_4, window_bounds = array<i64: 128, 128>}, {pipeline_mode = #tpu.pipeline_mode<synchronous>, transform_indices = @transform_5, window_bounds = array<i64: 1, 128>}, {pipeline_mode = #tpu.pipeline_mode<synchronous>, transform_indices = @transform_6, window_bounds = array<i64: 128, 128>}, {pipeline_mode = #tpu.pipeline_mode<synchronous>, transform_indices = @transform_7, window_bounds = array<i64: 1, 128>}, {pipeline_mode = #tpu.pipeline_mode<synchronous>, transform_indices = @transform_8, window_bounds = array<i64: 128, 128>}, {pipeline_mode = #tpu.pipeline_mode<synchronous>, transform_indices = @transform_9, window_bounds = array<i64: 1, 128>}, {pipeline_mode = #tpu.pipeline_mode<synchronous>, transform_indices = @transform_10, window_bounds = array<i64: 128, 1>}, {pipeline_mode = #tpu.pipeline_mode<synchronous>, transform_indices = @transform_11, window_bounds = array<i64: 1, 1>}, {pipeline_mode = #tpu.pipeline_mode<synchronous>, transform_indices = @transform_12, window_bounds = array<i64: 1, 16>}]} {
    %eq3A = arith.constant 0 : i32
    %eq3A_0 = arith.cmpi eq, %arg0, %eq3A : i32
    %convert_element_type3A = arith.extui %eq3A_0 : i1 to i32
    %cond3A = arith.constant 0 : i32
    %cond3A_1 = arith.cmpi ne, %convert_element_type3A, %cond3A : i32
    scf.if %cond3A_1 {
      %broadcast_in_dim3A_115 = arith.constant 0.000000e+00 : f32
      %broadcast_in_dim3A_116 = vector.broadcast %broadcast_in_dim3A_115 : f32 to vector<1x16xf32>
      %swap3A_117 = arith.constant 0 : index
      %swap3A_118 = arith.constant 0 : index
      %swap3A_119 = vector.load %arg14[%swap3A_117, %swap3A_118] : memref<1x16xf32, #tpu.memory_space<vmem>>, vector<1x16xf32>
      tpu.vector_store %arg14[%swap3A_117, %swap3A_118], %broadcast_in_dim3A_116 {strides = array<i32>} : memref<1x16xf32, #tpu.memory_space<vmem>>, vector<1x16xf32>,
      %broadcast_in_dim3A_120 = arith.constant 0.000000e+00 : f32
      %broadcast_in_dim3A_121 = vector.broadcast %broadcast_in_dim3A_120 : f32 to vector<1x16xf32>
      %swap3A_122 = arith.constant 0 : index
      %swap3A_123 = arith.constant 0 : index
      %swap3A_124 = vector.load %arg15[%swap3A_122, %swap3A_123] : memref<1x16xf32, #tpu.memory_space<vmem>>, vector<1x16xf32>
      tpu.vector_store %arg15[%swap3A_122, %swap3A_123], %broadcast_in_dim3A_121 {strides = array<i32>} : memref<1x16xf32, #tpu.memory_space<vmem>>, vector<1x16xf32>,
    } else {
    }
    %get3A = arith.constant 0 : index
    %get3A_2 = arith.constant 0 : index
    %get3A_3 = vector.load %arg1[%get3A, %get3A_2] : memref<2000x128xf32, #tpu.memory_space<vmem>>, vector<2000x128xf32>
    %get3A_4 = arith.constant 0 : index
    %get3A_5 = arith.constant 0 : index
    %get3A_6 = vector.load %arg5[%get3A_4, %get3A_5] : memref<128x128xf32, #tpu.memory_space<vmem>>, vector<128x128xf32>
    %dot_general3A = arith.constant dense<0.000000e+00> : vector<2000x128xf32>
    %dot_general3A_7 = tpu.matmul %get3A_3, %get3A_6, %dot_general3A {dimension_numbers = #tpu.dot_dimension_numbers<[1], [0], [0], [1], [0, 0, 1, 1], [], []>, transpose_lhs_hint = false} : vector<2000x128xf32>, vector<128x128xf32>, vector<2000x128xf32> -> vector<2000x128xf32>
    %get3A_8 = arith.constant 0 : index
    %get3A_9 = arith.constant 0 : index
    %get3A_10 = vector.load %arg6[%get3A_8, %get3A_9] : memref<1x128xf32, #tpu.memory_space<vmem>>, vector<1x128xf32>
    %add3A = vector.broadcast %get3A_10 : vector<1x128xf32> to vector<2000x128xf32>
    %add3A_11 = arith.addf %dot_general3A_7, %add3A : vector<2000x128xf32>
    %logistic3A = arith.negf %add3A_11 : vector<2000x128xf32>
    %logistic3A_12 = math.exp %logistic3A : vector<2000x128xf32>
    %logistic3A_13 = arith.constant 1.000000e+00 : f32
    %logistic3A_14 = vector.broadcast %logistic3A_13 : f32 to vector<2000x128xf32>
    %logistic3A_15 = arith.addf %logistic3A_14, %logistic3A_12 : vector<2000x128xf32>
    %logistic3A_16 = arith.divf %logistic3A_14, %logistic3A_15 : vector<2000x128xf32>
    %get3A_17 = arith.constant 0 : index
    %get3A_18 = arith.constant 0 : index
    %get3A_19 = vector.load %arg3[%get3A_17, %get3A_18] : memref<128x128xf32, #tpu.memory_space<vmem>>, vector<128x128xf32>
    %dot_general3A_20 = arith.constant dense<0.000000e+00> : vector<2000x128xf32>
    %dot_general3A_21 = tpu.matmul %get3A_3, %get3A_19, %dot_general3A_20 {dimension_numbers = #tpu.dot_dimension_numbers<[1], [0], [0], [1], [0, 0, 1, 1], [], []>, transpose_lhs_hint = false} : vector<2000x128xf32>, vector<128x128xf32>, vector<2000x128xf32> -> vector<2000x128xf32>
    %get3A_22 = arith.constant 0 : index
    %get3A_23 = arith.constant 0 : index
    %get3A_24 = vector.load %arg4[%get3A_22, %get3A_23] : memref<1x128xf32, #tpu.memory_space<vmem>>, vector<1x128xf32>
    %add3A_25 = vector.broadcast %get3A_24 : vector<1x128xf32> to vector<2000x128xf32>
    %add3A_26 = arith.addf %dot_general3A_21, %add3A_25 : vector<2000x128xf32>
    %mul3A = arith.mulf %add3A_26, %logistic3A_16 : vector<2000x128xf32>
    %logistic3A_27 = arith.negf %mul3A : vector<2000x128xf32>
    %logistic3A_28 = math.exp %logistic3A_27 : vector<2000x128xf32>
    %logistic3A_29 = arith.constant 1.000000e+00 : f32
    %logistic3A_30 = vector.broadcast %logistic3A_29 : f32 to vector<2000x128xf32>
    %logistic3A_31 = arith.addf %logistic3A_30, %logistic3A_28 : vector<2000x128xf32>
    %logistic3A_32 = arith.divf %logistic3A_30, %logistic3A_31 : vector<2000x128xf32>
    %mul3A_33 = arith.mulf %mul3A, %logistic3A_32 : vector<2000x128xf32>
    %get3A_34 = arith.constant 0 : index
    %get3A_35 = arith.constant 0 : index
    %get3A_36 = vector.load %arg9[%get3A_34, %get3A_35] : memref<128x128xf32, #tpu.memory_space<vmem>>, vector<128x128xf32>
    %dot_general3A_37 = arith.constant dense<0.000000e+00> : vector<2000x128xf32>
    %dot_general3A_38 = tpu.matmul %mul3A_33, %get3A_36, %dot_general3A_37 {dimension_numbers = #tpu.dot_dimension_numbers<[1], [0], [0], [1], [0, 0, 1, 1], [], []>, transpose_lhs_hint = false} : vector<2000x128xf32>, vector<128x128xf32>, vector<2000x128xf32> -> vector<2000x128xf32>
    %get3A_39 = arith.constant 0 : index
    %get3A_40 = arith.constant 0 : index
    %get3A_41 = vector.load %arg10[%get3A_39, %get3A_40] : memref<1x128xf32, #tpu.memory_space<vmem>>, vector<1x128xf32>
    %add3A_42 = vector.broadcast %get3A_41 : vector<1x128xf32> to vector<2000x128xf32>
    %add3A_43 = arith.addf %dot_general3A_38, %add3A_42 : vector<2000x128xf32>
    %logistic3A_44 = arith.negf %add3A_43 : vector<2000x128xf32>
    %logistic3A_45 = math.exp %logistic3A_44 : vector<2000x128xf32>
    %logistic3A_46 = arith.constant 1.000000e+00 : f32
    %logistic3A_47 = vector.broadcast %logistic3A_46 : f32 to vector<2000x128xf32>
    %logistic3A_48 = arith.addf %logistic3A_47, %logistic3A_45 : vector<2000x128xf32>
    %logistic3A_49 = arith.divf %logistic3A_47, %logistic3A_48 : vector<2000x128xf32>
    %get3A_50 = arith.constant 0 : index
    %get3A_51 = arith.constant 0 : index
    %get3A_52 = vector.load %arg7[%get3A_50, %get3A_51] : memref<128x128xf32, #tpu.memory_space<vmem>>, vector<128x128xf32>
    %dot_general3A_53 = arith.constant dense<0.000000e+00> : vector<2000x128xf32>
    %dot_general3A_54 = tpu.matmul %mul3A_33, %get3A_52, %dot_general3A_53 {dimension_numbers = #tpu.dot_dimension_numbers<[1], [0], [0], [1], [0, 0, 1, 1], [], []>, transpose_lhs_hint = false} : vector<2000x128xf32>, vector<128x128xf32>, vector<2000x128xf32> -> vector<2000x128xf32>
    %get3A_55 = arith.constant 0 : index
    %get3A_56 = arith.constant 0 : index
    %get3A_57 = vector.load %arg8[%get3A_55, %get3A_56] : memref<1x128xf32, #tpu.memory_space<vmem>>, vector<1x128xf32>
    %add3A_58 = vector.broadcast %get3A_57 : vector<1x128xf32> to vector<2000x128xf32>
    %add3A_59 = arith.addf %dot_general3A_54, %add3A_58 : vector<2000x128xf32>
    %mul3A_60 = arith.mulf %add3A_59, %logistic3A_49 : vector<2000x128xf32>
    %logistic3A_61 = arith.negf %mul3A_60 : vector<2000x128xf32>
    %logistic3A_62 = math.exp %logistic3A_61 : vector<2000x128xf32>
    %logistic3A_63 = arith.constant 1.000000e+00 : f32
    %logistic3A_64 = vector.broadcast %logistic3A_63 : f32 to vector<2000x128xf32>
    %logistic3A_65 = arith.addf %logistic3A_64, %logistic3A_62 : vector<2000x128xf32>
    %logistic3A_66 = arith.divf %logistic3A_64, %logistic3A_65 : vector<2000x128xf32>
    %mul3A_67 = arith.mulf %mul3A_60, %logistic3A_66 : vector<2000x128xf32>
    %get3A_68 = arith.constant 0 : index
    %get3A_69 = arith.constant 0 : index
    %get3A_70 = vector.load %arg11[%get3A_68, %get3A_69] : memref<128x1xf32, #tpu.memory_space<vmem>>, vector<128x1xf32>
    %dot_general3A_71 = arith.constant dense<0.000000e+00> : vector<2000x1xf32>
    %dot_general3A_72 = tpu.matmul %mul3A_67, %get3A_70, %dot_general3A_71 {dimension_numbers = #tpu.dot_dimension_numbers<[1], [0], [0], [1], [0, 0, 1, 1], [], []>, transpose_lhs_hint = false} : vector<2000x128xf32>, vector<128x1xf32>, vector<2000x1xf32> -> vector<2000x1xf32>
    %get3A_73 = arith.constant 0 : index
    %get3A_74 = arith.constant 0 : index
    %get3A_75 = vector.load %arg12[%get3A_73, %get3A_74] : memref<1x1xf32, #tpu.memory_space<vmem>>, vector<1x1xf32>
    %add3A_76 = vector.broadcast %get3A_75 : vector<1x1xf32> to vector<2000x1xf32>
    %add3A_77 = arith.addf %dot_general3A_72, %add3A_76 : vector<2000x1xf32>
    %get3A_78 = arith.constant 0 : index
    %get3A_79 = arith.constant 0 : index
    %get3A_80 = vector.load %arg2[%get3A_78, %get3A_79] : memref<2000x1xi32, #tpu.memory_space<vmem>>, vector<2000x1xi32>
    %iota3A = tpu.iota {dimensions = array<i32: 1>} : vector<2000x16xi32>
    %eq3A_81 = vector.broadcast %get3A_80 : vector<2000x1xi32> to vector<2000x16xi32>
    %eq3A_82 = arith.cmpi eq, %eq3A_81, %iota3A : vector<2000x16xi32>
    %convert_element_type3A_83 = arith.extui %eq3A_82 : vector<2000x16xi1> to vector<2000x16xi32>
    %convert_element_type3A_84 = arith.sitofp %convert_element_type3A_83 : vector<2000x16xi32> to vector<2000x16xf32>
    %get3A_85 = arith.constant 0 : index
    %get3A_86 = arith.constant 0 : index
    %get3A_87 = vector.load %arg14[%get3A_85, %get3A_86] : memref<1x16xf32, #tpu.memory_space<vmem>>, vector<1x16xf32>
    %mul3A_88 = vector.broadcast %add3A_77 : vector<2000x1xf32> to vector<2000x16xf32>
    %mul3A_89 = arith.mulf %convert_element_type3A_84, %mul3A_88 : vector<2000x16xf32>
    %reduce_sum3A = arith.constant dense<0.000000e+00> : vector<16xf32>
    %reduce_sum3A_90 = vector.multi_reduction <add>, %mul3A_89, %reduce_sum3A [0] : vector<2000x16xf32> to vector<16xf32>
    %broadcast_in_dim3A = vector.shape_cast %reduce_sum3A_90 : vector<16xf32> to vector<1x16xf32>
    %add3A_91 = arith.addf %get3A_87, %broadcast_in_dim3A : vector<1x16xf32>
    %swap3A = arith.constant 0 : index
    %swap3A_92 = arith.constant 0 : index
    %swap3A_93 = vector.load %arg14[%swap3A, %swap3A_92] : memref<1x16xf32, #tpu.memory_space<vmem>>, vector<1x16xf32>
    tpu.vector_store %arg14[%swap3A, %swap3A_92], %add3A_91 {strides = array<i32>} : memref<1x16xf32, #tpu.memory_space<vmem>>, vector<1x16xf32>,
    %get3A_94 = arith.constant 0 : index
    %get3A_95 = arith.constant 0 : index
    %get3A_96 = vector.load %arg15[%get3A_94, %get3A_95] : memref<1x16xf32, #tpu.memory_space<vmem>>, vector<1x16xf32>
    %reduce_sum3A_97 = arith.constant dense<0.000000e+00> : vector<16xf32>
    %reduce_sum3A_98 = vector.multi_reduction <add>, %convert_element_type3A_84, %reduce_sum3A_97 [0] : vector<2000x16xf32> to vector<16xf32>
    %broadcast_in_dim3A_99 = vector.shape_cast %reduce_sum3A_98 : vector<16xf32> to vector<1x16xf32>
    %add3A_100 = arith.addf %get3A_96, %broadcast_in_dim3A_99 : vector<1x16xf32>
    %swap3A_101 = arith.constant 0 : index
    %swap3A_102 = arith.constant 0 : index
    %swap3A_103 = vector.load %arg15[%swap3A_101, %swap3A_102] : memref<1x16xf32, #tpu.memory_space<vmem>>, vector<1x16xf32>
    tpu.vector_store %arg15[%swap3A_101, %swap3A_102], %add3A_100 {strides = array<i32>} : memref<1x16xf32, #tpu.memory_space<vmem>>, vector<1x16xf32>,
    %get3A_104 = arith.constant 0 : index
    %get3A_105 = arith.constant 0 : index
    %get3A_106 = vector.load %arg14[%get3A_104, %get3A_105] : memref<1x16xf32, #tpu.memory_space<vmem>>, vector<1x16xf32>
    %get3A_107 = arith.constant 0 : index
    %get3A_108 = arith.constant 0 : index
    %get3A_109 = vector.load %arg15[%get3A_107, %get3A_108] : memref<1x16xf32, #tpu.memory_space<vmem>>, vector<1x16xf32>
    %max3A = arith.constant 1.000000e+00 : f32
    %max3A_110 = vector.broadcast %max3A : f32 to vector<1x16xf32>
    %max3A_111 = arith.maximumf %get3A_109, %max3A_110 : vector<1x16xf32>
    %div3A = arith.divf %get3A_106, %max3A_111 : vector<1x16xf32>
    %swap3A_112 = arith.constant 0 : index
    %swap3A_113 = arith.constant 0 : index
    %swap3A_114 = vector.load %arg13[%swap3A_112, %swap3A_113] : memref<1x16xf32, #tpu.memory_space<vmem>>, vector<1x16xf32>
    tpu.vector_store %arg13[%swap3A_112, %swap3A_113], %div3A {strides = array<i32>} : memref<1x16xf32, #tpu.memory_space<vmem>>, vector<1x16xf32>,
    return
  }
  func.func @transform_0(%arg0: i32) -> (i32, i32) {
    %c0_i32 = arith.constant 0 : i32
    %c0_i32_0 = arith.constant 0 : i32
    return %arg0, %c0_i32 : i32, i32
  }
  func.func @transform_1(%arg0: i32) -> (i32, i32) {
    %c0_i32 = arith.constant 0 : i32
    %c0_i32_0 = arith.constant 0 : i32
    return %arg0, %c0_i32 : i32, i32
  }
  func.func @transform_2(%arg0: i32) -> (i32, i32) {
    %c0_i32 = arith.constant 0 : i32
    %c0_i32_0 = arith.constant 0 : i32
    %c0_i32_1 = arith.constant 0 : i32
    return %c0_i32, %c0_i32_0 : i32, i32
  }
  func.func @transform_3(%arg0: i32) -> (i32, i32) {
    %c0_i32 = arith.constant 0 : i32
    %c0_i32_0 = arith.constant 0 : i32
    %c0_i32_1 = arith.constant 0 : i32
    return %c0_i32, %c0_i32_0 : i32, i32
  }
  func.func @transform_4(%arg0: i32) -> (i32, i32) {
    %c0_i32 = arith.constant 0 : i32
    %c0_i32_0 = arith.constant 0 : i32
    %c0_i32_1 = arith.constant 0 : i32
    return %c0_i32, %c0_i32_0 : i32, i32
  }
  func.func @transform_5(%arg0: i32) -> (i32, i32) {
    %c0_i32 = arith.constant 0 : i32
    %c0_i32_0 = arith.constant 0 : i32
    %c0_i32_1 = arith.constant 0 : i32
    return %c0_i32, %c0_i32_0 : i32, i32
  }
  func.func @transform_6(%arg0: i32) -> (i32, i32) {
    %c0_i32 = arith.constant 0 : i32
    %c0_i32_0 = arith.constant 0 : i32
    %c0_i32_1 = arith.constant 0 : i32
    return %c0_i32, %c0_i32_0 : i32, i32
  }
  func.func @transform_7(%arg0: i32) -> (i32, i32) {
    %c0_i32 = arith.constant 0 : i32
    %c0_i32_0 = arith.constant 0 : i32
    %c0_i32_1 = arith.constant 0 : i32
    return %c0_i32, %c0_i32_0 : i32, i32
  }
  func.func @transform_8(%arg0: i32) -> (i32, i32) {
    %c0_i32 = arith.constant 0 : i32
    %c0_i32_0 = arith.constant 0 : i32
    %c0_i32_1 = arith.constant 0 : i32
    return %c0_i32, %c0_i32_0 : i32, i32
  }
  func.func @transform_9(%arg0: i32) -> (i32, i32) {
    %c0_i32 = arith.constant 0 : i32
    %c0_i32_0 = arith.constant 0 : i32
    %c0_i32_1 = arith.constant 0 : i32
    return %c0_i32, %c0_i32_0 : i32, i32
  }
  func.func @transform_10(%arg0: i32) -> (i32, i32) {
    %c0_i32 = arith.constant 0 : i32
    %c0_i32_0 = arith.constant 0 : i32
    %c0_i32_1 = arith.constant 0 : i32
    return %c0_i32, %c0_i32_0 : i32, i32
  }
  func.func @transform_11(%arg0: i32) -> (i32, i32) {
    %c0_i32 = arith.constant 0 : i32
    %c0_i32_0 = arith.constant 0 : i32
    %c0_i32_1 = arith.constant 0 : i32
    return %c0_i32, %c0_i32_0 : i32, i32
  }
  func.func @transform_12(%arg0: i32) -> (i32, i32) {
    %c0_i32 = arith.constant 0 : i32
    %c0_i32_0 = arith.constant 0 : i32
    %c0_i32_1 = arith.constant 0 : i32
    return %c0_i32, %c0_i32_0 : i32, i32
  }
}

</mosaic_0001>

<sc_bundles>
// kernel: kernel.12.cloned.1.call-start
scs
__scs_entry_jumppad:
0x0: {  	(pc) =	sbr.rel $0x88, $3  }
0x1: {  	(tag) =	ssettag $0x0;
	lr =	simm.s32 $0x1  }
0x2: {  	[smem:$0x3F74] =	sst lr;
	_ =	strace $0xD0000000  }
0x3: {  	_ = 	snop  }
0x4: {  	_ = 	snop  }
0x5: {  	_ = 	snop  }
0x6: {  	_ = 	snop  }
0x7: {  	_ = 	snop  }
__scs_overlays_trampoline_lowered:
0x8: {  	[smem:$0x3F83] =	sst s0  }
0x9: {  	[smem:$0x3F84] =	sst s1  }
0xa: {  	[smem:$0x3F85] =	sst s2  }
0xb: {  	[smem:$0x3F86] =	sst s3  }
0xc: {  	[smem:$0x3F87] =	sst s4  }
0xd: {  	[smem:$0x3F88] =	sst s5  }
0xe: {  	[smem:$0x3F89] =	sst s6  }
0xf: {  	[smem:$0x3F8A] =	sst s7  }
0x10: {  	[smem:$0x3F8B] =	sst s8  }
0x11: {  	[smem:$0x3F8C] =	sst s9;
	s0 =	simm.s32 @!p0 $0x0  }
0x12: {  	s1 =	sld [smem:$0x3F72];
	s0 =	simm.s32 @p0 $0x1  }
0x13: {  	[smem:$0x3F8D] =	sst s0;
	s0 =	simm.s32 @!p1 $0x0  }
0x14: {  	s2 =	sld [smem:$0x3F71];
	s0 =	simm.s32 @p1 $0x1  }
0x15: {  	[smem:$0x3F8E] =	sst s0;
	s0 =	simm.s32 @!p2 $0x0  }
0x16: {  	s3 =	sld [smem:$0x3FDB];
	s0 =	simm.s32 @p2 $0x1  }
0x17: {  	s4 =	simm.s32 $0x1BF5;
	[smem:$0x3F90] =	sst s0  }
0x18: {  	s0 =	sld [smem:$0x3F73];
	_ =	swait.ge [sflag:s4], $0x0  }
0x19: {  	s7 =	sld [smem:$0x3F74]  }
0x1a: {  	s8 =	sadd.s32 $0xFFFFE003, lr  }
0x1b: {  	s9 =	sadd.s32 $0xFFFFFEF7, lr;
	s5 =	simm.s32 $0xFFFFFFFF;
	p2 =	slt.u32 s8, $0xFFFFF086  }
0x1c: {  	p1 =	slt.u32 s9, $0xF7A;
	s5 =	simm.s32 @!p2 $0x0  }
0x1d: {  	s5 =	simm.s32 @p1 $0x1;
	p0 =	seq.s32 s7, s2  }
0x1e: {  	s7 =	smul.u32 @!p0 $0xF7A, s2;
	p2 =	seq.s32 @!p0 s5, $0x0  }
0x1f: {  	s9 =	smul.u32 $0xF7A, s1;
	s8 =	simm.s32 @!p0 $0x1BF5;
	p2 =	por !p2, p0  }
0x20: {  	[sflag:s8] =	ssyncset.s32 @!p0 $0xFFFFF086;
	s6 =	sadd.s32 @!p0 s3, s7;
	s7 =	simm.s32 @!p0 $0x108  }
0x21: {  	s3 =	sadd.s32 s3, s9;
	s6 =	sadd.s32 @!p0 $0x88, s6;
	s7 =	simm.s32 @p2 $0x1082  }
0x22: {  	[simem:s7], [sflag:s8] =	dma.local @!p0 [hbm:s6], $0xF7A  }
0x23: {  	s9 =	sor.u32 $0xD0000000, s2;
	s6 =	simm.s32 $0x108;
	_ =	swait.ge @!p0 [sflag:s8], $0x0  }
0x24: {  	s3 =	sadd.s32 $0x88, s3;
	s6 =	simm.s32 @!p1 $0x1082;
	[sflag:s4] =	ssyncset.s32 $0xFFFFF086  }
0x25: {  	[simem:s6], [sflag:s4] =	dma.local [hbm:s3], $0xF7A  }
0x26: {  	[smem:$0x3F74] =	sst s1;
	(tag) =	ssettag s2;
	_ =	strace s9  }
0x27: {  	s1 =	sld [smem:$0x3F84]  }
0x28: {  	s2 =	sld [smem:$0x3F85]  }
0x29: {  	s4 =	sld [smem:$0x3F87]  }
0x2a: {  	p0 =	seq.s32 s5, $0x0;
	s5 =	sld [smem:$0x3F88]  }
0x2b: {  	s6 =	sld [smem:$0x3F89]  }
0x2c: {  	s7 =	sld [smem:$0x3F8A]  }
0x2d: {  	s3 =	simm.s32 $0x108;
	s8 =	sld [smem:$0x3F8B]  }
0x2e: {  	s3 =	simm.s32 @!p0 $0x1082;
	s9 =	sld [smem:$0x3F8C]  }
0x2f: {  	lr =	sadd.s32 s0, s3;
	s0 =	sld [smem:$0x3F83]  }
0x30: {  	s3 =	sld [smem:$0x3F86]  }
0x31: {  	[smem:$0x3F8F] =	sst s10  }
0x32: {  	s10 =	sld [smem:$0x3F8D];
	_ =	sdelay $0x3  }
0x33: {  	p0 =	seq.s32 s10, $0x1;
	s10 =	sld [smem:$0x3F8F];
	_ =	sdelay $0x3  }
0x34: {  	[smem:$0x3F8F] =	sst s10  }
0x35: {  	s10 =	sld [smem:$0x3F8E];
	_ =	sdelay $0x3  }
0x36: {  	p1 =	seq.s32 s10, $0x1;
	s10 =	sld [smem:$0x3F8F];
	_ =	sdelay $0x3  }
0x37: {  	[smem:$0x3F8F] =	sst s10  }
0x38: {  	s10 =	sld [smem:$0x3F90]  }
0x39: {  	_ = 	snop;
	(pc) =	sbr.ind lr, $3  }
0x3a: {  	_ = 	snop  }
0x3b: {  	_ = 	snop  }
0x3c: {  	p2 =	seq.s32 s10, $0x1;
	s10 =	sld [smem:$0x3F8F]  }
0x3d: {  	_ =	shalt  }
0x3e: {  	_ =	shalt  }
0x3f: {  	_ =	shalt  }
0x40: {  	_ =	shalt  }
0x41: {  	_ =	shalt  }
0x42: {  	_ =	shalt  }
0x43: {  	_ =	shalt  }
0x44: {  	_ =	shalt  }
0x45: {  	_ =	shalt  }
0x46: {  	_ =	shalt  }
0x47: {  	_ =	shalt  }
0x48: {  	_ =	shalt  }
0x49: {  	_ =	shalt  }
0x4a: {  	_ =	shalt  }
0x4b: {  	_ =	shalt  }
0x4c: {  	_ =	shalt  }
0x4d: {  	_ =	shalt  }
0x4e: {  	_ =	shalt  }
0x4f: {  	_ =	shalt  }
0x50: {  	_ =	shalt  }
0x51: {  	_ =	shalt  }
0x52: {  	_ =	shalt  }
0x53: {  	_ =	shalt  }
0x54: {  	_ =	shalt  }
0x55: {  	_ =	shalt  }
0x56: {  	_ =	shalt  }
0x57: {  	_ =	shalt  }
0x58: {  	_ =	shalt  }
0x59: {  	_ =	shalt  }
0x5a: {  	_ =	shalt  }
0x5b: {  	_ =	shalt  }
0x5c: {  	_ =	shalt  }
0x5d: {  	_ =	shalt  }
0x5e: {  	_ =	shalt  }
0x5f: {  	_ =	shalt  }
0x60: {  	_ =	shalt  }
0x61: {  	_ =	shalt  }
0x62: {  	_ =	shalt  }
0x63: {  	_ =	shalt  }
0x64: {  	_ =	shalt  }
0x65: {  	_ =	shalt  }
0x66: {  	_ =	shalt  }
0x67: {  	_ =	shalt  }
0x68: {  	_ =	shalt  }
0x69: {  	_ =	shalt  }
0x6a: {  	_ =	shalt  }
0x6b: {  	_ =	shalt  }
0x6c: {  	_ =	shalt  }
0x6d: {  	_ =	shalt  }
0x6e: {  	_ =	shalt  }
0x6f: {  	_ =	shalt  }
0x70: {  	_ =	shalt  }
0x71: {  	_ =	shalt  }
0x72: {  	_ =	shalt  }
0x73: {  	_ =	shalt  }
0x74: {  	_ =	shalt  }
0x75: {  	_ =	shalt  }
0x76: {  	_ =	shalt  }
0x77: {  	_ =	shalt  }
0x78: {  	_ =	shalt  }
0x79: {  	_ =	shalt  }
0x7a: {  	_ =	shalt  }
0x7b: {  	_ =	shalt  }
0x7c: {  	_ =	shalt  }
0x7d: {  	_ =	shalt  }
0x7e: {  	_ =	shalt  }
0x7f: {  	_ =	shalt  }
0x80: {  	_ =	shalt  }
0x81: {  	_ =	shalt  }
0x82: {  	_ =	shalt  }
0x83: {  	_ =	shalt  }
0x84: {  	_ =	shalt  }
0x85: {  	_ =	shalt  }
0x86: {  	_ =	shalt  }
0x87: {  	_ =	shalt  }
.Lfunc_end0:
.L_simem_size_0:
called_computation_lowered:
.L_overlay_start_0:
0x88: {  	s2 =	sld [smem:$0x3FD9]  }
0x89: {  	s3 =	sld [smem:$0x3FFE];
	_ =	sdelay $0x1  }
0x8a: {  	s1 =	srdreg.scid  }
0x8b: {  	s0 =	sand.u32 $0x1, s1  }
0x8c: {  	s16 =	sshll.u32 s0, $0xA;
	s2 =	sadd.s32 s3, s2  }
0x8d: {  	s2 =	sadd.s32 s2, s16  }
0x8e: {  	[smem:$0x3F9B] =	sst s2  }
0x8f: {  	_ = 	snop  }
0x90: {  	(tm) =	ssettm $0x1  }
0x91: {  	s17 =	sld [smem:$0x3FFB];
	_ =	sdelay $0x3  }
0x92: {  	_ =	strace s17  }
0x93: {  	s2 =	sld [smem:$0x3FFC];
	_ =	sdelay $0x3  }
0x94: {  	_ =	strace s2  }
0x95: {  	s2 =	sld [smem:$0x3FFD];
	_ =	sdelay $0x3  }
0x96: {  	_ =	strace s2  }
0x97: {  	_ =	strace $0x8FFFFFFF  }
0x98: {  	s18 =	sld [smem:$0x3FDB];
	_ =	sdelay $0x1  }
0x99: {  	s19 =	simm.s32 $_scs_section_size  }
0x9a: {  	s4 =	simm.s32 $_size__tile_overlayer_lowered;
	s5 =	simm.s32 $_tile_overlayer_lowered  }
0x9b: {  	s22 =	simm.s32 $0x1BFF;
	s21 =	sshll.u32 s5, $0x1;
	s2 =	sadd.s32 s19, s18  }
0x9c: {  	s6 =	simm.s32 $0x0;
	s20 =	sshll.u32 s4, $0x1;
	s4 =	sadd.s32 s21, s2  }
0x9d: {  	[timem:s6], [sflag:s22] =	dma.local [hbm:s4], s20  }
0x9e: {  	_ =	swait.ge [sflag:s22], s20  }
0x9f: {  	s3 =	ssub.s32 $0x0, s20;
	[sflag:s22] =	ssyncset.done $0x0  }
0xa0: {  	[sflag:s22] =	ssyncadd.s32 s3;
	_ =	sdelay $0x1  }
0xa1: {  	s23 =	simm.s32 $0x1B8B  }
0xa2: {  	_ =	swait.ge [sflag:s23], $0x1  }
0xa3: {  	[sflag:s23] =	ssyncset.done $0x0  }
0xa4: {  	s25 =	simm.s32 $0x1B8E;
	s24 =	sld [smem:$0x3FFE];
	[sflag:s23] =	ssyncadd.s32 $0xFFFFFFFF  }
0xa5: {  	s26 =	simm.s32 $execute0_lowered;
	[smem:$0x3FD2] =	sst s25  }
0xa6: {  	s4 =	sshll.u32 s26, $0x1;
	_ =	strace $0x80000046;
	[dreg:$0x1] =	wrdreg $0xFFFFFFFF  }
0xa7: {  	s28 =	simm.s32 $_size_execute0_lowered;
	s2 =	sadd.s32 s2, s4;
	[dreg:$0x0] =	wrdreg $0x0  }
0xa8: {  	s4 =	sshll.u32 s28, $0x1;
	[dreg:$0x2] =	wrdreg s2  }
0xa9: {  	[dreg:$0x3] =	wrdreg s4  }
0xaa: {  	[dreg:$0x4] =	wrdreg $0xC0  }
0xab: {  	_ =	task [dreg:s6], $0x5FFFF  }
0xac: {  	[dreg:$0x1] =	wrdreg $0xFFFFFFFF  }
0xad: {  	[dreg:$0x0] =	wrdreg $0x60  }
0xae: {  	[dreg:$0x2] =	wrdreg s24  }
0xaf: {  	[dreg:$0x3] =	wrdreg $0x9  }
0xb0: {  	_ =	task.clear_ibuf [dreg:s6], $0x4FFFF;
	_ =	strace $0x90000046  }
0xb1: {  	s29 =	simm.s32 $0x9;
	_ =	strace $0x80000048  }
0xb2: {  	_ =	swait.ge [sflag:s29], $0x1  }
0xb3: {  	[sflag:s29] =	ssyncadd.s32 $0xFFFFFFFF  }
0xb4: {  	_ =	strace $0x90000048  }
0xb5: {  	_ =	sfence  }
0xb6: {  	s30 =	sld [smem:$0x0];
	_ =	sdelay $0x2  }
0xb7: {  	s31 =	sshll.u32 s1, $0xD;
	s1 =	sshrl.u32 s1, $0x2  }
0xb8: {  	s3 =	sand.u32 $0x4000, s31;
	s1 =	sadd.s32 s1, s30  }
0xb9: {  	s0 =	sor.u32 s3, s0;
	s1 =	sshll.u32 s1, $0x11  }
0xba: {  	s0 =	sor.u32 s1, s0  }
0xbb: {  	s0 =	sadd.s32 $0x8F2B, s0  }
0xbc: {  	[sflag:s0] =	ssyncadd.remote.s32 $0x1  }
0xbd: {  	_ =	sfence.sel $0xFFFF  }
0xbe: {  	[dreg:$0x0] =	wrdreg $0xFFFFFFFF;
	(pc) =	sbr.abs _section_cstart, $3  }
0xbf: {  	[dreg:$0x1] =	wrdreg $0xFFFFFFFF  }
0xc0: {  	_ =	task.clear_ibuf [dreg:s6], $0x2FFFF;
	_ =	strace $0x9FFFFFFF  }
0xc1: {  	(tm) =	ssettm $0x7FFFFFFF  }
tec
execute0_lowered:
.L_overlay_start_1:
0x0: {  	(tag) =	ssettag $0x1  }
0x1: {  	s5 =	rddreg [dreg:$0x0]  }
0x2: {  	s0 =	rddreg [dreg:$0x1];
	s3 =	srdreg.scid  }
0x3: {  	s1 =	stileid.u32;
	s2 =	simm.s32 $0x0;
	s12 =	simm.s32 $0x5  }
0x4: {  	s13 =	simm.s32 $0x2710;
	s14 =	simm.s32 $0x1B710;
	s15 =	simm.s32 $0x190  }
0x5: {  	s16 =	simm.s32 $0x10;
	s17 =	simm.s32 $0x80;
	s18 =	simm.s32 $0x4  }
0x6: {  	s19 =	simm.s32 $0x3;
	s20 =	simm.s32 $0x0;
	s6 =	sand.u32 $0x1, s3  }
0x7: {  	s30 =	sshll.u32 s1, $0x1;
	[smem:$0x7FF] =	sst s2;
	s8 =	smul.u32 $0x4E200, s1  }
0x8: {  	s3 =	sor.u32 s6, s30;
	s9 =	ssub.s32 $0x2, s6;
	s6 =	smul.u32 $0x27100, s6  }
0x9: {  	s4 =	sadd.s32 $0x6C400, s5;
	_ =	strace $0x80000047;
	s7 =	smul.u32 $0x2710, s3  }
.Ltmp0:
0xa: {  	s3 =	sadd.s32 $0x1E000, s5;
	s8 =	sadd.s32 s8, s5;
	(pc) =	sbr.rel .LBB2_1-.Ltmp0, $4  }
0xb: {  	s31 =	sshrl.u32 s9, $0x1;
	s11 =	sadd.s32 s6, s8;
	s7 =	sshrl.u32 s7, $0x3  }
0xc: {  	s9 =	ssub.s32 s9, s31;
	s8 =	sadd.s32 $0x71400, s11;
	s7 =	sadd.s32 s7, s5  }
0xd: {  	s10 =	sadd.s32 $0xF17400, s11;
	s5 =	sadd.s32 $0xA400, s7;
	s6 =	sadd.s32 $0x14200, s7  }
0xe: {  	s9 =	smax.u32 s9, $0x1;
	s7 =	sadd.s32 $0xA35400, s11;
	s11 =	sadd.s32 $0x553400, s11  }
.LBB2_15:
0xf: {  	_ =	swait.ge [sflag:s18], $0xC800  }
0x10: {  	[sflag:s18] =	ssyncset.done $0x0  }
0x11: {  	[sflag:s18] =	ssyncadd.s32 $0xFFFF3800  }
0x12: {  	_ =	swait.ge [sflag:s18], $0x1900  }
0x13: {  	[sflag:s18] =	ssyncset.done $0x0  }
0x14: {  	s20 =	sadd.s32 $0x1, s20;
	[sflag:s18] =	ssyncadd.s32 $0xFFFFE700  }
0x15: {  	p0 =	sne.s32 s20, s9;
	_ =	swait.ge [sflag:s19], $0xC800  }
.Ltmp1:
0x16: {  	[sflag:s19] =	ssyncset.done $0x0;
	(pc) =	sbr.rel @!p0 .LBB2_16-.Ltmp1, $4  }
0x17: {  	[sflag:s19] =	ssyncadd.s32 $0xFFFF3800  }
0x18: {  	_ =	swait.ge [sflag:s19], $0x1900  }
0x19: {  	[sflag:s19] =	ssyncset.done $0x0  }
0x1a: {  	[sflag:s19] =	ssyncadd.s32 $0xFFFFE700  }
.LBB2_1:
0x1b: {  	[tilespmem:s2], [sflag:$0x5] =	stream.linear.gather [hbm4b:s5+s2], $0x2710, $0x38;
	[tilespmem:$0x1E910] =	vst v63  }
0x1c: {  	_ =	swait.ge [sflag:s12], $0x2710  }
.Ltmp2:
0x1d: {  	[sflag:s12] =	ssyncset.done $0x0;
	(pc) =	sbr.rel .LBB2_2-.Ltmp2, $4  }
0x1e: {  	s21 =	simm.s32 $0x190;
	[sflag:s12] =	ssyncadd.s32 $0xFFFFD8F0  }
0x1f: {  	[tilespmem:s13], [sflag:$0x1] =	stream.indirect.gather [hbm4b:s3+s15], $0x80, s2, s15, $0xb8;
	[tilespmem:$0x1E910] =	vst v63  }
0x20: {  	s22 =	smov.u32 s8;
	s23 =	smov.u32 s7;
	s24 =	simm.s32 $0x0  }
0x21: {  	[tilespmem:s14], [sflag:$0x1] =	stream.indirect.gather [hbm4b:s4+s15], $0x10, s2, s15, $0xb8;
	[tilespmem:$0x1E910] =	vst v63  }
.LBB2_3:
0x22: {  	s26 =	simm.s32 $0x1  }
.LBB2_6:
0x23: {  	s28 =	smul.u32 $0x32000, s26  }
0x24: {  	s31 =	smul.u32 $0x6400, s26  }
0x25: {  	s28 =	sshrl.u32 s28, $0x2  }
0x26: {  	s29 =	sadd.s32 $0x1, s26;
	s26 =	sshrl.u32 s31, $0x2;
	s28 =	sadd.s32 $0x2710, s28  }
0x27: {  	[tilespmem:s28], [sflag:s29] =	stream.indirect.gather [hbm4b:s3+s15], $0x80, s21, s15, $0xb8;
	[tilespmem:$0x1E910] =	vst v63  }
0x28: {  	s26 =	sadd.s32 $0x1B710, s26  }
0x29: {  	[tilespmem:s26], [sflag:s29] =	stream.indirect.gather [hbm4b:s4+s15], $0x10, s21, s15, $0xb8;
	[tilespmem:$0x1E910] =	vst v63  }
.LBB2_7:
0x2a: {  	s26 =	sadd.s32 $0x1, s25  }
0x2b: {  	_ =	swait.ge [sflag:s26], $0xC800  }
0x2c: {  	s28 =	smul.u32 $0x32000, s25;
	[sflag:s26] =	ssyncset.done $0x0  }
0x2d: {  	s29 =	smul.u32 $0x6400, s25;
	s24 =	sadd.s32 $0x1, s24;
	[sflag:s26] =	ssyncadd.s32 $0xFFFF3800  }
0x2e: {  	s30 =	sadd.s32 $0x3, s25;
	p0 =	sne.s32 s24, $0x19;
	_ =	swait.ge [sflag:s26], $0x1900  }
0x2f: {  	s31 =	sshrl.u32 s28, $0x2;
	s29 =	sshrl.u32 s29, $0x2;
	[sflag:s26] =	ssyncset.done $0x0  }
.Ltmp3:
0x30: {  	[sflag:s26] =	ssyncadd.s32 $0xFFFFE700;
	s26 =	sadd.s32 $0x2710, s31;
	(pc) =	sbr.rel @!p0 .LBB2_8-.Ltmp3, $4  }
0x31: {  	[hbm4b:s22+s2] =	stream.linear.scatter [tilespmem:s26], [sflag:s30], $0xC800, $0x38;
	[tilespmem:$0x1E910] =	vst v63  }
0x32: {  	s31 =	sadd.s32 $0x1B710, s29  }
0x33: {  	[hbm4b:s23+s16] =	stream.strided.scatter [tilespmem:s31], [sflag:s30], $0x1900, s17, s16, $0x38;
	[tilespmem:$0x1E910] =	vst v63  }
0x34: {  	s21 =	sadd.s32 $0x190, s21;
	s22 =	sadd.s32 $0x1900, s22;
	s23 =	sadd.s32 $0x1900, s23  }
.LBB2_2:
0x35: {  	p0 =	seq.s32 s24, $0x0  }
.Ltmp4:
0x36: {  	_ = 	snop;
	(pc) =	sbr.rel @p0 .LBB2_3-.Ltmp4, $2  }
0x37: {  	_ =	sdelay $0x2  }
0x38: {  	s25 =	sand.u32 $0x1, s24  }
0x39: {  	p0 =	seq.s32 s24, $0x18  }
.Ltmp5:
0x3a: {  	_ = 	snop;
	(pc) =	sbr.rel @p0 .LBB2_7-.Ltmp5, $1  }
0x3b: {  	_ =	sdelay $0x3  }
0x3c: {  	s26 =	sxor.u32 $0x1, s25  }
0x3d: {  	s28 =	sadd.s32 $0x3, s26  }
0x3e: {  	_ =	swait.ge [sflag:s28], $0xC800  }
.Ltmp6:
0x3f: {  	[sflag:s28] =	ssyncset.done $0x0;
	(pc) =	sbr.rel .LBB2_6-.Ltmp6, $4  }
0x40: {  	[sflag:s28] =	ssyncadd.s32 $0xFFFF3800  }
0x41: {  	_ =	swait.ge [sflag:s28], $0x1900  }
0x42: {  	[sflag:s28] =	ssyncset.done $0x0  }
0x43: {  	[sflag:s28] =	ssyncadd.s32 $0xFFFFE700  }
.LBB2_8:
0x44: {  	_ =	swait.ge [sflag:s18], $0xC800  }
0x45: {  	[sflag:s18] =	ssyncset.done $0x0  }
0x46: {  	[sflag:s18] =	ssyncadd.s32 $0xFFFF3800  }
0x47: {  	_ =	swait.ge [sflag:s18], $0x1900  }
0x48: {  	[sflag:s18] =	ssyncset.done $0x0  }
0x49: {  	[sflag:s18] =	ssyncadd.s32 $0xFFFFE700  }
0x4a: {  	_ =	swait.ge [sflag:s19], $0xC800  }
0x4b: {  	[sflag:s19] =	ssyncset.done $0x0  }
0x4c: {  	[sflag:s19] =	ssyncadd.s32 $0xFFFF3800  }
0x4d: {  	_ =	swait.ge [sflag:s19], $0x1900  }
0x4e: {  	[sflag:s19] =	ssyncset.done $0x0  }
0x4f: {  	s21 =	simm.s32 $0x0;
	[sflag:s19] =	ssyncadd.s32 $0xFFFFE700  }
0x50: {  	[tilespmem:s21], [sflag:$0x5] =	stream.linear.gather [hbm4b:s6+s21], $0x2710, $0x38;
	[tilespmem:$0x1E910] =	vst v63  }
0x51: {  	_ =	swait.ge [sflag:s12], $0x2710  }
.Ltmp7:
0x52: {  	[sflag:s12] =	ssyncset.done $0x0;
	(pc) =	sbr.rel .LBB2_9-.Ltmp7, $4  }
0x53: {  	s22 =	simm.s32 $0x190;
	[sflag:s12] =	ssyncadd.s32 $0xFFFFD8F0  }
0x54: {  	[tilespmem:s13], [sflag:$0x1] =	stream.indirect.gather [hbm4b:s3+s22], $0x80, s21, s22, $0xb8;
	[tilespmem:$0x1E910] =	vst v63  }
0x55: {  	s23 =	smov.u32 s11;
	s24 =	smov.u32 s10  }
0x56: {  	[tilespmem:s14], [sflag:$0x1] =	stream.indirect.gather [hbm4b:s4+s22], $0x10, s21, s22, $0xb8;
	[tilespmem:$0x1E910] =	vst v63  }
.LBB2_10:
0x57: {  	s26 =	simm.s32 $0x1  }
.LBB2_13:
0x58: {  	s28 =	smul.u32 $0x32000, s26  }
0x59: {  	s31 =	smul.u32 $0x6400, s26  }
0x5a: {  	s28 =	sshrl.u32 s28, $0x2  }
0x5b: {  	s29 =	sadd.s32 $0x1, s26;
	s26 =	sshrl.u32 s31, $0x2;
	s28 =	sadd.s32 $0x2710, s28  }
0x5c: {  	[tilespmem:s28], [sflag:s29] =	stream.indirect.gather [hbm4b:s3+s15], $0x80, s22, s15, $0xb8;
	[tilespmem:$0x1E910] =	vst v63  }
0x5d: {  	s26 =	sadd.s32 $0x1B710, s26  }
0x5e: {  	[tilespmem:s26], [sflag:s29] =	stream.indirect.gather [hbm4b:s4+s15], $0x10, s22, s15, $0xb8;
	[tilespmem:$0x1E910] =	vst v63  }
.LBB2_14:
0x5f: {  	s26 =	sadd.s32 $0x1, s25  }
0x60: {  	_ =	swait.ge [sflag:s26], $0xC800  }
0x61: {  	s28 =	smul.u32 $0x32000, s25;
	[sflag:s26] =	ssyncset.done $0x0  }
0x62: {  	s29 =	smul.u32 $0x6400, s25;
	s21 =	sadd.s32 $0x1, s21;
	[sflag:s26] =	ssyncadd.s32 $0xFFFF3800  }
0x63: {  	s30 =	sadd.s32 $0x3, s25;
	p0 =	sne.s32 s21, $0x19;
	_ =	swait.ge [sflag:s26], $0x1900  }
0x64: {  	s31 =	sshrl.u32 s28, $0x2;
	s29 =	sshrl.u32 s29, $0x2;
	[sflag:s26] =	ssyncset.done $0x0  }
.Ltmp8:
0x65: {  	[sflag:s26] =	ssyncadd.s32 $0xFFFFE700;
	s26 =	sadd.s32 $0x2710, s31;
	(pc) =	sbr.rel @!p0 .LBB2_15-.Ltmp8, $4  }
0x66: {  	[hbm4b:s23+s2] =	stream.linear.scatter [tilespmem:s26], [sflag:s30], $0xC800, $0x38;
	[tilespmem:$0x1E910] =	vst v63  }
0x67: {  	s31 =	sadd.s32 $0x1B710, s29  }
0x68: {  	[hbm4b:s24+s16] =	stream.strided.scatter [tilespmem:s31], [sflag:s30], $0x1900, s17, s16, $0x38;
	[tilespmem:$0x1E910] =	vst v63  }
0x69: {  	s22 =	sadd.s32 $0x190, s22;
	s23 =	sadd.s32 $0x1900, s23;
	s24 =	sadd.s32 $0x1900, s24  }
.LBB2_9:
0x6a: {  	p0 =	seq.s32 s21, $0x0  }
.Ltmp9:
0x6b: {  	_ = 	snop;
	(pc) =	sbr.rel @p0 .LBB2_10-.Ltmp9, $2  }
0x6c: {  	_ =	sdelay $0x2  }
0x6d: {  	s25 =	sand.u32 $0x1, s21  }
0x6e: {  	p0 =	seq.s32 s21, $0x18  }
.Ltmp10:
0x6f: {  	_ = 	snop;
	(pc) =	sbr.rel @p0 .LBB2_14-.Ltmp10, $1  }
0x70: {  	_ =	sdelay $0x3  }
0x71: {  	s26 =	sxor.u32 $0x1, s25  }
0x72: {  	s28 =	sadd.s32 $0x3, s26  }
0x73: {  	_ =	swait.ge [sflag:s28], $0xC800  }
.Ltmp11:
0x74: {  	[sflag:s28] =	ssyncset.done $0x0;
	(pc) =	sbr.rel .LBB2_13-.Ltmp11, $4  }
0x75: {  	[sflag:s28] =	ssyncadd.s32 $0xFFFF3800  }
0x76: {  	_ =	swait.ge [sflag:s28], $0x1900  }
0x77: {  	[sflag:s28] =	ssyncset.done $0x0  }
0x78: {  	[sflag:s28] =	ssyncadd.s32 $0xFFFFE700  }
.LBB2_16:
0x79: {  	_ =	sfence.sel $0x180000  }
0x7a: {  	[bflag:$0x0] =	sbarrier.arrive $0xFFFF  }
0x7b: {  	p0 =	sne.s32 s1, $0x0;
	_ =	strace $0x90000047  }
0x7c: {  	s0 =	sadd.s32 @!p0 $0x100000, s0;
	[bflag:$0x2] =	sbarrier.arrive $0xFFFF  }
0x7d: {  	[sflag:s0] =	ssyncadd.tile.s32 @!p0 $0x1;
	_ =	shalt  }
.Lfunc_end2:
_tile_overlayer_lowered:
.L_overlay_start_2:
0x7e: {  	(tag) =	ssettag $0x2  }
0x7f: {  	s0 =	rddreg [dreg:$0x0];
	s2 =	stileid.u32  }
0x80: {  	s1 =	rddreg [dreg:$0x1];
	p0 =	sne.s32 s2, $0x0  }
0x81: {  	s3 =	rddreg [dreg:$0x2];
	[bflag:$0x3] =	sbarrier.arrive $0xFFFF;
	s2 =	simm.s32 @!p0 $0x1C05  }
0x82: {  	[timem:s3], [sflag:s2] =	dma.local @!p0 [hbm:s0], s1  }
0x83: {  	s0 =	simm.s32 @!p0 $0x5  }
0x84: {  	_ =	swait.ge @!p0 [sflag:s0], s1  }
0x85: {  	s1 =	ssub.s32 @!p0 $0x0, s1;
	[sflag:s0] =	ssyncset.done @!p0 $0x0  }
0x86: {  	[sflag:s0] =	ssyncadd.s32 @!p0 s1  }
0x87: {  	[bflag:$0x3] =	sbarrier.arrive $0xFFFF  }
0x88: {  	_ =	shalt  }

// kernel: kernel.15.cloned.1.call-start
scs
__scs_entry_jumppad:
0x0: {  	(pc) =	sbr.rel $0x88, $3  }
0x1: {  	(tag) =	ssettag $0x0;
	lr =	simm.s32 $0x1  }
0x2: {  	[smem:$0x3F74] =	sst lr;
	_ =	strace $0xD0000000  }
0x3: {  	_ = 	snop  }
0x4: {  	_ = 	snop  }
0x5: {  	_ = 	snop  }
0x6: {  	_ = 	snop  }
0x7: {  	_ = 	snop  }
__scs_overlays_trampoline_lowered:
0x8: {  	[smem:$0x3F83] =	sst s0  }
0x9: {  	[smem:$0x3F84] =	sst s1  }
0xa: {  	[smem:$0x3F85] =	sst s2  }
0xb: {  	[smem:$0x3F86] =	sst s3  }
0xc: {  	[smem:$0x3F87] =	sst s4  }
0xd: {  	[smem:$0x3F88] =	sst s5  }
0xe: {  	[smem:$0x3F89] =	sst s6  }
0xf: {  	[smem:$0x3F8A] =	sst s7  }
0x10: {  	[smem:$0x3F8B] =	sst s8  }
0x11: {  	[smem:$0x3F8C] =	sst s9;
	s0 =	simm.s32 @!p0 $0x0  }
0x12: {  	s1 =	sld [smem:$0x3F72];
	s0 =	simm.s32 @p0 $0x1  }
0x13: {  	[smem:$0x3F8D] =	sst s0;
	s0 =	simm.s32 @!p1 $0x0  }
0x14: {  	s2 =	sld [smem:$0x3F71];
	s0 =	simm.s32 @p1 $0x1  }
0x15: {  	[smem:$0x3F8E] =	sst s0;
	s0 =	simm.s32 @!p2 $0x0  }
0x16: {  	s3 =	sld [smem:$0x3FDB];
	s0 =	simm.s32 @p2 $0x1  }
0x17: {  	s4 =	simm.s32 $0x1BF5;
	[smem:$0x3F90] =	sst s0  }
0x18: {  	s0 =	sld [smem:$0x3F73];
	_ =	swait.ge [sflag:s4], $0x0  }
0x19: {  	s7 =	sld [smem:$0x3F74]  }
0x1a: {  	s8 =	sadd.s32 $0xFFFFE003, lr  }
0x1b: {  	s9 =	sadd.s32 $0xFFFFFEF7, lr;
	s5 =	simm.s32 $0xFFFFFFFF;
	p2 =	slt.u32 s8, $0xFFFFF086  }
0x1c: {  	p1 =	slt.u32 s9, $0xF7A;
	s5 =	simm.s32 @!p2 $0x0  }
0x1d: {  	s5 =	simm.s32 @p1 $0x1;
	p0 =	seq.s32 s7, s2  }
0x1e: {  	s7 =	smul.u32 @!p0 $0xF7A, s2;
	p2 =	seq.s32 @!p0 s5, $0x0  }
0x1f: {  	s9 =	smul.u32 $0xF7A, s1;
	s8 =	simm.s32 @!p0 $0x1BF5;
	p2 =	por !p2, p0  }
0x20: {  	[sflag:s8] =	ssyncset.s32 @!p0 $0xFFFFF086;
	s6 =	sadd.s32 @!p0 s3, s7;
	s7 =	simm.s32 @!p0 $0x108  }
0x21: {  	s3 =	sadd.s32 s3, s9;
	s6 =	sadd.s32 @!p0 $0x88, s6;
	s7 =	simm.s32 @p2 $0x1082  }
0x22: {  	[simem:s7], [sflag:s8] =	dma.local @!p0 [hbm:s6], $0xF7A  }
0x23: {  	s9 =	sor.u32 $0xD0000000, s2;
	s6 =	simm.s32 $0x108;
	_ =	swait.ge @!p0 [sflag:s8], $0x0  }
0x24: {  	s3 =	sadd.s32 $0x88, s3;
	s6 =	simm.s32 @!p1 $0x1082;
	[sflag:s4] =	ssyncset.s32 $0xFFFFF086  }
0x25: {  	[simem:s6], [sflag:s4] =	dma.local [hbm:s3], $0xF7A  }
0x26: {  	[smem:$0x3F74] =	sst s1;
	(tag) =	ssettag s2;
	_ =	strace s9  }
0x27: {  	s1 =	sld [smem:$0x3F84]  }
0x28: {  	s2 =	sld [smem:$0x3F85]  }
0x29: {  	s4 =	sld [smem:$0x3F87]  }
0x2a: {  	p0 =	seq.s32 s5, $0x0;
	s5 =	sld [smem:$0x3F88]  }
0x2b: {  	s6 =	sld [smem:$0x3F89]  }
0x2c: {  	s7 =	sld [smem:$0x3F8A]  }
0x2d: {  	s3 =	simm.s32 $0x108;
	s8 =	sld [smem:$0x3F8B]  }
0x2e: {  	s3 =	simm.s32 @!p0 $0x1082;
	s9 =	sld [smem:$0x3F8C]  }
0x2f: {  	lr =	sadd.s32 s0, s3;
	s0 =	sld [smem:$0x3F83]  }
0x30: {  	s3 =	sld [smem:$0x3F86]  }
0x31: {  	[smem:$0x3F8F] =	sst s10  }
0x32: {  	s10 =	sld [smem:$0x3F8D];
	_ =	sdelay $0x3  }
0x33: {  	p0 =	seq.s32 s10, $0x1;
	s10 =	sld [smem:$0x3F8F];
	_ =	sdelay $0x3  }
0x34: {  	[smem:$0x3F8F] =	sst s10  }
0x35: {  	s10 =	sld [smem:$0x3F8E];
	_ =	sdelay $0x3  }
0x36: {  	p1 =	seq.s32 s10, $0x1;
	s10 =	sld [smem:$0x3F8F];
	_ =	sdelay $0x3  }
0x37: {  	[smem:$0x3F8F] =	sst s10  }
0x38: {  	s10 =	sld [smem:$0x3F90]  }
0x39: {  	_ = 	snop;
	(pc) =	sbr.ind lr, $3  }
0x3a: {  	_ = 	snop  }
0x3b: {  	_ = 	snop  }
0x3c: {  	p2 =	seq.s32 s10, $0x1;
	s10 =	sld [smem:$0x3F8F]  }
0x3d: {  	_ =	shalt  }
0x3e: {  	_ =	shalt  }
0x3f: {  	_ =	shalt  }
0x40: {  	_ =	shalt  }
0x41: {  	_ =	shalt  }
0x42: {  	_ =	shalt  }
0x43: {  	_ =	shalt  }
0x44: {  	_ =	shalt  }
0x45: {  	_ =	shalt  }
0x46: {  	_ =	shalt  }
0x47: {  	_ =	shalt  }
0x48: {  	_ =	shalt  }
0x49: {  	_ =	shalt  }
0x4a: {  	_ =	shalt  }
0x4b: {  	_ =	shalt  }
0x4c: {  	_ =	shalt  }
0x4d: {  	_ =	shalt  }
0x4e: {  	_ =	shalt  }
0x4f: {  	_ =	shalt  }
0x50: {  	_ =	shalt  }
0x51: {  	_ =	shalt  }
0x52: {  	_ =	shalt  }
0x53: {  	_ =	shalt  }
0x54: {  	_ =	shalt  }
0x55: {  	_ =	shalt  }
0x56: {  	_ =	shalt  }
0x57: {  	_ =	shalt  }
0x58: {  	_ =	shalt  }
0x59: {  	_ =	shalt  }
0x5a: {  	_ =	shalt  }
0x5b: {  	_ =	shalt  }
0x5c: {  	_ =	shalt  }
0x5d: {  	_ =	shalt  }
0x5e: {  	_ =	shalt  }
0x5f: {  	_ =	shalt  }
0x60: {  	_ =	shalt  }
0x61: {  	_ =	shalt  }
0x62: {  	_ =	shalt  }
0x63: {  	_ =	shalt  }
0x64: {  	_ =	shalt  }
0x65: {  	_ =	shalt  }
0x66: {  	_ =	shalt  }
0x67: {  	_ =	shalt  }
0x68: {  	_ =	shalt  }
0x69: {  	_ =	shalt  }
0x6a: {  	_ =	shalt  }
0x6b: {  	_ =	shalt  }
0x6c: {  	_ =	shalt  }
0x6d: {  	_ =	shalt  }
0x6e: {  	_ =	shalt  }
0x6f: {  	_ =	shalt  }
0x70: {  	_ =	shalt  }
0x71: {  	_ =	shalt  }
0x72: {  	_ =	shalt  }
0x73: {  	_ =	shalt  }
0x74: {  	_ =	shalt  }
0x75: {  	_ =	shalt  }
0x76: {  	_ =	shalt  }
0x77: {  	_ =	shalt  }
0x78: {  	_ =	shalt  }
0x79: {  	_ =	shalt  }
0x7a: {  	_ =	shalt  }
0x7b: {  	_ =	shalt  }
0x7c: {  	_ =	shalt  }
0x7d: {  	_ =	shalt  }
0x7e: {  	_ =	shalt  }
0x7f: {  	_ =	shalt  }
0x80: {  	_ =	shalt  }
0x81: {  	_ =	shalt  }
0x82: {  	_ =	shalt  }
0x83: {  	_ =	shalt  }
0x84: {  	_ =	shalt  }
0x85: {  	_ =	shalt  }
0x86: {  	_ =	shalt  }
0x87: {  	_ =	shalt  }
.Lfunc_end0:
.L_simem_size_0:
called_computation.1_lowered:
.L_overlay_start_0:
0x88: {  	s2 =	sld [smem:$0x3FD9]  }
0x89: {  	s3 =	sld [smem:$0x3FFE];
	_ =	sdelay $0x1  }
0x8a: {  	s1 =	srdreg.scid  }
0x8b: {  	s0 =	sand.u32 $0x1, s1  }
0x8c: {  	s16 =	sshll.u32 s0, $0xA;
	s2 =	sadd.s32 s3, s2  }
0x8d: {  	s2 =	sadd.s32 s2, s16  }
0x8e: {  	[smem:$0x3F9B] =	sst s2  }
0x8f: {  	_ = 	snop  }
0x90: {  	(tm) =	ssettm $0x1  }
0x91: {  	s17 =	sld [smem:$0x3FFB];
	_ =	sdelay $0x3  }
0x92: {  	_ =	strace s17  }
0x93: {  	s2 =	sld [smem:$0x3FFC];
	_ =	sdelay $0x3  }
0x94: {  	_ =	strace s2  }
0x95: {  	s2 =	sld [smem:$0x3FFD];
	_ =	sdelay $0x3  }
0x96: {  	_ =	strace s2  }
0x97: {  	_ =	strace $0x8FFFFFFF  }
0x98: {  	s18 =	sld [smem:$0x3FDB];
	_ =	sdelay $0x1  }
0x99: {  	s19 =	simm.s32 $_scs_section_size  }
0x9a: {  	s4 =	simm.s32 $_size__tile_overlayer_lowered;
	s5 =	simm.s32 $_tile_overlayer_lowered  }
0x9b: {  	s22 =	simm.s32 $0x1BFF;
	s21 =	sshll.u32 s5, $0x1;
	s2 =	sadd.s32 s19, s18  }
0x9c: {  	s6 =	simm.s32 $0x0;
	s20 =	sshll.u32 s4, $0x1;
	s4 =	sadd.s32 s21, s2  }
0x9d: {  	[timem:s6], [sflag:s22] =	dma.local [hbm:s4], s20  }
0x9e: {  	_ =	swait.ge [sflag:s22], s20  }
0x9f: {  	s3 =	ssub.s32 $0x0, s20;
	[sflag:s22] =	ssyncset.done $0x0  }
0xa0: {  	[sflag:s22] =	ssyncadd.s32 s3;
	_ =	sdelay $0x1  }
0xa1: {  	s23 =	simm.s32 $0x1B8B  }
0xa2: {  	_ =	swait.ge [sflag:s23], $0x1  }
0xa3: {  	[sflag:s23] =	ssyncset.done $0x0  }
0xa4: {  	s25 =	simm.s32 $0x1B8E;
	s24 =	sld [smem:$0x3FFE];
	[sflag:s23] =	ssyncadd.s32 $0xFFFFFFFF  }
0xa5: {  	s26 =	simm.s32 $execute0_lowered;
	[smem:$0x3FD2] =	sst s25  }
0xa6: {  	s4 =	sshll.u32 s26, $0x1;
	_ =	strace $0x80000049;
	[dreg:$0x1] =	wrdreg $0xFFFFFFFF  }
0xa7: {  	s28 =	simm.s32 $_size_execute0_lowered;
	s2 =	sadd.s32 s2, s4;
	[dreg:$0x0] =	wrdreg $0x0  }
0xa8: {  	s4 =	sshll.u32 s28, $0x1;
	[dreg:$0x2] =	wrdreg s2  }
0xa9: {  	[dreg:$0x3] =	wrdreg s4  }
0xaa: {  	[dreg:$0x4] =	wrdreg $0xC0  }
0xab: {  	_ =	task [dreg:s6], $0x5FFFF  }
0xac: {  	[dreg:$0x1] =	wrdreg $0xFFFFFFFF  }
0xad: {  	[dreg:$0x0] =	wrdreg $0x60  }
0xae: {  	[dreg:$0x2] =	wrdreg s24  }
0xaf: {  	[dreg:$0x3] =	wrdreg $0x50A00  }
0xb0: {  	[dreg:$0x4] =	wrdreg $0x193200  }
0xb1: {  	[dreg:$0x5] =	wrdreg $0x9  }
0xb2: {  	_ =	task.clear_ibuf [dreg:s6], $0x6FFFF;
	_ =	strace $0x90000049  }
0xb3: {  	s29 =	simm.s32 $0x9;
	_ =	strace $0x8000004B  }
0xb4: {  	_ =	swait.ge [sflag:s29], $0x1  }
0xb5: {  	[sflag:s29] =	ssyncadd.s32 $0xFFFFFFFF  }
0xb6: {  	_ =	strace $0x9000004B  }
0xb7: {  	_ =	sfence  }
0xb8: {  	s30 =	sld [smem:$0x0];
	_ =	sdelay $0x2  }
0xb9: {  	s31 =	sshll.u32 s1, $0xD;
	s1 =	sshrl.u32 s1, $0x2  }
0xba: {  	s3 =	sand.u32 $0x4000, s31;
	s1 =	sadd.s32 s1, s30  }
0xbb: {  	s0 =	sor.u32 s3, s0;
	s1 =	sshll.u32 s1, $0x11  }
0xbc: {  	s0 =	sor.u32 s1, s0  }
0xbd: {  	s0 =	sadd.s32 $0x8F2B, s0  }
0xbe: {  	[sflag:s0] =	ssyncadd.remote.s32 $0x1  }
0xbf: {  	_ =	sfence.sel $0xFFFF  }
0xc0: {  	[dreg:$0x0] =	wrdreg $0xFFFFFFFF;
	(pc) =	sbr.abs _section_cstart, $3  }
0xc1: {  	[dreg:$0x1] =	wrdreg $0xFFFFFFFF  }
0xc2: {  	_ =	task.clear_ibuf [dreg:s6], $0x2FFFF;
	_ =	strace $0x9FFFFFFF  }
0xc3: {  	(tm) =	ssettm $0x7FFFFFFF  }
tec
execute0_lowered:
.L_overlay_start_1:
0x0: {  	(tag) =	ssettag $0x1  }
0x1: {  	s0 =	rddreg [dreg:$0x0]  }
0x2: {  	s2 =	rddreg [dreg:$0x1]  }
0x3: {  	s3 =	rddreg [dreg:$0x2];
	s1 =	srdreg.scid  }
0x4: {  	s16 =	stileid.u32;
	s4 =	simm.s32 $0x0;
	s29 =	simm.s32 $0x80  }
0x5: {  	s31 =	simm.s32 $0x50;
	s1 =	sand.u32 $0x1, s1;
	s5 =	smul.u32 $0x278, s16  }
0x6: {  	[smem:$0x7FF] =	sst s4;
	s7 =	sadd.s32 $0x18DB600, s0;
	s14 =	smul.u32 $0x4F000, s16  }
0x7: {  	s10 =	sadd.s32 $0x1DBD600, s0;
	s13 =	sshll.u32 s16, $0x1;
	s21 =	smul.u32 $0x9E00, s16  }
0x8: {  	p0 =	seq.s32 s16, $0xF;
	s22 =	sshll.u32 s16, $0x6;
	s16 =	smul.u32 $0x4E20, s16  }
0x9: {  	s9 =	sadd.s32 $0x6C400, s0;
	s6 =	smul.u32 $0x2710, s1;
	_ =	strace $0x8000004A  }
0xa: {  	[dreg:$0x4] =	wrdreg s9;
	s19 =	ssub.s32 $0x2, s1;
	s1 =	sor.u32 s1, s13  }
0xb: {  	s9 =	sor.u32 $0x1C05, s22;
	s11 =	sshrl.u32 s19, $0x1;
	s23 =	smul.u32 $0x2710, s1  }
0xc: {  	s20 =	sshrl.u32 s14, $0x2;
	s1 =	smul.u32 $0x27100, s1;
	s13 =	sshrl.u32 s21, $0x2  }
0xd: {  	s8 =	sadd.s32 s5, s6;
	s5 =	sadd.s32 $0x14200, s0;
	s15 =	ssub.s32 s19, s11  }
0xe: {  	s11 =	simm.s32 $0x208;
	s13 =	sadd.s32 s13, s3;
	s6 =	sadd.s32 s6, s16  }
0xf: {  	s18 =	sshll.u32 s8, $0x4;
	s8 =	sshll.u32 s8, $0x1;
	s11 =	simm.s32 @!p0 $0x278  }
0x10: {  	[dreg:$0x6] =	wrdreg s13;
	s14 =	sshrl.u32 s23, $0x3;
	s24 =	sadd.s32 s7, s1  }
0x11: {  	s1 =	sadd.s32 s10, s1;
	s26 =	sadd.s32 $0x50, s6;
	s28 =	smax.u32 s15, $0x1  }
0x12: {  	s23 =	simm.s32 $0x5;
	s15 =	simm.s32 $0x18920;
	[dreg:$0x8] =	wrdreg s24  }
0x13: {  	s12 =	sadd.s32 s18, s0;
	s0 =	sadd.s32 s8, s0;
	[dreg:$0x9] =	wrdreg s1  }
0x14: {  	s8 =	sadd.s32 s20, s2;
	s14 =	sadd.s32 s5, s14;
	[dreg:$0xd] =	wrdreg s28  }
0x15: {  	[dreg:$0xb] =	wrdreg s26;
	s30 =	sshll.u32 s26, $0x4;
	s26 =	simm.s32 $0x10  }
0x16: {  	[dreg:$0x5] =	wrdreg s8;
	s8 =	sshll.u32 s11, $0x4;
	s11 =	sshll.u32 s11, $0x1  }
0x17: {  	[dreg:$0x7] =	wrdreg s14;
	s25 =	sadd.s32 $0x78A00, s12;
	s0 =	sadd.s32 $0x6EC00, s0  }
0x18: {  	s1 =	sadd.s32 s30, s7;
	s14 =	simm.s32 $0xA0;
	[dreg:$0xa] =	wrdreg s25  }
0x19: {  	s17 =	ssub.s32 $0x0, s8;
	s13 =	ssub.s32 $0x0, s11;
	[dreg:$0xc] =	wrdreg s0  }
0x1a: {  	[dreg:$0xe] =	wrdreg s1;
	s0 =	sadd.s32 s30, s10;
	s10 =	simm.s32 $0x1  }
0x1b: {  	s1 =	simm.s32 $0x0;
	[dreg:$0xf] =	wrdreg s0;
	s0 =	simm.s32 $0x3  }
.LBB2_1:
0x1c: {  	s6 =	rddreg [dreg:$0x5]  }
0x1d: {  	s24 =	rddreg [dreg:$0x4];
	s25 =	sshrl.u32 s6, $0x3  }
0x1e: {  	[spmem:s25], [sflag:s9] =	dma.local [hbm:s24], s8  }
0x1f: {  	_ =	swait.ge [sflag:s23], s8  }
0x20: {  	[sflag:s23] =	ssyncset.done $0x0;
	s7 =	rddreg [dreg:$0x6]  }
0x21: {  	s12 =	simm.s32 $0x2;
	[sflag:s23] =	ssyncadd.s32 s17;
	s7 =	sshrl.u32 s7, $0x3  }
0x22: {  	[spmem:s7@s12], [sflag:s9] =	dma.strided [hbm:s24@s26], s11, s10, $0x2   }
0x23: {  	_ =	swait.ge [sflag:s23], s11  }
0x24: {  	[sflag:s23] =	ssyncset.done $0x0  }
0x25: {  	[sflag:s23] =	ssyncadd.s32 s13  }
0x26: {  	[bflag:$0x0] =	sbarrier.arrive $0xFFFF  }
0x27: {  	s6 =	sand.u32 $0x1, s4;
	s16 =	rddreg [dreg:$0x7]  }
0x28: {  	[tilespmem:s4], [sflag:$0x1] =	stream.linear.gather [hbm4b:s16+s4], $0x50, $0x38;
	[tilespmem:$0x1BA30] =	vst v63  }
0x29: {  	s22 =	smov.u32 s17;
	s10 =	sxor.u32 $0x1, s6;
	s17 =	rddreg [dreg:$0x8]  }
0x2a: {  	[tilespmem:s14], [sflag:$0x3] =	stream.linear.gather [hbm4b:s17+s4], $0x2800, $0x38;
	[tilespmem:$0x1BA30] =	vst v63  }
0x2b: {  	s24 =	smov.u32 s13;
	s19 =	smul.u32 $0xA000, s10;
	s18 =	rddreg [dreg:$0x9]  }
0x2c: {  	[tilespmem:s15], [sflag:$0x3] =	stream.strided.gather [hbm4b:s18+s26], $0x500, s29, s26, $0x38;
	[tilespmem:$0x1BA30] =	vst v63  }
0x2d: {  	s20 =	smul.u32 $0x140, s10;
	s12 =	sshrl.u32 s19, $0x2;
	s18 =	rddreg [dreg:$0xb]  }
0x2e: {  	s13 =	sadd.s32 $0x1, s10;
	s12 =	sor.u32 $0xA0, s12;
	s21 =	sshrl.u32 s18, $0x3  }
0x2f: {  	s16 =	smul.u32 $0x1400, s10;
	s14 =	sshrl.u32 s20, $0x2;
	s15 =	sadd.s32 s5, s21  }
0x30: {  	[tilespmem:s14], [sflag:s13] =	stream.linear.gather [hbm4b:s15+s4], $0x50, $0x38;
	[tilespmem:$0x1BA30] =	vst v63  }
0x31: {  	s19 =	rddreg [dreg:$0xe];
	s10 =	sadd.s32 $0x3, s10;
	s17 =	sshrl.u32 s16, $0x2  }
0x32: {  	[tilespmem:s12], [sflag:s10] =	stream.linear.gather [hbm4b:s19+s4], $0x2800, $0x38;
	[tilespmem:$0x1BA30] =	vst v63  }
0x33: {  	s20 =	sadd.s32 $0x18920, s17;
	s21 =	rddreg [dreg:$0xf];
	s13 =	sadd.s32 $0x1, s6  }
0x34: {  	[tilespmem:s20], [sflag:s10] =	stream.strided.gather [hbm4b:s21+s26], $0x500, s29, s26, $0x38;
	[tilespmem:$0x1BA30] =	vst v63  }
0x35: {  	s17 =	smul.u32 $0x1400, s6;
	_ =	swait.ge [sflag:s13], $0x50  }
0x36: {  	s15 =	smul.u32 $0xA000, s6;
	[sflag:s13] =	ssyncset.done $0x0  }
0x37: {  	s16 =	sadd.s32 $0x3, s6;
	s6 =	smul.u32 $0x140, s6;
	[sflag:s13] =	ssyncadd.s32 $0xFFFFFFB0  }
0x38: {  	s14 =	sadd.s32 $0x500, s19;
	s12 =	sadd.s32 $0x500, s21;
	_ =	swait.ge [sflag:s16], $0x2800  }
0x39: {  	s19 =	sadd.s32 $0x50, s18;
	s28 =	sshrl.u32 s6, $0x2;
	[sflag:s16] =	ssyncset.done $0x0  }
0x3a: {  	s10 =	simm.s32 $0x1;
	s20 =	sshrl.u32 s15, $0x2;
	[sflag:s16] =	ssyncadd.s32 $0xFFFFD800  }
0x3b: {  	s21 =	sor.u32 $0xA0, s20;
	s15 =	sand.u32 $0x1, s10;
	_ =	swait.ge [sflag:s16], $0x500  }
0x3c: {  	s20 =	sxor.u32 $0x1, s15;
	s10 =	smul.u32 $0xA000, s15;
	[sflag:s16] =	ssyncset.done $0x0  }
0x3d: {  	s13 =	sshrl.u32 s17, $0x2;
	s6 =	smul.u32 $0xA000, s20;
	[sflag:s16] =	ssyncadd.s32 $0xFFFFFB00  }
0x3e: {  	[spmem:s2] =	stream.indirect.scatter.add.f32 [tilespmem:s21], [sflag:$0x5], $0x80, s28, s31, $0xb8;
	[tilespmem:$0x1BA30] =	vst v63  }
0x3f: {  	s17 =	simm.s32 $0x2;
	s30 =	smul.u32 $0x140, s20;
	_ =	swait.ge [sflag:s23], $0x2800  }
0x40: {  	s16 =	sshrl.u32 s10, $0x2;
	s10 =	sadd.s32 $0x18920, s13;
	[sflag:s23] =	ssyncset.done $0x0  }
.LBB2_2:
0x41: {  	s6 =	sshrl.u32 s6, $0x2  }
0x42: {  	s13 =	smul.u32 $0x140, s15;
	[sflag:s23] =	ssyncadd.s32 $0xFFFFD800;
	s18 =	smov.u32 s17  }
0x43: {  	[spmem:s3] =	stream.indirect.scatter.add.f32 [tilespmem:s10], [sflag:$0x5], $0x10, s28, s31, $0xb8;
	[tilespmem:$0x1BA30] =	vst v63  }
0x44: {  	s10 =	sshrl.u32 s19, $0x3;
	s28 =	smul.u32 $0x1400, s20;
	_ =	swait.ge [sflag:s23], $0x500  }
0x45: {  	s21 =	sadd.s32 $0x1, s20;
	s6 =	sor.u32 $0xA0, s6;
	[sflag:s23] =	ssyncset.done $0x0  }
0x46: {  	s30 =	sshrl.u32 s30, $0x2;
	s10 =	sadd.s32 s5, s10;
	[sflag:s23] =	ssyncadd.s32 $0xFFFFFB00  }
0x47: {  	[tilespmem:s30], [sflag:s21] =	stream.linear.gather [hbm4b:s10+s4], $0x50, $0x38;
	[tilespmem:$0x1BA30] =	vst v63  }
0x48: {  	s10 =	sadd.s32 $0x3, s20;
	s20 =	sshrl.u32 s28, $0x2;
	s21 =	smul.u32 $0x1400, s15  }
0x49: {  	[tilespmem:s6], [sflag:s10] =	stream.linear.gather [hbm4b:s14+s4], $0x2800, $0x38;
	[tilespmem:$0x1BA30] =	vst v63  }
0x4a: {  	s6 =	sadd.s32 $0x18920, s20;
	s20 =	sadd.s32 $0x1, s15;
	s21 =	sshrl.u32 s21, $0x2  }
0x4b: {  	[tilespmem:s6], [sflag:s10] =	stream.strided.gather [hbm4b:s12+s26], $0x500, s29, s26, $0x38;
	[tilespmem:$0x1BA30] =	vst v63  }
0x4c: {  	p0 =	sne.s32 s17, $0x7B;
	s17 =	sadd.s32 $0x1, s17;
	_ =	swait.ge [sflag:s20], $0x50  }
0x4d: {  	s6 =	sadd.s32 $0x3, s15;
	[sflag:s20] =	ssyncset.done $0x0  }
0x4e: {  	[sflag:s20] =	ssyncadd.s32 $0xFFFFFFB0  }
0x4f: {  	_ =	swait.ge [sflag:s6], $0x2800  }
0x50: {  	s12 =	sadd.s32 $0x500, s12;
	[sflag:s6] =	ssyncset.done $0x0  }
0x51: {  	s19 =	sadd.s32 $0x50, s19;
	s14 =	sadd.s32 $0x500, s14;
	[sflag:s6] =	ssyncadd.s32 $0xFFFFD800  }
0x52: {  	s28 =	sshrl.u32 s13, $0x2;
	s10 =	sor.u32 $0xA0, s16;
	_ =	swait.ge [sflag:s6], $0x500  }
.Ltmp0:
0x53: {  	s15 =	sand.u32 $0x1, s18;
	[sflag:s6] =	ssyncset.done $0x0;
	(pc) =	sbr.rel @p0 .LBB2_2-.Ltmp0, $4  }
0x54: {  	s13 =	smul.u32 $0xA000, s15;
	s20 =	sxor.u32 $0x1, s15;
	[sflag:s6] =	ssyncadd.s32 $0xFFFFFB00  }
0x55: {  	[spmem:s2] =	stream.indirect.scatter.add.f32 [tilespmem:s10], [sflag:$0x5], $0x80, s28, s31, $0xb8;
	[tilespmem:$0x1BA30] =	vst v63  }
0x56: {  	s16 =	sshrl.u32 s13, $0x2;
	s6 =	smul.u32 $0xA000, s20;
	_ =	swait.ge [sflag:s23], $0x2800  }
0x57: {  	s30 =	smul.u32 $0x140, s20;
	s10 =	sadd.s32 $0x18920, s21;
	[sflag:s23] =	ssyncset.done $0x0  }
0x58: {  	[sflag:s23] =	ssyncadd.s32 $0xFFFFD800  }
0x59: {  	[spmem:s3] =	stream.indirect.scatter.add.f32 [tilespmem:s10], [sflag:$0x5], $0x10, s28, s31, $0xb8;
	[tilespmem:$0x1BA30] =	vst v63  }
0x5a: {  	s21 =	sshrl.u32 s19, $0x3;
	s13 =	sadd.s32 $0x1, s20;
	_ =	swait.ge [sflag:s23], $0x500  }
0x5b: {  	s6 =	sshrl.u32 s6, $0x2;
	s17 =	sshrl.u32 s30, $0x2;
	[sflag:s23] =	ssyncset.done $0x0  }
0x5c: {  	s10 =	sadd.s32 s5, s21;
	s28 =	smul.u32 $0x1400, s20;
	[sflag:s23] =	ssyncadd.s32 $0xFFFFFB00  }
0x5d: {  	[tilespmem:s17], [sflag:s13] =	stream.linear.gather [hbm4b:s10+s4], $0x50, $0x38;
	[tilespmem:$0x1BA30] =	vst v63  }
0x5e: {  	s6 =	sor.u32 $0xA0, s6;
	s30 =	sadd.s32 $0x3, s20;
	s10 =	sshrl.u32 s28, $0x2  }
0x5f: {  	[tilespmem:s6], [sflag:s30] =	stream.linear.gather [hbm4b:s14+s4], $0x2800, $0x38;
	[tilespmem:$0x1BA30] =	vst v63  }
0x60: {  	s6 =	sadd.s32 $0x18920, s10;
	s14 =	sadd.s32 $0x1, s15  }
0x61: {  	[tilespmem:s6], [sflag:s30] =	stream.strided.gather [hbm4b:s12+s26], $0x500, s29, s26, $0x38;
	[tilespmem:$0x1BA30] =	vst v63  }
0x62: {  	_ =	swait.ge [sflag:s14], $0x50  }
0x63: {  	[sflag:s14] =	ssyncset.done $0x0  }
0x64: {  	s17 =	sadd.s32 $0x3, s15;
	[sflag:s14] =	ssyncadd.s32 $0xFFFFFFB0  }
0x65: {  	_ =	swait.ge [sflag:s17], $0x2800  }
0x66: {  	[sflag:s17] =	ssyncset.done $0x0  }
0x67: {  	[sflag:s17] =	ssyncadd.s32 $0xFFFFD800  }
0x68: {  	s18 =	smul.u32 $0x140, s15;
	_ =	swait.ge [sflag:s17], $0x500  }
0x69: {  	s19 =	sor.u32 $0xA0, s16;
	[sflag:s17] =	ssyncset.done $0x0  }
0x6a: {  	s20 =	smul.u32 $0x1400, s15;
	s6 =	sshrl.u32 s18, $0x2;
	[sflag:s17] =	ssyncadd.s32 $0xFFFFFB00  }
0x6b: {  	[spmem:s2] =	stream.indirect.scatter.add.f32 [tilespmem:s19], [sflag:$0x5], $0x80, s6, s31, $0xb8;
	[tilespmem:$0x1BA30] =	vst v63  }
0x6c: {  	_ =	swait.ge [sflag:s23], $0x2800  }
0x6d: {  	s10 =	sshrl.u32 s20, $0x2;
	[sflag:s23] =	ssyncset.done $0x0  }
0x6e: {  	s10 =	sadd.s32 $0x18920, s10;
	[sflag:s23] =	ssyncadd.s32 $0xFFFFD800  }
0x6f: {  	[spmem:s3] =	stream.indirect.scatter.add.f32 [tilespmem:s10], [sflag:$0x5], $0x10, s6, s31, $0xb8;
	[tilespmem:$0x1BA30] =	vst v63  }
0x70: {  	_ =	swait.ge [sflag:s23], $0x500  }
0x71: {  	[sflag:s23] =	ssyncset.done $0x0  }
0x72: {  	s10 =	simm.s32 $0x1;
	[sflag:s23] =	ssyncadd.s32 $0xFFFFFB00  }
0x73: {  	_ =	swait.ge [sflag:s10], $0x50  }
0x74: {  	[sflag:s10] =	ssyncset.done $0x0  }
0x75: {  	[sflag:s10] =	ssyncadd.s32 $0xFFFFFFB0  }
0x76: {  	_ =	swait.ge [sflag:s0], $0x2800  }
0x77: {  	[sflag:s0] =	ssyncset.done $0x0  }
0x78: {  	[sflag:s0] =	ssyncadd.s32 $0xFFFFD800  }
0x79: {  	_ =	swait.ge [sflag:s0], $0x500  }
0x7a: {  	[sflag:s0] =	ssyncset.done $0x0  }
0x7b: {  	s14 =	simm.s32 $0xA0;
	[sflag:s0] =	ssyncadd.s32 $0xFFFFFB00  }
0x7c: {  	[spmem:s2] =	stream.indirect.scatter.add.f32 [tilespmem:s14], [sflag:$0x5], $0x80, s4, s31, $0xb8;
	[tilespmem:$0x1BA30] =	vst v63  }
0x7d: {  	_ =	swait.ge [sflag:s23], $0x2800  }
0x7e: {  	[sflag:s23] =	ssyncset.done $0x0  }
0x7f: {  	s15 =	simm.s32 $0x18920;
	[sflag:s23] =	ssyncadd.s32 $0xFFFFD800  }
0x80: {  	[spmem:s3] =	stream.indirect.scatter.add.f32 [tilespmem:s15], [sflag:$0x5], $0x10, s4, s31, $0xb8;
	[tilespmem:$0x1BA30] =	vst v63  }
0x81: {  	_ =	swait.ge [sflag:s23], $0x500  }
0x82: {  	[sflag:s23] =	ssyncset.done $0x0  }
0x83: {  	[sflag:s23] =	ssyncadd.s32 $0xFFFFFB00  }
0x84: {  	[bflag:$0x0] =	sbarrier.arrive $0xFFFF  }
0x85: {  	s21 =	rddreg [dreg:$0xa]  }
0x86: {  	[hbm:s21], [sflag:s9] =	dma.local [spmem:s25], s8  }
0x87: {  	_ =	swait.ge [sflag:s23], s8  }
0x88: {  	[sflag:s23] =	ssyncset.done $0x0  }
0x89: {  	s28 =	rddreg [dreg:$0xc];
	[sflag:s23] =	ssyncadd.s32 s22  }
0x8a: {  	[hbm:s28], [sflag:s9] =	dma.local [spmem:s7], s11  }
0x8b: {  	_ =	swait.ge [sflag:s23], s11  }
0x8c: {  	s1 =	sadd.s32 $0x1, s1;
	s30 =	rddreg [dreg:$0xd]  }
0x8d: {  	p0 =	sne.s32 s1, s30  }
.Ltmp1:
0x8e: {  	_ = 	snop;
	(pc) =	sbr.rel @p0 .LBB2_1-.Ltmp1, $3  }
0x8f: {  	_ =	sdelay $0x1  }
0x90: {  	[sflag:s23] =	ssyncset.done $0x0  }
0x91: {  	s13 =	smov.u32 s24;
	s17 =	smov.u32 s22;
	[sflag:s23] =	ssyncadd.s32 s24  }
0x92: {  	_ =	sfence.sel $0x180000  }
0x93: {  	[bflag:$0x0] =	sbarrier.arrive $0xFFFF  }
0x94: {  	_ =	strace $0x9000004A  }
0x95: {  	s0 =	stileid.u32;
	[bflag:$0x2] =	sbarrier.arrive $0xFFFF  }
0x96: {  	p0 =	sne.s32 s0, $0x0;
	s0 =	rddreg [dreg:$0x3]  }
0x97: {  	s0 =	sadd.s32 @!p0 $0x100000, s0  }
0x98: {  	[sflag:s0] =	ssyncadd.tile.s32 @!p0 $0x1;
	_ =	shalt  }
.Lfunc_end2:
_tile_overlayer_lowered:
.L_overlay_start_2:
0x99: {  	(tag) =	ssettag $0x2  }
0x9a: {  	s0 =	rddreg [dreg:$0x0];
	s2 =	stileid.u32  }
0x9b: {  	s1 =	rddreg [dreg:$0x1];
	p0 =	sne.s32 s2, $0x0  }
0x9c: {  	s3 =	rddreg [dreg:$0x2];
	[bflag:$0x3] =	sbarrier.arrive $0xFFFF;
	s2 =	simm.s32 @!p0 $0x1C05  }
0x9d: {  	[timem:s3], [sflag:s2] =	dma.local @!p0 [hbm:s0], s1  }
0x9e: {  	s0 =	simm.s32 @!p0 $0x5  }
0x9f: {  	_ =	swait.ge @!p0 [sflag:s0], s1  }
0xa0: {  	s1 =	ssub.s32 @!p0 $0x0, s1;
	[sflag:s0] =	ssyncset.done @!p0 $0x0  }
0xa1: {  	[sflag:s0] =	ssyncadd.s32 @!p0 s1  }
0xa2: {  	[bflag:$0x3] =	sbarrier.arrive $0xFFFF  }
0xa3: {  	_ =	shalt  }

// kernel: kernel.18.cloned.1.call-start
scs
__scs_entry_jumppad:
0x0: {  	(pc) =	sbr.rel $0x88, $3  }
0x1: {  	(tag) =	ssettag $0x0;
	lr =	simm.s32 $0x1  }
0x2: {  	[smem:$0x3F74] =	sst lr;
	_ =	strace $0xD0000000  }
0x3: {  	_ = 	snop  }
0x4: {  	_ = 	snop  }
0x5: {  	_ = 	snop  }
0x6: {  	_ = 	snop  }
0x7: {  	_ = 	snop  }
__scs_overlays_trampoline_lowered:
0x8: {  	[smem:$0x3F83] =	sst s0  }
0x9: {  	[smem:$0x3F84] =	sst s1  }
0xa: {  	[smem:$0x3F85] =	sst s2  }
0xb: {  	[smem:$0x3F86] =	sst s3  }
0xc: {  	[smem:$0x3F87] =	sst s4  }
0xd: {  	[smem:$0x3F88] =	sst s5  }
0xe: {  	[smem:$0x3F89] =	sst s6  }
0xf: {  	[smem:$0x3F8A] =	sst s7  }
0x10: {  	[smem:$0x3F8B] =	sst s8  }
0x11: {  	[smem:$0x3F8C] =	sst s9;
	s0 =	simm.s32 @!p0 $0x0  }
0x12: {  	s1 =	sld [smem:$0x3F72];
	s0 =	simm.s32 @p0 $0x1  }
0x13: {  	[smem:$0x3F8D] =	sst s0;
	s0 =	simm.s32 @!p1 $0x0  }
0x14: {  	s2 =	sld [smem:$0x3F71];
	s0 =	simm.s32 @p1 $0x1  }
0x15: {  	[smem:$0x3F8E] =	sst s0;
	s0 =	simm.s32 @!p2 $0x0  }
0x16: {  	s3 =	sld [smem:$0x3FDB];
	s0 =	simm.s32 @p2 $0x1  }
0x17: {  	s4 =	simm.s32 $0x1BF5;
	[smem:$0x3F90] =	sst s0  }
0x18: {  	s0 =	sld [smem:$0x3F73];
	_ =	swait.ge [sflag:s4], $0x0  }
0x19: {  	s7 =	sld [smem:$0x3F74]  }
0x1a: {  	s8 =	sadd.s32 $0xFFFFE003, lr  }
0x1b: {  	s9 =	sadd.s32 $0xFFFFFEF7, lr;
	s5 =	simm.s32 $0xFFFFFFFF;
	p2 =	slt.u32 s8, $0xFFFFF086  }
0x1c: {  	p1 =	slt.u32 s9, $0xF7A;
	s5 =	simm.s32 @!p2 $0x0  }
0x1d: {  	s5 =	simm.s32 @p1 $0x1;
	p0 =	seq.s32 s7, s2  }
0x1e: {  	s7 =	smul.u32 @!p0 $0xF7A, s2;
	p2 =	seq.s32 @!p0 s5, $0x0  }
0x1f: {  	s9 =	smul.u32 $0xF7A, s1;
	s8 =	simm.s32 @!p0 $0x1BF5;
	p2 =	por !p2, p0  }
0x20: {  	[sflag:s8] =	ssyncset.s32 @!p0 $0xFFFFF086;
	s6 =	sadd.s32 @!p0 s3, s7;
	s7 =	simm.s32 @!p0 $0x108  }
0x21: {  	s3 =	sadd.s32 s3, s9;
	s6 =	sadd.s32 @!p0 $0x88, s6;
	s7 =	simm.s32 @p2 $0x1082  }
0x22: {  	[simem:s7], [sflag:s8] =	dma.local @!p0 [hbm:s6], $0xF7A  }
0x23: {  	s9 =	sor.u32 $0xD0000000, s2;
	s6 =	simm.s32 $0x108;
	_ =	swait.ge @!p0 [sflag:s8], $0x0  }
0x24: {  	s3 =	sadd.s32 $0x88, s3;
	s6 =	simm.s32 @!p1 $0x1082;
	[sflag:s4] =	ssyncset.s32 $0xFFFFF086  }
0x25: {  	[simem:s6], [sflag:s4] =	dma.local [hbm:s3], $0xF7A  }
0x26: {  	[smem:$0x3F74] =	sst s1;
	(tag) =	ssettag s2;
	_ =	strace s9  }
0x27: {  	s1 =	sld [smem:$0x3F84]  }
0x28: {  	s2 =	sld [smem:$0x3F85]  }
0x29: {  	s4 =	sld [smem:$0x3F87]  }
0x2a: {  	p0 =	seq.s32 s5, $0x0;
	s5 =	sld [smem:$0x3F88]  }
0x2b: {  	s6 =	sld [smem:$0x3F89]  }
0x2c: {  	s7 =	sld [smem:$0x3F8A]  }
0x2d: {  	s3 =	simm.s32 $0x108;
	s8 =	sld [smem:$0x3F8B]  }
0x2e: {  	s3 =	simm.s32 @!p0 $0x1082;
	s9 =	sld [smem:$0x3F8C]  }
0x2f: {  	lr =	sadd.s32 s0, s3;
	s0 =	sld [smem:$0x3F83]  }
0x30: {  	s3 =	sld [smem:$0x3F86]  }
0x31: {  	[smem:$0x3F8F] =	sst s10  }
0x32: {  	s10 =	sld [smem:$0x3F8D];
	_ =	sdelay $0x3  }
0x33: {  	p0 =	seq.s32 s10, $0x1;
	s10 =	sld [smem:$0x3F8F];
	_ =	sdelay $0x3  }
0x34: {  	[smem:$0x3F8F] =	sst s10  }
0x35: {  	s10 =	sld [smem:$0x3F8E];
	_ =	sdelay $0x3  }
0x36: {  	p1 =	seq.s32 s10, $0x1;
	s10 =	sld [smem:$0x3F8F];
	_ =	sdelay $0x3  }
0x37: {  	[smem:$0x3F8F] =	sst s10  }
0x38: {  	s10 =	sld [smem:$0x3F90]  }
0x39: {  	_ = 	snop;
	(pc) =	sbr.ind lr, $3  }
0x3a: {  	_ = 	snop  }
0x3b: {  	_ = 	snop  }
0x3c: {  	p2 =	seq.s32 s10, $0x1;
	s10 =	sld [smem:$0x3F8F]  }
0x3d: {  	_ =	shalt  }
0x3e: {  	_ =	shalt  }
0x3f: {  	_ =	shalt  }
0x40: {  	_ =	shalt  }
0x41: {  	_ =	shalt  }
0x42: {  	_ =	shalt  }
0x43: {  	_ =	shalt  }
0x44: {  	_ =	shalt  }
0x45: {  	_ =	shalt  }
0x46: {  	_ =	shalt  }
0x47: {  	_ =	shalt  }
0x48: {  	_ =	shalt  }
0x49: {  	_ =	shalt  }
0x4a: {  	_ =	shalt  }
0x4b: {  	_ =	shalt  }
0x4c: {  	_ =	shalt  }
0x4d: {  	_ =	shalt  }
0x4e: {  	_ =	shalt  }
0x4f: {  	_ =	shalt  }
0x50: {  	_ =	shalt  }
0x51: {  	_ =	shalt  }
0x52: {  	_ =	shalt  }
0x53: {  	_ =	shalt  }
0x54: {  	_ =	shalt  }
0x55: {  	_ =	shalt  }
0x56: {  	_ =	shalt  }
0x57: {  	_ =	shalt  }
0x58: {  	_ =	shalt  }
0x59: {  	_ =	shalt  }
0x5a: {  	_ =	shalt  }
0x5b: {  	_ =	shalt  }
0x5c: {  	_ =	shalt  }
0x5d: {  	_ =	shalt  }
0x5e: {  	_ =	shalt  }
0x5f: {  	_ =	shalt  }
0x60: {  	_ =	shalt  }
0x61: {  	_ =	shalt  }
0x62: {  	_ =	shalt  }
0x63: {  	_ =	shalt  }
0x64: {  	_ =	shalt  }
0x65: {  	_ =	shalt  }
0x66: {  	_ =	shalt  }
0x67: {  	_ =	shalt  }
0x68: {  	_ =	shalt  }
0x69: {  	_ =	shalt  }
0x6a: {  	_ =	shalt  }
0x6b: {  	_ =	shalt  }
0x6c: {  	_ =	shalt  }
0x6d: {  	_ =	shalt  }
0x6e: {  	_ =	shalt  }
0x6f: {  	_ =	shalt  }
0x70: {  	_ =	shalt  }
0x71: {  	_ =	shalt  }
0x72: {  	_ =	shalt  }
0x73: {  	_ =	shalt  }
0x74: {  	_ =	shalt  }
0x75: {  	_ =	shalt  }
0x76: {  	_ =	shalt  }
0x77: {  	_ =	shalt  }
0x78: {  	_ =	shalt  }
0x79: {  	_ =	shalt  }
0x7a: {  	_ =	shalt  }
0x7b: {  	_ =	shalt  }
0x7c: {  	_ =	shalt  }
0x7d: {  	_ =	shalt  }
0x7e: {  	_ =	shalt  }
0x7f: {  	_ =	shalt  }
0x80: {  	_ =	shalt  }
0x81: {  	_ =	shalt  }
0x82: {  	_ =	shalt  }
0x83: {  	_ =	shalt  }
0x84: {  	_ =	shalt  }
0x85: {  	_ =	shalt  }
0x86: {  	_ =	shalt  }
0x87: {  	_ =	shalt  }
.Lfunc_end0:
.L_simem_size_0:
called_computation.2_lowered:
.L_overlay_start_0:
0x88: {  	s2 =	sld [smem:$0x3FD9]  }
0x89: {  	s3 =	sld [smem:$0x3FFE];
	_ =	sdelay $0x1  }
0x8a: {  	s1 =	srdreg.scid  }
0x8b: {  	s0 =	sand.u32 $0x1, s1  }
0x8c: {  	s16 =	sshll.u32 s0, $0xA;
	s2 =	sadd.s32 s3, s2  }
0x8d: {  	s2 =	sadd.s32 s2, s16  }
0x8e: {  	[smem:$0x3F9B] =	sst s2  }
0x8f: {  	_ = 	snop  }
0x90: {  	(tm) =	ssettm $0x1  }
0x91: {  	s17 =	sld [smem:$0x3FFB];
	_ =	sdelay $0x3  }
0x92: {  	_ =	strace s17  }
0x93: {  	s2 =	sld [smem:$0x3FFC];
	_ =	sdelay $0x3  }
0x94: {  	_ =	strace s2  }
0x95: {  	s2 =	sld [smem:$0x3FFD];
	_ =	sdelay $0x3  }
0x96: {  	_ =	strace s2  }
0x97: {  	_ =	strace $0x8FFFFFFF  }
0x98: {  	s18 =	sld [smem:$0x3FDB];
	_ =	sdelay $0x1  }
0x99: {  	s19 =	simm.s32 $_scs_section_size  }
0x9a: {  	s4 =	simm.s32 $_size__tile_overlayer_lowered;
	s5 =	simm.s32 $_tile_overlayer_lowered  }
0x9b: {  	s22 =	simm.s32 $0x1BFF;
	s21 =	sshll.u32 s5, $0x1;
	s2 =	sadd.s32 s19, s18  }
0x9c: {  	s6 =	simm.s32 $0x0;
	s20 =	sshll.u32 s4, $0x1;
	s4 =	sadd.s32 s21, s2  }
0x9d: {  	[timem:s6], [sflag:s22] =	dma.local [hbm:s4], s20  }
0x9e: {  	_ =	swait.ge [sflag:s22], s20  }
0x9f: {  	s3 =	ssub.s32 $0x0, s20;
	[sflag:s22] =	ssyncset.done $0x0  }
0xa0: {  	[sflag:s22] =	ssyncadd.s32 s3;
	_ =	sdelay $0x1  }
0xa1: {  	s23 =	simm.s32 $0x1B8B  }
0xa2: {  	_ =	swait.ge [sflag:s23], $0x1  }
0xa3: {  	[sflag:s23] =	ssyncset.done $0x0  }
0xa4: {  	s25 =	simm.s32 $0x1B8E;
	s24 =	sld [smem:$0x3FFE];
	[sflag:s23] =	ssyncadd.s32 $0xFFFFFFFF  }
0xa5: {  	s26 =	simm.s32 $execute0_lowered;
	[smem:$0x3FD2] =	sst s25  }
0xa6: {  	s4 =	sshll.u32 s26, $0x1;
	_ =	strace $0x8000004C;
	[dreg:$0x1] =	wrdreg $0xFFFFFFFF  }
0xa7: {  	s28 =	simm.s32 $_size_execute0_lowered;
	s2 =	sadd.s32 s2, s4;
	[dreg:$0x0] =	wrdreg $0x0  }
0xa8: {  	s4 =	sshll.u32 s28, $0x1;
	[dreg:$0x2] =	wrdreg s2  }
0xa9: {  	[dreg:$0x3] =	wrdreg s4  }
0xaa: {  	[dreg:$0x4] =	wrdreg $0xC0  }
0xab: {  	_ =	task [dreg:s6], $0x5FFFF  }
0xac: {  	[dreg:$0x1] =	wrdreg $0xFFFFFFFF  }
0xad: {  	[dreg:$0x0] =	wrdreg $0x60  }
0xae: {  	[dreg:$0x2] =	wrdreg s24  }
0xaf: {  	[dreg:$0x3] =	wrdreg $0x9  }
0xb0: {  	_ =	task.clear_ibuf [dreg:s6], $0x4FFFF;
	_ =	strace $0x9000004C  }
0xb1: {  	s29 =	simm.s32 $0x9;
	_ =	strace $0x8000004E  }
0xb2: {  	_ =	swait.ge [sflag:s29], $0x1  }
0xb3: {  	[sflag:s29] =	ssyncadd.s32 $0xFFFFFFFF  }
0xb4: {  	_ =	strace $0x9000004E  }
0xb5: {  	_ =	sfence  }
0xb6: {  	s30 =	sld [smem:$0x0];
	_ =	sdelay $0x2  }
0xb7: {  	s31 =	sshll.u32 s1, $0xD;
	s1 =	sshrl.u32 s1, $0x2  }
0xb8: {  	s3 =	sand.u32 $0x4000, s31;
	s1 =	sadd.s32 s1, s30  }
0xb9: {  	s0 =	sor.u32 s3, s0;
	s1 =	sshll.u32 s1, $0x11  }
0xba: {  	s0 =	sor.u32 s1, s0  }
0xbb: {  	s0 =	sadd.s32 $0x8F2B, s0  }
0xbc: {  	[sflag:s0] =	ssyncadd.remote.s32 $0x1  }
0xbd: {  	_ =	sfence.sel $0xFFFF  }
0xbe: {  	[dreg:$0x0] =	wrdreg $0xFFFFFFFF;
	(pc) =	sbr.abs _section_cstart, $3  }
0xbf: {  	[dreg:$0x1] =	wrdreg $0xFFFFFFFF  }
0xc0: {  	_ =	task.clear_ibuf [dreg:s6], $0x2FFFF;
	_ =	strace $0x9FFFFFFF  }
0xc1: {  	(tm) =	ssettm $0x7FFFFFFF  }
tec
execute0_lowered:
.L_overlay_start_1:
0x0: {  	(tag) =	ssettag $0x1  }
0x1: {  	s5 =	rddreg [dreg:$0x0]  }
0x2: {  	s0 =	rddreg [dreg:$0x1];
	s3 =	srdreg.scid  }
0x3: {  	s1 =	stileid.u32;
	s2 =	simm.s32 $0x0;
	s12 =	simm.s32 $0x5  }
0x4: {  	s13 =	simm.s32 $0x2710;
	s14 =	simm.s32 $0x1B710;
	s15 =	simm.s32 $0x190  }
0x5: {  	s16 =	simm.s32 $0x10;
	s17 =	simm.s32 $0x80;
	s18 =	simm.s32 $0x4  }
0x6: {  	s19 =	simm.s32 $0x3;
	s20 =	simm.s32 $0x0;
	s6 =	sand.u32 $0x1, s3  }
0x7: {  	s30 =	sshll.u32 s1, $0x1;
	[smem:$0x7FF] =	sst s2;
	s8 =	smul.u32 $0x4E200, s1  }
0x8: {  	s3 =	sor.u32 s6, s30;
	s9 =	ssub.s32 $0x2, s6;
	s6 =	smul.u32 $0x27100, s6  }
0x9: {  	s4 =	sadd.s32 $0x45200, s5;
	_ =	strace $0x8000004D;
	s7 =	smul.u32 $0x2710, s3  }
.Ltmp0:
0xa: {  	s3 =	sadd.s32 $0x1E000, s5;
	s8 =	sadd.s32 s8, s5;
	(pc) =	sbr.rel .LBB2_1-.Ltmp0, $4  }
0xb: {  	s31 =	sshrl.u32 s9, $0x1;
	s11 =	sadd.s32 s6, s8;
	s7 =	sshrl.u32 s7, $0x3  }
0xc: {  	s9 =	ssub.s32 s9, s31;
	s8 =	sadd.s32 $0x6EC00, s11;
	s7 =	sadd.s32 s7, s5  }
0xd: {  	s10 =	sadd.s32 $0xF14C00, s11;
	s5 =	sadd.s32 $0xA400, s7;
	s6 =	sadd.s32 $0x14200, s7  }
0xe: {  	s9 =	smax.u32 s9, $0x1;
	s7 =	sadd.s32 $0xA32C00, s11;
	s11 =	sadd.s32 $0x550C00, s11  }
.LBB2_15:
0xf: {  	_ =	swait.ge [sflag:s18], $0xC800  }
0x10: {  	[sflag:s18] =	ssyncset.done $0x0  }
0x11: {  	[sflag:s18] =	ssyncadd.s32 $0xFFFF3800  }
0x12: {  	_ =	swait.ge [sflag:s18], $0x1900  }
0x13: {  	[sflag:s18] =	ssyncset.done $0x0  }
0x14: {  	s20 =	sadd.s32 $0x1, s20;
	[sflag:s18] =	ssyncadd.s32 $0xFFFFE700  }
0x15: {  	p0 =	sne.s32 s20, s9;
	_ =	swait.ge [sflag:s19], $0xC800  }
.Ltmp1:
0x16: {  	[sflag:s19] =	ssyncset.done $0x0;
	(pc) =	sbr.rel @!p0 .LBB2_16-.Ltmp1, $4  }
0x17: {  	[sflag:s19] =	ssyncadd.s32 $0xFFFF3800  }
0x18: {  	_ =	swait.ge [sflag:s19], $0x1900  }
0x19: {  	[sflag:s19] =	ssyncset.done $0x0  }
0x1a: {  	[sflag:s19] =	ssyncadd.s32 $0xFFFFE700  }
.LBB2_1:
0x1b: {  	[tilespmem:s2], [sflag:$0x5] =	stream.linear.gather [hbm4b:s5+s2], $0x2710, $0x38;
	[tilespmem:$0x1E910] =	vst v63  }
0x1c: {  	_ =	swait.ge [sflag:s12], $0x2710  }
.Ltmp2:
0x1d: {  	[sflag:s12] =	ssyncset.done $0x0;
	(pc) =	sbr.rel .LBB2_2-.Ltmp2, $4  }
0x1e: {  	s21 =	simm.s32 $0x190;
	[sflag:s12] =	ssyncadd.s32 $0xFFFFD8F0  }
0x1f: {  	[tilespmem:s13], [sflag:$0x1] =	stream.indirect.gather [hbm4b:s3+s15], $0x80, s2, s15, $0xb8;
	[tilespmem:$0x1E910] =	vst v63  }
0x20: {  	s22 =	smov.u32 s8;
	s23 =	smov.u32 s7;
	s24 =	simm.s32 $0x0  }
0x21: {  	[tilespmem:s14], [sflag:$0x1] =	stream.indirect.gather [hbm4b:s4+s15], $0x10, s2, s15, $0xb8;
	[tilespmem:$0x1E910] =	vst v63  }
.LBB2_3:
0x22: {  	s26 =	simm.s32 $0x1  }
.LBB2_6:
0x23: {  	s28 =	smul.u32 $0x32000, s26  }
0x24: {  	s31 =	smul.u32 $0x6400, s26  }
0x25: {  	s28 =	sshrl.u32 s28, $0x2  }
0x26: {  	s29 =	sadd.s32 $0x1, s26;
	s26 =	sshrl.u32 s31, $0x2;
	s28 =	sadd.s32 $0x2710, s28  }
0x27: {  	[tilespmem:s28], [sflag:s29] =	stream.indirect.gather [hbm4b:s3+s15], $0x80, s21, s15, $0xb8;
	[tilespmem:$0x1E910] =	vst v63  }
0x28: {  	s26 =	sadd.s32 $0x1B710, s26  }
0x29: {  	[tilespmem:s26], [sflag:s29] =	stream.indirect.gather [hbm4b:s4+s15], $0x10, s21, s15, $0xb8;
	[tilespmem:$0x1E910] =	vst v63  }
.LBB2_7:
0x2a: {  	s26 =	sadd.s32 $0x1, s25  }
0x2b: {  	_ =	swait.ge [sflag:s26], $0xC800  }
0x2c: {  	s28 =	smul.u32 $0x32000, s25;
	[sflag:s26] =	ssyncset.done $0x0  }
0x2d: {  	s29 =	smul.u32 $0x6400, s25;
	s24 =	sadd.s32 $0x1, s24;
	[sflag:s26] =	ssyncadd.s32 $0xFFFF3800  }
0x2e: {  	s30 =	sadd.s32 $0x3, s25;
	p0 =	sne.s32 s24, $0x19;
	_ =	swait.ge [sflag:s26], $0x1900  }
0x2f: {  	s31 =	sshrl.u32 s28, $0x2;
	s29 =	sshrl.u32 s29, $0x2;
	[sflag:s26] =	ssyncset.done $0x0  }
.Ltmp3:
0x30: {  	[sflag:s26] =	ssyncadd.s32 $0xFFFFE700;
	s26 =	sadd.s32 $0x2710, s31;
	(pc) =	sbr.rel @!p0 .LBB2_8-.Ltmp3, $4  }
0x31: {  	[hbm4b:s22+s2] =	stream.linear.scatter [tilespmem:s26], [sflag:s30], $0xC800, $0x38;
	[tilespmem:$0x1E910] =	vst v63  }
0x32: {  	s31 =	sadd.s32 $0x1B710, s29  }
0x33: {  	[hbm4b:s23+s16] =	stream.strided.scatter [tilespmem:s31], [sflag:s30], $0x1900, s17, s16, $0x38;
	[tilespmem:$0x1E910] =	vst v63  }
0x34: {  	s21 =	sadd.s32 $0x190, s21;
	s22 =	sadd.s32 $0x1900, s22;
	s23 =	sadd.s32 $0x1900, s23  }
.LBB2_2:
0x35: {  	p0 =	seq.s32 s24, $0x0  }
.Ltmp4:
0x36: {  	_ = 	snop;
	(pc) =	sbr.rel @p0 .LBB2_3-.Ltmp4, $2  }
0x37: {  	_ =	sdelay $0x2  }
0x38: {  	s25 =	sand.u32 $0x1, s24  }
0x39: {  	p0 =	seq.s32 s24, $0x18  }
.Ltmp5:
0x3a: {  	_ = 	snop;
	(pc) =	sbr.rel @p0 .LBB2_7-.Ltmp5, $1  }
0x3b: {  	_ =	sdelay $0x3  }
0x3c: {  	s26 =	sxor.u32 $0x1, s25  }
0x3d: {  	s28 =	sadd.s32 $0x3, s26  }
0x3e: {  	_ =	swait.ge [sflag:s28], $0xC800  }
.Ltmp6:
0x3f: {  	[sflag:s28] =	ssyncset.done $0x0;
	(pc) =	sbr.rel .LBB2_6-.Ltmp6, $4  }
0x40: {  	[sflag:s28] =	ssyncadd.s32 $0xFFFF3800  }
0x41: {  	_ =	swait.ge [sflag:s28], $0x1900  }
0x42: {  	[sflag:s28] =	ssyncset.done $0x0  }
0x43: {  	[sflag:s28] =	ssyncadd.s32 $0xFFFFE700  }
.LBB2_8:
0x44: {  	_ =	swait.ge [sflag:s18], $0xC800  }
0x45: {  	[sflag:s18] =	ssyncset.done $0x0  }
0x46: {  	[sflag:s18] =	ssyncadd.s32 $0xFFFF3800  }
0x47: {  	_ =	swait.ge [sflag:s18], $0x1900  }
0x48: {  	[sflag:s18] =	ssyncset.done $0x0  }
0x49: {  	[sflag:s18] =	ssyncadd.s32 $0xFFFFE700  }
0x4a: {  	_ =	swait.ge [sflag:s19], $0xC800  }
0x4b: {  	[sflag:s19] =	ssyncset.done $0x0  }
0x4c: {  	[sflag:s19] =	ssyncadd.s32 $0xFFFF3800  }
0x4d: {  	_ =	swait.ge [sflag:s19], $0x1900  }
0x4e: {  	[sflag:s19] =	ssyncset.done $0x0  }
0x4f: {  	s21 =	simm.s32 $0x0;
	[sflag:s19] =	ssyncadd.s32 $0xFFFFE700  }
0x50: {  	[tilespmem:s21], [sflag:$0x5] =	stream.linear.gather [hbm4b:s6+s21], $0x2710, $0x38;
	[tilespmem:$0x1E910] =	vst v63  }
0x51: {  	_ =	swait.ge [sflag:s12], $0x2710  }
.Ltmp7:
0x52: {  	[sflag:s12] =	ssyncset.done $0x0;
	(pc) =	sbr.rel .LBB2_9-.Ltmp7, $4  }
0x53: {  	s22 =	simm.s32 $0x190;
	[sflag:s12] =	ssyncadd.s32 $0xFFFFD8F0  }
0x54: {  	[tilespmem:s13], [sflag:$0x1] =	stream.indirect.gather [hbm4b:s3+s22], $0x80, s21, s22, $0xb8;
	[tilespmem:$0x1E910] =	vst v63  }
0x55: {  	s23 =	smov.u32 s11;
	s24 =	smov.u32 s10  }
0x56: {  	[tilespmem:s14], [sflag:$0x1] =	stream.indirect.gather [hbm4b:s4+s22], $0x10, s21, s22, $0xb8;
	[tilespmem:$0x1E910] =	vst v63  }
.LBB2_10:
0x57: {  	s26 =	simm.s32 $0x1  }
.LBB2_13:
0x58: {  	s28 =	smul.u32 $0x32000, s26  }
0x59: {  	s31 =	smul.u32 $0x6400, s26  }
0x5a: {  	s28 =	sshrl.u32 s28, $0x2  }
0x5b: {  	s29 =	sadd.s32 $0x1, s26;
	s26 =	sshrl.u32 s31, $0x2;
	s28 =	sadd.s32 $0x2710, s28  }
0x5c: {  	[tilespmem:s28], [sflag:s29] =	stream.indirect.gather [hbm4b:s3+s15], $0x80, s22, s15, $0xb8;
	[tilespmem:$0x1E910] =	vst v63  }
0x5d: {  	s26 =	sadd.s32 $0x1B710, s26  }
0x5e: {  	[tilespmem:s26], [sflag:s29] =	stream.indirect.gather [hbm4b:s4+s15], $0x10, s22, s15, $0xb8;
	[tilespmem:$0x1E910] =	vst v63  }
.LBB2_14:
0x5f: {  	s26 =	sadd.s32 $0x1, s25  }
0x60: {  	_ =	swait.ge [sflag:s26], $0xC800  }
0x61: {  	s28 =	smul.u32 $0x32000, s25;
	[sflag:s26] =	ssyncset.done $0x0  }
0x62: {  	s29 =	smul.u32 $0x6400, s25;
	s21 =	sadd.s32 $0x1, s21;
	[sflag:s26] =	ssyncadd.s32 $0xFFFF3800  }
0x63: {  	s30 =	sadd.s32 $0x3, s25;
	p0 =	sne.s32 s21, $0x19;
	_ =	swait.ge [sflag:s26], $0x1900  }
0x64: {  	s31 =	sshrl.u32 s28, $0x2;
	s29 =	sshrl.u32 s29, $0x2;
	[sflag:s26] =	ssyncset.done $0x0  }
.Ltmp8:
0x65: {  	[sflag:s26] =	ssyncadd.s32 $0xFFFFE700;
	s26 =	sadd.s32 $0x2710, s31;
	(pc) =	sbr.rel @!p0 .LBB2_15-.Ltmp8, $4  }
0x66: {  	[hbm4b:s23+s2] =	stream.linear.scatter [tilespmem:s26], [sflag:s30], $0xC800, $0x38;
	[tilespmem:$0x1E910] =	vst v63  }
0x67: {  	s31 =	sadd.s32 $0x1B710, s29  }
0x68: {  	[hbm4b:s24+s16] =	stream.strided.scatter [tilespmem:s31], [sflag:s30], $0x1900, s17, s16, $0x38;
	[tilespmem:$0x1E910] =	vst v63  }
0x69: {  	s22 =	sadd.s32 $0x190, s22;
	s23 =	sadd.s32 $0x1900, s23;
	s24 =	sadd.s32 $0x1900, s24  }
.LBB2_9:
0x6a: {  	p0 =	seq.s32 s21, $0x0  }
.Ltmp9:
0x6b: {  	_ = 	snop;
	(pc) =	sbr.rel @p0 .LBB2_10-.Ltmp9, $2  }
0x6c: {  	_ =	sdelay $0x2  }
0x6d: {  	s25 =	sand.u32 $0x1, s21  }
0x6e: {  	p0 =	seq.s32 s21, $0x18  }
.Ltmp10:
0x6f: {  	_ = 	snop;
	(pc) =	sbr.rel @p0 .LBB2_14-.Ltmp10, $1  }
0x70: {  	_ =	sdelay $0x3  }
0x71: {  	s26 =	sxor.u32 $0x1, s25  }
0x72: {  	s28 =	sadd.s32 $0x3, s26  }
0x73: {  	_ =	swait.ge [sflag:s28], $0xC800  }
.Ltmp11:
0x74: {  	[sflag:s28] =	ssyncset.done $0x0;
	(pc) =	sbr.rel .LBB2_13-.Ltmp11, $4  }
0x75: {  	[sflag:s28] =	ssyncadd.s32 $0xFFFF3800  }
0x76: {  	_ =	swait.ge [sflag:s28], $0x1900  }
0x77: {  	[sflag:s28] =	ssyncset.done $0x0  }
0x78: {  	[sflag:s28] =	ssyncadd.s32 $0xFFFFE700  }
.LBB2_16:
0x79: {  	_ =	sfence.sel $0x180000  }
0x7a: {  	[bflag:$0x0] =	sbarrier.arrive $0xFFFF  }
0x7b: {  	p0 =	sne.s32 s1, $0x0;
	_ =	strace $0x9000004D  }
0x7c: {  	s0 =	sadd.s32 @!p0 $0x100000, s0;
	[bflag:$0x2] =	sbarrier.arrive $0xFFFF  }
0x7d: {  	[sflag:s0] =	ssyncadd.tile.s32 @!p0 $0x1;
	_ =	shalt  }
.Lfunc_end2:
_tile_overlayer_lowered:
.L_overlay_start_2:
0x7e: {  	(tag) =	ssettag $0x2  }
0x7f: {  	s0 =	rddreg [dreg:$0x0];
	s2 =	stileid.u32  }
0x80: {  	s1 =	rddreg [dreg:$0x1];
	p0 =	sne.s32 s2, $0x0  }
0x81: {  	s3 =	rddreg [dreg:$0x2];
	[bflag:$0x3] =	sbarrier.arrive $0xFFFF;
	s2 =	simm.s32 @!p0 $0x1C05  }
0x82: {  	[timem:s3], [sflag:s2] =	dma.local @!p0 [hbm:s0], s1  }
0x83: {  	s0 =	simm.s32 @!p0 $0x5  }
0x84: {  	_ =	swait.ge @!p0 [sflag:s0], s1  }
0x85: {  	s1 =	ssub.s32 @!p0 $0x0, s1;
	[sflag:s0] =	ssyncset.done @!p0 $0x0  }
0x86: {  	[sflag:s0] =	ssyncadd.s32 @!p0 s1  }
0x87: {  	[bflag:$0x3] =	sbarrier.arrive $0xFFFF  }
0x88: {  	_ =	shalt  }

// kernel: kernel.21.cloned.1.call-start
scs
__scs_entry_jumppad:
0x0: {  	(pc) =	sbr.rel $0x88, $3  }
0x1: {  	(tag) =	ssettag $0x0;
	lr =	simm.s32 $0x1  }
0x2: {  	[smem:$0x3F74] =	sst lr;
	_ =	strace $0xD0000000  }
0x3: {  	_ = 	snop  }
0x4: {  	_ = 	snop  }
0x5: {  	_ = 	snop  }
0x6: {  	_ = 	snop  }
0x7: {  	_ = 	snop  }
__scs_overlays_trampoline_lowered:
0x8: {  	[smem:$0x3F83] =	sst s0  }
0x9: {  	[smem:$0x3F84] =	sst s1  }
0xa: {  	[smem:$0x3F85] =	sst s2  }
0xb: {  	[smem:$0x3F86] =	sst s3  }
0xc: {  	[smem:$0x3F87] =	sst s4  }
0xd: {  	[smem:$0x3F88] =	sst s5  }
0xe: {  	[smem:$0x3F89] =	sst s6  }
0xf: {  	[smem:$0x3F8A] =	sst s7  }
0x10: {  	[smem:$0x3F8B] =	sst s8  }
0x11: {  	[smem:$0x3F8C] =	sst s9;
	s0 =	simm.s32 @!p0 $0x0  }
0x12: {  	s1 =	sld [smem:$0x3F72];
	s0 =	simm.s32 @p0 $0x1  }
0x13: {  	[smem:$0x3F8D] =	sst s0;
	s0 =	simm.s32 @!p1 $0x0  }
0x14: {  	s2 =	sld [smem:$0x3F71];
	s0 =	simm.s32 @p1 $0x1  }
0x15: {  	[smem:$0x3F8E] =	sst s0;
	s0 =	simm.s32 @!p2 $0x0  }
0x16: {  	s3 =	sld [smem:$0x3FDB];
	s0 =	simm.s32 @p2 $0x1  }
0x17: {  	s4 =	simm.s32 $0x1BF5;
	[smem:$0x3F90] =	sst s0  }
0x18: {  	s0 =	sld [smem:$0x3F73];
	_ =	swait.ge [sflag:s4], $0x0  }
0x19: {  	s7 =	sld [smem:$0x3F74]  }
0x1a: {  	s8 =	sadd.s32 $0xFFFFE003, lr  }
0x1b: {  	s9 =	sadd.s32 $0xFFFFFEF7, lr;
	s5 =	simm.s32 $0xFFFFFFFF;
	p2 =	slt.u32 s8, $0xFFFFF086  }
0x1c: {  	p1 =	slt.u32 s9, $0xF7A;
	s5 =	simm.s32 @!p2 $0x0  }
0x1d: {  	s5 =	simm.s32 @p1 $0x1;
	p0 =	seq.s32 s7, s2  }
0x1e: {  	s7 =	smul.u32 @!p0 $0xF7A, s2;
	p2 =	seq.s32 @!p0 s5, $0x0  }
0x1f: {  	s9 =	smul.u32 $0xF7A, s1;
	s8 =	simm.s32 @!p0 $0x1BF5;
	p2 =	por !p2, p0  }
0x20: {  	[sflag:s8] =	ssyncset.s32 @!p0 $0xFFFFF086;
	s6 =	sadd.s32 @!p0 s3, s7;
	s7 =	simm.s32 @!p0 $0x108  }
0x21: {  	s3 =	sadd.s32 s3, s9;
	s6 =	sadd.s32 @!p0 $0x88, s6;
	s7 =	simm.s32 @p2 $0x1082  }
0x22: {  	[simem:s7], [sflag:s8] =	dma.local @!p0 [hbm:s6], $0xF7A  }
0x23: {  	s9 =	sor.u32 $0xD0000000, s2;
	s6 =	simm.s32 $0x108;
	_ =	swait.ge @!p0 [sflag:s8], $0x0  }
0x24: {  	s3 =	sadd.s32 $0x88, s3;
	s6 =	simm.s32 @!p1 $0x1082;
	[sflag:s4] =	ssyncset.s32 $0xFFFFF086  }
0x25: {  	[simem:s6], [sflag:s4] =	dma.local [hbm:s3], $0xF7A  }
0x26: {  	[smem:$0x3F74] =	sst s1;
	(tag) =	ssettag s2;
	_ =	strace s9  }
0x27: {  	s1 =	sld [smem:$0x3F84]  }
0x28: {  	s2 =	sld [smem:$0x3F85]  }
0x29: {  	s4 =	sld [smem:$0x3F87]  }
0x2a: {  	p0 =	seq.s32 s5, $0x0;
	s5 =	sld [smem:$0x3F88]  }
0x2b: {  	s6 =	sld [smem:$0x3F89]  }
0x2c: {  	s7 =	sld [smem:$0x3F8A]  }
0x2d: {  	s3 =	simm.s32 $0x108;
	s8 =	sld [smem:$0x3F8B]  }
0x2e: {  	s3 =	simm.s32 @!p0 $0x1082;
	s9 =	sld [smem:$0x3F8C]  }
0x2f: {  	lr =	sadd.s32 s0, s3;
	s0 =	sld [smem:$0x3F83]  }
0x30: {  	s3 =	sld [smem:$0x3F86]  }
0x31: {  	[smem:$0x3F8F] =	sst s10  }
0x32: {  	s10 =	sld [smem:$0x3F8D];
	_ =	sdelay $0x3  }
0x33: {  	p0 =	seq.s32 s10, $0x1;
	s10 =	sld [smem:$0x3F8F];
	_ =	sdelay $0x3  }
0x34: {  	[smem:$0x3F8F] =	sst s10  }
0x35: {  	s10 =	sld [smem:$0x3F8E];
	_ =	sdelay $0x3  }
0x36: {  	p1 =	seq.s32 s10, $0x1;
	s10 =	sld [smem:$0x3F8F];
	_ =	sdelay $0x3  }
0x37: {  	[smem:$0x3F8F] =	sst s10  }
0x38: {  	s10 =	sld [smem:$0x3F90]  }
0x39: {  	_ = 	snop;
	(pc) =	sbr.ind lr, $3  }
0x3a: {  	_ = 	snop  }
0x3b: {  	_ = 	snop  }
0x3c: {  	p2 =	seq.s32 s10, $0x1;
	s10 =	sld [smem:$0x3F8F]  }
0x3d: {  	_ =	shalt  }
0x3e: {  	_ =	shalt  }
0x3f: {  	_ =	shalt  }
0x40: {  	_ =	shalt  }
0x41: {  	_ =	shalt  }
0x42: {  	_ =	shalt  }
0x43: {  	_ =	shalt  }
0x44: {  	_ =	shalt  }
0x45: {  	_ =	shalt  }
0x46: {  	_ =	shalt  }
0x47: {  	_ =	shalt  }
0x48: {  	_ =	shalt  }
0x49: {  	_ =	shalt  }
0x4a: {  	_ =	shalt  }
0x4b: {  	_ =	shalt  }
0x4c: {  	_ =	shalt  }
0x4d: {  	_ =	shalt  }
0x4e: {  	_ =	shalt  }
0x4f: {  	_ =	shalt  }
0x50: {  	_ =	shalt  }
0x51: {  	_ =	shalt  }
0x52: {  	_ =	shalt  }
0x53: {  	_ =	shalt  }
0x54: {  	_ =	shalt  }
0x55: {  	_ =	shalt  }
0x56: {  	_ =	shalt  }
0x57: {  	_ =	shalt  }
0x58: {  	_ =	shalt  }
0x59: {  	_ =	shalt  }
0x5a: {  	_ =	shalt  }
0x5b: {  	_ =	shalt  }
0x5c: {  	_ =	shalt  }
0x5d: {  	_ =	shalt  }
0x5e: {  	_ =	shalt  }
0x5f: {  	_ =	shalt  }
0x60: {  	_ =	shalt  }
0x61: {  	_ =	shalt  }
0x62: {  	_ =	shalt  }
0x63: {  	_ =	shalt  }
0x64: {  	_ =	shalt  }
0x65: {  	_ =	shalt  }
0x66: {  	_ =	shalt  }
0x67: {  	_ =	shalt  }
0x68: {  	_ =	shalt  }
0x69: {  	_ =	shalt  }
0x6a: {  	_ =	shalt  }
0x6b: {  	_ =	shalt  }
0x6c: {  	_ =	shalt  }
0x6d: {  	_ =	shalt  }
0x6e: {  	_ =	shalt  }
0x6f: {  	_ =	shalt  }
0x70: {  	_ =	shalt  }
0x71: {  	_ =	shalt  }
0x72: {  	_ =	shalt  }
0x73: {  	_ =	shalt  }
0x74: {  	_ =	shalt  }
0x75: {  	_ =	shalt  }
0x76: {  	_ =	shalt  }
0x77: {  	_ =	shalt  }
0x78: {  	_ =	shalt  }
0x79: {  	_ =	shalt  }
0x7a: {  	_ =	shalt  }
0x7b: {  	_ =	shalt  }
0x7c: {  	_ =	shalt  }
0x7d: {  	_ =	shalt  }
0x7e: {  	_ =	shalt  }
0x7f: {  	_ =	shalt  }
0x80: {  	_ =	shalt  }
0x81: {  	_ =	shalt  }
0x82: {  	_ =	shalt  }
0x83: {  	_ =	shalt  }
0x84: {  	_ =	shalt  }
0x85: {  	_ =	shalt  }
0x86: {  	_ =	shalt  }
0x87: {  	_ =	shalt  }
.Lfunc_end0:
.L_simem_size_0:
called_computation.3_lowered:
.L_overlay_start_0:
0x88: {  	s2 =	sld [smem:$0x3FD9]  }
0x89: {  	s3 =	sld [smem:$0x3FFE];
	_ =	sdelay $0x1  }
0x8a: {  	s1 =	srdreg.scid  }
0x8b: {  	s0 =	sand.u32 $0x1, s1  }
0x8c: {  	s16 =	sshll.u32 s0, $0xA;
	s2 =	sadd.s32 s3, s2  }
0x8d: {  	s2 =	sadd.s32 s2, s16  }
0x8e: {  	[smem:$0x3F9B] =	sst s2  }
0x8f: {  	_ = 	snop  }
0x90: {  	(tm) =	ssettm $0x1  }
0x91: {  	s17 =	sld [smem:$0x3FFB];
	_ =	sdelay $0x3  }
0x92: {  	_ =	strace s17  }
0x93: {  	s2 =	sld [smem:$0x3FFC];
	_ =	sdelay $0x3  }
0x94: {  	_ =	strace s2  }
0x95: {  	s2 =	sld [smem:$0x3FFD];
	_ =	sdelay $0x3  }
0x96: {  	_ =	strace s2  }
0x97: {  	_ =	strace $0x8FFFFFFF  }
0x98: {  	s18 =	sld [smem:$0x3FDB];
	_ =	sdelay $0x1  }
0x99: {  	s19 =	simm.s32 $_scs_section_size  }
0x9a: {  	s4 =	simm.s32 $_size__tile_overlayer_lowered;
	s5 =	simm.s32 $_tile_overlayer_lowered  }
0x9b: {  	s22 =	simm.s32 $0x1BFF;
	s21 =	sshll.u32 s5, $0x1;
	s2 =	sadd.s32 s19, s18  }
0x9c: {  	s6 =	simm.s32 $0x0;
	s20 =	sshll.u32 s4, $0x1;
	s4 =	sadd.s32 s21, s2  }
0x9d: {  	[timem:s6], [sflag:s22] =	dma.local [hbm:s4], s20  }
0x9e: {  	_ =	swait.ge [sflag:s22], s20  }
0x9f: {  	s3 =	ssub.s32 $0x0, s20;
	[sflag:s22] =	ssyncset.done $0x0  }
0xa0: {  	[sflag:s22] =	ssyncadd.s32 s3;
	_ =	sdelay $0x1  }
0xa1: {  	s23 =	simm.s32 $0x1B8B  }
0xa2: {  	_ =	swait.ge [sflag:s23], $0x1  }
0xa3: {  	[sflag:s23] =	ssyncset.done $0x0  }
0xa4: {  	s25 =	simm.s32 $0x1B8E;
	s24 =	sld [smem:$0x3FFE];
	[sflag:s23] =	ssyncadd.s32 $0xFFFFFFFF  }
0xa5: {  	s26 =	simm.s32 $execute0_lowered;
	[smem:$0x3FD2] =	sst s25  }
0xa6: {  	s4 =	sshll.u32 s26, $0x1;
	_ =	strace $0x8000004F;
	[dreg:$0x1] =	wrdreg $0xFFFFFFFF  }
0xa7: {  	s28 =	simm.s32 $_size_execute0_lowered;
	s2 =	sadd.s32 s2, s4;
	[dreg:$0x0] =	wrdreg $0x0  }
0xa8: {  	s4 =	sshll.u32 s28, $0x1;
	[dreg:$0x2] =	wrdreg s2  }
0xa9: {  	[dreg:$0x3] =	wrdreg s4  }
0xaa: {  	[dreg:$0x4] =	wrdreg $0xC0  }
0xab: {  	_ =	task [dreg:s6], $0x5FFFF  }
0xac: {  	[dreg:$0x1] =	wrdreg $0xFFFFFFFF  }
0xad: {  	[dreg:$0x0] =	wrdreg $0x60  }
0xae: {  	[dreg:$0x2] =	wrdreg s24  }
0xaf: {  	[dreg:$0x3] =	wrdreg $0x50A00  }
0xb0: {  	[dreg:$0x4] =	wrdreg $0x9  }
0xb1: {  	_ =	task.clear_ibuf [dreg:s6], $0x5FFFF;
	_ =	strace $0x9000004F  }
0xb2: {  	s29 =	simm.s32 $0x9;
	_ =	strace $0x80000051  }
0xb3: {  	_ =	swait.ge [sflag:s29], $0x1  }
0xb4: {  	[sflag:s29] =	ssyncadd.s32 $0xFFFFFFFF  }
0xb5: {  	_ =	strace $0x90000051  }
0xb6: {  	_ =	sfence  }
0xb7: {  	s30 =	sld [smem:$0x0];
	_ =	sdelay $0x2  }
0xb8: {  	s31 =	sshll.u32 s1, $0xD;
	s1 =	sshrl.u32 s1, $0x2  }
0xb9: {  	s3 =	sand.u32 $0x4000, s31;
	s1 =	sadd.s32 s1, s30  }
0xba: {  	s0 =	sor.u32 s3, s0;
	s1 =	sshll.u32 s1, $0x11  }
0xbb: {  	s0 =	sor.u32 s1, s0  }
0xbc: {  	s0 =	sadd.s32 $0x8F2B, s0  }
0xbd: {  	[sflag:s0] =	ssyncadd.remote.s32 $0x1  }
0xbe: {  	_ =	sfence.sel $0xFFFF  }
0xbf: {  	[dreg:$0x0] =	wrdreg $0xFFFFFFFF;
	(pc) =	sbr.abs _section_cstart, $3  }
0xc0: {  	[dreg:$0x1] =	wrdreg $0xFFFFFFFF  }
0xc1: {  	_ =	task.clear_ibuf [dreg:s6], $0x2FFFF;
	_ =	strace $0x9FFFFFFF  }
0xc2: {  	(tm) =	ssettm $0x7FFFFFFF  }
0xc3: {  	_ =	shalt  }
tec
execute0_lowered:
.L_overlay_start_1:
0x0: {  	(tag) =	ssettag $0x1  }
0x1: {  	s0 =	rddreg [dreg:$0x0]  }
0x2: {  	s2 =	rddreg [dreg:$0x1]  }
0x3: {  	s4 =	srdreg.scid;
	s1 =	stileid.u32;
	s3 =	simm.s32 $0x0  }
0x4: {  	s17 =	simm.s32 $0xA0;
	s18 =	simm.s32 $0x50;
	s19 =	simm.s32 $0x1  }
0x5: {  	s20 =	simm.s32 $0x3;
	s21 =	simm.s32 $0x0;
	s8 =	sand.u32 $0x1, s4  }
0x6: {  	s6 =	smul.u32 $0x2780, s1;
	[smem:$0x7FF] =	sst s3;
	s14 =	sadd.s32 $0x18DB400, s0  }
0x7: {  	s4 =	sadd.s32 $0x14200, s0;
	s5 =	sadd.s32 $0x6C400, s0;
	s10 =	smul.u32 $0x4F000, s1  }
0x8: {  	s9 =	sshll.u32 s1, $0x1;
	p0 =	seq.s32 s1, $0xF;
	s11 =	smul.u32 $0x4E20, s1  }
0x9: {  	s12 =	sshll.u32 s1, $0x6;
	s7 =	smul.u32 $0x27100, s8;
	_ =	strace $0x80000050  }
0xa: {  	s24 =	ssub.s32 $0x2, s8;
	s9 =	sor.u32 s8, s9;
	s8 =	smul.u32 $0x2710, s8  }
0xb: {  	[dreg:$0x3] =	wrdreg s5;
	s25 =	sshrl.u32 s24, $0x1;
	s28 =	smul.u32 $0x2710, s9  }
0xc: {  	s26 =	sshrl.u32 s10, $0x2;
	s16 =	smul.u32 $0x27100, s9;
	s6 =	sadd.s32 s6, s7  }
0xd: {  	s13 =	ssub.s32 s24, s25;
	s15 =	sadd.s32 s26, s2;
	s7 =	simm.s32 $0x2080  }
0xe: {  	s11 =	sadd.s32 s8, s11;
	s8 =	sor.u32 $0x1C05, s12;
	s0 =	sadd.s32 s6, s0  }
0xf: {  	s6 =	simm.s32 $0xFFFFDF80;
	s7 =	simm.s32 @!p0 $0x2780;
	s10 =	sshrl.u32 s28, $0x3  }
0x10: {  	s30 =	sadd.s32 s14, s16;
	s13 =	smax.u32 s13, $0x1;
	s15 =	sshrl.u32 s15, $0x3  }
0x11: {  	s16 =	simm.s32 $0x5;
	s29 =	sadd.s32 s4, s10;
	s10 =	sadd.s32 $0x50, s11  }
0x12: {  	s6 =	simm.s32 @!p0 $0xFFFFD880;
	[dreg:$0x5] =	wrdreg s30;
	s31 =	sshll.u32 s10, $0x4  }
0x13: {  	s12 =	sadd.s32 $0x6EC00, s0;
	[dreg:$0x4] =	wrdreg s29;
	s14 =	sadd.s32 s31, s14  }
.LBB2_1:
0x14: {  	s0 =	rddreg [dreg:$0x3]  }
0x15: {  	[spmem:s15], [sflag:s8] =	dma.local [hbm:s0], s7  }
0x16: {  	_ =	swait.ge [sflag:s16], s7  }
0x17: {  	s5 =	sand.u32 $0x1, s3;
	s28 =	simm.s32 $0x2;
	[sflag:s16] =	ssyncset.done $0x0  }
0x18: {  	s25 =	sshrl.u32 s10, $0x3;
	s31 =	smul.u32 $0xA000, s5;
	[sflag:s16] =	ssyncadd.s32 s6  }
0x19: {  	s22 =	sxor.u32 $0x1, s5;
	s29 =	smul.u32 $0x140, s5;
	[bflag:$0x0] =	sbarrier.arrive $0xFFFF  }
0x1a: {  	s25 =	sadd.s32 s4, s25;
	s23 =	smul.u32 $0xA000, s22;
	s26 =	rddreg [dreg:$0x4]  }
0x1b: {  	[tilespmem:s3], [sflag:$0x1] =	stream.linear.gather [hbm4b:s26+s3], $0x50, $0x38;
	[tilespmem:$0x18920] =	vst v63  }
0x1c: {  	s9 =	sadd.s32 $0x1, s5;
	s24 =	smul.u32 $0x140, s22;
	s1 =	rddreg [dreg:$0x5]  }
0x1d: {  	[tilespmem:s17], [sflag:$0x3] =	stream.linear.gather [hbm4b:s1+s3], $0x2800, $0x38;
	[tilespmem:$0x18920] =	vst v63  }
0x1e: {  	s30 =	sadd.s32 $0x1, s22;
	s24 =	sshrl.u32 s24, $0x2;
	s23 =	sshrl.u32 s23, $0x2  }
0x1f: {  	[tilespmem:s24], [sflag:s30] =	stream.linear.gather [hbm4b:s25+s3], $0x50, $0x38;
	[tilespmem:$0x18920] =	vst v63  }
0x20: {  	s22 =	sadd.s32 $0x3, s22;
	s11 =	sshrl.u32 s31, $0x2;
	s23 =	sor.u32 $0xA0, s23  }
0x21: {  	[tilespmem:s23], [sflag:s22] =	stream.linear.gather [hbm4b:s14+s3], $0x2800, $0x38;
	[tilespmem:$0x18920] =	vst v63  }
0x22: {  	s29 =	sshrl.u32 s29, $0x2;
	s0 =	sor.u32 $0xA0, s11;
	_ =	swait.ge [sflag:s9], $0x50  }
0x23: {  	s26 =	simm.s32 $0x1;
	s25 =	sadd.s32 $0x50, s10;
	[sflag:s9] =	ssyncset.done $0x0  }
0x24: {  	s30 =	sadd.s32 $0x3, s5;
	s23 =	sand.u32 $0x1, s26;
	[sflag:s9] =	ssyncadd.s32 $0xFFFFFFB0  }
0x25: {  	s26 =	sxor.u32 $0x1, s23;
	s24 =	smul.u32 $0xA000, s23;
	_ =	swait.ge [sflag:s30], $0x2800  }
0x26: {  	s22 =	sadd.s32 $0x500, s14;
	s31 =	smul.u32 $0xA000, s26;
	[sflag:s30] =	ssyncset.done $0x0  }
.LBB2_2:
0x27: {  	s1 =	smul.u32 $0x140, s26;
	[sflag:s30] =	ssyncadd.s32 $0xFFFFD800  }
0x28: {  	s5 =	smov.u32 s28;
	s9 =	sadd.s32 $0x1, s28;
	s30 =	smov.u32 s22  }
0x29: {  	[spmem:s2] =	stream.indirect.scatter.add.f32 [tilespmem:s0], [sflag:$0x5], $0x80, s29, s18, $0xb8;
	[tilespmem:$0x18920] =	vst v63  }
0x2a: {  	s0 =	sshrl.u32 s1, $0x2;
	s1 =	sshrl.u32 s31, $0x2;
	_ =	swait.ge [sflag:s16], $0x2800  }
0x2b: {  	s29 =	sshrl.u32 s25, $0x3;
	s31 =	smul.u32 $0x140, s23;
	[sflag:s16] =	ssyncset.done $0x0  }
0x2c: {  	s11 =	sadd.s32 $0x1, s26;
	s1 =	sor.u32 $0xA0, s1;
	[sflag:s16] =	ssyncadd.s32 $0xFFFFD800  }
0x2d: {  	p0 =	sne.s32 s28, $0x7B;
	s22 =	sadd.s32 $0x500, s22;
	s28 =	sadd.s32 s4, s29  }
0x2e: {  	[tilespmem:s0], [sflag:s11] =	stream.linear.gather [hbm4b:s28+s3], $0x50, $0x38;
	[tilespmem:$0x18920] =	vst v63  }
0x2f: {  	s25 =	sadd.s32 $0x50, s25;
	s0 =	sadd.s32 $0x3, s26;
	s11 =	sadd.s32 $0x1, s23  }
0x30: {  	[tilespmem:s1], [sflag:s0] =	stream.linear.gather [hbm4b:s30+s3], $0x2800, $0x38;
	[tilespmem:$0x18920] =	vst v63  }
.Ltmp0:
0x31: {  	s29 =	sshrl.u32 s31, $0x2;
	_ =	swait.ge [sflag:s11], $0x50;
	(pc) =	sbr.rel @p0 .LBB2_2-.Ltmp0, $4  }
0x32: {  	s28 =	smov.u32 s9;
	s30 =	sadd.s32 $0x3, s23;
	[sflag:s11] =	ssyncset.done $0x0  }
0x33: {  	s23 =	sand.u32 $0x1, s5;
	s0 =	sshrl.u32 s24, $0x2;
	[sflag:s11] =	ssyncadd.s32 $0xFFFFFFB0  }
0x34: {  	s26 =	sxor.u32 $0x1, s23;
	s24 =	smul.u32 $0xA000, s23;
	_ =	swait.ge [sflag:s30], $0x2800  }
0x35: {  	s0 =	sor.u32 $0xA0, s0;
	s31 =	smul.u32 $0xA000, s26;
	[sflag:s30] =	ssyncset.done $0x0  }
0x36: {  	[sflag:s30] =	ssyncadd.s32 $0xFFFFD800  }
0x37: {  	[spmem:s2] =	stream.indirect.scatter.add.f32 [tilespmem:s0], [sflag:$0x5], $0x80, s29, s18, $0xb8;
	[tilespmem:$0x18920] =	vst v63  }
0x38: {  	s1 =	smul.u32 $0x140, s26;
	s5 =	sshrl.u32 s25, $0x3;
	_ =	swait.ge [sflag:s16], $0x2800  }
0x39: {  	s9 =	sadd.s32 $0x1, s26;
	s11 =	sshrl.u32 s31, $0x2;
	[sflag:s16] =	ssyncset.done $0x0  }
0x3a: {  	s5 =	sadd.s32 s4, s5;
	s1 =	sshrl.u32 s1, $0x2;
	[sflag:s16] =	ssyncadd.s32 $0xFFFFD800  }
0x3b: {  	[tilespmem:s1], [sflag:s9] =	stream.linear.gather [hbm4b:s5+s3], $0x50, $0x38;
	[tilespmem:$0x18920] =	vst v63  }
0x3c: {  	s26 =	sadd.s32 $0x3, s26;
	s28 =	sadd.s32 $0x1, s23;
	s25 =	sor.u32 $0xA0, s11  }
0x3d: {  	[tilespmem:s25], [sflag:s26] =	stream.linear.gather [hbm4b:s22+s3], $0x2800, $0x38;
	[tilespmem:$0x18920] =	vst v63  }
0x3e: {  	_ =	swait.ge [sflag:s28], $0x50  }
0x3f: {  	[sflag:s28] =	ssyncset.done $0x0  }
0x40: {  	s29 =	sadd.s32 $0x3, s23;
	[sflag:s28] =	ssyncadd.s32 $0xFFFFFFB0  }
0x41: {  	s30 =	smul.u32 $0x140, s23;
	_ =	swait.ge [sflag:s29], $0x2800  }
0x42: {  	s31 =	sshrl.u32 s24, $0x2;
	[sflag:s29] =	ssyncset.done $0x0  }
0x43: {  	s1 =	sshrl.u32 s30, $0x2;
	s5 =	sor.u32 $0xA0, s31;
	[sflag:s29] =	ssyncadd.s32 $0xFFFFD800  }
0x44: {  	[spmem:s2] =	stream.indirect.scatter.add.f32 [tilespmem:s5], [sflag:$0x5], $0x80, s1, s18, $0xb8;
	[tilespmem:$0x18920] =	vst v63  }
0x45: {  	_ =	swait.ge [sflag:s16], $0x2800  }
0x46: {  	[sflag:s16] =	ssyncset.done $0x0  }
0x47: {  	[sflag:s16] =	ssyncadd.s32 $0xFFFFD800  }
0x48: {  	_ =	swait.ge [sflag:s19], $0x50  }
0x49: {  	[sflag:s19] =	ssyncset.done $0x0  }
0x4a: {  	[sflag:s19] =	ssyncadd.s32 $0xFFFFFFB0  }
0x4b: {  	_ =	swait.ge [sflag:s20], $0x2800  }
0x4c: {  	[sflag:s20] =	ssyncset.done $0x0  }
0x4d: {  	[sflag:s20] =	ssyncadd.s32 $0xFFFFD800  }
0x4e: {  	[spmem:s2] =	stream.indirect.scatter.add.f32 [tilespmem:s17], [sflag:$0x5], $0x80, s3, s18, $0xb8;
	[tilespmem:$0x18920] =	vst v63  }
0x4f: {  	_ =	swait.ge [sflag:s16], $0x2800  }
0x50: {  	s21 =	sadd.s32 $0x1, s21;
	[sflag:s16] =	ssyncset.done $0x0  }
0x51: {  	p0 =	sne.s32 s21, s13;
	[sflag:s16] =	ssyncadd.s32 $0xFFFFD800  }
.Ltmp1:
0x52: {  	[bflag:$0x0] =	sbarrier.arrive $0xFFFF;
	(pc) =	sbr.rel @p0 .LBB2_1-.Ltmp1, $4  }
0x53: {  	[hbm:s12], [sflag:s8] =	dma.local [spmem:s15], s7  }
0x54: {  	_ =	swait.ge [sflag:s16], s7  }
0x55: {  	[sflag:s16] =	ssyncset.done $0x0  }
0x56: {  	[sflag:s16] =	ssyncadd.s32 s6  }
0x57: {  	_ =	sfence.sel $0x180000  }
0x58: {  	[bflag:$0x0] =	sbarrier.arrive $0xFFFF  }
0x59: {  	_ =	strace $0x90000050  }
0x5a: {  	s0 =	stileid.u32;
	[bflag:$0x2] =	sbarrier.arrive $0xFFFF  }
0x5b: {  	p0 =	sne.s32 s0, $0x0;
	s0 =	rddreg [dreg:$0x2]  }
0x5c: {  	s0 =	sadd.s32 @!p0 $0x100000, s0  }
0x5d: {  	[sflag:s0] =	ssyncadd.tile.s32 @!p0 $0x1;
	_ =	shalt  }
.Lfunc_end2:
_tile_overlayer_lowered:
.L_overlay_start_2:
0x5e: {  	(tag) =	ssettag $0x2  }
0x5f: {  	s0 =	rddreg [dreg:$0x0];
	s2 =	stileid.u32  }
0x60: {  	s1 =	rddreg [dreg:$0x1];
	p0 =	sne.s32 s2, $0x0  }
0x61: {  	s3 =	rddreg [dreg:$0x2];
	[bflag:$0x3] =	sbarrier.arrive $0xFFFF;
	s2 =	simm.s32 @!p0 $0x1C05  }
0x62: {  	[timem:s3], [sflag:s2] =	dma.local @!p0 [hbm:s0], s1  }
0x63: {  	s0 =	simm.s32 @!p0 $0x5  }
0x64: {  	_ =	swait.ge @!p0 [sflag:s0], s1  }
0x65: {  	s1 =	ssub.s32 @!p0 $0x0, s1;
	[sflag:s0] =	ssyncset.done @!p0 $0x0  }
0x66: {  	[sflag:s0] =	ssyncadd.s32 @!p0 s1  }
0x67: {  	[bflag:$0x3] =	sbarrier.arrive $0xFFFF  }
0x68: {  	_ =	shalt  }

</sc_bundles>
